<compile_context>
chip_gen: v7x
topology: tpu7x:2x2x1
jax: 0.10.2.dev20260603
libtpu: 0.0.44.dev20260713+nightly
codegen_flags: <defaults>
</compile_context>

<pallas_src>
import functools

import jax
import jax.numpy as jnp
from jax import lax
from jax.experimental import pallas as pl
from jax.experimental.pallas import tpu as pltpu
from jax.experimental.pallas import tpu_sc as plsc

N = 10000
E = 320000
IN_C = 128
HID = 256
OUT_C = 64

NC = 2
NS = 16
NW = NC * NS
CH = 128
NG = 8
G = 10
RPW = NG * G
E_PAD = NW * RPW * CH
NP2 = 10240
ZPT = NP2 // NS

_MESH = plsc.VectorSubcoreMesh(core_axis_name="c", subcore_axis_name="s")


@functools.partial(
    pl.kernel,
    mesh=_MESH,
    out_type=jax.ShapeDtypeStruct((NC, NP2, IN_C), jnp.float32),
    scratch_types=[
        pltpu.VMEM((RPW, CH), jnp.int32),
        pltpu.VMEM((CH, IN_C), jnp.float32),
        pltpu.VMEM_SHARED((NP2, IN_C), jnp.float32),
        pltpu.SemaphoreType.DMA,
    ],
)
def _deg_sc(dst_hbm, ones_hbm, z_hbm, out_hbm, idx_v, ones_v, accum, sem):
    c = lax.axis_index("c")
    s = lax.axis_index("s")
    w = c * NS + s
    r0 = s * ZPT
    pltpu.sync_copy(z_hbm.at[pl.ds(r0, ZPT)], accum.at[pl.ds(r0, ZPT)])
    pltpu.sync_copy(dst_hbm.at[w], idx_v)
    pltpu.sync_copy(ones_hbm, ones_v)
    plsc.subcore_barrier()

    def sca(k):
        return pltpu.make_async_copy(ones_v, accum.at[idx_v.at[k]], sem)

    def fire(k, _):
        sca(k).start(add=True)
        return 0

    lax.fori_loop(0, RPW, fire, 0)

    def drain(k, _):
        sca(k).wait()
        return 0

    lax.fori_loop(0, RPW, drain, 0)
    plsc.subcore_barrier()
    pltpu.sync_copy(accum.at[pl.ds(r0, ZPT)], out_hbm.at[c, pl.ds(r0, ZPT)])


@functools.partial(
    pl.kernel,
    mesh=_MESH,
    out_type=jax.ShapeDtypeStruct((NC, NP2, IN_C), jnp.float32),
    scratch_types=[
        pltpu.VMEM((2, 2, G, CH), jnp.int32),
        pltpu.VMEM((CH, IN_C), jnp.float32),
        pltpu.VMEM((CH, IN_C), jnp.float32),
        pltpu.VMEM_SHARED((NP2, IN_C), jnp.float32),
        pltpu.SemaphoreType.DMA,
        pltpu.SemaphoreType.DMA,
        pltpu.SemaphoreType.DMA,
    ],
)
def _agg_sc(ei_hbm, g_hbm, z_hbm, out_hbm, ei_v, rows_a, rows_b, accum,
            sem_a, sem_b, sem_i):
    c = lax.axis_index("c")
    s = lax.axis_index("s")
    w = c * NS + s
    r0 = s * ZPT
    pltpu.sync_copy(z_hbm.at[pl.ds(r0, ZPT)], accum.at[pl.ds(r0, ZPT)])

    def stage(q, slot):
        return pltpu.make_async_copy(ei_hbm.at[w, q], ei_v.at[slot], sem_i)

    def gather(slot, l, buf, sem):
        return pltpu.make_async_copy(g_hbm.at[ei_v.at[slot, 0, l]], buf, sem)

    def scatter(slot, l, buf):
        pltpu.sync_copy(buf, accum.at[ei_v.at[slot, 1, l]], add=True)

    stage(0, 0).start()
    stage(0, 0).wait()
    stage(1, 1).start()
    plsc.subcore_barrier()
    gather(0, 0, rows_a, sem_a).start()

    for q in range(NG):
        cur, oth = q % 2, (q + 1) % 2

        def inner(p, _, cur=cur, oth=oth, q=q):
            l0 = 2 * p
            gather(cur, l0, rows_a, sem_a).wait()
            gather(cur, l0 + 1, rows_b, sem_b).start()
            scatter(cur, l0, rows_a)
            gather(cur, l0 + 1, rows_b, sem_b).wait()

            @pl.when(p < G // 2 - 1)
            def _():
                gather(cur, l0 + 2, rows_a, sem_a).start()

            @pl.when(p == G // 2 - 1)
            def _():
                if q == NG - 1:
                    gather(cur, G - 1, rows_a, sem_a).start()
                else:
                    stage(q + 1, oth).wait()
                    gather(oth, 0, rows_a, sem_a).start()

            scatter(cur, l0 + 1, rows_b)
            return 0

        lax.fori_loop(0, G // 2, inner, 0)
        if q < NG - 2:
            stage(q + 2, cur).start()

    gather(0, G - 1, rows_a, sem_a).wait()
    plsc.subcore_barrier()
    pltpu.sync_copy(accum.at[pl.ds(r0, ZPT)], out_hbm.at[c, pl.ds(r0, ZPT)])


_BLK = 2000
_GRID = N // _BLK


def _dinv_block(deg_ref):
    d = deg_ref[0][:, 0:1] + deg_ref[1][:, 0:1] + 1.0
    return 1.0 / jnp.sqrt(d)


def _g_body(deg_ref, x_ref, g_ref):
    g_ref[...] = x_ref[...] * _dinv_block(deg_ref)


def _g_call(deg2, x):
    return pl.pallas_call(
        _g_body,
        grid=(_GRID,),
        in_specs=[
            pl.BlockSpec((NC, _BLK, 16), lambda i: (0, i, 0)),
            pl.BlockSpec((_BLK, IN_C), lambda i: (i, 0)),
        ],
        out_specs=pl.BlockSpec((_BLK, IN_C), lambda i: (i, 0)),
        out_shape=jax.ShapeDtypeStruct((N, IN_C), jnp.float32),
    )(deg2, x)


def _fused_body(deg_ref, agg_ref, g_ref, W1_ref, b1_ref, gm_ref, bt_ref,
                W2_ref, b2_ref, o_ref, s1, s2, a_s, c_s):
    i = pl.program_id(0)
    dinv = _dinv_block(deg_ref)
    u = (agg_ref[0] + agg_ref[1] + g_ref[...]) * dinv

    @pl.when(i == 0)
    def _():
        s1[...] = jnp.zeros_like(s1)
        s2[...] = jnp.zeros_like(s2)

    @pl.when(i < _GRID)
    def _():
        s1[...] += jnp.sum(u, axis=0, keepdims=True)
        s2[...] += lax.dot_general(u, u, (((0,), (0,)), ((), ())),
                                   preferred_element_type=jnp.float32,
                                   precision=jax.lax.Precision.HIGHEST)

    @pl.when(i == _GRID - 1)
    def _():
        W1 = W1_ref[...]
        b1 = b1_ref[...]
        m = s1[...] * (1.0 / N)
        mean_h = lax.dot_general(m, W1, (((1,), (1,)), ((), ())),
                                 preferred_element_type=jnp.float32,
                                 precision=jax.lax.Precision.HIGHEST) + b1
        T = jnp.dot(W1, s2[...] * (1.0 / N), preferred_element_type=jnp.float32,
                    precision=jax.lax.Precision.HIGHEST)
        q = jnp.sum(T * W1, axis=1)[None, :]
        var = q + 2.0 * b1 * mean_h - b1 * b1 - mean_h * mean_h
        a = gm_ref[...] / jnp.sqrt(var + 1e-5)
        a_s[...] = a
        c_s[...] = bt_ref[...] - mean_h * a + a * b1

    @pl.when(i >= _GRID)
    def _():
        h = lax.dot_general(u, W1_ref[...], (((1,), (1,)), ((), ())),
                            preferred_element_type=jnp.float32,
                            precision=jax.lax.Precision.HIGHEST)
        h = jnp.maximum(h * a_s[...] + c_s[...], 0.0)
        o_ref[...] = lax.dot_general(h, W2_ref[...], (((1,), (1,)), ((), ())),
                                     preferred_element_type=jnp.float32,
                                     precision=jax.lax.Precision.HIGHEST) + b2_ref[...]


def _fused_call(deg2, aggp, g, W1, b1, gamma, beta, W2, b2):
    blk = lambda i: (i % _GRID, 0)
    deg_blk = lambda i: (0, i % _GRID, 0)
    const = lambda i: (0, 0)
    return pl.pallas_call(
        _fused_body,
        grid=(2 * _GRID,),
        in_specs=[
            pl.BlockSpec((NC, _BLK, 16), deg_blk),
            pl.BlockSpec((NC, _BLK, IN_C), deg_blk),
            pl.BlockSpec((_BLK, IN_C), blk),
            pl.BlockSpec((HID, IN_C), const),
            pl.BlockSpec((1, HID), const),
            pl.BlockSpec((1, HID), const),
            pl.BlockSpec((1, HID), const),
            pl.BlockSpec((OUT_C, HID), const),
            pl.BlockSpec((1, OUT_C), const),
        ],
        out_specs=pl.BlockSpec((_BLK, OUT_C), blk),
        out_shape=jax.ShapeDtypeStruct((N, OUT_C), jnp.float32),
        scratch_shapes=[
            pltpu.VMEM((1, IN_C), jnp.float32),
            pltpu.VMEM((IN_C, IN_C), jnp.float32),
            pltpu.VMEM((1, HID), jnp.float32),
            pltpu.VMEM((1, HID), jnp.float32),
        ],
        compiler_params=pltpu.CompilerParams(
            dimension_semantics=("arbitrary",)),
    )(deg2, aggp, g, W1, b1, gamma, beta, W2, b2)


def kernel(x, edge_index, W1, b1, gamma, beta, W2, b2):
    src = edge_index[0]
    dst = edge_index[1]
    pad = E_PAD - E
    ar = jnp.arange(pad, dtype=jnp.int32)
    src_p = jnp.concatenate([src, ar % jnp.int32(N)])
    dst_p = jnp.concatenate([dst, jnp.int32(N) + (ar % jnp.int32(NP2 - N))])
    dst3 = dst_p.reshape(NW, RPW, CH)
    ei4 = jnp.stack([src_p.reshape(NW, NG, G, CH),
                     dst_p.reshape(NW, NG, G, CH)], axis=2)
    z128 = jnp.zeros((NP2, IN_C), jnp.float32)
    ones = jnp.ones((CH, IN_C), jnp.float32)

    deg2 = _deg_sc(dst3, ones, z128)
    deg16 = deg2[:, :, :16]
    g = _g_call(deg16, x)
    aggp = _agg_sc(ei4, g, z128)
    return _fused_call(deg16, aggp, g, W1, b1.reshape(1, HID),
                       gamma.reshape(1, HID), beta.reshape(1, HID),
                       W2, b2.reshape(1, OUT_C))

# --- scband reference (transcript-rebuilt; emitter-appended) ---
"""Pipeline reference for scband-gnnclassifier-74981539054037 (READ-ONLY COPY).

The authoritative reference and input builder live on the scoring server;
editing this copy changes nothing except your own understanding.
"""

import jax, jax.numpy as jnp
import numpy as np

N = 10000
E = 320000
IN_C = 128
HID = 256
OUT_C = 64

def setup_inputs(seed: int = 0):
    key = jax.random.key(seed)
    ks = jax.random.split(key, 6)
    x = jax.random.normal(ks[0], (N, IN_C), dtype=jnp.float32)
    edge_index = jax.random.randint(ks[1], (2, E), 0, N, dtype=jnp.int32)
    W1 = jax.random.normal(ks[2], (HID, IN_C), dtype=jnp.float32) / np.sqrt(IN_C)
    b1 = jnp.zeros((HID,), dtype=jnp.float32)
    gamma = jnp.ones((HID,), dtype=jnp.float32)
    beta = jnp.zeros((HID,), dtype=jnp.float32)
    W2 = jax.random.normal(ks[3], (OUT_C, HID), dtype=jnp.float32) / np.sqrt(HID)
    b2 = jnp.zeros((OUT_C,), dtype=jnp.float32)
    return {"x": x, "edge_index": edge_index, "W1": W1, "b1": b1, "gamma": gamma, "beta": beta, "W2": W2, "b2": b2}

def _gcn_conv(x, src, dst, W, b):
    # PyG GCNConv: add self-loops, symmetric normalization D^-1/2 (A+I) D^-1/2, linear, bias
    loop = jnp.arange(N, dtype=src.dtype)
    s = jnp.concatenate([src, loop])
    d = jnp.concatenate([dst, loop])
    deg = jnp.zeros((N,), dtype=x.dtype).at[d].add(1.0)
    dinv = jnp.where(deg > 0, 1.0 / jnp.sqrt(deg), 0.0)
    norm = dinv[s] * dinv[d]
    h = x @ W.T
    msg = h[s] * norm[:, None]
    out = jnp.zeros((N, W.shape[0]), dtype=x.dtype).at[d].add(msg)
    return out + b

def _batch_norm(x, gamma, beta, eps=1e-5):
    mean = jnp.mean(x, axis=0)
    var = jnp.mean((x - mean) ** 2, axis=0)
    return (x - mean) / jnp.sqrt(var + eps) * gamma + beta

def reference(x, edge_index, W1, b1, gamma, beta, W2, b2):
    src = edge_index[0]
    dst = edge_index[1]
    h = _gcn_conv(x, src, dst, W1, b1)
    h = _batch_norm(h, gamma, beta)
    h = jax.nn.relu(h)
    # dropout is identity in eval mode
    logits = h @ W2.T + b2
    return logits

if __name__ == "__main__":
    import jax
    _d = setup_inputs()
    print(jax.jit(kernel)(*tuple(_d.values())))

</pallas_src>

<mosaic_0001>
#map = affine_map<(d0, d1) -> (0, 0, 0)>
#map1 = affine_map<(d0, d1) -> (0, 0)>
module attributes {stable_mosaic.version = 14 : i64} {
  func.func @_deg_sc(%arg0: i32, %arg1: i32, %arg2: memref<32x80x128xi32, #tpu.memory_space<hbm>>, %arg3: memref<128x128xf32, #tpu.memory_space<hbm>>, %arg4: memref<10240x128xf32, #tpu.memory_space<hbm>>, %arg5: memref<2x10240x128xf32, #tpu.memory_space<hbm>>, %arg6: memref<80x128xi32, #tpu.memory_space<vmem>>, %arg7: memref<128x128xf32, #tpu.memory_space<vmem>>, %arg8: memref<10240x128xf32, #tpu.memory_space<vmem_shared>>, %arg9: memref<!tpu.dma_semaphore, #tpu.memory_space<semaphore_mem>>) attributes {dimension_semantics = [#tpu.dimension_semantics<core_parallel>, #tpu.dimension_semantics<subcore_parallel>], iteration_bounds = array<i64: 2, 16>, scalar_prefetch = 0 : i64, scratch_operands = 4 : i64, tpu.core_type = #tpu.core_type<sc_vector_subcore>, window_params = [{transform_indices = #map}, {transform_indices = #map1}, {transform_indices = #map1}, {transform_indices = #map}]} {
    %mul3A = arith.constant 16 : i32
    %mul3A_0 = arith.muli %arg0, %mul3A : i32
    %add3A = arith.addi %mul3A_0, %arg1 : i32
    %mul3A_1 = arith.constant 640 : i32
    %mul3A_2 = arith.muli %arg1, %mul3A_1 : i32
    "tpu.region"() ({
      %run_scoped3A = tpu.sem_alloc : memref<!tpu.dma_semaphore, #tpu.memory_space<semaphore_mem>>
      %dma_start3A = arith.constant 0 : i32
      %dma_start3A_17 = tpu.memref_slice %arg8[%mul3A_2, %dma_start3A] : memref<10240x128xf32, #tpu.memory_space<vmem_shared>> -> memref<640x128xf32, #tpu.memory_space<vmem_shared>>
      %dma_start3A_18 = arith.constant 0 : i32
      %dma_start3A_19 = tpu.memref_slice %arg4[%mul3A_2, %dma_start3A_18] : memref<10240x128xf32, #tpu.memory_space<hbm>> -> memref<640x128xf32, #tpu.memory_space<hbm>>
      tpu.enqueue_dma source(%dma_start3A_19 : memref<640x128xf32, #tpu.memory_space<hbm>>) target(%dma_start3A_17 : memref<640x128xf32, #tpu.memory_space<vmem_shared>>) target_semaphore(%run_scoped3A : memref<!tpu.dma_semaphore, #tpu.memory_space<semaphore_mem>>)
      %dma_wait3A = arith.constant 0 : i32
      %dma_wait3A_20 = tpu.memref_slice %arg8[%mul3A_2, %dma_wait3A] : memref<10240x128xf32, #tpu.memory_space<vmem_shared>> -> memref<640x128xf32, #tpu.memory_space<vmem_shared>>
      %dma_wait3A_21 = arith.constant 0 : i32
      %dma_wait3A_22 = tpu.memref_slice %arg4[%mul3A_2, %dma_wait3A_21] : memref<10240x128xf32, #tpu.memory_space<hbm>> -> memref<640x128xf32, #tpu.memory_space<hbm>>
      tpu.wait_dma2 semaphore(%run_scoped3A : memref<!tpu.dma_semaphore, #tpu.memory_space<semaphore_mem>>) src(%dma_wait3A_22 : memref<640x128xf32, #tpu.memory_space<hbm>>) dst(%dma_wait3A_20 : memref<640x128xf32, #tpu.memory_space<vmem_shared>>)
      tpu.yield
    }) : () -> ()
    "tpu.region"() ({
      %run_scoped3A = tpu.sem_alloc : memref<!tpu.dma_semaphore, #tpu.memory_space<semaphore_mem>>
      %dma_start3A = arith.constant 0 : i32
      %dma_start3A_17 = arith.constant 0 : i32
      %dma_start3A_18 = tpu.memref_slice %arg2[%add3A, %dma_start3A, %dma_start3A_17] : memref<32x80x128xi32, #tpu.memory_space<hbm>> -> memref<1x80x128xi32, #tpu.memory_space<hbm>>
      %dma_start3A_19 = tpu.memref_squeeze %dma_start3A_18 : memref<1x80x128xi32, #tpu.memory_space<hbm>> -> memref<80x128xi32, #tpu.memory_space<hbm>>
      %dma_start3A_20 = arith.constant 0 : i32
      %dma_start3A_21 = arith.constant 0 : i32
      %dma_start3A_22 = tpu.memref_slice %arg2[%add3A, %dma_start3A_20, %dma_start3A_21] : memref<32x80x128xi32, #tpu.memory_space<hbm>> -> memref<1x80x128xi32, #tpu.memory_space<hbm>>
      %dma_start3A_23 = tpu.memref_squeeze %dma_start3A_22 : memref<1x80x128xi32, #tpu.memory_space<hbm>> -> memref<80x128xi32, #tpu.memory_space<hbm>>
      tpu.enqueue_dma source(%dma_start3A_23 : memref<80x128xi32, #tpu.memory_space<hbm>>) target(%arg6 : memref<80x128xi32, #tpu.memory_space<vmem>>) target_semaphore(%run_scoped3A : memref<!tpu.dma_semaphore, #tpu.memory_space<semaphore_mem>>)
      %dma_wait3A = arith.constant 0 : i32
      %dma_wait3A_24 = arith.constant 0 : i32
      %dma_wait3A_25 = tpu.memref_slice %arg2[%add3A, %dma_wait3A, %dma_wait3A_24] : memref<32x80x128xi32, #tpu.memory_space<hbm>> -> memref<1x80x128xi32, #tpu.memory_space<hbm>>
      %dma_wait3A_26 = tpu.memref_squeeze %dma_wait3A_25 : memref<1x80x128xi32, #tpu.memory_space<hbm>> -> memref<80x128xi32, #tpu.memory_space<hbm>>
      %dma_wait3A_27 = arith.constant 0 : i32
      %dma_wait3A_28 = arith.constant 0 : i32
      %dma_wait3A_29 = tpu.memref_slice %arg2[%add3A, %dma_wait3A_27, %dma_wait3A_28] : memref<32x80x128xi32, #tpu.memory_space<hbm>> -> memref<1x80x128xi32, #tpu.memory_space<hbm>>
      %dma_wait3A_30 = tpu.memref_squeeze %dma_wait3A_29 : memref<1x80x128xi32, #tpu.memory_space<hbm>> -> memref<80x128xi32, #tpu.memory_space<hbm>>
      tpu.wait_dma2 semaphore(%run_scoped3A : memref<!tpu.dma_semaphore, #tpu.memory_space<semaphore_mem>>) src(%dma_wait3A_30 : memref<80x128xi32, #tpu.memory_space<hbm>>) dst(%arg6 : memref<80x128xi32, #tpu.memory_space<vmem>>)
      tpu.yield
    }) : () -> ()
    "tpu.region"() ({
      %run_scoped3A = tpu.sem_alloc : memref<!tpu.dma_semaphore, #tpu.memory_space<semaphore_mem>>
      tpu.enqueue_dma source(%arg3 : memref<128x128xf32, #tpu.memory_space<hbm>>) target(%arg7 : memref<128x128xf32, #tpu.memory_space<vmem>>) target_semaphore(%run_scoped3A : memref<!tpu.dma_semaphore, #tpu.memory_space<semaphore_mem>>)
      tpu.wait_dma2 semaphore(%run_scoped3A : memref<!tpu.dma_semaphore, #tpu.memory_space<semaphore_mem>>) src(%arg3 : memref<128x128xf32, #tpu.memory_space<hbm>>) dst(%arg7 : memref<128x128xf32, #tpu.memory_space<vmem>>)
      tpu.yield
    }) : () -> ()
    %barrier3A = arith.constant 0 : index
    tpu.barrier barrier_id(%barrier3A)
    %scan3A = arith.constant 0 : i32
    %scan3A_3 = arith.constant 0 : i32
    %scan3A_4 = arith.constant 80 : i32
    %scan3A_5 = arith.addi %scan3A_3, %scan3A_4 : i32
    %scan3A_6 = arith.constant 1 : i32
    %scan3A_7 = scf.for %scan3A_17 = %scan3A_3 to %scan3A_5 step %scan3A_6 iter_args(%scan3A_18 = %scan3A) -> (i32)  : i32 {
      %dma_start3A = arith.constant 0 : i32
      %dma_start3A_19 = tpu.memref_slice %arg6[%scan3A_17, %dma_start3A] : memref<80x128xi32, #tpu.memory_space<vmem>> -> memref<1x128xi32, #tpu.memory_space<vmem>>
      %dma_start3A_20 = tpu.memref_squeeze %dma_start3A_19 : memref<1x128xi32, #tpu.memory_space<vmem>> -> memref<128xi32, #tpu.memory_space<vmem>>
      %dma_start3A_21 = arith.constant 0 : i32
      %dma_start3A_22 = arith.constant 0 : i32
      %dma_start3A_23 = tpu.memref_slice %arg8[%dma_start3A_21, %dma_start3A_22] : memref<10240x128xf32, #tpu.memory_space<vmem_shared>> -> memref<10240x128xf32, #tpu.memory_space<vmem_shared>>
      tpu.enqueue_indirect_dma source(%arg7 : memref<128x128xf32, #tpu.memory_space<vmem>>) target(%dma_start3A_23 : memref<10240x128xf32, #tpu.memory_space<vmem_shared>>) offsets(%dma_start3A_20 : memref<128xi32, #tpu.memory_space<vmem>>) semaphore(%arg9 : memref<!tpu.dma_semaphore, #tpu.memory_space<semaphore_mem>>) {add = true}
      %scan3A_24 = arith.constant 0 : i32
      scf.yield %scan3A_24 : i32
    }
    %scan3A_8 = arith.constant 80 : i32
    %scan3A_9 = arith.constant 0 : i32
    %scan3A_10 = arith.constant 0 : i32
    %scan3A_11 = arith.constant 80 : i32
    %scan3A_12 = arith.addi %scan3A_10, %scan3A_11 : i32
    %scan3A_13 = arith.constant 1 : i32
    %scan3A_14 = scf.for %scan3A_17 = %scan3A_10 to %scan3A_12 step %scan3A_13 iter_args(%scan3A_18 = %scan3A_9) -> (i32)  : i32 {
      %dma_wait3A = arith.constant 0 : i32
      %dma_wait3A_19 = tpu.memref_slice %arg6[%scan3A_17, %dma_wait3A] : memref<80x128xi32, #tpu.memory_space<vmem>> -> memref<1x128xi32, #tpu.memory_space<vmem>>
      %dma_wait3A_20 = tpu.memref_squeeze %dma_wait3A_19 : memref<1x128xi32, #tpu.memory_space<vmem>> -> memref<128xi32, #tpu.memory_space<vmem>>
      %dma_wait3A_21 = arith.constant 0 : i32
      %dma_wait3A_22 = arith.constant 0 : i32
      %dma_wait3A_23 = tpu.memref_slice %arg8[%dma_wait3A_21, %dma_wait3A_22] : memref<10240x128xf32, #tpu.memory_space<vmem_shared>> -> memref<10240x128xf32, #tpu.memory_space<vmem_shared>>
      tpu.wait_indirect_dma semaphore(%arg9 : memref<!tpu.dma_semaphore, #tpu.memory_space<semaphore_mem>>) src(%arg7 : memref<128x128xf32, #tpu.memory_space<vmem>>) dst(%dma_wait3A_23 : memref<10240x128xf32, #tpu.memory_space<vmem_shared>>)
      %scan3A_24 = arith.constant 0 : i32
      scf.yield %scan3A_24 : i32
    }
    %scan3A_15 = arith.constant 80 : i32
    %barrier3A_16 = arith.constant 0 : index
    tpu.barrier barrier_id(%barrier3A_16)
    "tpu.region"() ({
      %run_scoped3A = tpu.sem_alloc : memref<!tpu.dma_semaphore, #tpu.memory_space<semaphore_mem>>
      %dma_start3A = arith.constant 0 : i32
      %dma_start3A_17 = tpu.memref_slice %arg5[%arg0, %mul3A_2, %dma_start3A] : memref<2x10240x128xf32, #tpu.memory_space<hbm>> -> memref<1x640x128xf32, #tpu.memory_space<hbm>>
      %dma_start3A_18 = tpu.memref_squeeze %dma_start3A_17 : memref<1x640x128xf32, #tpu.memory_space<hbm>> -> memref<640x128xf32, #tpu.memory_space<hbm>>
      %dma_start3A_19 = arith.constant 0 : i32
      %dma_start3A_20 = tpu.memref_slice %arg8[%mul3A_2, %dma_start3A_19] : memref<10240x128xf32, #tpu.memory_space<vmem_shared>> -> memref<640x128xf32, #tpu.memory_space<vmem_shared>>
      tpu.enqueue_dma source(%dma_start3A_20 : memref<640x128xf32, #tpu.memory_space<vmem_shared>>) target(%dma_start3A_18 : memref<640x128xf32, #tpu.memory_space<hbm>>) target_semaphore(%run_scoped3A : memref<!tpu.dma_semaphore, #tpu.memory_space<semaphore_mem>>)
      %dma_wait3A = arith.constant 0 : i32
      %dma_wait3A_21 = tpu.memref_slice %arg5[%arg0, %mul3A_2, %dma_wait3A] : memref<2x10240x128xf32, #tpu.memory_space<hbm>> -> memref<1x640x128xf32, #tpu.memory_space<hbm>>
      %dma_wait3A_22 = tpu.memref_squeeze %dma_wait3A_21 : memref<1x640x128xf32, #tpu.memory_space<hbm>> -> memref<640x128xf32, #tpu.memory_space<hbm>>
      %dma_wait3A_23 = arith.constant 0 : i32
      %dma_wait3A_24 = tpu.memref_slice %arg8[%mul3A_2, %dma_wait3A_23] : memref<10240x128xf32, #tpu.memory_space<vmem_shared>> -> memref<640x128xf32, #tpu.memory_space<vmem_shared>>
      tpu.wait_dma2 semaphore(%run_scoped3A : memref<!tpu.dma_semaphore, #tpu.memory_space<semaphore_mem>>) src(%dma_wait3A_24 : memref<640x128xf32, #tpu.memory_space<vmem_shared>>) dst(%dma_wait3A_22 : memref<640x128xf32, #tpu.memory_space<hbm>>)
      tpu.yield
    }) : () -> ()
    return
  }
}

#map = affine_map<(d0, d1) -> (0, 0, 0, 0, 0)>
#map1 = affine_map<(d0, d1) -> (0, 0)>
#map2 = affine_map<(d0, d1) -> (0, 0, 0)>
module attributes {stable_mosaic.version = 14 : i64} {
  func.func @_agg_sc(%arg0: i32, %arg1: i32, %arg2: memref<32x8x2x10x128xi32, #tpu.memory_space<hbm>>, %arg3: memref<10000x128xf32, #tpu.memory_space<hbm>>, %arg4: memref<10240x128xf32, #tpu.memory_space<hbm>>, %arg5: memref<2x10240x128xf32, #tpu.memory_space<hbm>>, %arg6: memref<2x2x10x128xi32, #tpu.memory_space<vmem>>, %arg7: memref<128x128xf32, #tpu.memory_space<vmem>>, %arg8: memref<128x128xf32, #tpu.memory_space<vmem>>, %arg9: memref<10240x128xf32, #tpu.memory_space<vmem_shared>>, %arg10: memref<!tpu.dma_semaphore, #tpu.memory_space<semaphore_mem>>, %arg11: memref<!tpu.dma_semaphore, #tpu.memory_space<semaphore_mem>>, %arg12: memref<!tpu.dma_semaphore, #tpu.memory_space<semaphore_mem>>) attributes {dimension_semantics = [#tpu.dimension_semantics<core_parallel>, #tpu.dimension_semantics<subcore_parallel>], iteration_bounds = array<i64: 2, 16>, scalar_prefetch = 0 : i64, scratch_operands = 7 : i64, tpu.core_type = #tpu.core_type<sc_vector_subcore>, window_params = [{transform_indices = #map}, {transform_indices = #map1}, {transform_indices = #map1}, {transform_indices = #map2}]} {
    %mul3A = arith.constant 16 : i32
    %mul3A_0 = arith.muli %arg0, %mul3A : i32
    %add3A = arith.addi %mul3A_0, %arg1 : i32
    %mul3A_1 = arith.constant 640 : i32
    %mul3A_2 = arith.muli %arg1, %mul3A_1 : i32
    "tpu.region"() ({
      %run_scoped3A = tpu.sem_alloc : memref<!tpu.dma_semaphore, #tpu.memory_space<semaphore_mem>>
      %dma_start3A_273 = arith.constant 0 : i32
      %dma_start3A_274 = tpu.memref_slice %arg9[%mul3A_2, %dma_start3A_273] : memref<10240x128xf32, #tpu.memory_space<vmem_shared>> -> memref<640x128xf32, #tpu.memory_space<vmem_shared>>
      %dma_start3A_275 = arith.constant 0 : i32
      %dma_start3A_276 = tpu.memref_slice %arg4[%mul3A_2, %dma_start3A_275] : memref<10240x128xf32, #tpu.memory_space<hbm>> -> memref<640x128xf32, #tpu.memory_space<hbm>>
      tpu.enqueue_dma source(%dma_start3A_276 : memref<640x128xf32, #tpu.memory_space<hbm>>) target(%dma_start3A_274 : memref<640x128xf32, #tpu.memory_space<vmem_shared>>) target_semaphore(%run_scoped3A : memref<!tpu.dma_semaphore, #tpu.memory_space<semaphore_mem>>)
      %dma_wait3A_277 = arith.constant 0 : i32
      %dma_wait3A_278 = tpu.memref_slice %arg9[%mul3A_2, %dma_wait3A_277] : memref<10240x128xf32, #tpu.memory_space<vmem_shared>> -> memref<640x128xf32, #tpu.memory_space<vmem_shared>>
      %dma_wait3A_279 = arith.constant 0 : i32
      %dma_wait3A_280 = tpu.memref_slice %arg4[%mul3A_2, %dma_wait3A_279] : memref<10240x128xf32, #tpu.memory_space<hbm>> -> memref<640x128xf32, #tpu.memory_space<hbm>>
      tpu.wait_dma2 semaphore(%run_scoped3A : memref<!tpu.dma_semaphore, #tpu.memory_space<semaphore_mem>>) src(%dma_wait3A_280 : memref<640x128xf32, #tpu.memory_space<hbm>>) dst(%dma_wait3A_278 : memref<640x128xf32, #tpu.memory_space<vmem_shared>>)
      tpu.yield
    }) : () -> ()
    %dma_start3A = arith.constant 0 : i32
    %dma_start3A_3 = arith.constant 0 : i32
    %dma_start3A_4 = arith.constant 0 : i32
    %dma_start3A_5 = arith.constant 0 : i32
    %dma_start3A_6 = arith.constant 0 : i32
    %dma_start3A_7 = tpu.memref_slice %arg6[%dma_start3A_3, %dma_start3A_4, %dma_start3A_5, %dma_start3A_6] : memref<2x2x10x128xi32, #tpu.memory_space<vmem>> -> memref<1x2x10x128xi32, #tpu.memory_space<vmem>>
    %dma_start3A_8 = tpu.memref_squeeze %dma_start3A_7 : memref<1x2x10x128xi32, #tpu.memory_space<vmem>> -> memref<2x10x128xi32, #tpu.memory_space<vmem>>
    %dma_start3A_9 = arith.constant 0 : i32
    %dma_start3A_10 = arith.constant 0 : i32
    %dma_start3A_11 = arith.constant 0 : i32
    %dma_start3A_12 = tpu.memref_slice %arg2[%add3A, %dma_start3A, %dma_start3A_9, %dma_start3A_10, %dma_start3A_11] : memref<32x8x2x10x128xi32, #tpu.memory_space<hbm>> -> memref<1x1x2x10x128xi32, #tpu.memory_space<hbm>>
    %dma_start3A_13 = tpu.memref_squeeze %dma_start3A_12 : memref<1x1x2x10x128xi32, #tpu.memory_space<hbm>> -> memref<2x10x128xi32, #tpu.memory_space<hbm>>
    %dma_start3A_14 = arith.constant 0 : i32
    %dma_start3A_15 = arith.constant 0 : i32
    %dma_start3A_16 = arith.constant 0 : i32
    %dma_start3A_17 = tpu.memref_slice %arg6[%dma_start3A_3, %dma_start3A_14, %dma_start3A_15, %dma_start3A_16] : memref<2x2x10x128xi32, #tpu.memory_space<vmem>> -> memref<1x2x10x128xi32, #tpu.memory_space<vmem>>
    %dma_start3A_18 = tpu.memref_squeeze %dma_start3A_17 : memref<1x2x10x128xi32, #tpu.memory_space<vmem>> -> memref<2x10x128xi32, #tpu.memory_space<vmem>>
    %dma_start3A_19 = arith.constant 0 : i32
    %dma_start3A_20 = arith.constant 0 : i32
    %dma_start3A_21 = arith.constant 0 : i32
    %dma_start3A_22 = tpu.memref_slice %arg2[%add3A, %dma_start3A, %dma_start3A_19, %dma_start3A_20, %dma_start3A_21] : memref<32x8x2x10x128xi32, #tpu.memory_space<hbm>> -> memref<1x1x2x10x128xi32, #tpu.memory_space<hbm>>
    %dma_start3A_23 = tpu.memref_squeeze %dma_start3A_22 : memref<1x1x2x10x128xi32, #tpu.memory_space<hbm>> -> memref<2x10x128xi32, #tpu.memory_space<hbm>>
    tpu.enqueue_dma source(%dma_start3A_23 : memref<2x10x128xi32, #tpu.memory_space<hbm>>) target(%dma_start3A_18 : memref<2x10x128xi32, #tpu.memory_space<vmem>>) target_semaphore(%arg12 : memref<!tpu.dma_semaphore, #tpu.memory_space<semaphore_mem>>)
    %dma_wait3A = arith.constant 0 : i32
    %dma_wait3A_24 = arith.constant 0 : i32
    %dma_wait3A_25 = arith.constant 0 : i32
    %dma_wait3A_26 = arith.constant 0 : i32
    %dma_wait3A_27 = arith.constant 0 : i32
    %dma_wait3A_28 = tpu.memref_slice %arg6[%dma_wait3A_24, %dma_wait3A_25, %dma_wait3A_26, %dma_wait3A_27] : memref<2x2x10x128xi32, #tpu.memory_space<vmem>> -> memref<1x2x10x128xi32, #tpu.memory_space<vmem>>
    %dma_wait3A_29 = tpu.memref_squeeze %dma_wait3A_28 : memref<1x2x10x128xi32, #tpu.memory_space<vmem>> -> memref<2x10x128xi32, #tpu.memory_space<vmem>>
    %dma_wait3A_30 = arith.constant 0 : i32
    %dma_wait3A_31 = arith.constant 0 : i32
    %dma_wait3A_32 = arith.constant 0 : i32
    %dma_wait3A_33 = tpu.memref_slice %arg2[%add3A, %dma_wait3A, %dma_wait3A_30, %dma_wait3A_31, %dma_wait3A_32] : memref<32x8x2x10x128xi32, #tpu.memory_space<hbm>> -> memref<1x1x2x10x128xi32, #tpu.memory_space<hbm>>
    %dma_wait3A_34 = tpu.memref_squeeze %dma_wait3A_33 : memref<1x1x2x10x128xi32, #tpu.memory_space<hbm>> -> memref<2x10x128xi32, #tpu.memory_space<hbm>>
    %dma_wait3A_35 = arith.constant 0 : i32
    %dma_wait3A_36 = arith.constant 0 : i32
    %dma_wait3A_37 = arith.constant 0 : i32
    %dma_wait3A_38 = tpu.memref_slice %arg6[%dma_wait3A_24, %dma_wait3A_35, %dma_wait3A_36, %dma_wait3A_37] : memref<2x2x10x128xi32, #tpu.memory_space<vmem>> -> memref<1x2x10x128xi32, #tpu.memory_space<vmem>>
    %dma_wait3A_39 = tpu.memref_squeeze %dma_wait3A_38 : memref<1x2x10x128xi32, #tpu.memory_space<vmem>> -> memref<2x10x128xi32, #tpu.memory_space<vmem>>
    %dma_wait3A_40 = arith.constant 0 : i32
    %dma_wait3A_41 = arith.constant 0 : i32
    %dma_wait3A_42 = arith.constant 0 : i32
    %dma_wait3A_43 = tpu.memref_slice %arg2[%add3A, %dma_wait3A, %dma_wait3A_40, %dma_wait3A_41, %dma_wait3A_42] : memref<32x8x2x10x128xi32, #tpu.memory_space<hbm>> -> memref<1x1x2x10x128xi32, #tpu.memory_space<hbm>>
    %dma_wait3A_44 = tpu.memref_squeeze %dma_wait3A_43 : memref<1x1x2x10x128xi32, #tpu.memory_space<hbm>> -> memref<2x10x128xi32, #tpu.memory_space<hbm>>
    tpu.wait_dma2 semaphore(%arg12 : memref<!tpu.dma_semaphore, #tpu.memory_space<semaphore_mem>>) src(%dma_wait3A_44 : memref<2x10x128xi32, #tpu.memory_space<hbm>>) dst(%dma_wait3A_39 : memref<2x10x128xi32, #tpu.memory_space<vmem>>)
    %dma_start3A_45 = arith.constant 1 : i32
    %dma_start3A_46 = arith.constant 1 : i32
    %dma_start3A_47 = arith.constant 0 : i32
    %dma_start3A_48 = arith.constant 0 : i32
    %dma_start3A_49 = arith.constant 0 : i32
    %dma_start3A_50 = tpu.memref_slice %arg6[%dma_start3A_46, %dma_start3A_47, %dma_start3A_48, %dma_start3A_49] : memref<2x2x10x128xi32, #tpu.memory_space<vmem>> -> memref<1x2x10x128xi32, #tpu.memory_space<vmem>>
    %dma_start3A_51 = tpu.memref_squeeze %dma_start3A_50 : memref<1x2x10x128xi32, #tpu.memory_space<vmem>> -> memref<2x10x128xi32, #tpu.memory_space<vmem>>
    %dma_start3A_52 = arith.constant 0 : i32
    %dma_start3A_53 = arith.constant 0 : i32
    %dma_start3A_54 = arith.constant 0 : i32
    %dma_start3A_55 = tpu.memref_slice %arg2[%add3A, %dma_start3A_45, %dma_start3A_52, %dma_start3A_53, %dma_start3A_54] : memref<32x8x2x10x128xi32, #tpu.memory_space<hbm>> -> memref<1x1x2x10x128xi32, #tpu.memory_space<hbm>>
    %dma_start3A_56 = tpu.memref_squeeze %dma_start3A_55 : memref<1x1x2x10x128xi32, #tpu.memory_space<hbm>> -> memref<2x10x128xi32, #tpu.memory_space<hbm>>
    %dma_start3A_57 = arith.constant 0 : i32
    %dma_start3A_58 = arith.constant 0 : i32
    %dma_start3A_59 = arith.constant 0 : i32
    %dma_start3A_60 = tpu.memref_slice %arg6[%dma_start3A_46, %dma_start3A_57, %dma_start3A_58, %dma_start3A_59] : memref<2x2x10x128xi32, #tpu.memory_space<vmem>> -> memref<1x2x10x128xi32, #tpu.memory_space<vmem>>
    %dma_start3A_61 = tpu.memref_squeeze %dma_start3A_60 : memref<1x2x10x128xi32, #tpu.memory_space<vmem>> -> memref<2x10x128xi32, #tpu.memory_space<vmem>>
    %dma_start3A_62 = arith.constant 0 : i32
    %dma_start3A_63 = arith.constant 0 : i32
    %dma_start3A_64 = arith.constant 0 : i32
    %dma_start3A_65 = tpu.memref_slice %arg2[%add3A, %dma_start3A_45, %dma_start3A_62, %dma_start3A_63, %dma_start3A_64] : memref<32x8x2x10x128xi32, #tpu.memory_space<hbm>> -> memref<1x1x2x10x128xi32, #tpu.memory_space<hbm>>
    %dma_start3A_66 = tpu.memref_squeeze %dma_start3A_65 : memref<1x1x2x10x128xi32, #tpu.memory_space<hbm>> -> memref<2x10x128xi32, #tpu.memory_space<hbm>>
    tpu.enqueue_dma source(%dma_start3A_66 : memref<2x10x128xi32, #tpu.memory_space<hbm>>) target(%dma_start3A_61 : memref<2x10x128xi32, #tpu.memory_space<vmem>>) target_semaphore(%arg12 : memref<!tpu.dma_semaphore, #tpu.memory_space<semaphore_mem>>)
    %barrier3A = arith.constant 0 : index
    tpu.barrier barrier_id(%barrier3A)
    %dma_start3A_67 = arith.constant 0 : i32
    %dma_start3A_68 = arith.constant 0 : i32
    %dma_start3A_69 = arith.constant 0 : i32
    %dma_start3A_70 = arith.constant 0 : i32
    %dma_start3A_71 = tpu.memref_slice %arg6[%dma_start3A_67, %dma_start3A_68, %dma_start3A_69, %dma_start3A_70] : memref<2x2x10x128xi32, #tpu.memory_space<vmem>> -> memref<1x1x1x128xi32, #tpu.memory_space<vmem>>
    %dma_start3A_72 = tpu.memref_squeeze %dma_start3A_71 : memref<1x1x1x128xi32, #tpu.memory_space<vmem>> -> memref<128xi32, #tpu.memory_space<vmem>>
    %dma_start3A_73 = arith.constant 0 : i32
    %dma_start3A_74 = arith.constant 0 : i32
    %dma_start3A_75 = tpu.memref_slice %arg3[%dma_start3A_73, %dma_start3A_74] : memref<10000x128xf32, #tpu.memory_space<hbm>> -> memref<10000x128xf32, #tpu.memory_space<hbm>>
    tpu.enqueue_indirect_dma source(%dma_start3A_75 : memref<10000x128xf32, #tpu.memory_space<hbm>>) target(%arg7 : memref<128x128xf32, #tpu.memory_space<vmem>>) offsets(%dma_start3A_72 : memref<128xi32, #tpu.memory_space<vmem>>) semaphore(%arg10 : memref<!tpu.dma_semaphore, #tpu.memory_space<semaphore_mem>>)
    %scan3A = arith.constant 0 : i32
    %scan3A_76 = arith.constant 0 : i32
    %scan3A_77 = arith.constant 5 : i32
    %scan3A_78 = arith.addi %scan3A_76, %scan3A_77 : i32
    %scan3A_79 = arith.constant 1 : i32
    %scan3A_80 = scf.for %scan3A_273 = %scan3A_76 to %scan3A_78 step %scan3A_79 iter_args(%scan3A_274 = %scan3A) -> (i32)  : i32 {
      %mul3A_275 = arith.constant 2 : i32
      %mul3A_276 = arith.muli %mul3A_275, %scan3A_273 : i32
      %dma_wait3A_277 = arith.constant 0 : i32
      %dma_wait3A_278 = arith.constant 0 : i32
      %dma_wait3A_279 = arith.constant 0 : i32
      %dma_wait3A_280 = tpu.memref_slice %arg6[%dma_wait3A_277, %dma_wait3A_278, %mul3A_276, %dma_wait3A_279] : memref<2x2x10x128xi32, #tpu.memory_space<vmem>> -> memref<1x1x1x128xi32, #tpu.memory_space<vmem>>
      %dma_wait3A_281 = tpu.memref_squeeze %dma_wait3A_280 : memref<1x1x1x128xi32, #tpu.memory_space<vmem>> -> memref<128xi32, #tpu.memory_space<vmem>>
      %dma_wait3A_282 = arith.constant 0 : i32
      %dma_wait3A_283 = arith.constant 0 : i32
      %dma_wait3A_284 = tpu.memref_slice %arg3[%dma_wait3A_282, %dma_wait3A_283] : memref<10000x128xf32, #tpu.memory_space<hbm>> -> memref<10000x128xf32, #tpu.memory_space<hbm>>
      tpu.wait_indirect_dma semaphore(%arg10 : memref<!tpu.dma_semaphore, #tpu.memory_space<semaphore_mem>>) src(%dma_wait3A_284 : memref<10000x128xf32, #tpu.memory_space<hbm>>) dst(%arg7 : memref<128x128xf32, #tpu.memory_space<vmem>>)
      %add3A_285 = arith.constant 1 : i32
      %add3A_286 = arith.addi %mul3A_276, %add3A_285 : i32
      %dma_start3A_287 = arith.constant 0 : i32
      %dma_start3A_288 = arith.constant 0 : i32
      %dma_start3A_289 = arith.constant 0 : i32
      %dma_start3A_290 = tpu.memref_slice %arg6[%dma_start3A_287, %dma_start3A_288, %add3A_286, %dma_start3A_289] : memref<2x2x10x128xi32, #tpu.memory_space<vmem>> -> memref<1x1x1x128xi32, #tpu.memory_space<vmem>>
      %dma_start3A_291 = tpu.memref_squeeze %dma_start3A_290 : memref<1x1x1x128xi32, #tpu.memory_space<vmem>> -> memref<128xi32, #tpu.memory_space<vmem>>
      %dma_start3A_292 = arith.constant 0 : i32
      %dma_start3A_293 = arith.constant 0 : i32
      %dma_start3A_294 = tpu.memref_slice %arg3[%dma_start3A_292, %dma_start3A_293] : memref<10000x128xf32, #tpu.memory_space<hbm>> -> memref<10000x128xf32, #tpu.memory_space<hbm>>
      tpu.enqueue_indirect_dma source(%dma_start3A_294 : memref<10000x128xf32, #tpu.memory_space<hbm>>) target(%arg8 : memref<128x128xf32, #tpu.memory_space<vmem>>) offsets(%dma_start3A_291 : memref<128xi32, #tpu.memory_space<vmem>>) semaphore(%arg11 : memref<!tpu.dma_semaphore, #tpu.memory_space<semaphore_mem>>)
      %run_scoped3A = arith.constant 0 : i32
      %run_scoped3A_295 = arith.constant 1 : i32
      "tpu.region"() ({
        %run_scoped3A_317 = tpu.sem_alloc : memref<!tpu.dma_semaphore, #tpu.memory_space<semaphore_mem>>
        %dma_start3A_318 = arith.constant 0 : i32
        %dma_start3A_319 = tpu.memref_slice %arg6[%run_scoped3A, %run_scoped3A_295, %mul3A_276, %dma_start3A_318] : memref<2x2x10x128xi32, #tpu.memory_space<vmem>> -> memref<1x1x1x128xi32, #tpu.memory_space<vmem>>
        %dma_start3A_320 = tpu.memref_squeeze %dma_start3A_319 : memref<1x1x1x128xi32, #tpu.memory_space<vmem>> -> memref<128xi32, #tpu.memory_space<vmem>>
        %dma_start3A_321 = arith.constant 0 : i32
        %dma_start3A_322 = arith.constant 0 : i32
        %dma_start3A_323 = tpu.memref_slice %arg9[%dma_start3A_321, %dma_start3A_322] : memref<10240x128xf32, #tpu.memory_space<vmem_shared>> -> memref<10240x128xf32, #tpu.memory_space<vmem_shared>>
        tpu.enqueue_indirect_dma source(%arg7 : memref<128x128xf32, #tpu.memory_space<vmem>>) target(%dma_start3A_323 : memref<10240x128xf32, #tpu.memory_space<vmem_shared>>) offsets(%dma_start3A_320 : memref<128xi32, #tpu.memory_space<vmem>>) semaphore(%run_scoped3A_317 : memref<!tpu.dma_semaphore, #tpu.memory_space<semaphore_mem>>) {add = true}
        %dma_wait3A_324 = arith.constant 0 : i32
        %dma_wait3A_325 = tpu.memref_slice %arg6[%run_scoped3A, %run_scoped3A_295, %mul3A_276, %dma_wait3A_324] : memref<2x2x10x128xi32, #tpu.memory_space<vmem>> -> memref<1x1x1x128xi32, #tpu.memory_space<vmem>>
        %dma_wait3A_326 = tpu.memref_squeeze %dma_wait3A_325 : memref<1x1x1x128xi32, #tpu.memory_space<vmem>> -> memref<128xi32, #tpu.memory_space<vmem>>
        %dma_wait3A_327 = arith.constant 0 : i32
        %dma_wait3A_328 = arith.constant 0 : i32
        %dma_wait3A_329 = tpu.memref_slice %arg9[%dma_wait3A_327, %dma_wait3A_328] : memref<10240x128xf32, #tpu.memory_space<vmem_shared>> -> memref<10240x128xf32, #tpu.memory_space<vmem_shared>>
        tpu.wait_indirect_dma semaphore(%run_scoped3A_317 : memref<!tpu.dma_semaphore, #tpu.memory_space<semaphore_mem>>) src(%arg7 : memref<128x128xf32, #tpu.memory_space<vmem>>) dst(%dma_wait3A_329 : memref<10240x128xf32, #tpu.memory_space<vmem_shared>>)
        tpu.yield
      }) : () -> ()
      %add3A_296 = arith.constant 1 : i32
      %add3A_297 = arith.addi %mul3A_276, %add3A_296 : i32
      %dma_wait3A_298 = arith.constant 0 : i32
      %dma_wait3A_299 = arith.constant 0 : i32
      %dma_wait3A_300 = arith.constant 0 : i32
      %dma_wait3A_301 = tpu.memref_slice %arg6[%dma_wait3A_298, %dma_wait3A_299, %add3A_297, %dma_wait3A_300] : memref<2x2x10x128xi32, #tpu.memory_space<vmem>> -> memref<1x1x1x128xi32, #tpu.memory_space<vmem>>
      %dma_wait3A_302 = tpu.memref_squeeze %dma_wait3A_301 : memref<1x1x1x128xi32, #tpu.memory_space<vmem>> -> memref<128xi32, #tpu.memory_space<vmem>>
      %dma_wait3A_303 = arith.constant 0 : i32
      %dma_wait3A_304 = arith.constant 0 : i32
      %dma_wait3A_305 = tpu.memref_slice %arg3[%dma_wait3A_303, %dma_wait3A_304] : memref<10000x128xf32, #tpu.memory_space<hbm>> -> memref<10000x128xf32, #tpu.memory_space<hbm>>
      tpu.wait_indirect_dma semaphore(%arg11 : memref<!tpu.dma_semaphore, #tpu.memory_space<semaphore_mem>>) src(%dma_wait3A_305 : memref<10000x128xf32, #tpu.memory_space<hbm>>) dst(%arg8 : memref<128x128xf32, #tpu.memory_space<vmem>>)
      %lt3A = arith.constant 4 : i32
      %lt3A_306 = arith.cmpi slt, %scan3A_273, %lt3A : i32
      %convert_element_type3A = arith.extui %lt3A_306 : i1 to i32
      %cond3A = arith.constant 0 : i32
      %cond3A_307 = arith.cmpi ne, %convert_element_type3A, %cond3A : i32
      scf.if %cond3A_307 {
        %add3A_317 = arith.constant 2 : i32
        %add3A_318 = arith.addi %mul3A_276, %add3A_317 : i32
        %dma_start3A_319 = arith.constant 0 : i32
        %dma_start3A_320 = arith.constant 0 : i32
        %dma_start3A_321 = arith.constant 0 : i32
        %dma_start3A_322 = tpu.memref_slice %arg6[%dma_start3A_319, %dma_start3A_320, %add3A_318, %dma_start3A_321] : memref<2x2x10x128xi32, #tpu.memory_space<vmem>> -> memref<1x1x1x128xi32, #tpu.memory_space<vmem>>
        %dma_start3A_323 = tpu.memref_squeeze %dma_start3A_322 : memref<1x1x1x128xi32, #tpu.memory_space<vmem>> -> memref<128xi32, #tpu.memory_space<vmem>>
        %dma_start3A_324 = arith.constant 0 : i32
        %dma_start3A_325 = arith.constant 0 : i32
        %dma_start3A_326 = tpu.memref_slice %arg3[%dma_start3A_324, %dma_start3A_325] : memref<10000x128xf32, #tpu.memory_space<hbm>> -> memref<10000x128xf32, #tpu.memory_space<hbm>>
        tpu.enqueue_indirect_dma source(%dma_start3A_326 : memref<10000x128xf32, #tpu.memory_space<hbm>>) target(%arg7 : memref<128x128xf32, #tpu.memory_space<vmem>>) offsets(%dma_start3A_323 : memref<128xi32, #tpu.memory_space<vmem>>) semaphore(%arg10 : memref<!tpu.dma_semaphore, #tpu.memory_space<semaphore_mem>>)
      } else {
      }
      %eq3A = arith.constant 4 : i32
      %eq3A_308 = arith.cmpi eq, %scan3A_273, %eq3A : i32
      %convert_element_type3A_309 = arith.extui %eq3A_308 : i1 to i32
      %cond3A_310 = arith.constant 0 : i32
      %cond3A_311 = arith.cmpi ne, %convert_element_type3A_309, %cond3A_310 : i32
      scf.if %cond3A_311 {
        %dma_wait3A_317 = arith.constant 1 : i32
        %dma_wait3A_318 = arith.constant 1 : i32
        %dma_wait3A_319 = arith.constant 0 : i32
        %dma_wait3A_320 = arith.constant 0 : i32
        %dma_wait3A_321 = arith.constant 0 : i32
        %dma_wait3A_322 = tpu.memref_slice %arg6[%dma_wait3A_318, %dma_wait3A_319, %dma_wait3A_320, %dma_wait3A_321] : memref<2x2x10x128xi32, #tpu.memory_space<vmem>> -> memref<1x2x10x128xi32, #tpu.memory_space<vmem>>
        %dma_wait3A_323 = tpu.memref_squeeze %dma_wait3A_322 : memref<1x2x10x128xi32, #tpu.memory_space<vmem>> -> memref<2x10x128xi32, #tpu.memory_space<vmem>>
        %dma_wait3A_324 = arith.constant 0 : i32
        %dma_wait3A_325 = arith.constant 0 : i32
        %dma_wait3A_326 = arith.constant 0 : i32
        %dma_wait3A_327 = tpu.memref_slice %arg2[%add3A, %dma_wait3A_317, %dma_wait3A_324, %dma_wait3A_325, %dma_wait3A_326] : memref<32x8x2x10x128xi32, #tpu.memory_space<hbm>> -> memref<1x1x2x10x128xi32, #tpu.memory_space<hbm>>
        %dma_wait3A_328 = tpu.memref_squeeze %dma_wait3A_327 : memref<1x1x2x10x128xi32, #tpu.memory_space<hbm>> -> memref<2x10x128xi32, #tpu.memory_space<hbm>>
        %dma_wait3A_329 = arith.constant 0 : i32
        %dma_wait3A_330 = arith.constant 0 : i32
        %dma_wait3A_331 = arith.constant 0 : i32
        %dma_wait3A_332 = tpu.memref_slice %arg6[%dma_wait3A_318, %dma_wait3A_329, %dma_wait3A_330, %dma_wait3A_331] : memref<2x2x10x128xi32, #tpu.memory_space<vmem>> -> memref<1x2x10x128xi32, #tpu.memory_space<vmem>>
        %dma_wait3A_333 = tpu.memref_squeeze %dma_wait3A_332 : memref<1x2x10x128xi32, #tpu.memory_space<vmem>> -> memref<2x10x128xi32, #tpu.memory_space<vmem>>
        %dma_wait3A_334 = arith.constant 0 : i32
        %dma_wait3A_335 = arith.constant 0 : i32
        %dma_wait3A_336 = arith.constant 0 : i32
        %dma_wait3A_337 = tpu.memref_slice %arg2[%add3A, %dma_wait3A_317, %dma_wait3A_334, %dma_wait3A_335, %dma_wait3A_336] : memref<32x8x2x10x128xi32, #tpu.memory_space<hbm>> -> memref<1x1x2x10x128xi32, #tpu.memory_space<hbm>>
        %dma_wait3A_338 = tpu.memref_squeeze %dma_wait3A_337 : memref<1x1x2x10x128xi32, #tpu.memory_space<hbm>> -> memref<2x10x128xi32, #tpu.memory_space<hbm>>
        tpu.wait_dma2 semaphore(%arg12 : memref<!tpu.dma_semaphore, #tpu.memory_space<semaphore_mem>>) src(%dma_wait3A_338 : memref<2x10x128xi32, #tpu.memory_space<hbm>>) dst(%dma_wait3A_333 : memref<2x10x128xi32, #tpu.memory_space<vmem>>)
        %dma_start3A_339 = arith.constant 1 : i32
        %dma_start3A_340 = arith.constant 0 : i32
        %dma_start3A_341 = arith.constant 0 : i32
        %dma_start3A_342 = arith.constant 0 : i32
        %dma_start3A_343 = tpu.memref_slice %arg6[%dma_start3A_339, %dma_start3A_340, %dma_start3A_341, %dma_start3A_342] : memref<2x2x10x128xi32, #tpu.memory_space<vmem>> -> memref<1x1x1x128xi32, #tpu.memory_space<vmem>>
        %dma_start3A_344 = tpu.memref_squeeze %dma_start3A_343 : memref<1x1x1x128xi32, #tpu.memory_space<vmem>> -> memref<128xi32, #tpu.memory_space<vmem>>
        %dma_start3A_345 = arith.constant 0 : i32
        %dma_start3A_346 = arith.constant 0 : i32
        %dma_start3A_347 = tpu.memref_slice %arg3[%dma_start3A_345, %dma_start3A_346] : memref<10000x128xf32, #tpu.memory_space<hbm>> -> memref<10000x128xf32, #tpu.memory_space<hbm>>
        tpu.enqueue_indirect_dma source(%dma_start3A_347 : memref<10000x128xf32, #tpu.memory_space<hbm>>) target(%arg7 : memref<128x128xf32, #tpu.memory_space<vmem>>) offsets(%dma_start3A_344 : memref<128xi32, #tpu.memory_space<vmem>>) semaphore(%arg10 : memref<!tpu.dma_semaphore, #tpu.memory_space<semaphore_mem>>)
      } else {
      }
      %add3A_312 = arith.constant 1 : i32
      %add3A_313 = arith.addi %mul3A_276, %add3A_312 : i32
      %run_scoped3A_314 = arith.constant 0 : i32
      %run_scoped3A_315 = arith.constant 1 : i32
      "tpu.region"() ({
        %run_scoped3A_317 = tpu.sem_alloc : memref<!tpu.dma_semaphore, #tpu.memory_space<semaphore_mem>>
        %dma_start3A_318 = arith.constant 0 : i32
        %dma_start3A_319 = tpu.memref_slice %arg6[%run_scoped3A_314, %run_scoped3A_315, %add3A_313, %dma_start3A_318] : memref<2x2x10x128xi32, #tpu.memory_space<vmem>> -> memref<1x1x1x128xi32, #tpu.memory_space<vmem>>
        %dma_start3A_320 = tpu.memref_squeeze %dma_start3A_319 : memref<1x1x1x128xi32, #tpu.memory_space<vmem>> -> memref<128xi32, #tpu.memory_space<vmem>>
        %dma_start3A_321 = arith.constant 0 : i32
        %dma_start3A_322 = arith.constant 0 : i32
        %dma_start3A_323 = tpu.memref_slice %arg9[%dma_start3A_321, %dma_start3A_322] : memref<10240x128xf32, #tpu.memory_space<vmem_shared>> -> memref<10240x128xf32, #tpu.memory_space<vmem_shared>>
        tpu.enqueue_indirect_dma source(%arg8 : memref<128x128xf32, #tpu.memory_space<vmem>>) target(%dma_start3A_323 : memref<10240x128xf32, #tpu.memory_space<vmem_shared>>) offsets(%dma_start3A_320 : memref<128xi32, #tpu.memory_space<vmem>>) semaphore(%run_scoped3A_317 : memref<!tpu.dma_semaphore, #tpu.memory_space<semaphore_mem>>) {add = true}
        %dma_wait3A_324 = arith.constant 0 : i32
        %dma_wait3A_325 = tpu.memref_slice %arg6[%run_scoped3A_314, %run_scoped3A_315, %add3A_313, %dma_wait3A_324] : memref<2x2x10x128xi32, #tpu.memory_space<vmem>> -> memref<1x1x1x128xi32, #tpu.memory_space<vmem>>
        %dma_wait3A_326 = tpu.memref_squeeze %dma_wait3A_325 : memref<1x1x1x128xi32, #tpu.memory_space<vmem>> -> memref<128xi32, #tpu.memory_space<vmem>>
        %dma_wait3A_327 = arith.constant 0 : i32
        %dma_wait3A_328 = arith.constant 0 : i32
        %dma_wait3A_329 = tpu.memref_slice %arg9[%dma_wait3A_327, %dma_wait3A_328] : memref<10240x128xf32, #tpu.memory_space<vmem_shared>> -> memref<10240x128xf32, #tpu.memory_space<vmem_shared>>
        tpu.wait_indirect_dma semaphore(%run_scoped3A_317 : memref<!tpu.dma_semaphore, #tpu.memory_space<semaphore_mem>>) src(%arg8 : memref<128x128xf32, #tpu.memory_space<vmem>>) dst(%dma_wait3A_329 : memref<10240x128xf32, #tpu.memory_space<vmem_shared>>)
        tpu.yield
      }) : () -> ()
      %scan3A_316 = arith.constant 0 : i32
      scf.yield %scan3A_316 : i32
    }
    %scan3A_81 = arith.constant 5 : i32
    %dma_start3A_82 = arith.constant 2 : i32
    %dma_start3A_83 = arith.constant 0 : i32
    %dma_start3A_84 = arith.constant 0 : i32
    %dma_start3A_85 = arith.constant 0 : i32
    %dma_start3A_86 = arith.constant 0 : i32
    %dma_start3A_87 = tpu.memref_slice %arg6[%dma_start3A_83, %dma_start3A_84, %dma_start3A_85, %dma_start3A_86] : memref<2x2x10x128xi32, #tpu.memory_space<vmem>> -> memref<1x2x10x128xi32, #tpu.memory_space<vmem>>
    %dma_start3A_88 = tpu.memref_squeeze %dma_start3A_87 : memref<1x2x10x128xi32, #tpu.memory_space<vmem>> -> memref<2x10x128xi32, #tpu.memory_space<vmem>>
    %dma_start3A_89 = arith.constant 0 : i32
    %dma_start3A_90 = arith.constant 0 : i32
    %dma_start3A_91 = arith.constant 0 : i32
    %dma_start3A_92 = tpu.memref_slice %arg2[%add3A, %dma_start3A_82, %dma_start3A_89, %dma_start3A_90, %dma_start3A_91] : memref<32x8x2x10x128xi32, #tpu.memory_space<hbm>> -> memref<1x1x2x10x128xi32, #tpu.memory_space<hbm>>
    %dma_start3A_93 = tpu.memref_squeeze %dma_start3A_92 : memref<1x1x2x10x128xi32, #tpu.memory_space<hbm>> -> memref<2x10x128xi32, #tpu.memory_space<hbm>>
    %dma_start3A_94 = arith.constant 0 : i32
    %dma_start3A_95 = arith.constant 0 : i32
    %dma_start3A_96 = arith.constant 0 : i32
    %dma_start3A_97 = tpu.memref_slice %arg6[%dma_start3A_83, %dma_start3A_94, %dma_start3A_95, %dma_start3A_96] : memref<2x2x10x128xi32, #tpu.memory_space<vmem>> -> memref<1x2x10x128xi32, #tpu.memory_space<vmem>>
    %dma_start3A_98 = tpu.memref_squeeze %dma_start3A_97 : memref<1x2x10x128xi32, #tpu.memory_space<vmem>> -> memref<2x10x128xi32, #tpu.memory_space<vmem>>
    %dma_start3A_99 = arith.constant 0 : i32
    %dma_start3A_100 = arith.constant 0 : i32
    %dma_start3A_101 = arith.constant 0 : i32
    %dma_start3A_102 = tpu.memref_slice %arg2[%add3A, %dma_start3A_82, %dma_start3A_99, %dma_start3A_100, %dma_start3A_101] : memref<32x8x2x10x128xi32, #tpu.memory_space<hbm>> -> memref<1x1x2x10x128xi32, #tpu.memory_space<hbm>>
    %dma_start3A_103 = tpu.memref_squeeze %dma_start3A_102 : memref<1x1x2x10x128xi32, #tpu.memory_space<hbm>> -> memref<2x10x128xi32, #tpu.memory_space<hbm>>
    tpu.enqueue_dma source(%dma_start3A_103 : memref<2x10x128xi32, #tpu.memory_space<hbm>>) target(%dma_start3A_98 : memref<2x10x128xi32, #tpu.memory_space<vmem>>) target_semaphore(%arg12 : memref<!tpu.dma_semaphore, #tpu.memory_space<semaphore_mem>>)
    %scan3A_104 = arith.constant 0 : i32
    %scan3A_105 = arith.constant 0 : i32
    %scan3A_106 = arith.constant 5 : i32
    %scan3A_107 = arith.addi %scan3A_105, %scan3A_106 : i32
    %scan3A_108 = arith.constant 1 : i32
    %scan3A_109 = scf.for %scan3A_273 = %scan3A_105 to %scan3A_107 step %scan3A_108 iter_args(%scan3A_274 = %scan3A_104) -> (i32)  : i32 {
      %mul3A_275 = arith.constant 2 : i32
      %mul3A_276 = arith.muli %mul3A_275, %scan3A_273 : i32
      %dma_wait3A_277 = arith.constant 1 : i32
      %dma_wait3A_278 = arith.constant 0 : i32
      %dma_wait3A_279 = arith.constant 0 : i32
      %dma_wait3A_280 = tpu.memref_slice %arg6[%dma_wait3A_277, %dma_wait3A_278, %mul3A_276, %dma_wait3A_279] : memref<2x2x10x128xi32, #tpu.memory_space<vmem>> -> memref<1x1x1x128xi32, #tpu.memory_space<vmem>>
      %dma_wait3A_281 = tpu.memref_squeeze %dma_wait3A_280 : memref<1x1x1x128xi32, #tpu.memory_space<vmem>> -> memref<128xi32, #tpu.memory_space<vmem>>
      %dma_wait3A_282 = arith.constant 0 : i32
      %dma_wait3A_283 = arith.constant 0 : i32
      %dma_wait3A_284 = tpu.memref_slice %arg3[%dma_wait3A_282, %dma_wait3A_283] : memref<10000x128xf32, #tpu.memory_space<hbm>> -> memref<10000x128xf32, #tpu.memory_space<hbm>>
      tpu.wait_indirect_dma semaphore(%arg10 : memref<!tpu.dma_semaphore, #tpu.memory_space<semaphore_mem>>) src(%dma_wait3A_284 : memref<10000x128xf32, #tpu.memory_space<hbm>>) dst(%arg7 : memref<128x128xf32, #tpu.memory_space<vmem>>)
      %add3A_285 = arith.constant 1 : i32
      %add3A_286 = arith.addi %mul3A_276, %add3A_285 : i32
      %dma_start3A_287 = arith.constant 1 : i32
      %dma_start3A_288 = arith.constant 0 : i32
      %dma_start3A_289 = arith.constant 0 : i32
      %dma_start3A_290 = tpu.memref_slice %arg6[%dma_start3A_287, %dma_start3A_288, %add3A_286, %dma_start3A_289] : memref<2x2x10x128xi32, #tpu.memory_space<vmem>> -> memref<1x1x1x128xi32, #tpu.memory_space<vmem>>
      %dma_start3A_291 = tpu.memref_squeeze %dma_start3A_290 : memref<1x1x1x128xi32, #tpu.memory_space<vmem>> -> memref<128xi32, #tpu.memory_space<vmem>>
      %dma_start3A_292 = arith.constant 0 : i32
      %dma_start3A_293 = arith.constant 0 : i32
      %dma_start3A_294 = tpu.memref_slice %arg3[%dma_start3A_292, %dma_start3A_293] : memref<10000x128xf32, #tpu.memory_space<hbm>> -> memref<10000x128xf32, #tpu.memory_space<hbm>>
      tpu.enqueue_indirect_dma source(%dma_start3A_294 : memref<10000x128xf32, #tpu.memory_space<hbm>>) target(%arg8 : memref<128x128xf32, #tpu.memory_space<vmem>>) offsets(%dma_start3A_291 : memref<128xi32, #tpu.memory_space<vmem>>) semaphore(%arg11 : memref<!tpu.dma_semaphore, #tpu.memory_space<semaphore_mem>>)
      %run_scoped3A = arith.constant 1 : i32
      %run_scoped3A_295 = arith.constant 1 : i32
      "tpu.region"() ({
        %run_scoped3A_317 = tpu.sem_alloc : memref<!tpu.dma_semaphore, #tpu.memory_space<semaphore_mem>>
        %dma_start3A_318 = arith.constant 0 : i32
        %dma_start3A_319 = tpu.memref_slice %arg6[%run_scoped3A, %run_scoped3A_295, %mul3A_276, %dma_start3A_318] : memref<2x2x10x128xi32, #tpu.memory_space<vmem>> -> memref<1x1x1x128xi32, #tpu.memory_space<vmem>>
        %dma_start3A_320 = tpu.memref_squeeze %dma_start3A_319 : memref<1x1x1x128xi32, #tpu.memory_space<vmem>> -> memref<128xi32, #tpu.memory_space<vmem>>
        %dma_start3A_321 = arith.constant 0 : i32
        %dma_start3A_322 = arith.constant 0 : i32
        %dma_start3A_323 = tpu.memref_slice %arg9[%dma_start3A_321, %dma_start3A_322] : memref<10240x128xf32, #tpu.memory_space<vmem_shared>> -> memref<10240x128xf32, #tpu.memory_space<vmem_shared>>
        tpu.enqueue_indirect_dma source(%arg7 : memref<128x128xf32, #tpu.memory_space<vmem>>) target(%dma_start3A_323 : memref<10240x128xf32, #tpu.memory_space<vmem_shared>>) offsets(%dma_start3A_320 : memref<128xi32, #tpu.memory_space<vmem>>) semaphore(%run_scoped3A_317 : memref<!tpu.dma_semaphore, #tpu.memory_space<semaphore_mem>>) {add = true}
        %dma_wait3A_324 = arith.constant 0 : i32
        %dma_wait3A_325 = tpu.memref_slice %arg6[%run_scoped3A, %run_scoped3A_295, %mul3A_276, %dma_wait3A_324] : memref<2x2x10x128xi32, #tpu.memory_space<vmem>> -> memref<1x1x1x128xi32, #tpu.memory_space<vmem>>
        %dma_wait3A_326 = tpu.memref_squeeze %dma_wait3A_325 : memref<1x1x1x128xi32, #tpu.memory_space<vmem>> -> memref<128xi32, #tpu.memory_space<vmem>>
        %dma_wait3A_327 = arith.constant 0 : i32
        %dma_wait3A_328 = arith.constant 0 : i32
        %dma_wait3A_329 = tpu.memref_slice %arg9[%dma_wait3A_327, %dma_wait3A_328] : memref<10240x128xf32, #tpu.memory_space<vmem_shared>> -> memref<10240x128xf32, #tpu.memory_space<vmem_shared>>
        tpu.wait_indirect_dma semaphore(%run_scoped3A_317 : memref<!tpu.dma_semaphore, #tpu.memory_space<semaphore_mem>>) src(%arg7 : memref<128x128xf32, #tpu.memory_space<vmem>>) dst(%dma_wait3A_329 : memref<10240x128xf32, #tpu.memory_space<vmem_shared>>)
        tpu.yield
      }) : () -> ()
      %add3A_296 = arith.constant 1 : i32
      %add3A_297 = arith.addi %mul3A_276, %add3A_296 : i32
      %dma_wait3A_298 = arith.constant 1 : i32
      %dma_wait3A_299 = arith.constant 0 : i32
      %dma_wait3A_300 = arith.constant 0 : i32
      %dma_wait3A_301 = tpu.memref_slice %arg6[%dma_wait3A_298, %dma_wait3A_299, %add3A_297, %dma_wait3A_300] : memref<2x2x10x128xi32, #tpu.memory_space<vmem>> -> memref<1x1x1x128xi32, #tpu.memory_space<vmem>>
      %dma_wait3A_302 = tpu.memref_squeeze %dma_wait3A_301 : memref<1x1x1x128xi32, #tpu.memory_space<vmem>> -> memref<128xi32, #tpu.memory_space<vmem>>
      %dma_wait3A_303 = arith.constant 0 : i32
      %dma_wait3A_304 = arith.constant 0 : i32
      %dma_wait3A_305 = tpu.memref_slice %arg3[%dma_wait3A_303, %dma_wait3A_304] : memref<10000x128xf32, #tpu.memory_space<hbm>> -> memref<10000x128xf32, #tpu.memory_space<hbm>>
      tpu.wait_indirect_dma semaphore(%arg11 : memref<!tpu.dma_semaphore, #tpu.memory_space<semaphore_mem>>) src(%dma_wait3A_305 : memref<10000x128xf32, #tpu.memory_space<hbm>>) dst(%arg8 : memref<128x128xf32, #tpu.memory_space<vmem>>)
      %lt3A = arith.constant 4 : i32
      %lt3A_306 = arith.cmpi slt, %scan3A_273, %lt3A : i32
      %convert_element_type3A = arith.extui %lt3A_306 : i1 to i32
      %cond3A = arith.constant 0 : i32
      %cond3A_307 = arith.cmpi ne, %convert_element_type3A, %cond3A : i32
      scf.if %cond3A_307 {
        %add3A_317 = arith.constant 2 : i32
        %add3A_318 = arith.addi %mul3A_276, %add3A_317 : i32
        %dma_start3A_319 = arith.constant 1 : i32
        %dma_start3A_320 = arith.constant 0 : i32
        %dma_start3A_321 = arith.constant 0 : i32
        %dma_start3A_322 = tpu.memref_slice %arg6[%dma_start3A_319, %dma_start3A_320, %add3A_318, %dma_start3A_321] : memref<2x2x10x128xi32, #tpu.memory_space<vmem>> -> memref<1x1x1x128xi32, #tpu.memory_space<vmem>>
        %dma_start3A_323 = tpu.memref_squeeze %dma_start3A_322 : memref<1x1x1x128xi32, #tpu.memory_space<vmem>> -> memref<128xi32, #tpu.memory_space<vmem>>
        %dma_start3A_324 = arith.constant 0 : i32
        %dma_start3A_325 = arith.constant 0 : i32
        %dma_start3A_326 = tpu.memref_slice %arg3[%dma_start3A_324, %dma_start3A_325] : memref<10000x128xf32, #tpu.memory_space<hbm>> -> memref<10000x128xf32, #tpu.memory_space<hbm>>
        tpu.enqueue_indirect_dma source(%dma_start3A_326 : memref<10000x128xf32, #tpu.memory_space<hbm>>) target(%arg7 : memref<128x128xf32, #tpu.memory_space<vmem>>) offsets(%dma_start3A_323 : memref<128xi32, #tpu.memory_space<vmem>>) semaphore(%arg10 : memref<!tpu.dma_semaphore, #tpu.memory_space<semaphore_mem>>)
      } else {
      }
      %eq3A = arith.constant 4 : i32
      %eq3A_308 = arith.cmpi eq, %scan3A_273, %eq3A : i32
      %convert_element_type3A_309 = arith.extui %eq3A_308 : i1 to i32
      %cond3A_310 = arith.constant 0 : i32
      %cond3A_311 = arith.cmpi ne, %convert_element_type3A_309, %cond3A_310 : i32
      scf.if %cond3A_311 {
        %dma_wait3A_317 = arith.constant 2 : i32
        %dma_wait3A_318 = arith.constant 0 : i32
        %dma_wait3A_319 = arith.constant 0 : i32
        %dma_wait3A_320 = arith.constant 0 : i32
        %dma_wait3A_321 = arith.constant 0 : i32
        %dma_wait3A_322 = tpu.memref_slice %arg6[%dma_wait3A_318, %dma_wait3A_319, %dma_wait3A_320, %dma_wait3A_321] : memref<2x2x10x128xi32, #tpu.memory_space<vmem>> -> memref<1x2x10x128xi32, #tpu.memory_space<vmem>>
        %dma_wait3A_323 = tpu.memref_squeeze %dma_wait3A_322 : memref<1x2x10x128xi32, #tpu.memory_space<vmem>> -> memref<2x10x128xi32, #tpu.memory_space<vmem>>
        %dma_wait3A_324 = arith.constant 0 : i32
        %dma_wait3A_325 = arith.constant 0 : i32
        %dma_wait3A_326 = arith.constant 0 : i32
        %dma_wait3A_327 = tpu.memref_slice %arg2[%add3A, %dma_wait3A_317, %dma_wait3A_324, %dma_wait3A_325, %dma_wait3A_326] : memref<32x8x2x10x128xi32, #tpu.memory_space<hbm>> -> memref<1x1x2x10x128xi32, #tpu.memory_space<hbm>>
        %dma_wait3A_328 = tpu.memref_squeeze %dma_wait3A_327 : memref<1x1x2x10x128xi32, #tpu.memory_space<hbm>> -> memref<2x10x128xi32, #tpu.memory_space<hbm>>
        %dma_wait3A_329 = arith.constant 0 : i32
        %dma_wait3A_330 = arith.constant 0 : i32
        %dma_wait3A_331 = arith.constant 0 : i32
        %dma_wait3A_332 = tpu.memref_slice %arg6[%dma_wait3A_318, %dma_wait3A_329, %dma_wait3A_330, %dma_wait3A_331] : memref<2x2x10x128xi32, #tpu.memory_space<vmem>> -> memref<1x2x10x128xi32, #tpu.memory_space<vmem>>
        %dma_wait3A_333 = tpu.memref_squeeze %dma_wait3A_332 : memref<1x2x10x128xi32, #tpu.memory_space<vmem>> -> memref<2x10x128xi32, #tpu.memory_space<vmem>>
        %dma_wait3A_334 = arith.constant 0 : i32
        %dma_wait3A_335 = arith.constant 0 : i32
        %dma_wait3A_336 = arith.constant 0 : i32
        %dma_wait3A_337 = tpu.memref_slice %arg2[%add3A, %dma_wait3A_317, %dma_wait3A_334, %dma_wait3A_335, %dma_wait3A_336] : memref<32x8x2x10x128xi32, #tpu.memory_space<hbm>> -> memref<1x1x2x10x128xi32, #tpu.memory_space<hbm>>
        %dma_wait3A_338 = tpu.memref_squeeze %dma_wait3A_337 : memref<1x1x2x10x128xi32, #tpu.memory_space<hbm>> -> memref<2x10x128xi32, #tpu.memory_space<hbm>>
        tpu.wait_dma2 semaphore(%arg12 : memref<!tpu.dma_semaphore, #tpu.memory_space<semaphore_mem>>) src(%dma_wait3A_338 : memref<2x10x128xi32, #tpu.memory_space<hbm>>) dst(%dma_wait3A_333 : memref<2x10x128xi32, #tpu.memory_space<vmem>>)
        %dma_start3A_339 = arith.constant 0 : i32
        %dma_start3A_340 = arith.constant 0 : i32
        %dma_start3A_341 = arith.constant 0 : i32
        %dma_start3A_342 = arith.constant 0 : i32
        %dma_start3A_343 = tpu.memref_slice %arg6[%dma_start3A_339, %dma_start3A_340, %dma_start3A_341, %dma_start3A_342] : memref<2x2x10x128xi32, #tpu.memory_space<vmem>> -> memref<1x1x1x128xi32, #tpu.memory_space<vmem>>
        %dma_start3A_344 = tpu.memref_squeeze %dma_start3A_343 : memref<1x1x1x128xi32, #tpu.memory_space<vmem>> -> memref<128xi32, #tpu.memory_space<vmem>>
        %dma_start3A_345 = arith.constant 0 : i32
        %dma_start3A_346 = arith.constant 0 : i32
        %dma_start3A_347 = tpu.memref_slice %arg3[%dma_start3A_345, %dma_start3A_346] : memref<10000x128xf32, #tpu.memory_space<hbm>> -> memref<10000x128xf32, #tpu.memory_space<hbm>>
        tpu.enqueue_indirect_dma source(%dma_start3A_347 : memref<10000x128xf32, #tpu.memory_space<hbm>>) target(%arg7 : memref<128x128xf32, #tpu.memory_space<vmem>>) offsets(%dma_start3A_344 : memref<128xi32, #tpu.memory_space<vmem>>) semaphore(%arg10 : memref<!tpu.dma_semaphore, #tpu.memory_space<semaphore_mem>>)
      } else {
      }
      %add3A_312 = arith.constant 1 : i32
      %add3A_313 = arith.addi %mul3A_276, %add3A_312 : i32
      %run_scoped3A_314 = arith.constant 1 : i32
      %run_scoped3A_315 = arith.constant 1 : i32
      "tpu.region"() ({
        %run_scoped3A_317 = tpu.sem_alloc : memref<!tpu.dma_semaphore, #tpu.memory_space<semaphore_mem>>
        %dma_start3A_318 = arith.constant 0 : i32
        %dma_start3A_319 = tpu.memref_slice %arg6[%run_scoped3A_314, %run_scoped3A_315, %add3A_313, %dma_start3A_318] : memref<2x2x10x128xi32, #tpu.memory_space<vmem>> -> memref<1x1x1x128xi32, #tpu.memory_space<vmem>>
        %dma_start3A_320 = tpu.memref_squeeze %dma_start3A_319 : memref<1x1x1x128xi32, #tpu.memory_space<vmem>> -> memref<128xi32, #tpu.memory_space<vmem>>
        %dma_start3A_321 = arith.constant 0 : i32
        %dma_start3A_322 = arith.constant 0 : i32
        %dma_start3A_323 = tpu.memref_slice %arg9[%dma_start3A_321, %dma_start3A_322] : memref<10240x128xf32, #tpu.memory_space<vmem_shared>> -> memref<10240x128xf32, #tpu.memory_space<vmem_shared>>
        tpu.enqueue_indirect_dma source(%arg8 : memref<128x128xf32, #tpu.memory_space<vmem>>) target(%dma_start3A_323 : memref<10240x128xf32, #tpu.memory_space<vmem_shared>>) offsets(%dma_start3A_320 : memref<128xi32, #tpu.memory_space<vmem>>) semaphore(%run_scoped3A_317 : memref<!tpu.dma_semaphore, #tpu.memory_space<semaphore_mem>>) {add = true}
        %dma_wait3A_324 = arith.constant 0 : i32
        %dma_wait3A_325 = tpu.memref_slice %arg6[%run_scoped3A_314, %run_scoped3A_315, %add3A_313, %dma_wait3A_324] : memref<2x2x10x128xi32, #tpu.memory_space<vmem>> -> memref<1x1x1x128xi32, #tpu.memory_space<vmem>>
        %dma_wait3A_326 = tpu.memref_squeeze %dma_wait3A_325 : memref<1x1x1x128xi32, #tpu.memory_space<vmem>> -> memref<128xi32, #tpu.memory_space<vmem>>
        %dma_wait3A_327 = arith.constant 0 : i32
        %dma_wait3A_328 = arith.constant 0 : i32
        %dma_wait3A_329 = tpu.memref_slice %arg9[%dma_wait3A_327, %dma_wait3A_328] : memref<10240x128xf32, #tpu.memory_space<vmem_shared>> -> memref<10240x128xf32, #tpu.memory_space<vmem_shared>>
        tpu.wait_indirect_dma semaphore(%run_scoped3A_317 : memref<!tpu.dma_semaphore, #tpu.memory_space<semaphore_mem>>) src(%arg8 : memref<128x128xf32, #tpu.memory_space<vmem>>) dst(%dma_wait3A_329 : memref<10240x128xf32, #tpu.memory_space<vmem_shared>>)
        tpu.yield
      }) : () -> ()
      %scan3A_316 = arith.constant 0 : i32
      scf.yield %scan3A_316 : i32
    }
    %scan3A_110 = arith.constant 5 : i32
    %dma_start3A_111 = arith.constant 3 : i32
    %dma_start3A_112 = arith.constant 1 : i32
    %dma_start3A_113 = arith.constant 0 : i32
    %dma_start3A_114 = arith.constant 0 : i32
    %dma_start3A_115 = arith.constant 0 : i32
    %dma_start3A_116 = tpu.memref_slice %arg6[%dma_start3A_112, %dma_start3A_113, %dma_start3A_114, %dma_start3A_115] : memref<2x2x10x128xi32, #tpu.memory_space<vmem>> -> memref<1x2x10x128xi32, #tpu.memory_space<vmem>>
    %dma_start3A_117 = tpu.memref_squeeze %dma_start3A_116 : memref<1x2x10x128xi32, #tpu.memory_space<vmem>> -> memref<2x10x128xi32, #tpu.memory_space<vmem>>
    %dma_start3A_118 = arith.constant 0 : i32
    %dma_start3A_119 = arith.constant 0 : i32
    %dma_start3A_120 = arith.constant 0 : i32
    %dma_start3A_121 = tpu.memref_slice %arg2[%add3A, %dma_start3A_111, %dma_start3A_118, %dma_start3A_119, %dma_start3A_120] : memref<32x8x2x10x128xi32, #tpu.memory_space<hbm>> -> memref<1x1x2x10x128xi32, #tpu.memory_space<hbm>>
    %dma_start3A_122 = tpu.memref_squeeze %dma_start3A_121 : memref<1x1x2x10x128xi32, #tpu.memory_space<hbm>> -> memref<2x10x128xi32, #tpu.memory_space<hbm>>
    %dma_start3A_123 = arith.constant 0 : i32
    %dma_start3A_124 = arith.constant 0 : i32
    %dma_start3A_125 = arith.constant 0 : i32
    %dma_start3A_126 = tpu.memref_slice %arg6[%dma_start3A_112, %dma_start3A_123, %dma_start3A_124, %dma_start3A_125] : memref<2x2x10x128xi32, #tpu.memory_space<vmem>> -> memref<1x2x10x128xi32, #tpu.memory_space<vmem>>
    %dma_start3A_127 = tpu.memref_squeeze %dma_start3A_126 : memref<1x2x10x128xi32, #tpu.memory_space<vmem>> -> memref<2x10x128xi32, #tpu.memory_space<vmem>>
    %dma_start3A_128 = arith.constant 0 : i32
    %dma_start3A_129 = arith.constant 0 : i32
    %dma_start3A_130 = arith.constant 0 : i32
    %dma_start3A_131 = tpu.memref_slice %arg2[%add3A, %dma_start3A_111, %dma_start3A_128, %dma_start3A_129, %dma_start3A_130] : memref<32x8x2x10x128xi32, #tpu.memory_space<hbm>> -> memref<1x1x2x10x128xi32, #tpu.memory_space<hbm>>
    %dma_start3A_132 = tpu.memref_squeeze %dma_start3A_131 : memref<1x1x2x10x128xi32, #tpu.memory_space<hbm>> -> memref<2x10x128xi32, #tpu.memory_space<hbm>>
    tpu.enqueue_dma source(%dma_start3A_132 : memref<2x10x128xi32, #tpu.memory_space<hbm>>) target(%dma_start3A_127 : memref<2x10x128xi32, #tpu.memory_space<vmem>>) target_semaphore(%arg12 : memref<!tpu.dma_semaphore, #tpu.memory_space<semaphore_mem>>)
    %scan3A_133 = arith.constant 0 : i32
    %scan3A_134 = arith.constant 0 : i32
    %scan3A_135 = arith.constant 5 : i32
    %scan3A_136 = arith.addi %scan3A_134, %scan3A_135 : i32
    %scan3A_137 = arith.constant 1 : i32
    %scan3A_138 = scf.for %scan3A_273 = %scan3A_134 to %scan3A_136 step %scan3A_137 iter_args(%scan3A_274 = %scan3A_133) -> (i32)  : i32 {
      %mul3A_275 = arith.constant 2 : i32
      %mul3A_276 = arith.muli %mul3A_275, %scan3A_273 : i32
      %dma_wait3A_277 = arith.constant 0 : i32
      %dma_wait3A_278 = arith.constant 0 : i32
      %dma_wait3A_279 = arith.constant 0 : i32
      %dma_wait3A_280 = tpu.memref_slice %arg6[%dma_wait3A_277, %dma_wait3A_278, %mul3A_276, %dma_wait3A_279] : memref<2x2x10x128xi32, #tpu.memory_space<vmem>> -> memref<1x1x1x128xi32, #tpu.memory_space<vmem>>
      %dma_wait3A_281 = tpu.memref_squeeze %dma_wait3A_280 : memref<1x1x1x128xi32, #tpu.memory_space<vmem>> -> memref<128xi32, #tpu.memory_space<vmem>>
      %dma_wait3A_282 = arith.constant 0 : i32
      %dma_wait3A_283 = arith.constant 0 : i32
      %dma_wait3A_284 = tpu.memref_slice %arg3[%dma_wait3A_282, %dma_wait3A_283] : memref<10000x128xf32, #tpu.memory_space<hbm>> -> memref<10000x128xf32, #tpu.memory_space<hbm>>
      tpu.wait_indirect_dma semaphore(%arg10 : memref<!tpu.dma_semaphore, #tpu.memory_space<semaphore_mem>>) src(%dma_wait3A_284 : memref<10000x128xf32, #tpu.memory_space<hbm>>) dst(%arg7 : memref<128x128xf32, #tpu.memory_space<vmem>>)
      %add3A_285 = arith.constant 1 : i32
      %add3A_286 = arith.addi %mul3A_276, %add3A_285 : i32
      %dma_start3A_287 = arith.constant 0 : i32
      %dma_start3A_288 = arith.constant 0 : i32
      %dma_start3A_289 = arith.constant 0 : i32
      %dma_start3A_290 = tpu.memref_slice %arg6[%dma_start3A_287, %dma_start3A_288, %add3A_286, %dma_start3A_289] : memref<2x2x10x128xi32, #tpu.memory_space<vmem>> -> memref<1x1x1x128xi32, #tpu.memory_space<vmem>>
      %dma_start3A_291 = tpu.memref_squeeze %dma_start3A_290 : memref<1x1x1x128xi32, #tpu.memory_space<vmem>> -> memref<128xi32, #tpu.memory_space<vmem>>
      %dma_start3A_292 = arith.constant 0 : i32
      %dma_start3A_293 = arith.constant 0 : i32
      %dma_start3A_294 = tpu.memref_slice %arg3[%dma_start3A_292, %dma_start3A_293] : memref<10000x128xf32, #tpu.memory_space<hbm>> -> memref<10000x128xf32, #tpu.memory_space<hbm>>
      tpu.enqueue_indirect_dma source(%dma_start3A_294 : memref<10000x128xf32, #tpu.memory_space<hbm>>) target(%arg8 : memref<128x128xf32, #tpu.memory_space<vmem>>) offsets(%dma_start3A_291 : memref<128xi32, #tpu.memory_space<vmem>>) semaphore(%arg11 : memref<!tpu.dma_semaphore, #tpu.memory_space<semaphore_mem>>)
      %run_scoped3A = arith.constant 0 : i32
      %run_scoped3A_295 = arith.constant 1 : i32
      "tpu.region"() ({
        %run_scoped3A_317 = tpu.sem_alloc : memref<!tpu.dma_semaphore, #tpu.memory_space<semaphore_mem>>
        %dma_start3A_318 = arith.constant 0 : i32
        %dma_start3A_319 = tpu.memref_slice %arg6[%run_scoped3A, %run_scoped3A_295, %mul3A_276, %dma_start3A_318] : memref<2x2x10x128xi32, #tpu.memory_space<vmem>> -> memref<1x1x1x128xi32, #tpu.memory_space<vmem>>
        %dma_start3A_320 = tpu.memref_squeeze %dma_start3A_319 : memref<1x1x1x128xi32, #tpu.memory_space<vmem>> -> memref<128xi32, #tpu.memory_space<vmem>>
        %dma_start3A_321 = arith.constant 0 : i32
        %dma_start3A_322 = arith.constant 0 : i32
        %dma_start3A_323 = tpu.memref_slice %arg9[%dma_start3A_321, %dma_start3A_322] : memref<10240x128xf32, #tpu.memory_space<vmem_shared>> -> memref<10240x128xf32, #tpu.memory_space<vmem_shared>>
        tpu.enqueue_indirect_dma source(%arg7 : memref<128x128xf32, #tpu.memory_space<vmem>>) target(%dma_start3A_323 : memref<10240x128xf32, #tpu.memory_space<vmem_shared>>) offsets(%dma_start3A_320 : memref<128xi32, #tpu.memory_space<vmem>>) semaphore(%run_scoped3A_317 : memref<!tpu.dma_semaphore, #tpu.memory_space<semaphore_mem>>) {add = true}
        %dma_wait3A_324 = arith.constant 0 : i32
        %dma_wait3A_325 = tpu.memref_slice %arg6[%run_scoped3A, %run_scoped3A_295, %mul3A_276, %dma_wait3A_324] : memref<2x2x10x128xi32, #tpu.memory_space<vmem>> -> memref<1x1x1x128xi32, #tpu.memory_space<vmem>>
        %dma_wait3A_326 = tpu.memref_squeeze %dma_wait3A_325 : memref<1x1x1x128xi32, #tpu.memory_space<vmem>> -> memref<128xi32, #tpu.memory_space<vmem>>
        %dma_wait3A_327 = arith.constant 0 : i32
        %dma_wait3A_328 = arith.constant 0 : i32
        %dma_wait3A_329 = tpu.memref_slice %arg9[%dma_wait3A_327, %dma_wait3A_328] : memref<10240x128xf32, #tpu.memory_space<vmem_shared>> -> memref<10240x128xf32, #tpu.memory_space<vmem_shared>>
        tpu.wait_indirect_dma semaphore(%run_scoped3A_317 : memref<!tpu.dma_semaphore, #tpu.memory_space<semaphore_mem>>) src(%arg7 : memref<128x128xf32, #tpu.memory_space<vmem>>) dst(%dma_wait3A_329 : memref<10240x128xf32, #tpu.memory_space<vmem_shared>>)
        tpu.yield
      }) : () -> ()
      %add3A_296 = arith.constant 1 : i32
      %add3A_297 = arith.addi %mul3A_276, %add3A_296 : i32
      %dma_wait3A_298 = arith.constant 0 : i32
      %dma_wait3A_299 = arith.constant 0 : i32
      %dma_wait3A_300 = arith.constant 0 : i32
      %dma_wait3A_301 = tpu.memref_slice %arg6[%dma_wait3A_298, %dma_wait3A_299, %add3A_297, %dma_wait3A_300] : memref<2x2x10x128xi32, #tpu.memory_space<vmem>> -> memref<1x1x1x128xi32, #tpu.memory_space<vmem>>
      %dma_wait3A_302 = tpu.memref_squeeze %dma_wait3A_301 : memref<1x1x1x128xi32, #tpu.memory_space<vmem>> -> memref<128xi32, #tpu.memory_space<vmem>>
      %dma_wait3A_303 = arith.constant 0 : i32
      %dma_wait3A_304 = arith.constant 0 : i32
      %dma_wait3A_305 = tpu.memref_slice %arg3[%dma_wait3A_303, %dma_wait3A_304] : memref<10000x128xf32, #tpu.memory_space<hbm>> -> memref<10000x128xf32, #tpu.memory_space<hbm>>
      tpu.wait_indirect_dma semaphore(%arg11 : memref<!tpu.dma_semaphore, #tpu.memory_space<semaphore_mem>>) src(%dma_wait3A_305 : memref<10000x128xf32, #tpu.memory_space<hbm>>) dst(%arg8 : memref<128x128xf32, #tpu.memory_space<vmem>>)
      %lt3A = arith.constant 4 : i32
      %lt3A_306 = arith.cmpi slt, %scan3A_273, %lt3A : i32
      %convert_element_type3A = arith.extui %lt3A_306 : i1 to i32
      %cond3A = arith.constant 0 : i32
      %cond3A_307 = arith.cmpi ne, %convert_element_type3A, %cond3A : i32
      scf.if %cond3A_307 {
        %add3A_317 = arith.constant 2 : i32
        %add3A_318 = arith.addi %mul3A_276, %add3A_317 : i32
        %dma_start3A_319 = arith.constant 0 : i32
        %dma_start3A_320 = arith.constant 0 : i32
        %dma_start3A_321 = arith.constant 0 : i32
        %dma_start3A_322 = tpu.memref_slice %arg6[%dma_start3A_319, %dma_start3A_320, %add3A_318, %dma_start3A_321] : memref<2x2x10x128xi32, #tpu.memory_space<vmem>> -> memref<1x1x1x128xi32, #tpu.memory_space<vmem>>
        %dma_start3A_323 = tpu.memref_squeeze %dma_start3A_322 : memref<1x1x1x128xi32, #tpu.memory_space<vmem>> -> memref<128xi32, #tpu.memory_space<vmem>>
        %dma_start3A_324 = arith.constant 0 : i32
        %dma_start3A_325 = arith.constant 0 : i32
        %dma_start3A_326 = tpu.memref_slice %arg3[%dma_start3A_324, %dma_start3A_325] : memref<10000x128xf32, #tpu.memory_space<hbm>> -> memref<10000x128xf32, #tpu.memory_space<hbm>>
        tpu.enqueue_indirect_dma source(%dma_start3A_326 : memref<10000x128xf32, #tpu.memory_space<hbm>>) target(%arg7 : memref<128x128xf32, #tpu.memory_space<vmem>>) offsets(%dma_start3A_323 : memref<128xi32, #tpu.memory_space<vmem>>) semaphore(%arg10 : memref<!tpu.dma_semaphore, #tpu.memory_space<semaphore_mem>>)
      } else {
      }
      %eq3A = arith.constant 4 : i32
      %eq3A_308 = arith.cmpi eq, %scan3A_273, %eq3A : i32
      %convert_element_type3A_309 = arith.extui %eq3A_308 : i1 to i32
      %cond3A_310 = arith.constant 0 : i32
      %cond3A_311 = arith.cmpi ne, %convert_element_type3A_309, %cond3A_310 : i32
      scf.if %cond3A_311 {
        %dma_wait3A_317 = arith.constant 3 : i32
        %dma_wait3A_318 = arith.constant 1 : i32
        %dma_wait3A_319 = arith.constant 0 : i32
        %dma_wait3A_320 = arith.constant 0 : i32
        %dma_wait3A_321 = arith.constant 0 : i32
        %dma_wait3A_322 = tpu.memref_slice %arg6[%dma_wait3A_318, %dma_wait3A_319, %dma_wait3A_320, %dma_wait3A_321] : memref<2x2x10x128xi32, #tpu.memory_space<vmem>> -> memref<1x2x10x128xi32, #tpu.memory_space<vmem>>
        %dma_wait3A_323 = tpu.memref_squeeze %dma_wait3A_322 : memref<1x2x10x128xi32, #tpu.memory_space<vmem>> -> memref<2x10x128xi32, #tpu.memory_space<vmem>>
        %dma_wait3A_324 = arith.constant 0 : i32
        %dma_wait3A_325 = arith.constant 0 : i32
        %dma_wait3A_326 = arith.constant 0 : i32
        %dma_wait3A_327 = tpu.memref_slice %arg2[%add3A, %dma_wait3A_317, %dma_wait3A_324, %dma_wait3A_325, %dma_wait3A_326] : memref<32x8x2x10x128xi32, #tpu.memory_space<hbm>> -> memref<1x1x2x10x128xi32, #tpu.memory_space<hbm>>
        %dma_wait3A_328 = tpu.memref_squeeze %dma_wait3A_327 : memref<1x1x2x10x128xi32, #tpu.memory_space<hbm>> -> memref<2x10x128xi32, #tpu.memory_space<hbm>>
        %dma_wait3A_329 = arith.constant 0 : i32
        %dma_wait3A_330 = arith.constant 0 : i32
        %dma_wait3A_331 = arith.constant 0 : i32
        %dma_wait3A_332 = tpu.memref_slice %arg6[%dma_wait3A_318, %dma_wait3A_329, %dma_wait3A_330, %dma_wait3A_331] : memref<2x2x10x128xi32, #tpu.memory_space<vmem>> -> memref<1x2x10x128xi32, #tpu.memory_space<vmem>>
        %dma_wait3A_333 = tpu.memref_squeeze %dma_wait3A_332 : memref<1x2x10x128xi32, #tpu.memory_space<vmem>> -> memref<2x10x128xi32, #tpu.memory_space<vmem>>
        %dma_wait3A_334 = arith.constant 0 : i32
        %dma_wait3A_335 = arith.constant 0 : i32
        %dma_wait3A_336 = arith.constant 0 : i32
        %dma_wait3A_337 = tpu.memref_slice %arg2[%add3A, %dma_wait3A_317, %dma_wait3A_334, %dma_wait3A_335, %dma_wait3A_336] : memref<32x8x2x10x128xi32, #tpu.memory_space<hbm>> -> memref<1x1x2x10x128xi32, #tpu.memory_space<hbm>>
        %dma_wait3A_338 = tpu.memref_squeeze %dma_wait3A_337 : memref<1x1x2x10x128xi32, #tpu.memory_space<hbm>> -> memref<2x10x128xi32, #tpu.memory_space<hbm>>
        tpu.wait_dma2 semaphore(%arg12 : memref<!tpu.dma_semaphore, #tpu.memory_space<semaphore_mem>>) src(%dma_wait3A_338 : memref<2x10x128xi32, #tpu.memory_space<hbm>>) dst(%dma_wait3A_333 : memref<2x10x128xi32, #tpu.memory_space<vmem>>)
        %dma_start3A_339 = arith.constant 1 : i32
        %dma_start3A_340 = arith.constant 0 : i32
        %dma_start3A_341 = arith.constant 0 : i32
        %dma_start3A_342 = arith.constant 0 : i32
        %dma_start3A_343 = tpu.memref_slice %arg6[%dma_start3A_339, %dma_start3A_340, %dma_start3A_341, %dma_start3A_342] : memref<2x2x10x128xi32, #tpu.memory_space<vmem>> -> memref<1x1x1x128xi32, #tpu.memory_space<vmem>>
        %dma_start3A_344 = tpu.memref_squeeze %dma_start3A_343 : memref<1x1x1x128xi32, #tpu.memory_space<vmem>> -> memref<128xi32, #tpu.memory_space<vmem>>
        %dma_start3A_345 = arith.constant 0 : i32
        %dma_start3A_346 = arith.constant 0 : i32
        %dma_start3A_347 = tpu.memref_slice %arg3[%dma_start3A_345, %dma_start3A_346] : memref<10000x128xf32, #tpu.memory_space<hbm>> -> memref<10000x128xf32, #tpu.memory_space<hbm>>
        tpu.enqueue_indirect_dma source(%dma_start3A_347 : memref<10000x128xf32, #tpu.memory_space<hbm>>) target(%arg7 : memref<128x128xf32, #tpu.memory_space<vmem>>) offsets(%dma_start3A_344 : memref<128xi32, #tpu.memory_space<vmem>>) semaphore(%arg10 : memref<!tpu.dma_semaphore, #tpu.memory_space<semaphore_mem>>)
      } else {
      }
      %add3A_312 = arith.constant 1 : i32
      %add3A_313 = arith.addi %mul3A_276, %add3A_312 : i32
      %run_scoped3A_314 = arith.constant 0 : i32
      %run_scoped3A_315 = arith.constant 1 : i32
      "tpu.region"() ({
        %run_scoped3A_317 = tpu.sem_alloc : memref<!tpu.dma_semaphore, #tpu.memory_space<semaphore_mem>>
        %dma_start3A_318 = arith.constant 0 : i32
        %dma_start3A_319 = tpu.memref_slice %arg6[%run_scoped3A_314, %run_scoped3A_315, %add3A_313, %dma_start3A_318] : memref<2x2x10x128xi32, #tpu.memory_space<vmem>> -> memref<1x1x1x128xi32, #tpu.memory_space<vmem>>
        %dma_start3A_320 = tpu.memref_squeeze %dma_start3A_319 : memref<1x1x1x128xi32, #tpu.memory_space<vmem>> -> memref<128xi32, #tpu.memory_space<vmem>>
        %dma_start3A_321 = arith.constant 0 : i32
        %dma_start3A_322 = arith.constant 0 : i32
        %dma_start3A_323 = tpu.memref_slice %arg9[%dma_start3A_321, %dma_start3A_322] : memref<10240x128xf32, #tpu.memory_space<vmem_shared>> -> memref<10240x128xf32, #tpu.memory_space<vmem_shared>>
        tpu.enqueue_indirect_dma source(%arg8 : memref<128x128xf32, #tpu.memory_space<vmem>>) target(%dma_start3A_323 : memref<10240x128xf32, #tpu.memory_space<vmem_shared>>) offsets(%dma_start3A_320 : memref<128xi32, #tpu.memory_space<vmem>>) semaphore(%run_scoped3A_317 : memref<!tpu.dma_semaphore, #tpu.memory_space<semaphore_mem>>) {add = true}
        %dma_wait3A_324 = arith.constant 0 : i32
        %dma_wait3A_325 = tpu.memref_slice %arg6[%run_scoped3A_314, %run_scoped3A_315, %add3A_313, %dma_wait3A_324] : memref<2x2x10x128xi32, #tpu.memory_space<vmem>> -> memref<1x1x1x128xi32, #tpu.memory_space<vmem>>
        %dma_wait3A_326 = tpu.memref_squeeze %dma_wait3A_325 : memref<1x1x1x128xi32, #tpu.memory_space<vmem>> -> memref<128xi32, #tpu.memory_space<vmem>>
        %dma_wait3A_327 = arith.constant 0 : i32
        %dma_wait3A_328 = arith.constant 0 : i32
        %dma_wait3A_329 = tpu.memref_slice %arg9[%dma_wait3A_327, %dma_wait3A_328] : memref<10240x128xf32, #tpu.memory_space<vmem_shared>> -> memref<10240x128xf32, #tpu.memory_space<vmem_shared>>
        tpu.wait_indirect_dma semaphore(%run_scoped3A_317 : memref<!tpu.dma_semaphore, #tpu.memory_space<semaphore_mem>>) src(%arg8 : memref<128x128xf32, #tpu.memory_space<vmem>>) dst(%dma_wait3A_329 : memref<10240x128xf32, #tpu.memory_space<vmem_shared>>)
        tpu.yield
      }) : () -> ()
      %scan3A_316 = arith.constant 0 : i32
      scf.yield %scan3A_316 : i32
    }
    %scan3A_139 = arith.constant 5 : i32
    %dma_start3A_140 = arith.constant 4 : i32
    %dma_start3A_141 = arith.constant 0 : i32
    %dma_start3A_142 = arith.constant 0 : i32
    %dma_start3A_143 = arith.constant 0 : i32
    %dma_start3A_144 = arith.constant 0 : i32
    %dma_start3A_145 = tpu.memref_slice %arg6[%dma_start3A_141, %dma_start3A_142, %dma_start3A_143, %dma_start3A_144] : memref<2x2x10x128xi32, #tpu.memory_space<vmem>> -> memref<1x2x10x128xi32, #tpu.memory_space<vmem>>
    %dma_start3A_146 = tpu.memref_squeeze %dma_start3A_145 : memref<1x2x10x128xi32, #tpu.memory_space<vmem>> -> memref<2x10x128xi32, #tpu.memory_space<vmem>>
    %dma_start3A_147 = arith.constant 0 : i32
    %dma_start3A_148 = arith.constant 0 : i32
    %dma_start3A_149 = arith.constant 0 : i32
    %dma_start3A_150 = tpu.memref_slice %arg2[%add3A, %dma_start3A_140, %dma_start3A_147, %dma_start3A_148, %dma_start3A_149] : memref<32x8x2x10x128xi32, #tpu.memory_space<hbm>> -> memref<1x1x2x10x128xi32, #tpu.memory_space<hbm>>
    %dma_start3A_151 = tpu.memref_squeeze %dma_start3A_150 : memref<1x1x2x10x128xi32, #tpu.memory_space<hbm>> -> memref<2x10x128xi32, #tpu.memory_space<hbm>>
    %dma_start3A_152 = arith.constant 0 : i32
    %dma_start3A_153 = arith.constant 0 : i32
    %dma_start3A_154 = arith.constant 0 : i32
    %dma_start3A_155 = tpu.memref_slice %arg6[%dma_start3A_141, %dma_start3A_152, %dma_start3A_153, %dma_start3A_154] : memref<2x2x10x128xi32, #tpu.memory_space<vmem>> -> memref<1x2x10x128xi32, #tpu.memory_space<vmem>>
    %dma_start3A_156 = tpu.memref_squeeze %dma_start3A_155 : memref<1x2x10x128xi32, #tpu.memory_space<vmem>> -> memref<2x10x128xi32, #tpu.memory_space<vmem>>
    %dma_start3A_157 = arith.constant 0 : i32
    %dma_start3A_158 = arith.constant 0 : i32
    %dma_start3A_159 = arith.constant 0 : i32
    %dma_start3A_160 = tpu.memref_slice %arg2[%add3A, %dma_start3A_140, %dma_start3A_157, %dma_start3A_158, %dma_start3A_159] : memref<32x8x2x10x128xi32, #tpu.memory_space<hbm>> -> memref<1x1x2x10x128xi32, #tpu.memory_space<hbm>>
    %dma_start3A_161 = tpu.memref_squeeze %dma_start3A_160 : memref<1x1x2x10x128xi32, #tpu.memory_space<hbm>> -> memref<2x10x128xi32, #tpu.memory_space<hbm>>
    tpu.enqueue_dma source(%dma_start3A_161 : memref<2x10x128xi32, #tpu.memory_space<hbm>>) target(%dma_start3A_156 : memref<2x10x128xi32, #tpu.memory_space<vmem>>) target_semaphore(%arg12 : memref<!tpu.dma_semaphore, #tpu.memory_space<semaphore_mem>>)
    %scan3A_162 = arith.constant 0 : i32
    %scan3A_163 = arith.constant 0 : i32
    %scan3A_164 = arith.constant 5 : i32
    %scan3A_165 = arith.addi %scan3A_163, %scan3A_164 : i32
    %scan3A_166 = arith.constant 1 : i32
    %scan3A_167 = scf.for %scan3A_273 = %scan3A_163 to %scan3A_165 step %scan3A_166 iter_args(%scan3A_274 = %scan3A_162) -> (i32)  : i32 {
      %mul3A_275 = arith.constant 2 : i32
      %mul3A_276 = arith.muli %mul3A_275, %scan3A_273 : i32
      %dma_wait3A_277 = arith.constant 1 : i32
      %dma_wait3A_278 = arith.constant 0 : i32
      %dma_wait3A_279 = arith.constant 0 : i32
      %dma_wait3A_280 = tpu.memref_slice %arg6[%dma_wait3A_277, %dma_wait3A_278, %mul3A_276, %dma_wait3A_279] : memref<2x2x10x128xi32, #tpu.memory_space<vmem>> -> memref<1x1x1x128xi32, #tpu.memory_space<vmem>>
      %dma_wait3A_281 = tpu.memref_squeeze %dma_wait3A_280 : memref<1x1x1x128xi32, #tpu.memory_space<vmem>> -> memref<128xi32, #tpu.memory_space<vmem>>
      %dma_wait3A_282 = arith.constant 0 : i32
      %dma_wait3A_283 = arith.constant 0 : i32
      %dma_wait3A_284 = tpu.memref_slice %arg3[%dma_wait3A_282, %dma_wait3A_283] : memref<10000x128xf32, #tpu.memory_space<hbm>> -> memref<10000x128xf32, #tpu.memory_space<hbm>>
      tpu.wait_indirect_dma semaphore(%arg10 : memref<!tpu.dma_semaphore, #tpu.memory_space<semaphore_mem>>) src(%dma_wait3A_284 : memref<10000x128xf32, #tpu.memory_space<hbm>>) dst(%arg7 : memref<128x128xf32, #tpu.memory_space<vmem>>)
      %add3A_285 = arith.constant 1 : i32
      %add3A_286 = arith.addi %mul3A_276, %add3A_285 : i32
      %dma_start3A_287 = arith.constant 1 : i32
      %dma_start3A_288 = arith.constant 0 : i32
      %dma_start3A_289 = arith.constant 0 : i32
      %dma_start3A_290 = tpu.memref_slice %arg6[%dma_start3A_287, %dma_start3A_288, %add3A_286, %dma_start3A_289] : memref<2x2x10x128xi32, #tpu.memory_space<vmem>> -> memref<1x1x1x128xi32, #tpu.memory_space<vmem>>
      %dma_start3A_291 = tpu.memref_squeeze %dma_start3A_290 : memref<1x1x1x128xi32, #tpu.memory_space<vmem>> -> memref<128xi32, #tpu.memory_space<vmem>>
      %dma_start3A_292 = arith.constant 0 : i32
      %dma_start3A_293 = arith.constant 0 : i32
      %dma_start3A_294 = tpu.memref_slice %arg3[%dma_start3A_292, %dma_start3A_293] : memref<10000x128xf32, #tpu.memory_space<hbm>> -> memref<10000x128xf32, #tpu.memory_space<hbm>>
      tpu.enqueue_indirect_dma source(%dma_start3A_294 : memref<10000x128xf32, #tpu.memory_space<hbm>>) target(%arg8 : memref<128x128xf32, #tpu.memory_space<vmem>>) offsets(%dma_start3A_291 : memref<128xi32, #tpu.memory_space<vmem>>) semaphore(%arg11 : memref<!tpu.dma_semaphore, #tpu.memory_space<semaphore_mem>>)
      %run_scoped3A = arith.constant 1 : i32
      %run_scoped3A_295 = arith.constant 1 : i32
      "tpu.region"() ({
        %run_scoped3A_317 = tpu.sem_alloc : memref<!tpu.dma_semaphore, #tpu.memory_space<semaphore_mem>>
        %dma_start3A_318 = arith.constant 0 : i32
        %dma_start3A_319 = tpu.memref_slice %arg6[%run_scoped3A, %run_scoped3A_295, %mul3A_276, %dma_start3A_318] : memref<2x2x10x128xi32, #tpu.memory_space<vmem>> -> memref<1x1x1x128xi32, #tpu.memory_space<vmem>>
        %dma_start3A_320 = tpu.memref_squeeze %dma_start3A_319 : memref<1x1x1x128xi32, #tpu.memory_space<vmem>> -> memref<128xi32, #tpu.memory_space<vmem>>
        %dma_start3A_321 = arith.constant 0 : i32
        %dma_start3A_322 = arith.constant 0 : i32
        %dma_start3A_323 = tpu.memref_slice %arg9[%dma_start3A_321, %dma_start3A_322] : memref<10240x128xf32, #tpu.memory_space<vmem_shared>> -> memref<10240x128xf32, #tpu.memory_space<vmem_shared>>
        tpu.enqueue_indirect_dma source(%arg7 : memref<128x128xf32, #tpu.memory_space<vmem>>) target(%dma_start3A_323 : memref<10240x128xf32, #tpu.memory_space<vmem_shared>>) offsets(%dma_start3A_320 : memref<128xi32, #tpu.memory_space<vmem>>) semaphore(%run_scoped3A_317 : memref<!tpu.dma_semaphore, #tpu.memory_space<semaphore_mem>>) {add = true}
        %dma_wait3A_324 = arith.constant 0 : i32
        %dma_wait3A_325 = tpu.memref_slice %arg6[%run_scoped3A, %run_scoped3A_295, %mul3A_276, %dma_wait3A_324] : memref<2x2x10x128xi32, #tpu.memory_space<vmem>> -> memref<1x1x1x128xi32, #tpu.memory_space<vmem>>
        %dma_wait3A_326 = tpu.memref_squeeze %dma_wait3A_325 : memref<1x1x1x128xi32, #tpu.memory_space<vmem>> -> memref<128xi32, #tpu.memory_space<vmem>>
        %dma_wait3A_327 = arith.constant 0 : i32
        %dma_wait3A_328 = arith.constant 0 : i32
        %dma_wait3A_329 = tpu.memref_slice %arg9[%dma_wait3A_327, %dma_wait3A_328] : memref<10240x128xf32, #tpu.memory_space<vmem_shared>> -> memref<10240x128xf32, #tpu.memory_space<vmem_shared>>
        tpu.wait_indirect_dma semaphore(%run_scoped3A_317 : memref<!tpu.dma_semaphore, #tpu.memory_space<semaphore_mem>>) src(%arg7 : memref<128x128xf32, #tpu.memory_space<vmem>>) dst(%dma_wait3A_329 : memref<10240x128xf32, #tpu.memory_space<vmem_shared>>)
        tpu.yield
      }) : () -> ()
      %add3A_296 = arith.constant 1 : i32
      %add3A_297 = arith.addi %mul3A_276, %add3A_296 : i32
      %dma_wait3A_298 = arith.constant 1 : i32
      %dma_wait3A_299 = arith.constant 0 : i32
      %dma_wait3A_300 = arith.constant 0 : i32
      %dma_wait3A_301 = tpu.memref_slice %arg6[%dma_wait3A_298, %dma_wait3A_299, %add3A_297, %dma_wait3A_300] : memref<2x2x10x128xi32, #tpu.memory_space<vmem>> -> memref<1x1x1x128xi32, #tpu.memory_space<vmem>>
      %dma_wait3A_302 = tpu.memref_squeeze %dma_wait3A_301 : memref<1x1x1x128xi32, #tpu.memory_space<vmem>> -> memref<128xi32, #tpu.memory_space<vmem>>
      %dma_wait3A_303 = arith.constant 0 : i32
      %dma_wait3A_304 = arith.constant 0 : i32
      %dma_wait3A_305 = tpu.memref_slice %arg3[%dma_wait3A_303, %dma_wait3A_304] : memref<10000x128xf32, #tpu.memory_space<hbm>> -> memref<10000x128xf32, #tpu.memory_space<hbm>>
      tpu.wait_indirect_dma semaphore(%arg11 : memref<!tpu.dma_semaphore, #tpu.memory_space<semaphore_mem>>) src(%dma_wait3A_305 : memref<10000x128xf32, #tpu.memory_space<hbm>>) dst(%arg8 : memref<128x128xf32, #tpu.memory_space<vmem>>)
      %lt3A = arith.constant 4 : i32
      %lt3A_306 = arith.cmpi slt, %scan3A_273, %lt3A : i32
      %convert_element_type3A = arith.extui %lt3A_306 : i1 to i32
      %cond3A = arith.constant 0 : i32
      %cond3A_307 = arith.cmpi ne, %convert_element_type3A, %cond3A : i32
      scf.if %cond3A_307 {
        %add3A_317 = arith.constant 2 : i32
        %add3A_318 = arith.addi %mul3A_276, %add3A_317 : i32
        %dma_start3A_319 = arith.constant 1 : i32
        %dma_start3A_320 = arith.constant 0 : i32
        %dma_start3A_321 = arith.constant 0 : i32
        %dma_start3A_322 = tpu.memref_slice %arg6[%dma_start3A_319, %dma_start3A_320, %add3A_318, %dma_start3A_321] : memref<2x2x10x128xi32, #tpu.memory_space<vmem>> -> memref<1x1x1x128xi32, #tpu.memory_space<vmem>>
        %dma_start3A_323 = tpu.memref_squeeze %dma_start3A_322 : memref<1x1x1x128xi32, #tpu.memory_space<vmem>> -> memref<128xi32, #tpu.memory_space<vmem>>
        %dma_start3A_324 = arith.constant 0 : i32
        %dma_start3A_325 = arith.constant 0 : i32
        %dma_start3A_326 = tpu.memref_slice %arg3[%dma_start3A_324, %dma_start3A_325] : memref<10000x128xf32, #tpu.memory_space<hbm>> -> memref<10000x128xf32, #tpu.memory_space<hbm>>
        tpu.enqueue_indirect_dma source(%dma_start3A_326 : memref<10000x128xf32, #tpu.memory_space<hbm>>) target(%arg7 : memref<128x128xf32, #tpu.memory_space<vmem>>) offsets(%dma_start3A_323 : memref<128xi32, #tpu.memory_space<vmem>>) semaphore(%arg10 : memref<!tpu.dma_semaphore, #tpu.memory_space<semaphore_mem>>)
      } else {
      }
      %eq3A = arith.constant 4 : i32
      %eq3A_308 = arith.cmpi eq, %scan3A_273, %eq3A : i32
      %convert_element_type3A_309 = arith.extui %eq3A_308 : i1 to i32
      %cond3A_310 = arith.constant 0 : i32
      %cond3A_311 = arith.cmpi ne, %convert_element_type3A_309, %cond3A_310 : i32
      scf.if %cond3A_311 {
        %dma_wait3A_317 = arith.constant 4 : i32
        %dma_wait3A_318 = arith.constant 0 : i32
        %dma_wait3A_319 = arith.constant 0 : i32
        %dma_wait3A_320 = arith.constant 0 : i32
        %dma_wait3A_321 = arith.constant 0 : i32
        %dma_wait3A_322 = tpu.memref_slice %arg6[%dma_wait3A_318, %dma_wait3A_319, %dma_wait3A_320, %dma_wait3A_321] : memref<2x2x10x128xi32, #tpu.memory_space<vmem>> -> memref<1x2x10x128xi32, #tpu.memory_space<vmem>>
        %dma_wait3A_323 = tpu.memref_squeeze %dma_wait3A_322 : memref<1x2x10x128xi32, #tpu.memory_space<vmem>> -> memref<2x10x128xi32, #tpu.memory_space<vmem>>
        %dma_wait3A_324 = arith.constant 0 : i32
        %dma_wait3A_325 = arith.constant 0 : i32
        %dma_wait3A_326 = arith.constant 0 : i32
        %dma_wait3A_327 = tpu.memref_slice %arg2[%add3A, %dma_wait3A_317, %dma_wait3A_324, %dma_wait3A_325, %dma_wait3A_326] : memref<32x8x2x10x128xi32, #tpu.memory_space<hbm>> -> memref<1x1x2x10x128xi32, #tpu.memory_space<hbm>>
        %dma_wait3A_328 = tpu.memref_squeeze %dma_wait3A_327 : memref<1x1x2x10x128xi32, #tpu.memory_space<hbm>> -> memref<2x10x128xi32, #tpu.memory_space<hbm>>
        %dma_wait3A_329 = arith.constant 0 : i32
        %dma_wait3A_330 = arith.constant 0 : i32
        %dma_wait3A_331 = arith.constant 0 : i32
        %dma_wait3A_332 = tpu.memref_slice %arg6[%dma_wait3A_318, %dma_wait3A_329, %dma_wait3A_330, %dma_wait3A_331] : memref<2x2x10x128xi32, #tpu.memory_space<vmem>> -> memref<1x2x10x128xi32, #tpu.memory_space<vmem>>
        %dma_wait3A_333 = tpu.memref_squeeze %dma_wait3A_332 : memref<1x2x10x128xi32, #tpu.memory_space<vmem>> -> memref<2x10x128xi32, #tpu.memory_space<vmem>>
        %dma_wait3A_334 = arith.constant 0 : i32
        %dma_wait3A_335 = arith.constant 0 : i32
        %dma_wait3A_336 = arith.constant 0 : i32
        %dma_wait3A_337 = tpu.memref_slice %arg2[%add3A, %dma_wait3A_317, %dma_wait3A_334, %dma_wait3A_335, %dma_wait3A_336] : memref<32x8x2x10x128xi32, #tpu.memory_space<hbm>> -> memref<1x1x2x10x128xi32, #tpu.memory_space<hbm>>
        %dma_wait3A_338 = tpu.memref_squeeze %dma_wait3A_337 : memref<1x1x2x10x128xi32, #tpu.memory_space<hbm>> -> memref<2x10x128xi32, #tpu.memory_space<hbm>>
        tpu.wait_dma2 semaphore(%arg12 : memref<!tpu.dma_semaphore, #tpu.memory_space<semaphore_mem>>) src(%dma_wait3A_338 : memref<2x10x128xi32, #tpu.memory_space<hbm>>) dst(%dma_wait3A_333 : memref<2x10x128xi32, #tpu.memory_space<vmem>>)
        %dma_start3A_339 = arith.constant 0 : i32
        %dma_start3A_340 = arith.constant 0 : i32
        %dma_start3A_341 = arith.constant 0 : i32
        %dma_start3A_342 = arith.constant 0 : i32
        %dma_start3A_343 = tpu.memref_slice %arg6[%dma_start3A_339, %dma_start3A_340, %dma_start3A_341, %dma_start3A_342] : memref<2x2x10x128xi32, #tpu.memory_space<vmem>> -> memref<1x1x1x128xi32, #tpu.memory_space<vmem>>
        %dma_start3A_344 = tpu.memref_squeeze %dma_start3A_343 : memref<1x1x1x128xi32, #tpu.memory_space<vmem>> -> memref<128xi32, #tpu.memory_space<vmem>>
        %dma_start3A_345 = arith.constant 0 : i32
        %dma_start3A_346 = arith.constant 0 : i32
        %dma_start3A_347 = tpu.memref_slice %arg3[%dma_start3A_345, %dma_start3A_346] : memref<10000x128xf32, #tpu.memory_space<hbm>> -> memref<10000x128xf32, #tpu.memory_space<hbm>>
        tpu.enqueue_indirect_dma source(%dma_start3A_347 : memref<10000x128xf32, #tpu.memory_space<hbm>>) target(%arg7 : memref<128x128xf32, #tpu.memory_space<vmem>>) offsets(%dma_start3A_344 : memref<128xi32, #tpu.memory_space<vmem>>) semaphore(%arg10 : memref<!tpu.dma_semaphore, #tpu.memory_space<semaphore_mem>>)
      } else {
      }
      %add3A_312 = arith.constant 1 : i32
      %add3A_313 = arith.addi %mul3A_276, %add3A_312 : i32
      %run_scoped3A_314 = arith.constant 1 : i32
      %run_scoped3A_315 = arith.constant 1 : i32
      "tpu.region"() ({
        %run_scoped3A_317 = tpu.sem_alloc : memref<!tpu.dma_semaphore, #tpu.memory_space<semaphore_mem>>
        %dma_start3A_318 = arith.constant 0 : i32
        %dma_start3A_319 = tpu.memref_slice %arg6[%run_scoped3A_314, %run_scoped3A_315, %add3A_313, %dma_start3A_318] : memref<2x2x10x128xi32, #tpu.memory_space<vmem>> -> memref<1x1x1x128xi32, #tpu.memory_space<vmem>>
        %dma_start3A_320 = tpu.memref_squeeze %dma_start3A_319 : memref<1x1x1x128xi32, #tpu.memory_space<vmem>> -> memref<128xi32, #tpu.memory_space<vmem>>
        %dma_start3A_321 = arith.constant 0 : i32
        %dma_start3A_322 = arith.constant 0 : i32
        %dma_start3A_323 = tpu.memref_slice %arg9[%dma_start3A_321, %dma_start3A_322] : memref<10240x128xf32, #tpu.memory_space<vmem_shared>> -> memref<10240x128xf32, #tpu.memory_space<vmem_shared>>
        tpu.enqueue_indirect_dma source(%arg8 : memref<128x128xf32, #tpu.memory_space<vmem>>) target(%dma_start3A_323 : memref<10240x128xf32, #tpu.memory_space<vmem_shared>>) offsets(%dma_start3A_320 : memref<128xi32, #tpu.memory_space<vmem>>) semaphore(%run_scoped3A_317 : memref<!tpu.dma_semaphore, #tpu.memory_space<semaphore_mem>>) {add = true}
        %dma_wait3A_324 = arith.constant 0 : i32
        %dma_wait3A_325 = tpu.memref_slice %arg6[%run_scoped3A_314, %run_scoped3A_315, %add3A_313, %dma_wait3A_324] : memref<2x2x10x128xi32, #tpu.memory_space<vmem>> -> memref<1x1x1x128xi32, #tpu.memory_space<vmem>>
        %dma_wait3A_326 = tpu.memref_squeeze %dma_wait3A_325 : memref<1x1x1x128xi32, #tpu.memory_space<vmem>> -> memref<128xi32, #tpu.memory_space<vmem>>
        %dma_wait3A_327 = arith.constant 0 : i32
        %dma_wait3A_328 = arith.constant 0 : i32
        %dma_wait3A_329 = tpu.memref_slice %arg9[%dma_wait3A_327, %dma_wait3A_328] : memref<10240x128xf32, #tpu.memory_space<vmem_shared>> -> memref<10240x128xf32, #tpu.memory_space<vmem_shared>>
        tpu.wait_indirect_dma semaphore(%run_scoped3A_317 : memref<!tpu.dma_semaphore, #tpu.memory_space<semaphore_mem>>) src(%arg8 : memref<128x128xf32, #tpu.memory_space<vmem>>) dst(%dma_wait3A_329 : memref<10240x128xf32, #tpu.memory_space<vmem_shared>>)
        tpu.yield
      }) : () -> ()
      %scan3A_316 = arith.constant 0 : i32
      scf.yield %scan3A_316 : i32
    }
    %scan3A_168 = arith.constant 5 : i32
    %dma_start3A_169 = arith.constant 5 : i32
    %dma_start3A_170 = arith.constant 1 : i32
    %dma_start3A_171 = arith.constant 0 : i32
    %dma_start3A_172 = arith.constant 0 : i32
    %dma_start3A_173 = arith.constant 0 : i32
    %dma_start3A_174 = tpu.memref_slice %arg6[%dma_start3A_170, %dma_start3A_171, %dma_start3A_172, %dma_start3A_173] : memref<2x2x10x128xi32, #tpu.memory_space<vmem>> -> memref<1x2x10x128xi32, #tpu.memory_space<vmem>>
    %dma_start3A_175 = tpu.memref_squeeze %dma_start3A_174 : memref<1x2x10x128xi32, #tpu.memory_space<vmem>> -> memref<2x10x128xi32, #tpu.memory_space<vmem>>
    %dma_start3A_176 = arith.constant 0 : i32
    %dma_start3A_177 = arith.constant 0 : i32
    %dma_start3A_178 = arith.constant 0 : i32
    %dma_start3A_179 = tpu.memref_slice %arg2[%add3A, %dma_start3A_169, %dma_start3A_176, %dma_start3A_177, %dma_start3A_178] : memref<32x8x2x10x128xi32, #tpu.memory_space<hbm>> -> memref<1x1x2x10x128xi32, #tpu.memory_space<hbm>>
    %dma_start3A_180 = tpu.memref_squeeze %dma_start3A_179 : memref<1x1x2x10x128xi32, #tpu.memory_space<hbm>> -> memref<2x10x128xi32, #tpu.memory_space<hbm>>
    %dma_start3A_181 = arith.constant 0 : i32
    %dma_start3A_182 = arith.constant 0 : i32
    %dma_start3A_183 = arith.constant 0 : i32
    %dma_start3A_184 = tpu.memref_slice %arg6[%dma_start3A_170, %dma_start3A_181, %dma_start3A_182, %dma_start3A_183] : memref<2x2x10x128xi32, #tpu.memory_space<vmem>> -> memref<1x2x10x128xi32, #tpu.memory_space<vmem>>
    %dma_start3A_185 = tpu.memref_squeeze %dma_start3A_184 : memref<1x2x10x128xi32, #tpu.memory_space<vmem>> -> memref<2x10x128xi32, #tpu.memory_space<vmem>>
    %dma_start3A_186 = arith.constant 0 : i32
    %dma_start3A_187 = arith.constant 0 : i32
    %dma_start3A_188 = arith.constant 0 : i32
    %dma_start3A_189 = tpu.memref_slice %arg2[%add3A, %dma_start3A_169, %dma_start3A_186, %dma_start3A_187, %dma_start3A_188] : memref<32x8x2x10x128xi32, #tpu.memory_space<hbm>> -> memref<1x1x2x10x128xi32, #tpu.memory_space<hbm>>
    %dma_start3A_190 = tpu.memref_squeeze %dma_start3A_189 : memref<1x1x2x10x128xi32, #tpu.memory_space<hbm>> -> memref<2x10x128xi32, #tpu.memory_space<hbm>>
    tpu.enqueue_dma source(%dma_start3A_190 : memref<2x10x128xi32, #tpu.memory_space<hbm>>) target(%dma_start3A_185 : memref<2x10x128xi32, #tpu.memory_space<vmem>>) target_semaphore(%arg12 : memref<!tpu.dma_semaphore, #tpu.memory_space<semaphore_mem>>)
    %scan3A_191 = arith.constant 0 : i32
    %scan3A_192 = arith.constant 0 : i32
    %scan3A_193 = arith.constant 5 : i32
    %scan3A_194 = arith.addi %scan3A_192, %scan3A_193 : i32
    %scan3A_195 = arith.constant 1 : i32
    %scan3A_196 = scf.for %scan3A_273 = %scan3A_192 to %scan3A_194 step %scan3A_195 iter_args(%scan3A_274 = %scan3A_191) -> (i32)  : i32 {
      %mul3A_275 = arith.constant 2 : i32
      %mul3A_276 = arith.muli %mul3A_275, %scan3A_273 : i32
      %dma_wait3A_277 = arith.constant 0 : i32
      %dma_wait3A_278 = arith.constant 0 : i32
      %dma_wait3A_279 = arith.constant 0 : i32
      %dma_wait3A_280 = tpu.memref_slice %arg6[%dma_wait3A_277, %dma_wait3A_278, %mul3A_276, %dma_wait3A_279] : memref<2x2x10x128xi32, #tpu.memory_space<vmem>> -> memref<1x1x1x128xi32, #tpu.memory_space<vmem>>
      %dma_wait3A_281 = tpu.memref_squeeze %dma_wait3A_280 : memref<1x1x1x128xi32, #tpu.memory_space<vmem>> -> memref<128xi32, #tpu.memory_space<vmem>>
      %dma_wait3A_282 = arith.constant 0 : i32
      %dma_wait3A_283 = arith.constant 0 : i32
      %dma_wait3A_284 = tpu.memref_slice %arg3[%dma_wait3A_282, %dma_wait3A_283] : memref<10000x128xf32, #tpu.memory_space<hbm>> -> memref<10000x128xf32, #tpu.memory_space<hbm>>
      tpu.wait_indirect_dma semaphore(%arg10 : memref<!tpu.dma_semaphore, #tpu.memory_space<semaphore_mem>>) src(%dma_wait3A_284 : memref<10000x128xf32, #tpu.memory_space<hbm>>) dst(%arg7 : memref<128x128xf32, #tpu.memory_space<vmem>>)
      %add3A_285 = arith.constant 1 : i32
      %add3A_286 = arith.addi %mul3A_276, %add3A_285 : i32
      %dma_start3A_287 = arith.constant 0 : i32
      %dma_start3A_288 = arith.constant 0 : i32
      %dma_start3A_289 = arith.constant 0 : i32
      %dma_start3A_290 = tpu.memref_slice %arg6[%dma_start3A_287, %dma_start3A_288, %add3A_286, %dma_start3A_289] : memref<2x2x10x128xi32, #tpu.memory_space<vmem>> -> memref<1x1x1x128xi32, #tpu.memory_space<vmem>>
      %dma_start3A_291 = tpu.memref_squeeze %dma_start3A_290 : memref<1x1x1x128xi32, #tpu.memory_space<vmem>> -> memref<128xi32, #tpu.memory_space<vmem>>
      %dma_start3A_292 = arith.constant 0 : i32
      %dma_start3A_293 = arith.constant 0 : i32
      %dma_start3A_294 = tpu.memref_slice %arg3[%dma_start3A_292, %dma_start3A_293] : memref<10000x128xf32, #tpu.memory_space<hbm>> -> memref<10000x128xf32, #tpu.memory_space<hbm>>
      tpu.enqueue_indirect_dma source(%dma_start3A_294 : memref<10000x128xf32, #tpu.memory_space<hbm>>) target(%arg8 : memref<128x128xf32, #tpu.memory_space<vmem>>) offsets(%dma_start3A_291 : memref<128xi32, #tpu.memory_space<vmem>>) semaphore(%arg11 : memref<!tpu.dma_semaphore, #tpu.memory_space<semaphore_mem>>)
      %run_scoped3A = arith.constant 0 : i32
      %run_scoped3A_295 = arith.constant 1 : i32
      "tpu.region"() ({
        %run_scoped3A_317 = tpu.sem_alloc : memref<!tpu.dma_semaphore, #tpu.memory_space<semaphore_mem>>
        %dma_start3A_318 = arith.constant 0 : i32
        %dma_start3A_319 = tpu.memref_slice %arg6[%run_scoped3A, %run_scoped3A_295, %mul3A_276, %dma_start3A_318] : memref<2x2x10x128xi32, #tpu.memory_space<vmem>> -> memref<1x1x1x128xi32, #tpu.memory_space<vmem>>
        %dma_start3A_320 = tpu.memref_squeeze %dma_start3A_319 : memref<1x1x1x128xi32, #tpu.memory_space<vmem>> -> memref<128xi32, #tpu.memory_space<vmem>>
        %dma_start3A_321 = arith.constant 0 : i32
        %dma_start3A_322 = arith.constant 0 : i32
        %dma_start3A_323 = tpu.memref_slice %arg9[%dma_start3A_321, %dma_start3A_322] : memref<10240x128xf32, #tpu.memory_space<vmem_shared>> -> memref<10240x128xf32, #tpu.memory_space<vmem_shared>>
        tpu.enqueue_indirect_dma source(%arg7 : memref<128x128xf32, #tpu.memory_space<vmem>>) target(%dma_start3A_323 : memref<10240x128xf32, #tpu.memory_space<vmem_shared>>) offsets(%dma_start3A_320 : memref<128xi32, #tpu.memory_space<vmem>>) semaphore(%run_scoped3A_317 : memref<!tpu.dma_semaphore, #tpu.memory_space<semaphore_mem>>) {add = true}
        %dma_wait3A_324 = arith.constant 0 : i32
        %dma_wait3A_325 = tpu.memref_slice %arg6[%run_scoped3A, %run_scoped3A_295, %mul3A_276, %dma_wait3A_324] : memref<2x2x10x128xi32, #tpu.memory_space<vmem>> -> memref<1x1x1x128xi32, #tpu.memory_space<vmem>>
        %dma_wait3A_326 = tpu.memref_squeeze %dma_wait3A_325 : memref<1x1x1x128xi32, #tpu.memory_space<vmem>> -> memref<128xi32, #tpu.memory_space<vmem>>
        %dma_wait3A_327 = arith.constant 0 : i32
        %dma_wait3A_328 = arith.constant 0 : i32
        %dma_wait3A_329 = tpu.memref_slice %arg9[%dma_wait3A_327, %dma_wait3A_328] : memref<10240x128xf32, #tpu.memory_space<vmem_shared>> -> memref<10240x128xf32, #tpu.memory_space<vmem_shared>>
        tpu.wait_indirect_dma semaphore(%run_scoped3A_317 : memref<!tpu.dma_semaphore, #tpu.memory_space<semaphore_mem>>) src(%arg7 : memref<128x128xf32, #tpu.memory_space<vmem>>) dst(%dma_wait3A_329 : memref<10240x128xf32, #tpu.memory_space<vmem_shared>>)
        tpu.yield
      }) : () -> ()
      %add3A_296 = arith.constant 1 : i32
      %add3A_297 = arith.addi %mul3A_276, %add3A_296 : i32
      %dma_wait3A_298 = arith.constant 0 : i32
      %dma_wait3A_299 = arith.constant 0 : i32
      %dma_wait3A_300 = arith.constant 0 : i32
      %dma_wait3A_301 = tpu.memref_slice %arg6[%dma_wait3A_298, %dma_wait3A_299, %add3A_297, %dma_wait3A_300] : memref<2x2x10x128xi32, #tpu.memory_space<vmem>> -> memref<1x1x1x128xi32, #tpu.memory_space<vmem>>
      %dma_wait3A_302 = tpu.memref_squeeze %dma_wait3A_301 : memref<1x1x1x128xi32, #tpu.memory_space<vmem>> -> memref<128xi32, #tpu.memory_space<vmem>>
      %dma_wait3A_303 = arith.constant 0 : i32
      %dma_wait3A_304 = arith.constant 0 : i32
      %dma_wait3A_305 = tpu.memref_slice %arg3[%dma_wait3A_303, %dma_wait3A_304] : memref<10000x128xf32, #tpu.memory_space<hbm>> -> memref<10000x128xf32, #tpu.memory_space<hbm>>
      tpu.wait_indirect_dma semaphore(%arg11 : memref<!tpu.dma_semaphore, #tpu.memory_space<semaphore_mem>>) src(%dma_wait3A_305 : memref<10000x128xf32, #tpu.memory_space<hbm>>) dst(%arg8 : memref<128x128xf32, #tpu.memory_space<vmem>>)
      %lt3A = arith.constant 4 : i32
      %lt3A_306 = arith.cmpi slt, %scan3A_273, %lt3A : i32
      %convert_element_type3A = arith.extui %lt3A_306 : i1 to i32
      %cond3A = arith.constant 0 : i32
      %cond3A_307 = arith.cmpi ne, %convert_element_type3A, %cond3A : i32
      scf.if %cond3A_307 {
        %add3A_317 = arith.constant 2 : i32
        %add3A_318 = arith.addi %mul3A_276, %add3A_317 : i32
        %dma_start3A_319 = arith.constant 0 : i32
        %dma_start3A_320 = arith.constant 0 : i32
        %dma_start3A_321 = arith.constant 0 : i32
        %dma_start3A_322 = tpu.memref_slice %arg6[%dma_start3A_319, %dma_start3A_320, %add3A_318, %dma_start3A_321] : memref<2x2x10x128xi32, #tpu.memory_space<vmem>> -> memref<1x1x1x128xi32, #tpu.memory_space<vmem>>
        %dma_start3A_323 = tpu.memref_squeeze %dma_start3A_322 : memref<1x1x1x128xi32, #tpu.memory_space<vmem>> -> memref<128xi32, #tpu.memory_space<vmem>>
        %dma_start3A_324 = arith.constant 0 : i32
        %dma_start3A_325 = arith.constant 0 : i32
        %dma_start3A_326 = tpu.memref_slice %arg3[%dma_start3A_324, %dma_start3A_325] : memref<10000x128xf32, #tpu.memory_space<hbm>> -> memref<10000x128xf32, #tpu.memory_space<hbm>>
        tpu.enqueue_indirect_dma source(%dma_start3A_326 : memref<10000x128xf32, #tpu.memory_space<hbm>>) target(%arg7 : memref<128x128xf32, #tpu.memory_space<vmem>>) offsets(%dma_start3A_323 : memref<128xi32, #tpu.memory_space<vmem>>) semaphore(%arg10 : memref<!tpu.dma_semaphore, #tpu.memory_space<semaphore_mem>>)
      } else {
      }
      %eq3A = arith.constant 4 : i32
      %eq3A_308 = arith.cmpi eq, %scan3A_273, %eq3A : i32
      %convert_element_type3A_309 = arith.extui %eq3A_308 : i1 to i32
      %cond3A_310 = arith.constant 0 : i32
      %cond3A_311 = arith.cmpi ne, %convert_element_type3A_309, %cond3A_310 : i32
      scf.if %cond3A_311 {
        %dma_wait3A_317 = arith.constant 5 : i32
        %dma_wait3A_318 = arith.constant 1 : i32
        %dma_wait3A_319 = arith.constant 0 : i32
        %dma_wait3A_320 = arith.constant 0 : i32
        %dma_wait3A_321 = arith.constant 0 : i32
        %dma_wait3A_322 = tpu.memref_slice %arg6[%dma_wait3A_318, %dma_wait3A_319, %dma_wait3A_320, %dma_wait3A_321] : memref<2x2x10x128xi32, #tpu.memory_space<vmem>> -> memref<1x2x10x128xi32, #tpu.memory_space<vmem>>
        %dma_wait3A_323 = tpu.memref_squeeze %dma_wait3A_322 : memref<1x2x10x128xi32, #tpu.memory_space<vmem>> -> memref<2x10x128xi32, #tpu.memory_space<vmem>>
        %dma_wait3A_324 = arith.constant 0 : i32
        %dma_wait3A_325 = arith.constant 0 : i32
        %dma_wait3A_326 = arith.constant 0 : i32
        %dma_wait3A_327 = tpu.memref_slice %arg2[%add3A, %dma_wait3A_317, %dma_wait3A_324, %dma_wait3A_325, %dma_wait3A_326] : memref<32x8x2x10x128xi32, #tpu.memory_space<hbm>> -> memref<1x1x2x10x128xi32, #tpu.memory_space<hbm>>
        %dma_wait3A_328 = tpu.memref_squeeze %dma_wait3A_327 : memref<1x1x2x10x128xi32, #tpu.memory_space<hbm>> -> memref<2x10x128xi32, #tpu.memory_space<hbm>>
        %dma_wait3A_329 = arith.constant 0 : i32
        %dma_wait3A_330 = arith.constant 0 : i32
        %dma_wait3A_331 = arith.constant 0 : i32
        %dma_wait3A_332 = tpu.memref_slice %arg6[%dma_wait3A_318, %dma_wait3A_329, %dma_wait3A_330, %dma_wait3A_331] : memref<2x2x10x128xi32, #tpu.memory_space<vmem>> -> memref<1x2x10x128xi32, #tpu.memory_space<vmem>>
        %dma_wait3A_333 = tpu.memref_squeeze %dma_wait3A_332 : memref<1x2x10x128xi32, #tpu.memory_space<vmem>> -> memref<2x10x128xi32, #tpu.memory_space<vmem>>
        %dma_wait3A_334 = arith.constant 0 : i32
        %dma_wait3A_335 = arith.constant 0 : i32
        %dma_wait3A_336 = arith.constant 0 : i32
        %dma_wait3A_337 = tpu.memref_slice %arg2[%add3A, %dma_wait3A_317, %dma_wait3A_334, %dma_wait3A_335, %dma_wait3A_336] : memref<32x8x2x10x128xi32, #tpu.memory_space<hbm>> -> memref<1x1x2x10x128xi32, #tpu.memory_space<hbm>>
        %dma_wait3A_338 = tpu.memref_squeeze %dma_wait3A_337 : memref<1x1x2x10x128xi32, #tpu.memory_space<hbm>> -> memref<2x10x128xi32, #tpu.memory_space<hbm>>
        tpu.wait_dma2 semaphore(%arg12 : memref<!tpu.dma_semaphore, #tpu.memory_space<semaphore_mem>>) src(%dma_wait3A_338 : memref<2x10x128xi32, #tpu.memory_space<hbm>>) dst(%dma_wait3A_333 : memref<2x10x128xi32, #tpu.memory_space<vmem>>)
        %dma_start3A_339 = arith.constant 1 : i32
        %dma_start3A_340 = arith.constant 0 : i32
        %dma_start3A_341 = arith.constant 0 : i32
        %dma_start3A_342 = arith.constant 0 : i32
        %dma_start3A_343 = tpu.memref_slice %arg6[%dma_start3A_339, %dma_start3A_340, %dma_start3A_341, %dma_start3A_342] : memref<2x2x10x128xi32, #tpu.memory_space<vmem>> -> memref<1x1x1x128xi32, #tpu.memory_space<vmem>>
        %dma_start3A_344 = tpu.memref_squeeze %dma_start3A_343 : memref<1x1x1x128xi32, #tpu.memory_space<vmem>> -> memref<128xi32, #tpu.memory_space<vmem>>
        %dma_start3A_345 = arith.constant 0 : i32
        %dma_start3A_346 = arith.constant 0 : i32
        %dma_start3A_347 = tpu.memref_slice %arg3[%dma_start3A_345, %dma_start3A_346] : memref<10000x128xf32, #tpu.memory_space<hbm>> -> memref<10000x128xf32, #tpu.memory_space<hbm>>
        tpu.enqueue_indirect_dma source(%dma_start3A_347 : memref<10000x128xf32, #tpu.memory_space<hbm>>) target(%arg7 : memref<128x128xf32, #tpu.memory_space<vmem>>) offsets(%dma_start3A_344 : memref<128xi32, #tpu.memory_space<vmem>>) semaphore(%arg10 : memref<!tpu.dma_semaphore, #tpu.memory_space<semaphore_mem>>)
      } else {
      }
      %add3A_312 = arith.constant 1 : i32
      %add3A_313 = arith.addi %mul3A_276, %add3A_312 : i32
      %run_scoped3A_314 = arith.constant 0 : i32
      %run_scoped3A_315 = arith.constant 1 : i32
      "tpu.region"() ({
        %run_scoped3A_317 = tpu.sem_alloc : memref<!tpu.dma_semaphore, #tpu.memory_space<semaphore_mem>>
        %dma_start3A_318 = arith.constant 0 : i32
        %dma_start3A_319 = tpu.memref_slice %arg6[%run_scoped3A_314, %run_scoped3A_315, %add3A_313, %dma_start3A_318] : memref<2x2x10x128xi32, #tpu.memory_space<vmem>> -> memref<1x1x1x128xi32, #tpu.memory_space<vmem>>
        %dma_start3A_320 = tpu.memref_squeeze %dma_start3A_319 : memref<1x1x1x128xi32, #tpu.memory_space<vmem>> -> memref<128xi32, #tpu.memory_space<vmem>>
        %dma_start3A_321 = arith.constant 0 : i32
        %dma_start3A_322 = arith.constant 0 : i32
        %dma_start3A_323 = tpu.memref_slice %arg9[%dma_start3A_321, %dma_start3A_322] : memref<10240x128xf32, #tpu.memory_space<vmem_shared>> -> memref<10240x128xf32, #tpu.memory_space<vmem_shared>>
        tpu.enqueue_indirect_dma source(%arg8 : memref<128x128xf32, #tpu.memory_space<vmem>>) target(%dma_start3A_323 : memref<10240x128xf32, #tpu.memory_space<vmem_shared>>) offsets(%dma_start3A_320 : memref<128xi32, #tpu.memory_space<vmem>>) semaphore(%run_scoped3A_317 : memref<!tpu.dma_semaphore, #tpu.memory_space<semaphore_mem>>) {add = true}
        %dma_wait3A_324 = arith.constant 0 : i32
        %dma_wait3A_325 = tpu.memref_slice %arg6[%run_scoped3A_314, %run_scoped3A_315, %add3A_313, %dma_wait3A_324] : memref<2x2x10x128xi32, #tpu.memory_space<vmem>> -> memref<1x1x1x128xi32, #tpu.memory_space<vmem>>
        %dma_wait3A_326 = tpu.memref_squeeze %dma_wait3A_325 : memref<1x1x1x128xi32, #tpu.memory_space<vmem>> -> memref<128xi32, #tpu.memory_space<vmem>>
        %dma_wait3A_327 = arith.constant 0 : i32
        %dma_wait3A_328 = arith.constant 0 : i32
        %dma_wait3A_329 = tpu.memref_slice %arg9[%dma_wait3A_327, %dma_wait3A_328] : memref<10240x128xf32, #tpu.memory_space<vmem_shared>> -> memref<10240x128xf32, #tpu.memory_space<vmem_shared>>
        tpu.wait_indirect_dma semaphore(%run_scoped3A_317 : memref<!tpu.dma_semaphore, #tpu.memory_space<semaphore_mem>>) src(%arg8 : memref<128x128xf32, #tpu.memory_space<vmem>>) dst(%dma_wait3A_329 : memref<10240x128xf32, #tpu.memory_space<vmem_shared>>)
        tpu.yield
      }) : () -> ()
      %scan3A_316 = arith.constant 0 : i32
      scf.yield %scan3A_316 : i32
    }
    %scan3A_197 = arith.constant 5 : i32
    %dma_start3A_198 = arith.constant 6 : i32
    %dma_start3A_199 = arith.constant 0 : i32
    %dma_start3A_200 = arith.constant 0 : i32
    %dma_start3A_201 = arith.constant 0 : i32
    %dma_start3A_202 = arith.constant 0 : i32
    %dma_start3A_203 = tpu.memref_slice %arg6[%dma_start3A_199, %dma_start3A_200, %dma_start3A_201, %dma_start3A_202] : memref<2x2x10x128xi32, #tpu.memory_space<vmem>> -> memref<1x2x10x128xi32, #tpu.memory_space<vmem>>
    %dma_start3A_204 = tpu.memref_squeeze %dma_start3A_203 : memref<1x2x10x128xi32, #tpu.memory_space<vmem>> -> memref<2x10x128xi32, #tpu.memory_space<vmem>>
    %dma_start3A_205 = arith.constant 0 : i32
    %dma_start3A_206 = arith.constant 0 : i32
    %dma_start3A_207 = arith.constant 0 : i32
    %dma_start3A_208 = tpu.memref_slice %arg2[%add3A, %dma_start3A_198, %dma_start3A_205, %dma_start3A_206, %dma_start3A_207] : memref<32x8x2x10x128xi32, #tpu.memory_space<hbm>> -> memref<1x1x2x10x128xi32, #tpu.memory_space<hbm>>
    %dma_start3A_209 = tpu.memref_squeeze %dma_start3A_208 : memref<1x1x2x10x128xi32, #tpu.memory_space<hbm>> -> memref<2x10x128xi32, #tpu.memory_space<hbm>>
    %dma_start3A_210 = arith.constant 0 : i32
    %dma_start3A_211 = arith.constant 0 : i32
    %dma_start3A_212 = arith.constant 0 : i32
    %dma_start3A_213 = tpu.memref_slice %arg6[%dma_start3A_199, %dma_start3A_210, %dma_start3A_211, %dma_start3A_212] : memref<2x2x10x128xi32, #tpu.memory_space<vmem>> -> memref<1x2x10x128xi32, #tpu.memory_space<vmem>>
    %dma_start3A_214 = tpu.memref_squeeze %dma_start3A_213 : memref<1x2x10x128xi32, #tpu.memory_space<vmem>> -> memref<2x10x128xi32, #tpu.memory_space<vmem>>
    %dma_start3A_215 = arith.constant 0 : i32
    %dma_start3A_216 = arith.constant 0 : i32
    %dma_start3A_217 = arith.constant 0 : i32
    %dma_start3A_218 = tpu.memref_slice %arg2[%add3A, %dma_start3A_198, %dma_start3A_215, %dma_start3A_216, %dma_start3A_217] : memref<32x8x2x10x128xi32, #tpu.memory_space<hbm>> -> memref<1x1x2x10x128xi32, #tpu.memory_space<hbm>>
    %dma_start3A_219 = tpu.memref_squeeze %dma_start3A_218 : memref<1x1x2x10x128xi32, #tpu.memory_space<hbm>> -> memref<2x10x128xi32, #tpu.memory_space<hbm>>
    tpu.enqueue_dma source(%dma_start3A_219 : memref<2x10x128xi32, #tpu.memory_space<hbm>>) target(%dma_start3A_214 : memref<2x10x128xi32, #tpu.memory_space<vmem>>) target_semaphore(%arg12 : memref<!tpu.dma_semaphore, #tpu.memory_space<semaphore_mem>>)
    %scan3A_220 = arith.constant 0 : i32
    %scan3A_221 = arith.constant 0 : i32
    %scan3A_222 = arith.constant 5 : i32
    %scan3A_223 = arith.addi %scan3A_221, %scan3A_222 : i32
    %scan3A_224 = arith.constant 1 : i32
    %scan3A_225 = scf.for %scan3A_273 = %scan3A_221 to %scan3A_223 step %scan3A_224 iter_args(%scan3A_274 = %scan3A_220) -> (i32)  : i32 {
      %mul3A_275 = arith.constant 2 : i32
      %mul3A_276 = arith.muli %mul3A_275, %scan3A_273 : i32
      %dma_wait3A_277 = arith.constant 1 : i32
      %dma_wait3A_278 = arith.constant 0 : i32
      %dma_wait3A_279 = arith.constant 0 : i32
      %dma_wait3A_280 = tpu.memref_slice %arg6[%dma_wait3A_277, %dma_wait3A_278, %mul3A_276, %dma_wait3A_279] : memref<2x2x10x128xi32, #tpu.memory_space<vmem>> -> memref<1x1x1x128xi32, #tpu.memory_space<vmem>>
      %dma_wait3A_281 = tpu.memref_squeeze %dma_wait3A_280 : memref<1x1x1x128xi32, #tpu.memory_space<vmem>> -> memref<128xi32, #tpu.memory_space<vmem>>
      %dma_wait3A_282 = arith.constant 0 : i32
      %dma_wait3A_283 = arith.constant 0 : i32
      %dma_wait3A_284 = tpu.memref_slice %arg3[%dma_wait3A_282, %dma_wait3A_283] : memref<10000x128xf32, #tpu.memory_space<hbm>> -> memref<10000x128xf32, #tpu.memory_space<hbm>>
      tpu.wait_indirect_dma semaphore(%arg10 : memref<!tpu.dma_semaphore, #tpu.memory_space<semaphore_mem>>) src(%dma_wait3A_284 : memref<10000x128xf32, #tpu.memory_space<hbm>>) dst(%arg7 : memref<128x128xf32, #tpu.memory_space<vmem>>)
      %add3A_285 = arith.constant 1 : i32
      %add3A_286 = arith.addi %mul3A_276, %add3A_285 : i32
      %dma_start3A_287 = arith.constant 1 : i32
      %dma_start3A_288 = arith.constant 0 : i32
      %dma_start3A_289 = arith.constant 0 : i32
      %dma_start3A_290 = tpu.memref_slice %arg6[%dma_start3A_287, %dma_start3A_288, %add3A_286, %dma_start3A_289] : memref<2x2x10x128xi32, #tpu.memory_space<vmem>> -> memref<1x1x1x128xi32, #tpu.memory_space<vmem>>
      %dma_start3A_291 = tpu.memref_squeeze %dma_start3A_290 : memref<1x1x1x128xi32, #tpu.memory_space<vmem>> -> memref<128xi32, #tpu.memory_space<vmem>>
      %dma_start3A_292 = arith.constant 0 : i32
      %dma_start3A_293 = arith.constant 0 : i32
      %dma_start3A_294 = tpu.memref_slice %arg3[%dma_start3A_292, %dma_start3A_293] : memref<10000x128xf32, #tpu.memory_space<hbm>> -> memref<10000x128xf32, #tpu.memory_space<hbm>>
      tpu.enqueue_indirect_dma source(%dma_start3A_294 : memref<10000x128xf32, #tpu.memory_space<hbm>>) target(%arg8 : memref<128x128xf32, #tpu.memory_space<vmem>>) offsets(%dma_start3A_291 : memref<128xi32, #tpu.memory_space<vmem>>) semaphore(%arg11 : memref<!tpu.dma_semaphore, #tpu.memory_space<semaphore_mem>>)
      %run_scoped3A = arith.constant 1 : i32
      %run_scoped3A_295 = arith.constant 1 : i32
      "tpu.region"() ({
        %run_scoped3A_317 = tpu.sem_alloc : memref<!tpu.dma_semaphore, #tpu.memory_space<semaphore_mem>>
        %dma_start3A_318 = arith.constant 0 : i32
        %dma_start3A_319 = tpu.memref_slice %arg6[%run_scoped3A, %run_scoped3A_295, %mul3A_276, %dma_start3A_318] : memref<2x2x10x128xi32, #tpu.memory_space<vmem>> -> memref<1x1x1x128xi32, #tpu.memory_space<vmem>>
        %dma_start3A_320 = tpu.memref_squeeze %dma_start3A_319 : memref<1x1x1x128xi32, #tpu.memory_space<vmem>> -> memref<128xi32, #tpu.memory_space<vmem>>
        %dma_start3A_321 = arith.constant 0 : i32
        %dma_start3A_322 = arith.constant 0 : i32
        %dma_start3A_323 = tpu.memref_slice %arg9[%dma_start3A_321, %dma_start3A_322] : memref<10240x128xf32, #tpu.memory_space<vmem_shared>> -> memref<10240x128xf32, #tpu.memory_space<vmem_shared>>
        tpu.enqueue_indirect_dma source(%arg7 : memref<128x128xf32, #tpu.memory_space<vmem>>) target(%dma_start3A_323 : memref<10240x128xf32, #tpu.memory_space<vmem_shared>>) offsets(%dma_start3A_320 : memref<128xi32, #tpu.memory_space<vmem>>) semaphore(%run_scoped3A_317 : memref<!tpu.dma_semaphore, #tpu.memory_space<semaphore_mem>>) {add = true}
        %dma_wait3A_324 = arith.constant 0 : i32
        %dma_wait3A_325 = tpu.memref_slice %arg6[%run_scoped3A, %run_scoped3A_295, %mul3A_276, %dma_wait3A_324] : memref<2x2x10x128xi32, #tpu.memory_space<vmem>> -> memref<1x1x1x128xi32, #tpu.memory_space<vmem>>
        %dma_wait3A_326 = tpu.memref_squeeze %dma_wait3A_325 : memref<1x1x1x128xi32, #tpu.memory_space<vmem>> -> memref<128xi32, #tpu.memory_space<vmem>>
        %dma_wait3A_327 = arith.constant 0 : i32
        %dma_wait3A_328 = arith.constant 0 : i32
        %dma_wait3A_329 = tpu.memref_slice %arg9[%dma_wait3A_327, %dma_wait3A_328] : memref<10240x128xf32, #tpu.memory_space<vmem_shared>> -> memref<10240x128xf32, #tpu.memory_space<vmem_shared>>
        tpu.wait_indirect_dma semaphore(%run_scoped3A_317 : memref<!tpu.dma_semaphore, #tpu.memory_space<semaphore_mem>>) src(%arg7 : memref<128x128xf32, #tpu.memory_space<vmem>>) dst(%dma_wait3A_329 : memref<10240x128xf32, #tpu.memory_space<vmem_shared>>)
        tpu.yield
      }) : () -> ()
      %add3A_296 = arith.constant 1 : i32
      %add3A_297 = arith.addi %mul3A_276, %add3A_296 : i32
      %dma_wait3A_298 = arith.constant 1 : i32
      %dma_wait3A_299 = arith.constant 0 : i32
      %dma_wait3A_300 = arith.constant 0 : i32
      %dma_wait3A_301 = tpu.memref_slice %arg6[%dma_wait3A_298, %dma_wait3A_299, %add3A_297, %dma_wait3A_300] : memref<2x2x10x128xi32, #tpu.memory_space<vmem>> -> memref<1x1x1x128xi32, #tpu.memory_space<vmem>>
      %dma_wait3A_302 = tpu.memref_squeeze %dma_wait3A_301 : memref<1x1x1x128xi32, #tpu.memory_space<vmem>> -> memref<128xi32, #tpu.memory_space<vmem>>
      %dma_wait3A_303 = arith.constant 0 : i32
      %dma_wait3A_304 = arith.constant 0 : i32
      %dma_wait3A_305 = tpu.memref_slice %arg3[%dma_wait3A_303, %dma_wait3A_304] : memref<10000x128xf32, #tpu.memory_space<hbm>> -> memref<10000x128xf32, #tpu.memory_space<hbm>>
      tpu.wait_indirect_dma semaphore(%arg11 : memref<!tpu.dma_semaphore, #tpu.memory_space<semaphore_mem>>) src(%dma_wait3A_305 : memref<10000x128xf32, #tpu.memory_space<hbm>>) dst(%arg8 : memref<128x128xf32, #tpu.memory_space<vmem>>)
      %lt3A = arith.constant 4 : i32
      %lt3A_306 = arith.cmpi slt, %scan3A_273, %lt3A : i32
      %convert_element_type3A = arith.extui %lt3A_306 : i1 to i32
      %cond3A = arith.constant 0 : i32
      %cond3A_307 = arith.cmpi ne, %convert_element_type3A, %cond3A : i32
      scf.if %cond3A_307 {
        %add3A_317 = arith.constant 2 : i32
        %add3A_318 = arith.addi %mul3A_276, %add3A_317 : i32
        %dma_start3A_319 = arith.constant 1 : i32
        %dma_start3A_320 = arith.constant 0 : i32
        %dma_start3A_321 = arith.constant 0 : i32
        %dma_start3A_322 = tpu.memref_slice %arg6[%dma_start3A_319, %dma_start3A_320, %add3A_318, %dma_start3A_321] : memref<2x2x10x128xi32, #tpu.memory_space<vmem>> -> memref<1x1x1x128xi32, #tpu.memory_space<vmem>>
        %dma_start3A_323 = tpu.memref_squeeze %dma_start3A_322 : memref<1x1x1x128xi32, #tpu.memory_space<vmem>> -> memref<128xi32, #tpu.memory_space<vmem>>
        %dma_start3A_324 = arith.constant 0 : i32
        %dma_start3A_325 = arith.constant 0 : i32
        %dma_start3A_326 = tpu.memref_slice %arg3[%dma_start3A_324, %dma_start3A_325] : memref<10000x128xf32, #tpu.memory_space<hbm>> -> memref<10000x128xf32, #tpu.memory_space<hbm>>
        tpu.enqueue_indirect_dma source(%dma_start3A_326 : memref<10000x128xf32, #tpu.memory_space<hbm>>) target(%arg7 : memref<128x128xf32, #tpu.memory_space<vmem>>) offsets(%dma_start3A_323 : memref<128xi32, #tpu.memory_space<vmem>>) semaphore(%arg10 : memref<!tpu.dma_semaphore, #tpu.memory_space<semaphore_mem>>)
      } else {
      }
      %eq3A = arith.constant 4 : i32
      %eq3A_308 = arith.cmpi eq, %scan3A_273, %eq3A : i32
      %convert_element_type3A_309 = arith.extui %eq3A_308 : i1 to i32
      %cond3A_310 = arith.constant 0 : i32
      %cond3A_311 = arith.cmpi ne, %convert_element_type3A_309, %cond3A_310 : i32
      scf.if %cond3A_311 {
        %dma_wait3A_317 = arith.constant 6 : i32
        %dma_wait3A_318 = arith.constant 0 : i32
        %dma_wait3A_319 = arith.constant 0 : i32
        %dma_wait3A_320 = arith.constant 0 : i32
        %dma_wait3A_321 = arith.constant 0 : i32
        %dma_wait3A_322 = tpu.memref_slice %arg6[%dma_wait3A_318, %dma_wait3A_319, %dma_wait3A_320, %dma_wait3A_321] : memref<2x2x10x128xi32, #tpu.memory_space<vmem>> -> memref<1x2x10x128xi32, #tpu.memory_space<vmem>>
        %dma_wait3A_323 = tpu.memref_squeeze %dma_wait3A_322 : memref<1x2x10x128xi32, #tpu.memory_space<vmem>> -> memref<2x10x128xi32, #tpu.memory_space<vmem>>
        %dma_wait3A_324 = arith.constant 0 : i32
        %dma_wait3A_325 = arith.constant 0 : i32
        %dma_wait3A_326 = arith.constant 0 : i32
        %dma_wait3A_327 = tpu.memref_slice %arg2[%add3A, %dma_wait3A_317, %dma_wait3A_324, %dma_wait3A_325, %dma_wait3A_326] : memref<32x8x2x10x128xi32, #tpu.memory_space<hbm>> -> memref<1x1x2x10x128xi32, #tpu.memory_space<hbm>>
        %dma_wait3A_328 = tpu.memref_squeeze %dma_wait3A_327 : memref<1x1x2x10x128xi32, #tpu.memory_space<hbm>> -> memref<2x10x128xi32, #tpu.memory_space<hbm>>
        %dma_wait3A_329 = arith.constant 0 : i32
        %dma_wait3A_330 = arith.constant 0 : i32
        %dma_wait3A_331 = arith.constant 0 : i32
        %dma_wait3A_332 = tpu.memref_slice %arg6[%dma_wait3A_318, %dma_wait3A_329, %dma_wait3A_330, %dma_wait3A_331] : memref<2x2x10x128xi32, #tpu.memory_space<vmem>> -> memref<1x2x10x128xi32, #tpu.memory_space<vmem>>
        %dma_wait3A_333 = tpu.memref_squeeze %dma_wait3A_332 : memref<1x2x10x128xi32, #tpu.memory_space<vmem>> -> memref<2x10x128xi32, #tpu.memory_space<vmem>>
        %dma_wait3A_334 = arith.constant 0 : i32
        %dma_wait3A_335 = arith.constant 0 : i32
        %dma_wait3A_336 = arith.constant 0 : i32
        %dma_wait3A_337 = tpu.memref_slice %arg2[%add3A, %dma_wait3A_317, %dma_wait3A_334, %dma_wait3A_335, %dma_wait3A_336] : memref<32x8x2x10x128xi32, #tpu.memory_space<hbm>> -> memref<1x1x2x10x128xi32, #tpu.memory_space<hbm>>
        %dma_wait3A_338 = tpu.memref_squeeze %dma_wait3A_337 : memref<1x1x2x10x128xi32, #tpu.memory_space<hbm>> -> memref<2x10x128xi32, #tpu.memory_space<hbm>>
        tpu.wait_dma2 semaphore(%arg12 : memref<!tpu.dma_semaphore, #tpu.memory_space<semaphore_mem>>) src(%dma_wait3A_338 : memref<2x10x128xi32, #tpu.memory_space<hbm>>) dst(%dma_wait3A_333 : memref<2x10x128xi32, #tpu.memory_space<vmem>>)
        %dma_start3A_339 = arith.constant 0 : i32
        %dma_start3A_340 = arith.constant 0 : i32
        %dma_start3A_341 = arith.constant 0 : i32
        %dma_start3A_342 = arith.constant 0 : i32
        %dma_start3A_343 = tpu.memref_slice %arg6[%dma_start3A_339, %dma_start3A_340, %dma_start3A_341, %dma_start3A_342] : memref<2x2x10x128xi32, #tpu.memory_space<vmem>> -> memref<1x1x1x128xi32, #tpu.memory_space<vmem>>
        %dma_start3A_344 = tpu.memref_squeeze %dma_start3A_343 : memref<1x1x1x128xi32, #tpu.memory_space<vmem>> -> memref<128xi32, #tpu.memory_space<vmem>>
        %dma_start3A_345 = arith.constant 0 : i32
        %dma_start3A_346 = arith.constant 0 : i32
        %dma_start3A_347 = tpu.memref_slice %arg3[%dma_start3A_345, %dma_start3A_346] : memref<10000x128xf32, #tpu.memory_space<hbm>> -> memref<10000x128xf32, #tpu.memory_space<hbm>>
        tpu.enqueue_indirect_dma source(%dma_start3A_347 : memref<10000x128xf32, #tpu.memory_space<hbm>>) target(%arg7 : memref<128x128xf32, #tpu.memory_space<vmem>>) offsets(%dma_start3A_344 : memref<128xi32, #tpu.memory_space<vmem>>) semaphore(%arg10 : memref<!tpu.dma_semaphore, #tpu.memory_space<semaphore_mem>>)
      } else {
      }
      %add3A_312 = arith.constant 1 : i32
      %add3A_313 = arith.addi %mul3A_276, %add3A_312 : i32
      %run_scoped3A_314 = arith.constant 1 : i32
      %run_scoped3A_315 = arith.constant 1 : i32
      "tpu.region"() ({
        %run_scoped3A_317 = tpu.sem_alloc : memref<!tpu.dma_semaphore, #tpu.memory_space<semaphore_mem>>
        %dma_start3A_318 = arith.constant 0 : i32
        %dma_start3A_319 = tpu.memref_slice %arg6[%run_scoped3A_314, %run_scoped3A_315, %add3A_313, %dma_start3A_318] : memref<2x2x10x128xi32, #tpu.memory_space<vmem>> -> memref<1x1x1x128xi32, #tpu.memory_space<vmem>>
        %dma_start3A_320 = tpu.memref_squeeze %dma_start3A_319 : memref<1x1x1x128xi32, #tpu.memory_space<vmem>> -> memref<128xi32, #tpu.memory_space<vmem>>
        %dma_start3A_321 = arith.constant 0 : i32
        %dma_start3A_322 = arith.constant 0 : i32
        %dma_start3A_323 = tpu.memref_slice %arg9[%dma_start3A_321, %dma_start3A_322] : memref<10240x128xf32, #tpu.memory_space<vmem_shared>> -> memref<10240x128xf32, #tpu.memory_space<vmem_shared>>
        tpu.enqueue_indirect_dma source(%arg8 : memref<128x128xf32, #tpu.memory_space<vmem>>) target(%dma_start3A_323 : memref<10240x128xf32, #tpu.memory_space<vmem_shared>>) offsets(%dma_start3A_320 : memref<128xi32, #tpu.memory_space<vmem>>) semaphore(%run_scoped3A_317 : memref<!tpu.dma_semaphore, #tpu.memory_space<semaphore_mem>>) {add = true}
        %dma_wait3A_324 = arith.constant 0 : i32
        %dma_wait3A_325 = tpu.memref_slice %arg6[%run_scoped3A_314, %run_scoped3A_315, %add3A_313, %dma_wait3A_324] : memref<2x2x10x128xi32, #tpu.memory_space<vmem>> -> memref<1x1x1x128xi32, #tpu.memory_space<vmem>>
        %dma_wait3A_326 = tpu.memref_squeeze %dma_wait3A_325 : memref<1x1x1x128xi32, #tpu.memory_space<vmem>> -> memref<128xi32, #tpu.memory_space<vmem>>
        %dma_wait3A_327 = arith.constant 0 : i32
        %dma_wait3A_328 = arith.constant 0 : i32
        %dma_wait3A_329 = tpu.memref_slice %arg9[%dma_wait3A_327, %dma_wait3A_328] : memref<10240x128xf32, #tpu.memory_space<vmem_shared>> -> memref<10240x128xf32, #tpu.memory_space<vmem_shared>>
        tpu.wait_indirect_dma semaphore(%run_scoped3A_317 : memref<!tpu.dma_semaphore, #tpu.memory_space<semaphore_mem>>) src(%arg8 : memref<128x128xf32, #tpu.memory_space<vmem>>) dst(%dma_wait3A_329 : memref<10240x128xf32, #tpu.memory_space<vmem_shared>>)
        tpu.yield
      }) : () -> ()
      %scan3A_316 = arith.constant 0 : i32
      scf.yield %scan3A_316 : i32
    }
    %scan3A_226 = arith.constant 5 : i32
    %dma_start3A_227 = arith.constant 7 : i32
    %dma_start3A_228 = arith.constant 1 : i32
    %dma_start3A_229 = arith.constant 0 : i32
    %dma_start3A_230 = arith.constant 0 : i32
    %dma_start3A_231 = arith.constant 0 : i32
    %dma_start3A_232 = tpu.memref_slice %arg6[%dma_start3A_228, %dma_start3A_229, %dma_start3A_230, %dma_start3A_231] : memref<2x2x10x128xi32, #tpu.memory_space<vmem>> -> memref<1x2x10x128xi32, #tpu.memory_space<vmem>>
    %dma_start3A_233 = tpu.memref_squeeze %dma_start3A_232 : memref<1x2x10x128xi32, #tpu.memory_space<vmem>> -> memref<2x10x128xi32, #tpu.memory_space<vmem>>
    %dma_start3A_234 = arith.constant 0 : i32
    %dma_start3A_235 = arith.constant 0 : i32
    %dma_start3A_236 = arith.constant 0 : i32
    %dma_start3A_237 = tpu.memref_slice %arg2[%add3A, %dma_start3A_227, %dma_start3A_234, %dma_start3A_235, %dma_start3A_236] : memref<32x8x2x10x128xi32, #tpu.memory_space<hbm>> -> memref<1x1x2x10x128xi32, #tpu.memory_space<hbm>>
    %dma_start3A_238 = tpu.memref_squeeze %dma_start3A_237 : memref<1x1x2x10x128xi32, #tpu.memory_space<hbm>> -> memref<2x10x128xi32, #tpu.memory_space<hbm>>
    %dma_start3A_239 = arith.constant 0 : i32
    %dma_start3A_240 = arith.constant 0 : i32
    %dma_start3A_241 = arith.constant 0 : i32
    %dma_start3A_242 = tpu.memref_slice %arg6[%dma_start3A_228, %dma_start3A_239, %dma_start3A_240, %dma_start3A_241] : memref<2x2x10x128xi32, #tpu.memory_space<vmem>> -> memref<1x2x10x128xi32, #tpu.memory_space<vmem>>
    %dma_start3A_243 = tpu.memref_squeeze %dma_start3A_242 : memref<1x2x10x128xi32, #tpu.memory_space<vmem>> -> memref<2x10x128xi32, #tpu.memory_space<vmem>>
    %dma_start3A_244 = arith.constant 0 : i32
    %dma_start3A_245 = arith.constant 0 : i32
    %dma_start3A_246 = arith.constant 0 : i32
    %dma_start3A_247 = tpu.memref_slice %arg2[%add3A, %dma_start3A_227, %dma_start3A_244, %dma_start3A_245, %dma_start3A_246] : memref<32x8x2x10x128xi32, #tpu.memory_space<hbm>> -> memref<1x1x2x10x128xi32, #tpu.memory_space<hbm>>
    %dma_start3A_248 = tpu.memref_squeeze %dma_start3A_247 : memref<1x1x2x10x128xi32, #tpu.memory_space<hbm>> -> memref<2x10x128xi32, #tpu.memory_space<hbm>>
    tpu.enqueue_dma source(%dma_start3A_248 : memref<2x10x128xi32, #tpu.memory_space<hbm>>) target(%dma_start3A_243 : memref<2x10x128xi32, #tpu.memory_space<vmem>>) target_semaphore(%arg12 : memref<!tpu.dma_semaphore, #tpu.memory_space<semaphore_mem>>)
    %scan3A_249 = arith.constant 0 : i32
    %scan3A_250 = arith.constant 0 : i32
    %scan3A_251 = arith.constant 5 : i32
    %scan3A_252 = arith.addi %scan3A_250, %scan3A_251 : i32
    %scan3A_253 = arith.constant 1 : i32
    %scan3A_254 = scf.for %scan3A_273 = %scan3A_250 to %scan3A_252 step %scan3A_253 iter_args(%scan3A_274 = %scan3A_249) -> (i32)  : i32 {
      %mul3A_275 = arith.constant 2 : i32
      %mul3A_276 = arith.muli %mul3A_275, %scan3A_273 : i32
      %dma_wait3A_277 = arith.constant 0 : i32
      %dma_wait3A_278 = arith.constant 0 : i32
      %dma_wait3A_279 = arith.constant 0 : i32
      %dma_wait3A_280 = tpu.memref_slice %arg6[%dma_wait3A_277, %dma_wait3A_278, %mul3A_276, %dma_wait3A_279] : memref<2x2x10x128xi32, #tpu.memory_space<vmem>> -> memref<1x1x1x128xi32, #tpu.memory_space<vmem>>
      %dma_wait3A_281 = tpu.memref_squeeze %dma_wait3A_280 : memref<1x1x1x128xi32, #tpu.memory_space<vmem>> -> memref<128xi32, #tpu.memory_space<vmem>>
      %dma_wait3A_282 = arith.constant 0 : i32
      %dma_wait3A_283 = arith.constant 0 : i32
      %dma_wait3A_284 = tpu.memref_slice %arg3[%dma_wait3A_282, %dma_wait3A_283] : memref<10000x128xf32, #tpu.memory_space<hbm>> -> memref<10000x128xf32, #tpu.memory_space<hbm>>
      tpu.wait_indirect_dma semaphore(%arg10 : memref<!tpu.dma_semaphore, #tpu.memory_space<semaphore_mem>>) src(%dma_wait3A_284 : memref<10000x128xf32, #tpu.memory_space<hbm>>) dst(%arg7 : memref<128x128xf32, #tpu.memory_space<vmem>>)
      %add3A_285 = arith.constant 1 : i32
      %add3A_286 = arith.addi %mul3A_276, %add3A_285 : i32
      %dma_start3A_287 = arith.constant 0 : i32
      %dma_start3A_288 = arith.constant 0 : i32
      %dma_start3A_289 = arith.constant 0 : i32
      %dma_start3A_290 = tpu.memref_slice %arg6[%dma_start3A_287, %dma_start3A_288, %add3A_286, %dma_start3A_289] : memref<2x2x10x128xi32, #tpu.memory_space<vmem>> -> memref<1x1x1x128xi32, #tpu.memory_space<vmem>>
      %dma_start3A_291 = tpu.memref_squeeze %dma_start3A_290 : memref<1x1x1x128xi32, #tpu.memory_space<vmem>> -> memref<128xi32, #tpu.memory_space<vmem>>
      %dma_start3A_292 = arith.constant 0 : i32
      %dma_start3A_293 = arith.constant 0 : i32
      %dma_start3A_294 = tpu.memref_slice %arg3[%dma_start3A_292, %dma_start3A_293] : memref<10000x128xf32, #tpu.memory_space<hbm>> -> memref<10000x128xf32, #tpu.memory_space<hbm>>
      tpu.enqueue_indirect_dma source(%dma_start3A_294 : memref<10000x128xf32, #tpu.memory_space<hbm>>) target(%arg8 : memref<128x128xf32, #tpu.memory_space<vmem>>) offsets(%dma_start3A_291 : memref<128xi32, #tpu.memory_space<vmem>>) semaphore(%arg11 : memref<!tpu.dma_semaphore, #tpu.memory_space<semaphore_mem>>)
      %run_scoped3A = arith.constant 0 : i32
      %run_scoped3A_295 = arith.constant 1 : i32
      "tpu.region"() ({
        %run_scoped3A_317 = tpu.sem_alloc : memref<!tpu.dma_semaphore, #tpu.memory_space<semaphore_mem>>
        %dma_start3A_318 = arith.constant 0 : i32
        %dma_start3A_319 = tpu.memref_slice %arg6[%run_scoped3A, %run_scoped3A_295, %mul3A_276, %dma_start3A_318] : memref<2x2x10x128xi32, #tpu.memory_space<vmem>> -> memref<1x1x1x128xi32, #tpu.memory_space<vmem>>
        %dma_start3A_320 = tpu.memref_squeeze %dma_start3A_319 : memref<1x1x1x128xi32, #tpu.memory_space<vmem>> -> memref<128xi32, #tpu.memory_space<vmem>>
        %dma_start3A_321 = arith.constant 0 : i32
        %dma_start3A_322 = arith.constant 0 : i32
        %dma_start3A_323 = tpu.memref_slice %arg9[%dma_start3A_321, %dma_start3A_322] : memref<10240x128xf32, #tpu.memory_space<vmem_shared>> -> memref<10240x128xf32, #tpu.memory_space<vmem_shared>>
        tpu.enqueue_indirect_dma source(%arg7 : memref<128x128xf32, #tpu.memory_space<vmem>>) target(%dma_start3A_323 : memref<10240x128xf32, #tpu.memory_space<vmem_shared>>) offsets(%dma_start3A_320 : memref<128xi32, #tpu.memory_space<vmem>>) semaphore(%run_scoped3A_317 : memref<!tpu.dma_semaphore, #tpu.memory_space<semaphore_mem>>) {add = true}
        %dma_wait3A_324 = arith.constant 0 : i32
        %dma_wait3A_325 = tpu.memref_slice %arg6[%run_scoped3A, %run_scoped3A_295, %mul3A_276, %dma_wait3A_324] : memref<2x2x10x128xi32, #tpu.memory_space<vmem>> -> memref<1x1x1x128xi32, #tpu.memory_space<vmem>>
        %dma_wait3A_326 = tpu.memref_squeeze %dma_wait3A_325 : memref<1x1x1x128xi32, #tpu.memory_space<vmem>> -> memref<128xi32, #tpu.memory_space<vmem>>
        %dma_wait3A_327 = arith.constant 0 : i32
        %dma_wait3A_328 = arith.constant 0 : i32
        %dma_wait3A_329 = tpu.memref_slice %arg9[%dma_wait3A_327, %dma_wait3A_328] : memref<10240x128xf32, #tpu.memory_space<vmem_shared>> -> memref<10240x128xf32, #tpu.memory_space<vmem_shared>>
        tpu.wait_indirect_dma semaphore(%run_scoped3A_317 : memref<!tpu.dma_semaphore, #tpu.memory_space<semaphore_mem>>) src(%arg7 : memref<128x128xf32, #tpu.memory_space<vmem>>) dst(%dma_wait3A_329 : memref<10240x128xf32, #tpu.memory_space<vmem_shared>>)
        tpu.yield
      }) : () -> ()
      %add3A_296 = arith.constant 1 : i32
      %add3A_297 = arith.addi %mul3A_276, %add3A_296 : i32
      %dma_wait3A_298 = arith.constant 0 : i32
      %dma_wait3A_299 = arith.constant 0 : i32
      %dma_wait3A_300 = arith.constant 0 : i32
      %dma_wait3A_301 = tpu.memref_slice %arg6[%dma_wait3A_298, %dma_wait3A_299, %add3A_297, %dma_wait3A_300] : memref<2x2x10x128xi32, #tpu.memory_space<vmem>> -> memref<1x1x1x128xi32, #tpu.memory_space<vmem>>
      %dma_wait3A_302 = tpu.memref_squeeze %dma_wait3A_301 : memref<1x1x1x128xi32, #tpu.memory_space<vmem>> -> memref<128xi32, #tpu.memory_space<vmem>>
      %dma_wait3A_303 = arith.constant 0 : i32
      %dma_wait3A_304 = arith.constant 0 : i32
      %dma_wait3A_305 = tpu.memref_slice %arg3[%dma_wait3A_303, %dma_wait3A_304] : memref<10000x128xf32, #tpu.memory_space<hbm>> -> memref<10000x128xf32, #tpu.memory_space<hbm>>
      tpu.wait_indirect_dma semaphore(%arg11 : memref<!tpu.dma_semaphore, #tpu.memory_space<semaphore_mem>>) src(%dma_wait3A_305 : memref<10000x128xf32, #tpu.memory_space<hbm>>) dst(%arg8 : memref<128x128xf32, #tpu.memory_space<vmem>>)
      %lt3A = arith.constant 4 : i32
      %lt3A_306 = arith.cmpi slt, %scan3A_273, %lt3A : i32
      %convert_element_type3A = arith.extui %lt3A_306 : i1 to i32
      %cond3A = arith.constant 0 : i32
      %cond3A_307 = arith.cmpi ne, %convert_element_type3A, %cond3A : i32
      scf.if %cond3A_307 {
        %add3A_317 = arith.constant 2 : i32
        %add3A_318 = arith.addi %mul3A_276, %add3A_317 : i32
        %dma_start3A_319 = arith.constant 0 : i32
        %dma_start3A_320 = arith.constant 0 : i32
        %dma_start3A_321 = arith.constant 0 : i32
        %dma_start3A_322 = tpu.memref_slice %arg6[%dma_start3A_319, %dma_start3A_320, %add3A_318, %dma_start3A_321] : memref<2x2x10x128xi32, #tpu.memory_space<vmem>> -> memref<1x1x1x128xi32, #tpu.memory_space<vmem>>
        %dma_start3A_323 = tpu.memref_squeeze %dma_start3A_322 : memref<1x1x1x128xi32, #tpu.memory_space<vmem>> -> memref<128xi32, #tpu.memory_space<vmem>>
        %dma_start3A_324 = arith.constant 0 : i32
        %dma_start3A_325 = arith.constant 0 : i32
        %dma_start3A_326 = tpu.memref_slice %arg3[%dma_start3A_324, %dma_start3A_325] : memref<10000x128xf32, #tpu.memory_space<hbm>> -> memref<10000x128xf32, #tpu.memory_space<hbm>>
        tpu.enqueue_indirect_dma source(%dma_start3A_326 : memref<10000x128xf32, #tpu.memory_space<hbm>>) target(%arg7 : memref<128x128xf32, #tpu.memory_space<vmem>>) offsets(%dma_start3A_323 : memref<128xi32, #tpu.memory_space<vmem>>) semaphore(%arg10 : memref<!tpu.dma_semaphore, #tpu.memory_space<semaphore_mem>>)
      } else {
      }
      %eq3A = arith.constant 4 : i32
      %eq3A_308 = arith.cmpi eq, %scan3A_273, %eq3A : i32
      %convert_element_type3A_309 = arith.extui %eq3A_308 : i1 to i32
      %cond3A_310 = arith.constant 0 : i32
      %cond3A_311 = arith.cmpi ne, %convert_element_type3A_309, %cond3A_310 : i32
      scf.if %cond3A_311 {
        %dma_wait3A_317 = arith.constant 7 : i32
        %dma_wait3A_318 = arith.constant 1 : i32
        %dma_wait3A_319 = arith.constant 0 : i32
        %dma_wait3A_320 = arith.constant 0 : i32
        %dma_wait3A_321 = arith.constant 0 : i32
        %dma_wait3A_322 = tpu.memref_slice %arg6[%dma_wait3A_318, %dma_wait3A_319, %dma_wait3A_320, %dma_wait3A_321] : memref<2x2x10x128xi32, #tpu.memory_space<vmem>> -> memref<1x2x10x128xi32, #tpu.memory_space<vmem>>
        %dma_wait3A_323 = tpu.memref_squeeze %dma_wait3A_322 : memref<1x2x10x128xi32, #tpu.memory_space<vmem>> -> memref<2x10x128xi32, #tpu.memory_space<vmem>>
        %dma_wait3A_324 = arith.constant 0 : i32
        %dma_wait3A_325 = arith.constant 0 : i32
        %dma_wait3A_326 = arith.constant 0 : i32
        %dma_wait3A_327 = tpu.memref_slice %arg2[%add3A, %dma_wait3A_317, %dma_wait3A_324, %dma_wait3A_325, %dma_wait3A_326] : memref<32x8x2x10x128xi32, #tpu.memory_space<hbm>> -> memref<1x1x2x10x128xi32, #tpu.memory_space<hbm>>
        %dma_wait3A_328 = tpu.memref_squeeze %dma_wait3A_327 : memref<1x1x2x10x128xi32, #tpu.memory_space<hbm>> -> memref<2x10x128xi32, #tpu.memory_space<hbm>>
        %dma_wait3A_329 = arith.constant 0 : i32
        %dma_wait3A_330 = arith.constant 0 : i32
        %dma_wait3A_331 = arith.constant 0 : i32
        %dma_wait3A_332 = tpu.memref_slice %arg6[%dma_wait3A_318, %dma_wait3A_329, %dma_wait3A_330, %dma_wait3A_331] : memref<2x2x10x128xi32, #tpu.memory_space<vmem>> -> memref<1x2x10x128xi32, #tpu.memory_space<vmem>>
        %dma_wait3A_333 = tpu.memref_squeeze %dma_wait3A_332 : memref<1x2x10x128xi32, #tpu.memory_space<vmem>> -> memref<2x10x128xi32, #tpu.memory_space<vmem>>
        %dma_wait3A_334 = arith.constant 0 : i32
        %dma_wait3A_335 = arith.constant 0 : i32
        %dma_wait3A_336 = arith.constant 0 : i32
        %dma_wait3A_337 = tpu.memref_slice %arg2[%add3A, %dma_wait3A_317, %dma_wait3A_334, %dma_wait3A_335, %dma_wait3A_336] : memref<32x8x2x10x128xi32, #tpu.memory_space<hbm>> -> memref<1x1x2x10x128xi32, #tpu.memory_space<hbm>>
        %dma_wait3A_338 = tpu.memref_squeeze %dma_wait3A_337 : memref<1x1x2x10x128xi32, #tpu.memory_space<hbm>> -> memref<2x10x128xi32, #tpu.memory_space<hbm>>
        tpu.wait_dma2 semaphore(%arg12 : memref<!tpu.dma_semaphore, #tpu.memory_space<semaphore_mem>>) src(%dma_wait3A_338 : memref<2x10x128xi32, #tpu.memory_space<hbm>>) dst(%dma_wait3A_333 : memref<2x10x128xi32, #tpu.memory_space<vmem>>)
        %dma_start3A_339 = arith.constant 1 : i32
        %dma_start3A_340 = arith.constant 0 : i32
        %dma_start3A_341 = arith.constant 0 : i32
        %dma_start3A_342 = arith.constant 0 : i32
        %dma_start3A_343 = tpu.memref_slice %arg6[%dma_start3A_339, %dma_start3A_340, %dma_start3A_341, %dma_start3A_342] : memref<2x2x10x128xi32, #tpu.memory_space<vmem>> -> memref<1x1x1x128xi32, #tpu.memory_space<vmem>>
        %dma_start3A_344 = tpu.memref_squeeze %dma_start3A_343 : memref<1x1x1x128xi32, #tpu.memory_space<vmem>> -> memref<128xi32, #tpu.memory_space<vmem>>
        %dma_start3A_345 = arith.constant 0 : i32
        %dma_start3A_346 = arith.constant 0 : i32
        %dma_start3A_347 = tpu.memref_slice %arg3[%dma_start3A_345, %dma_start3A_346] : memref<10000x128xf32, #tpu.memory_space<hbm>> -> memref<10000x128xf32, #tpu.memory_space<hbm>>
        tpu.enqueue_indirect_dma source(%dma_start3A_347 : memref<10000x128xf32, #tpu.memory_space<hbm>>) target(%arg7 : memref<128x128xf32, #tpu.memory_space<vmem>>) offsets(%dma_start3A_344 : memref<128xi32, #tpu.memory_space<vmem>>) semaphore(%arg10 : memref<!tpu.dma_semaphore, #tpu.memory_space<semaphore_mem>>)
      } else {
      }
      %add3A_312 = arith.constant 1 : i32
      %add3A_313 = arith.addi %mul3A_276, %add3A_312 : i32
      %run_scoped3A_314 = arith.constant 0 : i32
      %run_scoped3A_315 = arith.constant 1 : i32
      "tpu.region"() ({
        %run_scoped3A_317 = tpu.sem_alloc : memref<!tpu.dma_semaphore, #tpu.memory_space<semaphore_mem>>
        %dma_start3A_318 = arith.constant 0 : i32
        %dma_start3A_319 = tpu.memref_slice %arg6[%run_scoped3A_314, %run_scoped3A_315, %add3A_313, %dma_start3A_318] : memref<2x2x10x128xi32, #tpu.memory_space<vmem>> -> memref<1x1x1x128xi32, #tpu.memory_space<vmem>>
        %dma_start3A_320 = tpu.memref_squeeze %dma_start3A_319 : memref<1x1x1x128xi32, #tpu.memory_space<vmem>> -> memref<128xi32, #tpu.memory_space<vmem>>
        %dma_start3A_321 = arith.constant 0 : i32
        %dma_start3A_322 = arith.constant 0 : i32
        %dma_start3A_323 = tpu.memref_slice %arg9[%dma_start3A_321, %dma_start3A_322] : memref<10240x128xf32, #tpu.memory_space<vmem_shared>> -> memref<10240x128xf32, #tpu.memory_space<vmem_shared>>
        tpu.enqueue_indirect_dma source(%arg8 : memref<128x128xf32, #tpu.memory_space<vmem>>) target(%dma_start3A_323 : memref<10240x128xf32, #tpu.memory_space<vmem_shared>>) offsets(%dma_start3A_320 : memref<128xi32, #tpu.memory_space<vmem>>) semaphore(%run_scoped3A_317 : memref<!tpu.dma_semaphore, #tpu.memory_space<semaphore_mem>>) {add = true}
        %dma_wait3A_324 = arith.constant 0 : i32
        %dma_wait3A_325 = tpu.memref_slice %arg6[%run_scoped3A_314, %run_scoped3A_315, %add3A_313, %dma_wait3A_324] : memref<2x2x10x128xi32, #tpu.memory_space<vmem>> -> memref<1x1x1x128xi32, #tpu.memory_space<vmem>>
        %dma_wait3A_326 = tpu.memref_squeeze %dma_wait3A_325 : memref<1x1x1x128xi32, #tpu.memory_space<vmem>> -> memref<128xi32, #tpu.memory_space<vmem>>
        %dma_wait3A_327 = arith.constant 0 : i32
        %dma_wait3A_328 = arith.constant 0 : i32
        %dma_wait3A_329 = tpu.memref_slice %arg9[%dma_wait3A_327, %dma_wait3A_328] : memref<10240x128xf32, #tpu.memory_space<vmem_shared>> -> memref<10240x128xf32, #tpu.memory_space<vmem_shared>>
        tpu.wait_indirect_dma semaphore(%run_scoped3A_317 : memref<!tpu.dma_semaphore, #tpu.memory_space<semaphore_mem>>) src(%arg8 : memref<128x128xf32, #tpu.memory_space<vmem>>) dst(%dma_wait3A_329 : memref<10240x128xf32, #tpu.memory_space<vmem_shared>>)
        tpu.yield
      }) : () -> ()
      %scan3A_316 = arith.constant 0 : i32
      scf.yield %scan3A_316 : i32
    }
    %scan3A_255 = arith.constant 5 : i32
    %scan3A_256 = arith.constant 0 : i32
    %scan3A_257 = arith.constant 0 : i32
    %scan3A_258 = arith.constant 5 : i32
    %scan3A_259 = arith.addi %scan3A_257, %scan3A_258 : i32
    %scan3A_260 = arith.constant 1 : i32
    %scan3A_261 = scf.for %scan3A_273 = %scan3A_257 to %scan3A_259 step %scan3A_260 iter_args(%scan3A_274 = %scan3A_256) -> (i32)  : i32 {
      %mul3A_275 = arith.constant 2 : i32
      %mul3A_276 = arith.muli %mul3A_275, %scan3A_273 : i32
      %dma_wait3A_277 = arith.constant 1 : i32
      %dma_wait3A_278 = arith.constant 0 : i32
      %dma_wait3A_279 = arith.constant 0 : i32
      %dma_wait3A_280 = tpu.memref_slice %arg6[%dma_wait3A_277, %dma_wait3A_278, %mul3A_276, %dma_wait3A_279] : memref<2x2x10x128xi32, #tpu.memory_space<vmem>> -> memref<1x1x1x128xi32, #tpu.memory_space<vmem>>
      %dma_wait3A_281 = tpu.memref_squeeze %dma_wait3A_280 : memref<1x1x1x128xi32, #tpu.memory_space<vmem>> -> memref<128xi32, #tpu.memory_space<vmem>>
      %dma_wait3A_282 = arith.constant 0 : i32
      %dma_wait3A_283 = arith.constant 0 : i32
      %dma_wait3A_284 = tpu.memref_slice %arg3[%dma_wait3A_282, %dma_wait3A_283] : memref<10000x128xf32, #tpu.memory_space<hbm>> -> memref<10000x128xf32, #tpu.memory_space<hbm>>
      tpu.wait_indirect_dma semaphore(%arg10 : memref<!tpu.dma_semaphore, #tpu.memory_space<semaphore_mem>>) src(%dma_wait3A_284 : memref<10000x128xf32, #tpu.memory_space<hbm>>) dst(%arg7 : memref<128x128xf32, #tpu.memory_space<vmem>>)
      %add3A_285 = arith.constant 1 : i32
      %add3A_286 = arith.addi %mul3A_276, %add3A_285 : i32
      %dma_start3A_287 = arith.constant 1 : i32
      %dma_start3A_288 = arith.constant 0 : i32
      %dma_start3A_289 = arith.constant 0 : i32
      %dma_start3A_290 = tpu.memref_slice %arg6[%dma_start3A_287, %dma_start3A_288, %add3A_286, %dma_start3A_289] : memref<2x2x10x128xi32, #tpu.memory_space<vmem>> -> memref<1x1x1x128xi32, #tpu.memory_space<vmem>>
      %dma_start3A_291 = tpu.memref_squeeze %dma_start3A_290 : memref<1x1x1x128xi32, #tpu.memory_space<vmem>> -> memref<128xi32, #tpu.memory_space<vmem>>
      %dma_start3A_292 = arith.constant 0 : i32
      %dma_start3A_293 = arith.constant 0 : i32
      %dma_start3A_294 = tpu.memref_slice %arg3[%dma_start3A_292, %dma_start3A_293] : memref<10000x128xf32, #tpu.memory_space<hbm>> -> memref<10000x128xf32, #tpu.memory_space<hbm>>
      tpu.enqueue_indirect_dma source(%dma_start3A_294 : memref<10000x128xf32, #tpu.memory_space<hbm>>) target(%arg8 : memref<128x128xf32, #tpu.memory_space<vmem>>) offsets(%dma_start3A_291 : memref<128xi32, #tpu.memory_space<vmem>>) semaphore(%arg11 : memref<!tpu.dma_semaphore, #tpu.memory_space<semaphore_mem>>)
      %run_scoped3A = arith.constant 1 : i32
      %run_scoped3A_295 = arith.constant 1 : i32
      "tpu.region"() ({
        %run_scoped3A_317 = tpu.sem_alloc : memref<!tpu.dma_semaphore, #tpu.memory_space<semaphore_mem>>
        %dma_start3A_318 = arith.constant 0 : i32
        %dma_start3A_319 = tpu.memref_slice %arg6[%run_scoped3A, %run_scoped3A_295, %mul3A_276, %dma_start3A_318] : memref<2x2x10x128xi32, #tpu.memory_space<vmem>> -> memref<1x1x1x128xi32, #tpu.memory_space<vmem>>
        %dma_start3A_320 = tpu.memref_squeeze %dma_start3A_319 : memref<1x1x1x128xi32, #tpu.memory_space<vmem>> -> memref<128xi32, #tpu.memory_space<vmem>>
        %dma_start3A_321 = arith.constant 0 : i32
        %dma_start3A_322 = arith.constant 0 : i32
        %dma_start3A_323 = tpu.memref_slice %arg9[%dma_start3A_321, %dma_start3A_322] : memref<10240x128xf32, #tpu.memory_space<vmem_shared>> -> memref<10240x128xf32, #tpu.memory_space<vmem_shared>>
        tpu.enqueue_indirect_dma source(%arg7 : memref<128x128xf32, #tpu.memory_space<vmem>>) target(%dma_start3A_323 : memref<10240x128xf32, #tpu.memory_space<vmem_shared>>) offsets(%dma_start3A_320 : memref<128xi32, #tpu.memory_space<vmem>>) semaphore(%run_scoped3A_317 : memref<!tpu.dma_semaphore, #tpu.memory_space<semaphore_mem>>) {add = true}
        %dma_wait3A_324 = arith.constant 0 : i32
        %dma_wait3A_325 = tpu.memref_slice %arg6[%run_scoped3A, %run_scoped3A_295, %mul3A_276, %dma_wait3A_324] : memref<2x2x10x128xi32, #tpu.memory_space<vmem>> -> memref<1x1x1x128xi32, #tpu.memory_space<vmem>>
        %dma_wait3A_326 = tpu.memref_squeeze %dma_wait3A_325 : memref<1x1x1x128xi32, #tpu.memory_space<vmem>> -> memref<128xi32, #tpu.memory_space<vmem>>
        %dma_wait3A_327 = arith.constant 0 : i32
        %dma_wait3A_328 = arith.constant 0 : i32
        %dma_wait3A_329 = tpu.memref_slice %arg9[%dma_wait3A_327, %dma_wait3A_328] : memref<10240x128xf32, #tpu.memory_space<vmem_shared>> -> memref<10240x128xf32, #tpu.memory_space<vmem_shared>>
        tpu.wait_indirect_dma semaphore(%run_scoped3A_317 : memref<!tpu.dma_semaphore, #tpu.memory_space<semaphore_mem>>) src(%arg7 : memref<128x128xf32, #tpu.memory_space<vmem>>) dst(%dma_wait3A_329 : memref<10240x128xf32, #tpu.memory_space<vmem_shared>>)
        tpu.yield
      }) : () -> ()
      %add3A_296 = arith.constant 1 : i32
      %add3A_297 = arith.addi %mul3A_276, %add3A_296 : i32
      %dma_wait3A_298 = arith.constant 1 : i32
      %dma_wait3A_299 = arith.constant 0 : i32
      %dma_wait3A_300 = arith.constant 0 : i32
      %dma_wait3A_301 = tpu.memref_slice %arg6[%dma_wait3A_298, %dma_wait3A_299, %add3A_297, %dma_wait3A_300] : memref<2x2x10x128xi32, #tpu.memory_space<vmem>> -> memref<1x1x1x128xi32, #tpu.memory_space<vmem>>
      %dma_wait3A_302 = tpu.memref_squeeze %dma_wait3A_301 : memref<1x1x1x128xi32, #tpu.memory_space<vmem>> -> memref<128xi32, #tpu.memory_space<vmem>>
      %dma_wait3A_303 = arith.constant 0 : i32
      %dma_wait3A_304 = arith.constant 0 : i32
      %dma_wait3A_305 = tpu.memref_slice %arg3[%dma_wait3A_303, %dma_wait3A_304] : memref<10000x128xf32, #tpu.memory_space<hbm>> -> memref<10000x128xf32, #tpu.memory_space<hbm>>
      tpu.wait_indirect_dma semaphore(%arg11 : memref<!tpu.dma_semaphore, #tpu.memory_space<semaphore_mem>>) src(%dma_wait3A_305 : memref<10000x128xf32, #tpu.memory_space<hbm>>) dst(%arg8 : memref<128x128xf32, #tpu.memory_space<vmem>>)
      %lt3A = arith.constant 4 : i32
      %lt3A_306 = arith.cmpi slt, %scan3A_273, %lt3A : i32
      %convert_element_type3A = arith.extui %lt3A_306 : i1 to i32
      %cond3A = arith.constant 0 : i32
      %cond3A_307 = arith.cmpi ne, %convert_element_type3A, %cond3A : i32
      scf.if %cond3A_307 {
        %add3A_317 = arith.constant 2 : i32
        %add3A_318 = arith.addi %mul3A_276, %add3A_317 : i32
        %dma_start3A_319 = arith.constant 1 : i32
        %dma_start3A_320 = arith.constant 0 : i32
        %dma_start3A_321 = arith.constant 0 : i32
        %dma_start3A_322 = tpu.memref_slice %arg6[%dma_start3A_319, %dma_start3A_320, %add3A_318, %dma_start3A_321] : memref<2x2x10x128xi32, #tpu.memory_space<vmem>> -> memref<1x1x1x128xi32, #tpu.memory_space<vmem>>
        %dma_start3A_323 = tpu.memref_squeeze %dma_start3A_322 : memref<1x1x1x128xi32, #tpu.memory_space<vmem>> -> memref<128xi32, #tpu.memory_space<vmem>>
        %dma_start3A_324 = arith.constant 0 : i32
        %dma_start3A_325 = arith.constant 0 : i32
        %dma_start3A_326 = tpu.memref_slice %arg3[%dma_start3A_324, %dma_start3A_325] : memref<10000x128xf32, #tpu.memory_space<hbm>> -> memref<10000x128xf32, #tpu.memory_space<hbm>>
        tpu.enqueue_indirect_dma source(%dma_start3A_326 : memref<10000x128xf32, #tpu.memory_space<hbm>>) target(%arg7 : memref<128x128xf32, #tpu.memory_space<vmem>>) offsets(%dma_start3A_323 : memref<128xi32, #tpu.memory_space<vmem>>) semaphore(%arg10 : memref<!tpu.dma_semaphore, #tpu.memory_space<semaphore_mem>>)
      } else {
      }
      %eq3A = arith.constant 4 : i32
      %eq3A_308 = arith.cmpi eq, %scan3A_273, %eq3A : i32
      %convert_element_type3A_309 = arith.extui %eq3A_308 : i1 to i32
      %cond3A_310 = arith.constant 0 : i32
      %cond3A_311 = arith.cmpi ne, %convert_element_type3A_309, %cond3A_310 : i32
      scf.if %cond3A_311 {
        %dma_start3A_317 = arith.constant 1 : i32
        %dma_start3A_318 = arith.constant 0 : i32
        %dma_start3A_319 = arith.constant 9 : i32
        %dma_start3A_320 = arith.constant 0 : i32
        %dma_start3A_321 = tpu.memref_slice %arg6[%dma_start3A_317, %dma_start3A_318, %dma_start3A_319, %dma_start3A_320] : memref<2x2x10x128xi32, #tpu.memory_space<vmem>> -> memref<1x1x1x128xi32, #tpu.memory_space<vmem>>
        %dma_start3A_322 = tpu.memref_squeeze %dma_start3A_321 : memref<1x1x1x128xi32, #tpu.memory_space<vmem>> -> memref<128xi32, #tpu.memory_space<vmem>>
        %dma_start3A_323 = arith.constant 0 : i32
        %dma_start3A_324 = arith.constant 0 : i32
        %dma_start3A_325 = tpu.memref_slice %arg3[%dma_start3A_323, %dma_start3A_324] : memref<10000x128xf32, #tpu.memory_space<hbm>> -> memref<10000x128xf32, #tpu.memory_space<hbm>>
        tpu.enqueue_indirect_dma source(%dma_start3A_325 : memref<10000x128xf32, #tpu.memory_space<hbm>>) target(%arg7 : memref<128x128xf32, #tpu.memory_space<vmem>>) offsets(%dma_start3A_322 : memref<128xi32, #tpu.memory_space<vmem>>) semaphore(%arg10 : memref<!tpu.dma_semaphore, #tpu.memory_space<semaphore_mem>>)
      } else {
      }
      %add3A_312 = arith.constant 1 : i32
      %add3A_313 = arith.addi %mul3A_276, %add3A_312 : i32
      %run_scoped3A_314 = arith.constant 1 : i32
      %run_scoped3A_315 = arith.constant 1 : i32
      "tpu.region"() ({
        %run_scoped3A_317 = tpu.sem_alloc : memref<!tpu.dma_semaphore, #tpu.memory_space<semaphore_mem>>
        %dma_start3A_318 = arith.constant 0 : i32
        %dma_start3A_319 = tpu.memref_slice %arg6[%run_scoped3A_314, %run_scoped3A_315, %add3A_313, %dma_start3A_318] : memref<2x2x10x128xi32, #tpu.memory_space<vmem>> -> memref<1x1x1x128xi32, #tpu.memory_space<vmem>>
        %dma_start3A_320 = tpu.memref_squeeze %dma_start3A_319 : memref<1x1x1x128xi32, #tpu.memory_space<vmem>> -> memref<128xi32, #tpu.memory_space<vmem>>
        %dma_start3A_321 = arith.constant 0 : i32
        %dma_start3A_322 = arith.constant 0 : i32
        %dma_start3A_323 = tpu.memref_slice %arg9[%dma_start3A_321, %dma_start3A_322] : memref<10240x128xf32, #tpu.memory_space<vmem_shared>> -> memref<10240x128xf32, #tpu.memory_space<vmem_shared>>
        tpu.enqueue_indirect_dma source(%arg8 : memref<128x128xf32, #tpu.memory_space<vmem>>) target(%dma_start3A_323 : memref<10240x128xf32, #tpu.memory_space<vmem_shared>>) offsets(%dma_start3A_320 : memref<128xi32, #tpu.memory_space<vmem>>) semaphore(%run_scoped3A_317 : memref<!tpu.dma_semaphore, #tpu.memory_space<semaphore_mem>>) {add = true}
        %dma_wait3A_324 = arith.constant 0 : i32
        %dma_wait3A_325 = tpu.memref_slice %arg6[%run_scoped3A_314, %run_scoped3A_315, %add3A_313, %dma_wait3A_324] : memref<2x2x10x128xi32, #tpu.memory_space<vmem>> -> memref<1x1x1x128xi32, #tpu.memory_space<vmem>>
        %dma_wait3A_326 = tpu.memref_squeeze %dma_wait3A_325 : memref<1x1x1x128xi32, #tpu.memory_space<vmem>> -> memref<128xi32, #tpu.memory_space<vmem>>
        %dma_wait3A_327 = arith.constant 0 : i32
        %dma_wait3A_328 = arith.constant 0 : i32
        %dma_wait3A_329 = tpu.memref_slice %arg9[%dma_wait3A_327, %dma_wait3A_328] : memref<10240x128xf32, #tpu.memory_space<vmem_shared>> -> memref<10240x128xf32, #tpu.memory_space<vmem_shared>>
        tpu.wait_indirect_dma semaphore(%run_scoped3A_317 : memref<!tpu.dma_semaphore, #tpu.memory_space<semaphore_mem>>) src(%arg8 : memref<128x128xf32, #tpu.memory_space<vmem>>) dst(%dma_wait3A_329 : memref<10240x128xf32, #tpu.memory_space<vmem_shared>>)
        tpu.yield
      }) : () -> ()
      %scan3A_316 = arith.constant 0 : i32
      scf.yield %scan3A_316 : i32
    }
    %scan3A_262 = arith.constant 5 : i32
    %dma_wait3A_263 = arith.constant 0 : i32
    %dma_wait3A_264 = arith.constant 0 : i32
    %dma_wait3A_265 = arith.constant 9 : i32
    %dma_wait3A_266 = arith.constant 0 : i32
    %dma_wait3A_267 = tpu.memref_slice %arg6[%dma_wait3A_263, %dma_wait3A_264, %dma_wait3A_265, %dma_wait3A_266] : memref<2x2x10x128xi32, #tpu.memory_space<vmem>> -> memref<1x1x1x128xi32, #tpu.memory_space<vmem>>
    %dma_wait3A_268 = tpu.memref_squeeze %dma_wait3A_267 : memref<1x1x1x128xi32, #tpu.memory_space<vmem>> -> memref<128xi32, #tpu.memory_space<vmem>>
    %dma_wait3A_269 = arith.constant 0 : i32
    %dma_wait3A_270 = arith.constant 0 : i32
    %dma_wait3A_271 = tpu.memref_slice %arg3[%dma_wait3A_269, %dma_wait3A_270] : memref<10000x128xf32, #tpu.memory_space<hbm>> -> memref<10000x128xf32, #tpu.memory_space<hbm>>
    tpu.wait_indirect_dma semaphore(%arg10 : memref<!tpu.dma_semaphore, #tpu.memory_space<semaphore_mem>>) src(%dma_wait3A_271 : memref<10000x128xf32, #tpu.memory_space<hbm>>) dst(%arg7 : memref<128x128xf32, #tpu.memory_space<vmem>>)
    %barrier3A_272 = arith.constant 0 : index
    tpu.barrier barrier_id(%barrier3A_272)
    "tpu.region"() ({
      %run_scoped3A = tpu.sem_alloc : memref<!tpu.dma_semaphore, #tpu.memory_space<semaphore_mem>>
      %dma_start3A_273 = arith.constant 0 : i32
      %dma_start3A_274 = tpu.memref_slice %arg5[%arg0, %mul3A_2, %dma_start3A_273] : memref<2x10240x128xf32, #tpu.memory_space<hbm>> -> memref<1x640x128xf32, #tpu.memory_space<hbm>>
      %dma_start3A_275 = tpu.memref_squeeze %dma_start3A_274 : memref<1x640x128xf32, #tpu.memory_space<hbm>> -> memref<640x128xf32, #tpu.memory_space<hbm>>
      %dma_start3A_276 = arith.constant 0 : i32
      %dma_start3A_277 = tpu.memref_slice %arg9[%mul3A_2, %dma_start3A_276] : memref<10240x128xf32, #tpu.memory_space<vmem_shared>> -> memref<640x128xf32, #tpu.memory_space<vmem_shared>>
      tpu.enqueue_dma source(%dma_start3A_277 : memref<640x128xf32, #tpu.memory_space<vmem_shared>>) target(%dma_start3A_275 : memref<640x128xf32, #tpu.memory_space<hbm>>) target_semaphore(%run_scoped3A : memref<!tpu.dma_semaphore, #tpu.memory_space<semaphore_mem>>)
      %dma_wait3A_278 = arith.constant 0 : i32
      %dma_wait3A_279 = tpu.memref_slice %arg5[%arg0, %mul3A_2, %dma_wait3A_278] : memref<2x10240x128xf32, #tpu.memory_space<hbm>> -> memref<1x640x128xf32, #tpu.memory_space<hbm>>
      %dma_wait3A_280 = tpu.memref_squeeze %dma_wait3A_279 : memref<1x640x128xf32, #tpu.memory_space<hbm>> -> memref<640x128xf32, #tpu.memory_space<hbm>>
      %dma_wait3A_281 = arith.constant 0 : i32
      %dma_wait3A_282 = tpu.memref_slice %arg9[%mul3A_2, %dma_wait3A_281] : memref<10240x128xf32, #tpu.memory_space<vmem_shared>> -> memref<640x128xf32, #tpu.memory_space<vmem_shared>>
      tpu.wait_dma2 semaphore(%run_scoped3A : memref<!tpu.dma_semaphore, #tpu.memory_space<semaphore_mem>>) src(%dma_wait3A_282 : memref<640x128xf32, #tpu.memory_space<vmem_shared>>) dst(%dma_wait3A_280 : memref<640x128xf32, #tpu.memory_space<hbm>>)
      tpu.yield
    }) : () -> ()
    return
  }
}

module attributes {stable_mosaic.version = 14 : i64} {
  func.func @_g_body(%arg0: i32, %arg1: memref<2x2000x16xf32, #tpu.memory_space<vmem>>, %arg2: memref<2000x128xf32, #tpu.memory_space<vmem>>, %arg3: memref<2000x128xf32, #tpu.memory_space<vmem>>) attributes {dimension_semantics = [#tpu.dimension_semantics<arbitrary>], iteration_bounds = array<i64: 5>, scalar_prefetch = 0 : i64, scratch_operands = 0 : i64, tpu.core_type = #tpu.core_type<tc>, window_params = [{transform_indices = @transform_0, window_bounds = array<i64: 2, 2000, 16>}, {transform_indices = @transform_1, window_bounds = array<i64: 2000, 128>}, {transform_indices = @transform_2, window_bounds = array<i64: 2000, 128>}]} {
    %get3A = arith.constant 0 : index
    %get3A_0 = arith.constant 0 : index
    %get3A_1 = vector.load %arg2[%get3A, %get3A_0] : memref<2000x128xf32, #tpu.memory_space<vmem>>, vector<2000x128xf32>
    %get3A_2 = arith.constant 0 : index
    %get3A_3 = arith.constant 0 : index
    %get3A_4 = arith.constant 0 : index
    %get3A_5 = vector.load %arg1[%get3A_2, %get3A_3, %get3A_4] : memref<2x2000x16xf32, #tpu.memory_space<vmem>>, vector<1x2000x16xf32>
    %get3A_6 = vector.shape_cast %get3A_5 : vector<1x2000x16xf32> to vector<2000x16xf32>
    %slice3A = vector.extract_strided_slice %get3A_6 {offsets = [0, 0], sizes = [2000, 1], strides = [1, 1]} : vector<2000x16xf32> to vector<2000x1xf32>
    %get3A_7 = arith.constant 1 : index
    %get3A_8 = arith.constant 0 : index
    %get3A_9 = arith.constant 0 : index
    %get3A_10 = vector.load %arg1[%get3A_7, %get3A_8, %get3A_9] : memref<2x2000x16xf32, #tpu.memory_space<vmem>>, vector<1x2000x16xf32>
    %get3A_11 = vector.shape_cast %get3A_10 : vector<1x2000x16xf32> to vector<2000x16xf32>
    %slice3A_12 = vector.extract_strided_slice %get3A_11 {offsets = [0, 0], sizes = [2000, 1], strides = [1, 1]} : vector<2000x16xf32> to vector<2000x1xf32>
    %add3A = arith.addf %slice3A, %slice3A_12 : vector<2000x1xf32>
    %add3A_13 = arith.constant 1.000000e+00 : f32
    %add3A_14 = vector.broadcast %add3A_13 : f32 to vector<2000x1xf32>
    %add3A_15 = arith.addf %add3A, %add3A_14 : vector<2000x1xf32>
    %sqrt3A = math.sqrt %add3A_15 : vector<2000x1xf32>
    %div3A = arith.constant 1.000000e+00 : f32
    %div3A_16 = vector.broadcast %div3A : f32 to vector<2000x1xf32>
    %div3A_17 = arith.divf %div3A_16, %sqrt3A : vector<2000x1xf32>
    %mul3A = vector.broadcast %div3A_17 : vector<2000x1xf32> to vector<2000x128xf32>
    %mul3A_18 = arith.mulf %get3A_1, %mul3A : vector<2000x128xf32>
    %swap3A = arith.constant 0 : index
    %swap3A_19 = arith.constant 0 : index
    %swap3A_20 = vector.load %arg3[%swap3A, %swap3A_19] : memref<2000x128xf32, #tpu.memory_space<vmem>>, vector<2000x128xf32>
    tpu.vector_store %arg3[%swap3A, %swap3A_19], %mul3A_18 {strides = array<i32>} : memref<2000x128xf32, #tpu.memory_space<vmem>>, vector<2000x128xf32>,
    return
  }
  func.func @transform_0(%arg0: i32) -> (i32, i32, i32) {
    %c0_i32 = arith.constant 0 : i32
    %c0_i32_0 = arith.constant 0 : i32
    %c0_i32_1 = arith.constant 0 : i32
    return %c0_i32, %arg0, %c0_i32_0 : i32, i32, i32
  }
  func.func @transform_1(%arg0: i32) -> (i32, i32) {
    %c0_i32 = arith.constant 0 : i32
    %c0_i32_0 = arith.constant 0 : i32
    return %arg0, %c0_i32 : i32, i32
  }
  func.func @transform_2(%arg0: i32) -> (i32, i32) {
    %c0_i32 = arith.constant 0 : i32
    %c0_i32_0 = arith.constant 0 : i32
    return %arg0, %c0_i32 : i32, i32
  }
}

module attributes {stable_mosaic.version = 14 : i64} {
  func.func @_fused_body(%arg0: i32, %arg1: memref<2x2000x16xf32, #tpu.memory_space<vmem>>, %arg2: memref<2x2000x128xf32, #tpu.memory_space<vmem>>, %arg3: memref<2000x128xf32, #tpu.memory_space<vmem>>, %arg4: memref<256x128xf32, #tpu.memory_space<vmem>>, %arg5: memref<1x256xf32, #tpu.memory_space<vmem>>, %arg6: memref<1x256xf32, #tpu.memory_space<vmem>>, %arg7: memref<1x256xf32, #tpu.memory_space<vmem>>, %arg8: memref<64x256xf32, #tpu.memory_space<vmem>>, %arg9: memref<1x64xf32, #tpu.memory_space<vmem>>, %arg10: memref<2000x64xf32, #tpu.memory_space<vmem>>, %arg11: memref<1x128xf32, #tpu.memory_space<vmem>>, %arg12: memref<128x128xf32, #tpu.memory_space<vmem>>, %arg13: memref<1x256xf32, #tpu.memory_space<vmem>>, %arg14: memref<1x256xf32, #tpu.memory_space<vmem>>) attributes {dimension_semantics = [#tpu.dimension_semantics<arbitrary>], iteration_bounds = array<i64: 10>, scalar_prefetch = 0 : i64, scratch_operands = 4 : i64, tpu.core_type = #tpu.core_type<tc>, window_params = [{transform_indices = @transform_0, window_bounds = array<i64: 2, 2000, 16>}, {transform_indices = @transform_1, window_bounds = array<i64: 2, 2000, 128>}, {transform_indices = @transform_2, window_bounds = array<i64: 2000, 128>}, {pipeline_mode = #tpu.pipeline_mode<synchronous>, transform_indices = @transform_3, window_bounds = array<i64: 256, 128>}, {pipeline_mode = #tpu.pipeline_mode<synchronous>, transform_indices = @transform_4, window_bounds = array<i64: 1, 256>}, {pipeline_mode = #tpu.pipeline_mode<synchronous>, transform_indices = @transform_5, window_bounds = array<i64: 1, 256>}, {pipeline_mode = #tpu.pipeline_mode<synchronous>, transform_indices = @transform_6, window_bounds = array<i64: 1, 256>}, {pipeline_mode = #tpu.pipeline_mode<synchronous>, transform_indices = @transform_7, window_bounds = array<i64: 64, 256>}, {pipeline_mode = #tpu.pipeline_mode<synchronous>, transform_indices = @transform_8, window_bounds = array<i64: 1, 64>}, {transform_indices = @transform_9, window_bounds = array<i64: 2000, 64>}]} {
    %get3A = arith.constant 0 : index
    %get3A_0 = arith.constant 0 : index
    %get3A_1 = arith.constant 0 : index
    %get3A_2 = vector.load %arg1[%get3A, %get3A_0, %get3A_1] : memref<2x2000x16xf32, #tpu.memory_space<vmem>>, vector<1x2000x16xf32>
    %get3A_3 = vector.shape_cast %get3A_2 : vector<1x2000x16xf32> to vector<2000x16xf32>
    %slice3A = vector.extract_strided_slice %get3A_3 {offsets = [0, 0], sizes = [2000, 1], strides = [1, 1]} : vector<2000x16xf32> to vector<2000x1xf32>
    %get3A_4 = arith.constant 1 : index
    %get3A_5 = arith.constant 0 : index
    %get3A_6 = arith.constant 0 : index
    %get3A_7 = vector.load %arg1[%get3A_4, %get3A_5, %get3A_6] : memref<2x2000x16xf32, #tpu.memory_space<vmem>>, vector<1x2000x16xf32>
    %get3A_8 = vector.shape_cast %get3A_7 : vector<1x2000x16xf32> to vector<2000x16xf32>
    %slice3A_9 = vector.extract_strided_slice %get3A_8 {offsets = [0, 0], sizes = [2000, 1], strides = [1, 1]} : vector<2000x16xf32> to vector<2000x1xf32>
    %add3A = arith.addf %slice3A, %slice3A_9 : vector<2000x1xf32>
    %add3A_10 = arith.constant 1.000000e+00 : f32
    %add3A_11 = vector.broadcast %add3A_10 : f32 to vector<2000x1xf32>
    %add3A_12 = arith.addf %add3A, %add3A_11 : vector<2000x1xf32>
    %sqrt3A = math.sqrt %add3A_12 : vector<2000x1xf32>
    %div3A = arith.constant 1.000000e+00 : f32
    %div3A_13 = vector.broadcast %div3A : f32 to vector<2000x1xf32>
    %div3A_14 = arith.divf %div3A_13, %sqrt3A : vector<2000x1xf32>
    %get3A_15 = arith.constant 0 : index
    %get3A_16 = arith.constant 0 : index
    %get3A_17 = arith.constant 0 : index
    %get3A_18 = vector.load %arg2[%get3A_15, %get3A_16, %get3A_17] : memref<2x2000x128xf32, #tpu.memory_space<vmem>>, vector<1x2000x128xf32>
    %get3A_19 = vector.shape_cast %get3A_18 : vector<1x2000x128xf32> to vector<2000x128xf32>
    %get3A_20 = arith.constant 1 : index
    %get3A_21 = arith.constant 0 : index
    %get3A_22 = arith.constant 0 : index
    %get3A_23 = vector.load %arg2[%get3A_20, %get3A_21, %get3A_22] : memref<2x2000x128xf32, #tpu.memory_space<vmem>>, vector<1x2000x128xf32>
    %get3A_24 = vector.shape_cast %get3A_23 : vector<1x2000x128xf32> to vector<2000x128xf32>
    %add3A_25 = arith.addf %get3A_19, %get3A_24 : vector<2000x128xf32>
    %get3A_26 = arith.constant 0 : index
    %get3A_27 = arith.constant 0 : index
    %get3A_28 = vector.load %arg3[%get3A_26, %get3A_27] : memref<2000x128xf32, #tpu.memory_space<vmem>>, vector<2000x128xf32>
    %add3A_29 = arith.addf %add3A_25, %get3A_28 : vector<2000x128xf32>
    %mul3A = vector.broadcast %div3A_14 : vector<2000x1xf32> to vector<2000x128xf32>
    %mul3A_30 = arith.mulf %add3A_29, %mul3A : vector<2000x128xf32>
    %eq3A = arith.constant 0 : i32
    %eq3A_31 = arith.cmpi eq, %arg0, %eq3A : i32
    %convert_element_type3A = arith.extui %eq3A_31 : i1 to i32
    %cond3A = arith.constant 0 : i32
    %cond3A_32 = arith.cmpi ne, %convert_element_type3A, %cond3A : i32
    scf.if %cond3A_32 {
      %broadcast_in_dim3A = arith.constant 0.000000e+00 : f32
      %broadcast_in_dim3A_46 = vector.broadcast %broadcast_in_dim3A : f32 to vector<1x128xf32>
      %swap3A = arith.constant 0 : index
      %swap3A_47 = arith.constant 0 : index
      %swap3A_48 = vector.load %arg11[%swap3A, %swap3A_47] : memref<1x128xf32, #tpu.memory_space<vmem>>, vector<1x128xf32>
      tpu.vector_store %arg11[%swap3A, %swap3A_47], %broadcast_in_dim3A_46 {strides = array<i32>} : memref<1x128xf32, #tpu.memory_space<vmem>>, vector<1x128xf32>,
      %broadcast_in_dim3A_49 = arith.constant 0.000000e+00 : f32
      %broadcast_in_dim3A_50 = vector.broadcast %broadcast_in_dim3A_49 : f32 to vector<128x128xf32>
      %swap3A_51 = arith.constant 0 : index
      %swap3A_52 = arith.constant 0 : index
      %swap3A_53 = vector.load %arg12[%swap3A_51, %swap3A_52] : memref<128x128xf32, #tpu.memory_space<vmem>>, vector<128x128xf32>
      tpu.vector_store %arg12[%swap3A_51, %swap3A_52], %broadcast_in_dim3A_50 {strides = array<i32>} : memref<128x128xf32, #tpu.memory_space<vmem>>, vector<128x128xf32>,
    } else {
    }
    %lt3A = arith.constant 5 : i32
    %lt3A_33 = arith.cmpi slt, %arg0, %lt3A : i32
    %convert_element_type3A_34 = arith.extui %lt3A_33 : i1 to i32
    %cond3A_35 = arith.constant 0 : i32
    %cond3A_36 = arith.cmpi ne, %convert_element_type3A_34, %cond3A_35 : i32
    scf.if %cond3A_36 {
      %get3A_46 = arith.constant 0 : index
      %get3A_47 = arith.constant 0 : index
      %get3A_48 = vector.load %arg11[%get3A_46, %get3A_47] : memref<1x128xf32, #tpu.memory_space<vmem>>, vector<1x128xf32>
      %reduce_sum3A = arith.constant dense<0.000000e+00> : vector<128xf32>
      %reduce_sum3A_49 = vector.multi_reduction <add>, %mul3A_30, %reduce_sum3A [0] : vector<2000x128xf32> to vector<128xf32>
      %broadcast_in_dim3A = vector.shape_cast %reduce_sum3A_49 : vector<128xf32> to vector<1x128xf32>
      %add3A_50 = arith.addf %get3A_48, %broadcast_in_dim3A : vector<1x128xf32>
      %swap3A = arith.constant 0 : index
      %swap3A_51 = arith.constant 0 : index
      %swap3A_52 = vector.load %arg11[%swap3A, %swap3A_51] : memref<1x128xf32, #tpu.memory_space<vmem>>, vector<1x128xf32>
      tpu.vector_store %arg11[%swap3A, %swap3A_51], %add3A_50 {strides = array<i32>} : memref<1x128xf32, #tpu.memory_space<vmem>>, vector<1x128xf32>,
      %get3A_53 = arith.constant 0 : index
      %get3A_54 = arith.constant 0 : index
      %get3A_55 = vector.load %arg12[%get3A_53, %get3A_54] : memref<128x128xf32, #tpu.memory_space<vmem>>, vector<128x128xf32>
      %dot_general3A = arith.constant dense<0.000000e+00> : vector<128x128xf32>
      %dot_general3A_56 = tpu.matmul %mul3A_30, %mul3A_30, %dot_general3A {dimension_numbers = #tpu.dot_dimension_numbers<[0], [0], [1], [1], [0, 1, 1, 1], [], []>, precision = #tpu.contract_precision<fp32>, transpose_lhs_hint = false} : vector<2000x128xf32>, vector<2000x128xf32>, vector<128x128xf32> -> vector<128x128xf32>
      %add3A_57 = arith.addf %get3A_55, %dot_general3A_56 : vector<128x128xf32>
      %swap3A_58 = arith.constant 0 : index
      %swap3A_59 = arith.constant 0 : index
      %swap3A_60 = vector.load %arg12[%swap3A_58, %swap3A_59] : memref<128x128xf32, #tpu.memory_space<vmem>>, vector<128x128xf32>
      tpu.vector_store %arg12[%swap3A_58, %swap3A_59], %add3A_57 {strides = array<i32>} : memref<128x128xf32, #tpu.memory_space<vmem>>, vector<128x128xf32>,
    } else {
    }
    %eq3A_37 = arith.constant 4 : i32
    %eq3A_38 = arith.cmpi eq, %arg0, %eq3A_37 : i32
    %convert_element_type3A_39 = arith.extui %eq3A_38 : i1 to i32
    %cond3A_40 = arith.constant 0 : i32
    %cond3A_41 = arith.cmpi ne, %convert_element_type3A_39, %cond3A_40 : i32
    scf.if %cond3A_41 {
      %get3A_46 = arith.constant 0 : index
      %get3A_47 = arith.constant 0 : index
      %get3A_48 = vector.load %arg4[%get3A_46, %get3A_47] : memref<256x128xf32, #tpu.memory_space<vmem>>, vector<256x128xf32>
      %get3A_49 = arith.constant 0 : index
      %get3A_50 = arith.constant 0 : index
      %get3A_51 = vector.load %arg5[%get3A_49, %get3A_50] : memref<1x256xf32, #tpu.memory_space<vmem>>, vector<1x256xf32>
      %get3A_52 = arith.constant 0 : index
      %get3A_53 = arith.constant 0 : index
      %get3A_54 = vector.load %arg11[%get3A_52, %get3A_53] : memref<1x128xf32, #tpu.memory_space<vmem>>, vector<1x128xf32>
      %mul3A_55 = arith.constant 9.99999974E-5 : f32
      %mul3A_56 = vector.broadcast %mul3A_55 : f32 to vector<1x128xf32>
      %mul3A_57 = arith.mulf %get3A_54, %mul3A_56 : vector<1x128xf32>
      %dot_general3A = arith.constant dense<0.000000e+00> : vector<1x256xf32>
      %dot_general3A_58 = tpu.matmul %mul3A_57, %get3A_48, %dot_general3A {dimension_numbers = #tpu.dot_dimension_numbers<[1], [1], [0], [0], [0, 0, 1, 0], [], []>, precision = #tpu.contract_precision<fp32>, transpose_lhs_hint = false} : vector<1x128xf32>, vector<256x128xf32>, vector<1x256xf32> -> vector<1x256xf32>
      %add3A_59 = arith.addf %dot_general3A_58, %get3A_51 : vector<1x256xf32>
      %get3A_60 = arith.constant 0 : index
      %get3A_61 = arith.constant 0 : index
      %get3A_62 = vector.load %arg12[%get3A_60, %get3A_61] : memref<128x128xf32, #tpu.memory_space<vmem>>, vector<128x128xf32>
      %mul3A_63 = arith.constant 9.99999974E-5 : f32
      %mul3A_64 = vector.broadcast %mul3A_63 : f32 to vector<128x128xf32>
      %mul3A_65 = arith.mulf %get3A_62, %mul3A_64 : vector<128x128xf32>
      %dot_general3A_66 = arith.constant dense<0.000000e+00> : vector<256x128xf32>
      %dot_general3A_67 = tpu.matmul %get3A_48, %mul3A_65, %dot_general3A_66 {dimension_numbers = #tpu.dot_dimension_numbers<[1], [0], [0], [1], [0, 0, 1, 1], [], []>, precision = #tpu.contract_precision<fp32>, transpose_lhs_hint = false} : vector<256x128xf32>, vector<128x128xf32>, vector<256x128xf32> -> vector<256x128xf32>
      %mul3A_68 = arith.mulf %dot_general3A_67, %get3A_48 : vector<256x128xf32>
      %reduce_sum3A = arith.constant dense<0.000000e+00> : vector<256xf32>
      %reduce_sum3A_69 = vector.multi_reduction <add>, %mul3A_68, %reduce_sum3A [1] : vector<256x128xf32> to vector<256xf32>
      %broadcast_in_dim3A = vector.shape_cast %reduce_sum3A_69 : vector<256xf32> to vector<1x256xf32>
      %mul3A_70 = arith.constant 2.000000e+00 : f32
      %mul3A_71 = vector.broadcast %mul3A_70 : f32 to vector<1x256xf32>
      %mul3A_72 = arith.mulf %mul3A_71, %get3A_51 : vector<1x256xf32>
      %mul3A_73 = arith.mulf %mul3A_72, %add3A_59 : vector<1x256xf32>
      %add3A_74 = arith.addf %broadcast_in_dim3A, %mul3A_73 : vector<1x256xf32>
      %mul3A_75 = arith.mulf %get3A_51, %get3A_51 : vector<1x256xf32>
      %sub3A = arith.subf %add3A_74, %mul3A_75 : vector<1x256xf32>
      %mul3A_76 = arith.mulf %add3A_59, %add3A_59 : vector<1x256xf32>
      %sub3A_77 = arith.subf %sub3A, %mul3A_76 : vector<1x256xf32>
      %get3A_78 = arith.constant 0 : index
      %get3A_79 = arith.constant 0 : index
      %get3A_80 = vector.load %arg6[%get3A_78, %get3A_79] : memref<1x256xf32, #tpu.memory_space<vmem>>, vector<1x256xf32>
      %add3A_81 = arith.constant 9.99999974E-6 : f32
      %add3A_82 = vector.broadcast %add3A_81 : f32 to vector<1x256xf32>
      %add3A_83 = arith.addf %sub3A_77, %add3A_82 : vector<1x256xf32>
      %sqrt3A_84 = math.sqrt %add3A_83 : vector<1x256xf32>
      %div3A_85 = arith.divf %get3A_80, %sqrt3A_84 : vector<1x256xf32>
      %swap3A = arith.constant 0 : index
      %swap3A_86 = arith.constant 0 : index
      %swap3A_87 = vector.load %arg13[%swap3A, %swap3A_86] : memref<1x256xf32, #tpu.memory_space<vmem>>, vector<1x256xf32>
      tpu.vector_store %arg13[%swap3A, %swap3A_86], %div3A_85 {strides = array<i32>} : memref<1x256xf32, #tpu.memory_space<vmem>>, vector<1x256xf32>,
      %get3A_88 = arith.constant 0 : index
      %get3A_89 = arith.constant 0 : index
      %get3A_90 = vector.load %arg7[%get3A_88, %get3A_89] : memref<1x256xf32, #tpu.memory_space<vmem>>, vector<1x256xf32>
      %mul3A_91 = arith.mulf %add3A_59, %div3A_85 : vector<1x256xf32>
      %sub3A_92 = arith.subf %get3A_90, %mul3A_91 : vector<1x256xf32>
      %mul3A_93 = arith.mulf %div3A_85, %get3A_51 : vector<1x256xf32>
      %add3A_94 = arith.addf %sub3A_92, %mul3A_93 : vector<1x256xf32>
      %swap3A_95 = arith.constant 0 : index
      %swap3A_96 = arith.constant 0 : index
      %swap3A_97 = vector.load %arg14[%swap3A_95, %swap3A_96] : memref<1x256xf32, #tpu.memory_space<vmem>>, vector<1x256xf32>
      tpu.vector_store %arg14[%swap3A_95, %swap3A_96], %add3A_94 {strides = array<i32>} : memref<1x256xf32, #tpu.memory_space<vmem>>, vector<1x256xf32>,
    } else {
    }
    %ge3A = arith.constant 5 : i32
    %ge3A_42 = arith.cmpi sge, %arg0, %ge3A : i32
    %convert_element_type3A_43 = arith.extui %ge3A_42 : i1 to i32
    %cond3A_44 = arith.constant 0 : i32
    %cond3A_45 = arith.cmpi ne, %convert_element_type3A_43, %cond3A_44 : i32
    scf.if %cond3A_45 {
      %get3A_46 = arith.constant 0 : index
      %get3A_47 = arith.constant 0 : index
      %get3A_48 = vector.load %arg4[%get3A_46, %get3A_47] : memref<256x128xf32, #tpu.memory_space<vmem>>, vector<256x128xf32>
      %dot_general3A = arith.constant dense<0.000000e+00> : vector<2000x256xf32>
      %dot_general3A_49 = tpu.matmul %mul3A_30, %get3A_48, %dot_general3A {dimension_numbers = #tpu.dot_dimension_numbers<[1], [1], [0], [0], [0, 0, 1, 0], [], []>, precision = #tpu.contract_precision<fp32>, transpose_lhs_hint = false} : vector<2000x128xf32>, vector<256x128xf32>, vector<2000x256xf32> -> vector<2000x256xf32>
      %get3A_50 = arith.constant 0 : index
      %get3A_51 = arith.constant 0 : index
      %get3A_52 = vector.load %arg13[%get3A_50, %get3A_51] : memref<1x256xf32, #tpu.memory_space<vmem>>, vector<1x256xf32>
      %mul3A_53 = vector.broadcast %get3A_52 : vector<1x256xf32> to vector<2000x256xf32>
      %mul3A_54 = arith.mulf %dot_general3A_49, %mul3A_53 : vector<2000x256xf32>
      %get3A_55 = arith.constant 0 : index
      %get3A_56 = arith.constant 0 : index
      %get3A_57 = vector.load %arg14[%get3A_55, %get3A_56] : memref<1x256xf32, #tpu.memory_space<vmem>>, vector<1x256xf32>
      %add3A_58 = vector.broadcast %get3A_57 : vector<1x256xf32> to vector<2000x256xf32>
      %add3A_59 = arith.addf %mul3A_54, %add3A_58 : vector<2000x256xf32>
      %max3A = arith.constant 0.000000e+00 : f32
      %max3A_60 = vector.broadcast %max3A : f32 to vector<2000x256xf32>
      %max3A_61 = arith.maximumf %add3A_59, %max3A_60 : vector<2000x256xf32>
      %get3A_62 = arith.constant 0 : index
      %get3A_63 = arith.constant 0 : index
      %get3A_64 = vector.load %arg8[%get3A_62, %get3A_63] : memref<64x256xf32, #tpu.memory_space<vmem>>, vector<64x256xf32>
      %dot_general3A_65 = arith.constant dense<0.000000e+00> : vector<2000x64xf32>
      %dot_general3A_66 = tpu.matmul %max3A_61, %get3A_64, %dot_general3A_65 {dimension_numbers = #tpu.dot_dimension_numbers<[1], [1], [0], [0], [0, 0, 1, 0], [], []>, precision = #tpu.contract_precision<fp32>, transpose_lhs_hint = false} : vector<2000x256xf32>, vector<64x256xf32>, vector<2000x64xf32> -> vector<2000x64xf32>
      %get3A_67 = arith.constant 0 : index
      %get3A_68 = arith.constant 0 : index
      %get3A_69 = vector.load %arg9[%get3A_67, %get3A_68] : memref<1x64xf32, #tpu.memory_space<vmem>>, vector<1x64xf32>
      %add3A_70 = vector.broadcast %get3A_69 : vector<1x64xf32> to vector<2000x64xf32>
      %add3A_71 = arith.addf %dot_general3A_66, %add3A_70 : vector<2000x64xf32>
      %swap3A = arith.constant 0 : index
      %swap3A_72 = arith.constant 0 : index
      %swap3A_73 = vector.load %arg10[%swap3A, %swap3A_72] : memref<2000x64xf32, #tpu.memory_space<vmem>>, vector<2000x64xf32>
      tpu.vector_store %arg10[%swap3A, %swap3A_72], %add3A_71 {strides = array<i32>} : memref<2000x64xf32, #tpu.memory_space<vmem>>, vector<2000x64xf32>,
    } else {
    }
    return
  }
  func.func @transform_0(%arg0: i32) -> (i32, i32, i32) {
    %jit3A = arith.constant 5 : i32
    %eq3A = arith.constant 0 : i32
    %eq3A_0 = arith.cmpi eq, %jit3A, %eq3A : i32
    %jit3A_1 = arith.constant 1 : i32
    %select_n3A = arith.select %eq3A_0, %jit3A_1, %jit3A : i32
    %rem3A = arith.remsi %arg0, %select_n3A : i32
    %ne3A = arith.constant 0 : i32
    %ne3A_2 = arith.cmpi ne, %rem3A, %ne3A : i32
    %lt3A = arith.constant 0 : i32
    %lt3A_3 = arith.cmpi slt, %rem3A, %lt3A : i32
    %lt3A_4 = arith.constant 0 : i32
    %lt3A_5 = arith.cmpi slt, %select_n3A, %lt3A_4 : i32
    %ne3A_6 = arith.xori %lt3A_3, %lt3A_5 : i1
    %and3A = arith.andi %ne3A_6, %ne3A_2 : i1
    %add3A = arith.addi %rem3A, %select_n3A : i32
    %select_n3A_7 = arith.select %and3A, %add3A, %rem3A : i32
    %c0_i32 = arith.constant 0 : i32
    %c0_i32_8 = arith.constant 0 : i32
    %c0_i32_9 = arith.constant 0 : i32
    return %c0_i32, %select_n3A_7, %c0_i32_8 : i32, i32, i32
  }
  func.func @transform_1(%arg0: i32) -> (i32, i32, i32) {
    %jit3A = arith.constant 5 : i32
    %eq3A = arith.constant 0 : i32
    %eq3A_0 = arith.cmpi eq, %jit3A, %eq3A : i32
    %jit3A_1 = arith.constant 1 : i32
    %select_n3A = arith.select %eq3A_0, %jit3A_1, %jit3A : i32
    %rem3A = arith.remsi %arg0, %select_n3A : i32
    %ne3A = arith.constant 0 : i32
    %ne3A_2 = arith.cmpi ne, %rem3A, %ne3A : i32
    %lt3A = arith.constant 0 : i32
    %lt3A_3 = arith.cmpi slt, %rem3A, %lt3A : i32
    %lt3A_4 = arith.constant 0 : i32
    %lt3A_5 = arith.cmpi slt, %select_n3A, %lt3A_4 : i32
    %ne3A_6 = arith.xori %lt3A_3, %lt3A_5 : i1
    %and3A = arith.andi %ne3A_6, %ne3A_2 : i1
    %add3A = arith.addi %rem3A, %select_n3A : i32
    %select_n3A_7 = arith.select %and3A, %add3A, %rem3A : i32
    %c0_i32 = arith.constant 0 : i32
    %c0_i32_8 = arith.constant 0 : i32
    %c0_i32_9 = arith.constant 0 : i32
    return %c0_i32, %select_n3A_7, %c0_i32_8 : i32, i32, i32
  }
  func.func @transform_2(%arg0: i32) -> (i32, i32) {
    %jit3A = arith.constant 5 : i32
    %eq3A = arith.constant 0 : i32
    %eq3A_0 = arith.cmpi eq, %jit3A, %eq3A : i32
    %jit3A_1 = arith.constant 1 : i32
    %select_n3A = arith.select %eq3A_0, %jit3A_1, %jit3A : i32
    %rem3A = arith.remsi %arg0, %select_n3A : i32
    %ne3A = arith.constant 0 : i32
    %ne3A_2 = arith.cmpi ne, %rem3A, %ne3A : i32
    %lt3A = arith.constant 0 : i32
    %lt3A_3 = arith.cmpi slt, %rem3A, %lt3A : i32
    %lt3A_4 = arith.constant 0 : i32
    %lt3A_5 = arith.cmpi slt, %select_n3A, %lt3A_4 : i32
    %ne3A_6 = arith.xori %lt3A_3, %lt3A_5 : i1
    %and3A = arith.andi %ne3A_6, %ne3A_2 : i1
    %add3A = arith.addi %rem3A, %select_n3A : i32
    %select_n3A_7 = arith.select %and3A, %add3A, %rem3A : i32
    %c0_i32 = arith.constant 0 : i32
    %c0_i32_8 = arith.constant 0 : i32
    return %select_n3A_7, %c0_i32 : i32, i32
  }
  func.func @transform_3(%arg0: i32) -> (i32, i32) {
    %c0_i32 = arith.constant 0 : i32
    %c0_i32_0 = arith.constant 0 : i32
    %c0_i32_1 = arith.constant 0 : i32
    return %c0_i32, %c0_i32_0 : i32, i32
  }
  func.func @transform_4(%arg0: i32) -> (i32, i32) {
    %c0_i32 = arith.constant 0 : i32
    %c0_i32_0 = arith.constant 0 : i32
    %c0_i32_1 = arith.constant 0 : i32
    return %c0_i32, %c0_i32_0 : i32, i32
  }
  func.func @transform_5(%arg0: i32) -> (i32, i32) {
    %c0_i32 = arith.constant 0 : i32
    %c0_i32_0 = arith.constant 0 : i32
    %c0_i32_1 = arith.constant 0 : i32
    return %c0_i32, %c0_i32_0 : i32, i32
  }
  func.func @transform_6(%arg0: i32) -> (i32, i32) {
    %c0_i32 = arith.constant 0 : i32
    %c0_i32_0 = arith.constant 0 : i32
    %c0_i32_1 = arith.constant 0 : i32
    return %c0_i32, %c0_i32_0 : i32, i32
  }
  func.func @transform_7(%arg0: i32) -> (i32, i32) {
    %c0_i32 = arith.constant 0 : i32
    %c0_i32_0 = arith.constant 0 : i32
    %c0_i32_1 = arith.constant 0 : i32
    return %c0_i32, %c0_i32_0 : i32, i32
  }
  func.func @transform_8(%arg0: i32) -> (i32, i32) {
    %c0_i32 = arith.constant 0 : i32
    %c0_i32_0 = arith.constant 0 : i32
    %c0_i32_1 = arith.constant 0 : i32
    return %c0_i32, %c0_i32_0 : i32, i32
  }
  func.func @transform_9(%arg0: i32) -> (i32, i32) {
    %jit3A = arith.constant 5 : i32
    %eq3A = arith.constant 0 : i32
    %eq3A_0 = arith.cmpi eq, %jit3A, %eq3A : i32
    %jit3A_1 = arith.constant 1 : i32
    %select_n3A = arith.select %eq3A_0, %jit3A_1, %jit3A : i32
    %rem3A = arith.remsi %arg0, %select_n3A : i32
    %ne3A = arith.constant 0 : i32
    %ne3A_2 = arith.cmpi ne, %rem3A, %ne3A : i32
    %lt3A = arith.constant 0 : i32
    %lt3A_3 = arith.cmpi slt, %rem3A, %lt3A : i32
    %lt3A_4 = arith.constant 0 : i32
    %lt3A_5 = arith.cmpi slt, %select_n3A, %lt3A_4 : i32
    %ne3A_6 = arith.xori %lt3A_3, %lt3A_5 : i1
    %and3A = arith.andi %ne3A_6, %ne3A_2 : i1
    %add3A = arith.addi %rem3A, %select_n3A : i32
    %select_n3A_7 = arith.select %and3A, %add3A, %rem3A : i32
    %c0_i32 = arith.constant 0 : i32
    %c0_i32_8 = arith.constant 0 : i32
    return %select_n3A_7, %c0_i32 : i32, i32
  }
}

</mosaic_0001>

<sc_bundles>
// kernel: kernel.6.cloned.1.call-start
scs
__scs_entry_jumppad:
0x0: {  	(pc) =	sbr.rel $0x88, $3  }
0x1: {  	(tag) =	ssettag $0x0;
	lr =	simm.s32 $0x1  }
0x2: {  	[smem:$0x3F99] =	sst lr;
	_ =	strace $0xD0000000  }
0x3: {  	_ = 	snop  }
0x4: {  	_ = 	snop  }
0x5: {  	_ = 	snop  }
0x6: {  	_ = 	snop  }
0x7: {  	_ = 	snop  }
__scs_overlays_trampoline_lowered:
0x8: {  	[smem:$0x3FA8] =	sst s0  }
0x9: {  	[smem:$0x3FA9] =	sst s1  }
0xa: {  	[smem:$0x3FAA] =	sst s2  }
0xb: {  	[smem:$0x3FAB] =	sst s3  }
0xc: {  	[smem:$0x3FAC] =	sst s4  }
0xd: {  	[smem:$0x3FAD] =	sst s5  }
0xe: {  	[smem:$0x3FAE] =	sst s6  }
0xf: {  	[smem:$0x3FAF] =	sst s7  }
0x10: {  	[smem:$0x3FB0] =	sst s8  }
0x11: {  	[smem:$0x3FB1] =	sst s9;
	s0 =	simm.s32 @!p0 $0x0  }
0x12: {  	s1 =	sld [smem:$0x3F97];
	s0 =	simm.s32 @p0 $0x1  }
0x13: {  	[smem:$0x3FB2] =	sst s0;
	s0 =	simm.s32 @!p1 $0x0  }
0x14: {  	s2 =	sld [smem:$0x3F96];
	s0 =	simm.s32 @p1 $0x1  }
0x15: {  	[smem:$0x3FB3] =	sst s0;
	s0 =	simm.s32 @!p2 $0x0  }
0x16: {  	s3 =	sld [smem:$0x3FDB];
	s0 =	simm.s32 @p2 $0x1  }
0x17: {  	s4 =	simm.s32 $0x1BF5;
	[smem:$0x3FB5] =	sst s0  }
0x18: {  	s0 =	sld [smem:$0x3F98];
	_ =	swait.ge [sflag:s4], $0x0  }
0x19: {  	s7 =	sld [smem:$0x3F99]  }
0x1a: {  	s8 =	sadd.s32 $0xFFFFE003, lr  }
0x1b: {  	s9 =	sadd.s32 $0xFFFFFEF7, lr;
	s5 =	simm.s32 $0xFFFFFFFF;
	p2 =	slt.u32 s8, $0xFFFFF086  }
0x1c: {  	p1 =	slt.u32 s9, $0xF7A;
	s5 =	simm.s32 @!p2 $0x0  }
0x1d: {  	s5 =	simm.s32 @p1 $0x1;
	p0 =	seq.s32 s7, s2  }
0x1e: {  	s7 =	smul.u32 @!p0 $0xF7A, s2;
	p2 =	seq.s32 @!p0 s5, $0x0  }
0x1f: {  	s9 =	smul.u32 $0xF7A, s1;
	s8 =	simm.s32 @!p0 $0x1BF5;
	p2 =	por !p2, p0  }
0x20: {  	[sflag:s8] =	ssyncset.s32 @!p0 $0xFFFFF086;
	s6 =	sadd.s32 @!p0 s3, s7;
	s7 =	simm.s32 @!p0 $0x108  }
0x21: {  	s3 =	sadd.s32 s3, s9;
	s6 =	sadd.s32 @!p0 $0x88, s6;
	s7 =	simm.s32 @p2 $0x1082  }
0x22: {  	[simem:s7], [sflag:s8] =	dma.local @!p0 [hbm:s6], $0xF7A  }
0x23: {  	s9 =	sor.u32 $0xD0000000, s2;
	s6 =	simm.s32 $0x108;
	_ =	swait.ge @!p0 [sflag:s8], $0x0  }
0x24: {  	s3 =	sadd.s32 $0x88, s3;
	s6 =	simm.s32 @!p1 $0x1082;
	[sflag:s4] =	ssyncset.s32 $0xFFFFF086  }
0x25: {  	[simem:s6], [sflag:s4] =	dma.local [hbm:s3], $0xF7A  }
0x26: {  	[smem:$0x3F99] =	sst s1;
	(tag) =	ssettag s2;
	_ =	strace s9  }
0x27: {  	s1 =	sld [smem:$0x3FA9]  }
0x28: {  	s2 =	sld [smem:$0x3FAA]  }
0x29: {  	s4 =	sld [smem:$0x3FAC]  }
0x2a: {  	p0 =	seq.s32 s5, $0x0;
	s5 =	sld [smem:$0x3FAD]  }
0x2b: {  	s6 =	sld [smem:$0x3FAE]  }
0x2c: {  	s7 =	sld [smem:$0x3FAF]  }
0x2d: {  	s3 =	simm.s32 $0x108;
	s8 =	sld [smem:$0x3FB0]  }
0x2e: {  	s3 =	simm.s32 @!p0 $0x1082;
	s9 =	sld [smem:$0x3FB1]  }
0x2f: {  	lr =	sadd.s32 s0, s3;
	s0 =	sld [smem:$0x3FA8]  }
0x30: {  	s3 =	sld [smem:$0x3FAB]  }
0x31: {  	[smem:$0x3FB4] =	sst s10  }
0x32: {  	s10 =	sld [smem:$0x3FB2];
	_ =	sdelay $0x3  }
0x33: {  	p0 =	seq.s32 s10, $0x1;
	s10 =	sld [smem:$0x3FB4];
	_ =	sdelay $0x3  }
0x34: {  	[smem:$0x3FB4] =	sst s10  }
0x35: {  	s10 =	sld [smem:$0x3FB3];
	_ =	sdelay $0x3  }
0x36: {  	p1 =	seq.s32 s10, $0x1;
	s10 =	sld [smem:$0x3FB4];
	_ =	sdelay $0x3  }
0x37: {  	[smem:$0x3FB4] =	sst s10  }
0x38: {  	s10 =	sld [smem:$0x3FB5]  }
0x39: {  	_ = 	snop;
	(pc) =	sbr.ind lr, $3  }
0x3a: {  	_ = 	snop  }
0x3b: {  	_ = 	snop  }
0x3c: {  	p2 =	seq.s32 s10, $0x1;
	s10 =	sld [smem:$0x3FB4]  }
0x3d: {  	_ =	shalt  }
0x3e: {  	_ =	shalt  }
0x3f: {  	_ =	shalt  }
0x40: {  	_ =	shalt  }
0x41: {  	_ =	shalt  }
0x42: {  	_ =	shalt  }
0x43: {  	_ =	shalt  }
0x44: {  	_ =	shalt  }
0x45: {  	_ =	shalt  }
0x46: {  	_ =	shalt  }
0x47: {  	_ =	shalt  }
0x48: {  	_ =	shalt  }
0x49: {  	_ =	shalt  }
0x4a: {  	_ =	shalt  }
0x4b: {  	_ =	shalt  }
0x4c: {  	_ =	shalt  }
0x4d: {  	_ =	shalt  }
0x4e: {  	_ =	shalt  }
0x4f: {  	_ =	shalt  }
0x50: {  	_ =	shalt  }
0x51: {  	_ =	shalt  }
0x52: {  	_ =	shalt  }
0x53: {  	_ =	shalt  }
0x54: {  	_ =	shalt  }
0x55: {  	_ =	shalt  }
0x56: {  	_ =	shalt  }
0x57: {  	_ =	shalt  }
0x58: {  	_ =	shalt  }
0x59: {  	_ =	shalt  }
0x5a: {  	_ =	shalt  }
0x5b: {  	_ =	shalt  }
0x5c: {  	_ =	shalt  }
0x5d: {  	_ =	shalt  }
0x5e: {  	_ =	shalt  }
0x5f: {  	_ =	shalt  }
0x60: {  	_ =	shalt  }
0x61: {  	_ =	shalt  }
0x62: {  	_ =	shalt  }
0x63: {  	_ =	shalt  }
0x64: {  	_ =	shalt  }
0x65: {  	_ =	shalt  }
0x66: {  	_ =	shalt  }
0x67: {  	_ =	shalt  }
0x68: {  	_ =	shalt  }
0x69: {  	_ =	shalt  }
0x6a: {  	_ =	shalt  }
0x6b: {  	_ =	shalt  }
0x6c: {  	_ =	shalt  }
0x6d: {  	_ =	shalt  }
0x6e: {  	_ =	shalt  }
0x6f: {  	_ =	shalt  }
0x70: {  	_ =	shalt  }
0x71: {  	_ =	shalt  }
0x72: {  	_ =	shalt  }
0x73: {  	_ =	shalt  }
0x74: {  	_ =	shalt  }
0x75: {  	_ =	shalt  }
0x76: {  	_ =	shalt  }
0x77: {  	_ =	shalt  }
0x78: {  	_ =	shalt  }
0x79: {  	_ =	shalt  }
0x7a: {  	_ =	shalt  }
0x7b: {  	_ =	shalt  }
0x7c: {  	_ =	shalt  }
0x7d: {  	_ =	shalt  }
0x7e: {  	_ =	shalt  }
0x7f: {  	_ =	shalt  }
0x80: {  	_ =	shalt  }
0x81: {  	_ =	shalt  }
0x82: {  	_ =	shalt  }
0x83: {  	_ =	shalt  }
0x84: {  	_ =	shalt  }
0x85: {  	_ =	shalt  }
0x86: {  	_ =	shalt  }
0x87: {  	_ =	shalt  }
.Lfunc_end0:
.L_simem_size_0:
called_computation_lowered:
.L_overlay_start_0:
0x88: {  	s2 =	sld [smem:$0x3FD9]  }
0x89: {  	s3 =	sld [smem:$0x3FFE];
	_ =	sdelay $0x1  }
0x8a: {  	s1 =	srdreg.scid  }
0x8b: {  	s0 =	sand.u32 $0x1, s1  }
0x8c: {  	s17 =	sshll.u32 s0, $0xA;
	s2 =	sadd.s32 s3, s2  }
0x8d: {  	s2 =	sadd.s32 s2, s17  }
0x8e: {  	[smem:$0x3FC0] =	sst s2  }
0x8f: {  	_ = 	snop  }
0x90: {  	s2 =	sld [smem:$0x3FD0];
	(tm) =	ssettm $0x1  }
0x91: {  	s18 =	sld [smem:$0x3FFB];
	_ =	sdelay $0x3  }
0x92: {  	_ =	strace s18  }
0x93: {  	s3 =	sld [smem:$0x3FFC];
	_ =	sdelay $0x3  }
0x94: {  	_ =	strace s3  }
0x95: {  	s3 =	sld [smem:$0x3FFD];
	_ =	sdelay $0x3  }
0x96: {  	_ =	strace s3  }
0x97: {  	_ =	strace $0x8FFFFFFF  }
0x98: {  	s19 =	sld [smem:$0x3FDB];
	_ =	sdelay $0x1  }
0x99: {  	s4 =	simm.s32 $_scs_section_size  }
0x9a: {  	s5 =	simm.s32 $_size__tile_overlayer_lowered;
	s6 =	simm.s32 $_tile_overlayer_lowered  }
0x9b: {  	s22 =	simm.s32 $0x1BFF;
	s21 =	sshll.u32 s6, $0x1;
	s3 =	sadd.s32 s4, s19  }
0x9c: {  	s7 =	simm.s32 $0x0;
	s20 =	sshll.u32 s5, $0x1;
	s5 =	sadd.s32 s21, s3  }
0x9d: {  	[timem:s7], [sflag:s22] =	dma.local [hbm:s5], s20  }
0x9e: {  	_ =	swait.ge [sflag:s22], s20  }
0x9f: {  	s4 =	ssub.s32 $0x0, s20;
	[sflag:s22] =	ssyncset.done $0x0  }
0xa0: {  	[sflag:s22] =	ssyncadd.s32 s4;
	_ =	sdelay $0x1  }
0xa1: {  	s23 =	simm.s32 $0x1B8B  }
0xa2: {  	_ =	swait.ge [sflag:s23], $0x1  }
0xa3: {  	[sflag:s23] =	ssyncset.done $0x0  }
0xa4: {  	s25 =	simm.s32 $0x1B8E;
	s24 =	sld [smem:$0x3FFE];
	[sflag:s23] =	ssyncadd.s32 $0xFFFFFFFF  }
0xa5: {  	s26 =	simm.s32 $execute0_lowered;
	[smem:$0x3FD2] =	sst s25  }
0xa6: {  	s5 =	sshll.u32 s26, $0x1;
	_ =	strace $0x80000046;
	[dreg:$0x1] =	wrdreg $0xFFFFFFFF  }
0xa7: {  	s28 =	simm.s32 $_size_execute0_lowered;
	s3 =	sadd.s32 s3, s5;
	[dreg:$0x0] =	wrdreg $0x0  }
0xa8: {  	s5 =	sshll.u32 s28, $0x1;
	[dreg:$0x2] =	wrdreg s3  }
0xa9: {  	[dreg:$0x3] =	wrdreg s5  }
0xaa: {  	[dreg:$0x4] =	wrdreg $0xC0  }
0xab: {  	_ =	task [dreg:s7], $0x5FFFF  }
0xac: {  	[dreg:$0x1] =	wrdreg $0xFFFFFFFF  }
0xad: {  	[dreg:$0x0] =	wrdreg $0x60  }
0xae: {  	[dreg:$0x2] =	wrdreg s2  }
0xaf: {  	[dreg:$0x3] =	wrdreg s24  }
0xb0: {  	[dreg:$0x4] =	wrdreg $0x68000  }
0xb1: {  	[dreg:$0x5] =	wrdreg $0x9  }
0xb2: {  	_ =	task.clear_ibuf [dreg:s7], $0x6FFFF;
	_ =	strace $0x90000046  }
0xb3: {  	s29 =	simm.s32 $0x9;
	_ =	strace $0x80000048  }
0xb4: {  	_ =	swait.ge [sflag:s29], $0x1  }
0xb5: {  	[sflag:s29] =	ssyncadd.s32 $0xFFFFFFFF  }
0xb6: {  	_ =	strace $0x90000048  }
0xb7: {  	_ =	sfence  }
0xb8: {  	s30 =	sld [smem:$0x0];
	_ =	sdelay $0x2  }
0xb9: {  	s31 =	sshll.u32 s1, $0xD;
	s1 =	sshrl.u32 s1, $0x2  }
0xba: {  	s3 =	sand.u32 $0x4000, s31;
	s1 =	sadd.s32 s1, s30  }
0xbb: {  	s0 =	sor.u32 s3, s0;
	s1 =	sshll.u32 s1, $0x11  }
0xbc: {  	s0 =	sor.u32 s1, s0  }
0xbd: {  	s0 =	sadd.s32 $0x8F2B, s0  }
0xbe: {  	[sflag:s0] =	ssyncadd.remote.s32 $0x1  }
0xbf: {  	_ =	sfence.sel $0xFFFF  }
0xc0: {  	[dreg:$0x0] =	wrdreg $0xFFFFFFFF;
	(pc) =	sbr.abs _section_cstart, $3  }
0xc1: {  	[dreg:$0x1] =	wrdreg $0xFFFFFFFF  }
0xc2: {  	_ =	task.clear_ibuf [dreg:s7], $0x2FFFF;
	_ =	strace $0x9FFFFFFF  }
0xc3: {  	(tm) =	ssettm $0x7FFFFFFF  }
tec
execute0_lowered:
.L_overlay_start_1:
0x0: {  	(tag) =	ssettag $0x1  }
0x1: {  	s7 =	rddreg [dreg:$0x0]  }
0x2: {  	s5 =	rddreg [dreg:$0x1]  }
0x3: {  	s2 =	rddreg [dreg:$0x2]  }
0x4: {  	s0 =	rddreg [dreg:$0x3]  }
0x5: {  	s1 =	stileid.u32;
	s4 =	srdreg.scid  }
0x6: {  	s3 =	simm.s32 $0x0;
	s14 =	simm.s32 $0x1;
	s15 =	simm.s32 $0x0  }
0x7: {  	s6 =	smul.u32 $0x14000, s1;
	s8 =	sand.u32 $0x1, s4;
	[smem:$0x7FF] =	sst s3  }
0x8: {  	s4 =	sadd.s32 $0x1E00, s5;
	s12 =	smul.u32 $0x50000, s1;
	s30 =	sshll.u32 s1, $0x6  }
0x9: {  	s9 =	smul.u32 $0x140000, s8;
	_ =	strace $0x80000047;
	s26 =	ssub.s32 $0x2, s8  }
0xa: {  	s8 =	sshll.u32 s8, $0x4;
	s10 =	sshrl.u32 s6, $0x3;
	s11 =	sshrl.u32 s26, $0x1  }
0xb: {  	s28 =	sor.u32 s1, s8;
	s29 =	sshrl.u32 s12, $0x2;
	s6 =	sadd.s32 s6, s9  }
0xc: {  	s25 =	sadd.s32 s10, s5;
	s10 =	ssub.s32 s26, s11;
	s31 =	smul.u32 $0x500, s28  }
0xd: {  	s12 =	sadd.s32 s29, s2;
	s11 =	simm.s32 $0x2;
	s6 =	sshrl.u32 s6, $0x3  }
0xe: {  	s9 =	smax.u32 s10, $0x1;
	s10 =	sshrl.u32 s12, $0x3;
	s12 =	simm.s32 $0x2800  }
0xf: {  	s13 =	sadd.s32 s6, s5;
	s5 =	sadd.s32 $0x2600, s25;
	s6 =	sor.u32 $0x1C02, s30  }
0x10: {  	s7 =	sadd.s32 s7, s31;
	s8 =	sadd.s32 $0x2A600, s13;
	s13 =	simm.s32 $0x80  }
.LBB2_1:
0x11: {  	[spmem:s10], [sflag:s6] =	dma.local [hbm:s5], $0x2800  }
0x12: {  	_ =	swait.ge [sflag:s11], $0x2800  }
0x13: {  	[sflag:s11] =	ssyncset.done $0x0  }
0x14: {  	[sflag:s11] =	ssyncadd.s32 $0xFFFFD800  }
0x15: {  	[tilespmem:s3], [sflag:$0x2] =	stream.linear.gather [hbm4b:s7+s3], $0x2800, $0x38;
	[tilespmem:$0x1A800] =	vst v63  }
0x16: {  	_ =	swait.ge [sflag:s11], $0x2800  }
0x17: {  	[sflag:s11] =	ssyncset.done $0x0  }
0x18: {  	[sflag:s11] =	ssyncadd.s32 $0xFFFFD800  }
0x19: {  	[tilespmem:s12], [sflag:$0x2] =	stream.linear.gather [hbm4b:s4+s3], $0x4000, $0x38;
	[tilespmem:$0x1A800] =	vst v63  }
0x1a: {  	_ =	swait.ge [sflag:s11], $0x4000  }
0x1b: {  	[sflag:s11] =	ssyncset.done $0x0  }
0x1c: {  	[sflag:s11] =	ssyncadd.s32 $0xFFFFC000  }
0x1d: {  	s16 =	simm.s32 $0x0;
	[bflag:$0x0] =	sbarrier.arrive $0xFFFF  }
.LBB2_2:
0x1e: {  	p0 =	sne.s32 s16, $0x9E00  }
.Ltmp0:
0x1f: {  	_ = 	snop;
	(pc) =	sbr.rel @p0 .LBB2_2-.Ltmp0, $3  }
0x20: {  	_ =	sdelay $0x1  }
0x21: {  	s17 =	sshra.s32 s16, $0x2;
	s16 =	sadd.s32 $0x200, s16  }
0x22: {  	[spmem:s2] =	stream.indirect.scatter.add.f32 [tilespmem:s12], [sflag:$0x1], $0x80, s17, s13, $0xb8;
	[tilespmem:$0x1A800] =	vst v63  }
0x23: {  	_ =	swait.ge [sflag:s14], $0x4000  }
0x24: {  	s16 =	simm.s32 $0x4F;
	[sflag:s14] =	ssyncset.done $0x0  }
.LBB2_4:
0x25: {  	p0 =	sne.s32 s16, $0x1;
	s16 =	sadd.s32 $0xFFFFFFFF, s16;
	[sflag:s14] =	ssyncadd.s32 $0xFFFFC000  }
.Ltmp1:
0x26: {  	(pc) =	sbr.rel @p0 .LBB2_4-.Ltmp1, $3  }
0x27: {  	_ =	sdelay $0x1  }
0x28: {  	_ =	swait.ge [sflag:s14], $0x4000  }
0x29: {  	[sflag:s14] =	ssyncset.done $0x0  }
0x2a: {  	s15 =	sadd.s32 $0x1, s15  }
0x2b: {  	[sflag:s14] =	ssyncadd.s32 $0xFFFFC000;
	p0 =	sne.s32 s15, s9  }
.Ltmp2:
0x2c: {  	[bflag:$0x0] =	sbarrier.arrive $0xFFFF;
	(pc) =	sbr.rel @p0 .LBB2_1-.Ltmp2, $4  }
0x2d: {  	[hbm:s8], [sflag:s6] =	dma.local [spmem:s10], $0x2800  }
0x2e: {  	_ =	swait.ge [sflag:s11], $0x2800  }
0x2f: {  	[sflag:s11] =	ssyncset.done $0x0  }
0x30: {  	[sflag:s11] =	ssyncadd.s32 $0xFFFFD800  }
0x31: {  	_ =	sfence.sel $0x180000  }
0x32: {  	[bflag:$0x0] =	sbarrier.arrive $0xFFFF  }
0x33: {  	p0 =	sne.s32 s1, $0x0;
	_ =	strace $0x90000047  }
0x34: {  	s0 =	sadd.s32 @!p0 $0x100000, s0;
	[bflag:$0x2] =	sbarrier.arrive $0xFFFF  }
0x35: {  	[sflag:s0] =	ssyncadd.tile.s32 @!p0 $0x1;
	_ =	shalt  }
.Lfunc_end2:
_tile_overlayer_lowered:
.L_overlay_start_2:
0x36: {  	(tag) =	ssettag $0x2  }
0x37: {  	s0 =	rddreg [dreg:$0x0];
	s2 =	stileid.u32  }
0x38: {  	s1 =	rddreg [dreg:$0x1];
	p0 =	sne.s32 s2, $0x0  }
0x39: {  	s3 =	rddreg [dreg:$0x2];
	[bflag:$0x3] =	sbarrier.arrive $0xFFFF;
	s2 =	simm.s32 @!p0 $0x1C02  }
0x3a: {  	[timem:s3], [sflag:s2] =	dma.local @!p0 [hbm:s0], s1  }
0x3b: {  	s0 =	simm.s32 @!p0 $0x2  }
0x3c: {  	_ =	swait.ge @!p0 [sflag:s0], s1  }
0x3d: {  	s1 =	ssub.s32 @!p0 $0x0, s1;
	[sflag:s0] =	ssyncset.done @!p0 $0x0  }
0x3e: {  	[sflag:s0] =	ssyncadd.s32 @!p0 s1  }
0x3f: {  	[bflag:$0x3] =	sbarrier.arrive $0xFFFF  }
0x40: {  	_ =	shalt  }

// kernel: kernel.9.cloned.1.call-start
scs
__scs_entry_jumppad:
0x0: {  	(pc) =	sbr.rel $0x88, $3  }
0x1: {  	(tag) =	ssettag $0x0;
	lr =	simm.s32 $0x1  }
0x2: {  	[smem:$0x3F99] =	sst lr;
	_ =	strace $0xD0000000  }
0x3: {  	_ = 	snop  }
0x4: {  	_ = 	snop  }
0x5: {  	_ = 	snop  }
0x6: {  	_ = 	snop  }
0x7: {  	_ = 	snop  }
__scs_overlays_trampoline_lowered:
0x8: {  	[smem:$0x3FA8] =	sst s0  }
0x9: {  	[smem:$0x3FA9] =	sst s1  }
0xa: {  	[smem:$0x3FAA] =	sst s2  }
0xb: {  	[smem:$0x3FAB] =	sst s3  }
0xc: {  	[smem:$0x3FAC] =	sst s4  }
0xd: {  	[smem:$0x3FAD] =	sst s5  }
0xe: {  	[smem:$0x3FAE] =	sst s6  }
0xf: {  	[smem:$0x3FAF] =	sst s7  }
0x10: {  	[smem:$0x3FB0] =	sst s8  }
0x11: {  	[smem:$0x3FB1] =	sst s9;
	s0 =	simm.s32 @!p0 $0x0  }
0x12: {  	s1 =	sld [smem:$0x3F97];
	s0 =	simm.s32 @p0 $0x1  }
0x13: {  	[smem:$0x3FB2] =	sst s0;
	s0 =	simm.s32 @!p1 $0x0  }
0x14: {  	s2 =	sld [smem:$0x3F96];
	s0 =	simm.s32 @p1 $0x1  }
0x15: {  	[smem:$0x3FB3] =	sst s0;
	s0 =	simm.s32 @!p2 $0x0  }
0x16: {  	s3 =	sld [smem:$0x3FDB];
	s0 =	simm.s32 @p2 $0x1  }
0x17: {  	s4 =	simm.s32 $0x1BF5;
	[smem:$0x3FB5] =	sst s0  }
0x18: {  	s0 =	sld [smem:$0x3F98];
	_ =	swait.ge [sflag:s4], $0x0  }
0x19: {  	s7 =	sld [smem:$0x3F99]  }
0x1a: {  	s8 =	sadd.s32 $0xFFFFE003, lr  }
0x1b: {  	s9 =	sadd.s32 $0xFFFFFEF7, lr;
	s5 =	simm.s32 $0xFFFFFFFF;
	p2 =	slt.u32 s8, $0xFFFFF086  }
0x1c: {  	p1 =	slt.u32 s9, $0xF7A;
	s5 =	simm.s32 @!p2 $0x0  }
0x1d: {  	s5 =	simm.s32 @p1 $0x1;
	p0 =	seq.s32 s7, s2  }
0x1e: {  	s7 =	smul.u32 @!p0 $0xF7A, s2;
	p2 =	seq.s32 @!p0 s5, $0x0  }
0x1f: {  	s9 =	smul.u32 $0xF7A, s1;
	s8 =	simm.s32 @!p0 $0x1BF5;
	p2 =	por !p2, p0  }
0x20: {  	[sflag:s8] =	ssyncset.s32 @!p0 $0xFFFFF086;
	s6 =	sadd.s32 @!p0 s3, s7;
	s7 =	simm.s32 @!p0 $0x108  }
0x21: {  	s3 =	sadd.s32 s3, s9;
	s6 =	sadd.s32 @!p0 $0x88, s6;
	s7 =	simm.s32 @p2 $0x1082  }
0x22: {  	[simem:s7], [sflag:s8] =	dma.local @!p0 [hbm:s6], $0xF7A  }
0x23: {  	s9 =	sor.u32 $0xD0000000, s2;
	s6 =	simm.s32 $0x108;
	_ =	swait.ge @!p0 [sflag:s8], $0x0  }
0x24: {  	s3 =	sadd.s32 $0x88, s3;
	s6 =	simm.s32 @!p1 $0x1082;
	[sflag:s4] =	ssyncset.s32 $0xFFFFF086  }
0x25: {  	[simem:s6], [sflag:s4] =	dma.local [hbm:s3], $0xF7A  }
0x26: {  	[smem:$0x3F99] =	sst s1;
	(tag) =	ssettag s2;
	_ =	strace s9  }
0x27: {  	s1 =	sld [smem:$0x3FA9]  }
0x28: {  	s2 =	sld [smem:$0x3FAA]  }
0x29: {  	s4 =	sld [smem:$0x3FAC]  }
0x2a: {  	p0 =	seq.s32 s5, $0x0;
	s5 =	sld [smem:$0x3FAD]  }
0x2b: {  	s6 =	sld [smem:$0x3FAE]  }
0x2c: {  	s7 =	sld [smem:$0x3FAF]  }
0x2d: {  	s3 =	simm.s32 $0x108;
	s8 =	sld [smem:$0x3FB0]  }
0x2e: {  	s3 =	simm.s32 @!p0 $0x1082;
	s9 =	sld [smem:$0x3FB1]  }
0x2f: {  	lr =	sadd.s32 s0, s3;
	s0 =	sld [smem:$0x3FA8]  }
0x30: {  	s3 =	sld [smem:$0x3FAB]  }
0x31: {  	[smem:$0x3FB4] =	sst s10  }
0x32: {  	s10 =	sld [smem:$0x3FB2];
	_ =	sdelay $0x3  }
0x33: {  	p0 =	seq.s32 s10, $0x1;
	s10 =	sld [smem:$0x3FB4];
	_ =	sdelay $0x3  }
0x34: {  	[smem:$0x3FB4] =	sst s10  }
0x35: {  	s10 =	sld [smem:$0x3FB3];
	_ =	sdelay $0x3  }
0x36: {  	p1 =	seq.s32 s10, $0x1;
	s10 =	sld [smem:$0x3FB4];
	_ =	sdelay $0x3  }
0x37: {  	[smem:$0x3FB4] =	sst s10  }
0x38: {  	s10 =	sld [smem:$0x3FB5]  }
0x39: {  	_ = 	snop;
	(pc) =	sbr.ind lr, $3  }
0x3a: {  	_ = 	snop  }
0x3b: {  	_ = 	snop  }
0x3c: {  	p2 =	seq.s32 s10, $0x1;
	s10 =	sld [smem:$0x3FB4]  }
0x3d: {  	_ =	shalt  }
0x3e: {  	_ =	shalt  }
0x3f: {  	_ =	shalt  }
0x40: {  	_ =	shalt  }
0x41: {  	_ =	shalt  }
0x42: {  	_ =	shalt  }
0x43: {  	_ =	shalt  }
0x44: {  	_ =	shalt  }
0x45: {  	_ =	shalt  }
0x46: {  	_ =	shalt  }
0x47: {  	_ =	shalt  }
0x48: {  	_ =	shalt  }
0x49: {  	_ =	shalt  }
0x4a: {  	_ =	shalt  }
0x4b: {  	_ =	shalt  }
0x4c: {  	_ =	shalt  }
0x4d: {  	_ =	shalt  }
0x4e: {  	_ =	shalt  }
0x4f: {  	_ =	shalt  }
0x50: {  	_ =	shalt  }
0x51: {  	_ =	shalt  }
0x52: {  	_ =	shalt  }
0x53: {  	_ =	shalt  }
0x54: {  	_ =	shalt  }
0x55: {  	_ =	shalt  }
0x56: {  	_ =	shalt  }
0x57: {  	_ =	shalt  }
0x58: {  	_ =	shalt  }
0x59: {  	_ =	shalt  }
0x5a: {  	_ =	shalt  }
0x5b: {  	_ =	shalt  }
0x5c: {  	_ =	shalt  }
0x5d: {  	_ =	shalt  }
0x5e: {  	_ =	shalt  }
0x5f: {  	_ =	shalt  }
0x60: {  	_ =	shalt  }
0x61: {  	_ =	shalt  }
0x62: {  	_ =	shalt  }
0x63: {  	_ =	shalt  }
0x64: {  	_ =	shalt  }
0x65: {  	_ =	shalt  }
0x66: {  	_ =	shalt  }
0x67: {  	_ =	shalt  }
0x68: {  	_ =	shalt  }
0x69: {  	_ =	shalt  }
0x6a: {  	_ =	shalt  }
0x6b: {  	_ =	shalt  }
0x6c: {  	_ =	shalt  }
0x6d: {  	_ =	shalt  }
0x6e: {  	_ =	shalt  }
0x6f: {  	_ =	shalt  }
0x70: {  	_ =	shalt  }
0x71: {  	_ =	shalt  }
0x72: {  	_ =	shalt  }
0x73: {  	_ =	shalt  }
0x74: {  	_ =	shalt  }
0x75: {  	_ =	shalt  }
0x76: {  	_ =	shalt  }
0x77: {  	_ =	shalt  }
0x78: {  	_ =	shalt  }
0x79: {  	_ =	shalt  }
0x7a: {  	_ =	shalt  }
0x7b: {  	_ =	shalt  }
0x7c: {  	_ =	shalt  }
0x7d: {  	_ =	shalt  }
0x7e: {  	_ =	shalt  }
0x7f: {  	_ =	shalt  }
0x80: {  	_ =	shalt  }
0x81: {  	_ =	shalt  }
0x82: {  	_ =	shalt  }
0x83: {  	_ =	shalt  }
0x84: {  	_ =	shalt  }
0x85: {  	_ =	shalt  }
0x86: {  	_ =	shalt  }
0x87: {  	_ =	shalt  }
.Lfunc_end0:
.L_simem_size_0:
called_computation.1_lowered:
.L_overlay_start_0:
0x88: {  	s2 =	sld [smem:$0x3FD9]  }
0x89: {  	s3 =	sld [smem:$0x3FFE];
	_ =	sdelay $0x1  }
0x8a: {  	s1 =	srdreg.scid  }
0x8b: {  	s0 =	sand.u32 $0x1, s1  }
0x8c: {  	s16 =	sshll.u32 s0, $0xA;
	s2 =	sadd.s32 s3, s2  }
0x8d: {  	s2 =	sadd.s32 s2, s16  }
0x8e: {  	[smem:$0x3FC0] =	sst s2  }
0x8f: {  	_ = 	snop  }
0x90: {  	(tm) =	ssettm $0x1  }
0x91: {  	s17 =	sld [smem:$0x3FFB];
	_ =	sdelay $0x3  }
0x92: {  	_ =	strace s17  }
0x93: {  	s2 =	sld [smem:$0x3FFC];
	_ =	sdelay $0x3  }
0x94: {  	_ =	strace s2  }
0x95: {  	s2 =	sld [smem:$0x3FFD];
	_ =	sdelay $0x3  }
0x96: {  	_ =	strace s2  }
0x97: {  	_ =	strace $0x8FFFFFFF  }
0x98: {  	s18 =	sld [smem:$0x3FDB];
	_ =	sdelay $0x1  }
0x99: {  	s19 =	simm.s32 $_scs_section_size  }
0x9a: {  	s4 =	simm.s32 $_size__tile_overlayer_lowered;
	s5 =	simm.s32 $_tile_overlayer_lowered  }
0x9b: {  	s22 =	simm.s32 $0x1BFF;
	s21 =	sshll.u32 s5, $0x1;
	s2 =	sadd.s32 s19, s18  }
0x9c: {  	s6 =	simm.s32 $0x0;
	s20 =	sshll.u32 s4, $0x1;
	s4 =	sadd.s32 s21, s2  }
0x9d: {  	[timem:s6], [sflag:s22] =	dma.local [hbm:s4], s20  }
0x9e: {  	_ =	swait.ge [sflag:s22], s20  }
0x9f: {  	s3 =	ssub.s32 $0x0, s20;
	[sflag:s22] =	ssyncset.done $0x0  }
0xa0: {  	[sflag:s22] =	ssyncadd.s32 s3;
	_ =	sdelay $0x1  }
0xa1: {  	s23 =	simm.s32 $0x1B8B  }
0xa2: {  	_ =	swait.ge [sflag:s23], $0x1  }
0xa3: {  	[sflag:s23] =	ssyncset.done $0x0  }
0xa4: {  	s25 =	simm.s32 $0x1B8E;
	s24 =	sld [smem:$0x3FFE];
	[sflag:s23] =	ssyncadd.s32 $0xFFFFFFFF  }
0xa5: {  	s26 =	simm.s32 $execute0_lowered;
	[smem:$0x3FD2] =	sst s25  }
0xa6: {  	s4 =	sshll.u32 s26, $0x1;
	_ =	strace $0x80000049;
	[dreg:$0x1] =	wrdreg $0xFFFFFFFF  }
0xa7: {  	s28 =	simm.s32 $_size_execute0_lowered;
	s2 =	sadd.s32 s2, s4;
	[dreg:$0x0] =	wrdreg $0x0  }
0xa8: {  	s4 =	sshll.u32 s28, $0x1;
	[dreg:$0x2] =	wrdreg s2  }
0xa9: {  	[dreg:$0x3] =	wrdreg s4  }
0xaa: {  	[dreg:$0x4] =	wrdreg $0xC0  }
0xab: {  	_ =	task [dreg:s6], $0x5FFFF  }
0xac: {  	[dreg:$0x1] =	wrdreg $0xFFFFFFFF  }
0xad: {  	[dreg:$0x0] =	wrdreg $0x60  }
0xae: {  	[dreg:$0x2] =	wrdreg s24  }
0xaf: {  	[dreg:$0x3] =	wrdreg $0xA0000  }
0xb0: {  	[dreg:$0x4] =	wrdreg $0x9  }
0xb1: {  	_ =	task.clear_ibuf [dreg:s6], $0x5FFFF;
	_ =	strace $0x90000049  }
0xb2: {  	s29 =	simm.s32 $0x9;
	_ =	strace $0x8000004B  }
0xb3: {  	_ =	swait.ge [sflag:s29], $0x1  }
0xb4: {  	[sflag:s29] =	ssyncadd.s32 $0xFFFFFFFF  }
0xb5: {  	_ =	strace $0x9000004B  }
0xb6: {  	_ =	sfence  }
0xb7: {  	s30 =	sld [smem:$0x0];
	_ =	sdelay $0x2  }
0xb8: {  	s31 =	sshll.u32 s1, $0xD;
	s1 =	sshrl.u32 s1, $0x2  }
0xb9: {  	s3 =	sand.u32 $0x4000, s31;
	s1 =	sadd.s32 s1, s30  }
0xba: {  	s0 =	sor.u32 s3, s0;
	s1 =	sshll.u32 s1, $0x11  }
0xbb: {  	s0 =	sor.u32 s1, s0  }
0xbc: {  	s0 =	sadd.s32 $0x8F2B, s0  }
0xbd: {  	[sflag:s0] =	ssyncadd.remote.s32 $0x1  }
0xbe: {  	_ =	sfence.sel $0xFFFF  }
0xbf: {  	[dreg:$0x0] =	wrdreg $0xFFFFFFFF;
	(pc) =	sbr.abs _section_cstart, $3  }
0xc0: {  	[dreg:$0x1] =	wrdreg $0xFFFFFFFF  }
0xc1: {  	_ =	task.clear_ibuf [dreg:s6], $0x2FFFF;
	_ =	strace $0x9FFFFFFF  }
0xc2: {  	(tm) =	ssettm $0x7FFFFFFF  }
0xc3: {  	_ =	shalt  }
tec
execute0_lowered:
.L_overlay_start_1:
0x0: {  	(tag) =	ssettag $0x1  }
0x1: {  	s0 =	rddreg [dreg:$0x0]  }
0x2: {  	s2 =	rddreg [dreg:$0x1]  }
0x3: {  	s1 =	srdreg.scid;
	s31 =	simm.s32 $0x0;
	s9 =	stileid.u32  }
0x4: {  	s29 =	simm.s32 $0x800;
	s24 =	simm.s32 $0x3;
	s25 =	simm.s32 $0x1000  }
0x5: {  	p0 =	por $0x0, $0x0;
	s1 =	sand.u32 $0x1, s1;
	s5 =	smul.u32 $0x14000, s9  }
0x6: {  	s4 =	sshll.u32 s9, $0xC;
	[smem:$0x7FF] =	sst s31;
	s10 =	smul.u32 $0x50000, s9  }
0x7: {  	s14 =	sshll.u32 s9, $0x6;
	s9 =	simm.s32 $0x2000;
	s3 =	sshll.u32 s1, $0x10  }
0x8: {  	s6 =	smul.u32 $0x140000, s1;
	_ =	strace $0x8000004A;
	s1 =	ssub.s32 $0x2, s1  }
0x9: {  	s3 =	sor.u32 s4, s3;
	s8 =	sshrl.u32 s5, $0x3;
	s11 =	sshrl.u32 s1, $0x1  }
0xa: {  	s4 =	sadd.s32 s5, s6;
	s8 =	sadd.s32 s8, s0;
	s5 =	sor.u32 $0x1C04, s14  }
0xb: {  	s7 =	sadd.s32 s3, s0;
	s13 =	sadd.s32 $0x2600, s8;
	[dreg:$0x9] =	wrdreg s5  }
0xc: {  	s12 =	sshrl.u32 s10, $0x2;
	s17 =	sadd.s32 $0x7AA00, s7;
	[dreg:$0x3] =	wrdreg s13  }
0xd: {  	s10 =	simm.s32 $0x6000;
	s18 =	sadd.s32 $0x7AC00, s7;
	[dreg:$0xf] =	wrdreg s17  }
0xe: {  	s3 =	sadd.s32 $0x2A600, s0;
	s19 =	sadd.s32 $0x7AE00, s7;
	[dreg:$0xc] =	wrdreg s18  }
0xf: {  	s1 =	ssub.s32 s1, s11;
	s20 =	sadd.s32 $0x7B000, s7;
	[dreg:$0xe] =	wrdreg s19  }
0x10: {  	s11 =	simm.s32 $0x2;
	s21 =	sadd.s32 $0x7B200, s7;
	[dreg:$0xb] =	wrdreg s20  }
0x11: {  	s4 =	sshrl.u32 s4, $0x3;
	s22 =	sadd.s32 $0x7B400, s7;
	[dreg:$0x8] =	wrdreg s21  }
0x12: {  	s15 =	sadd.s32 $0x7A600, s7;
	s16 =	sadd.s32 $0x7A800, s7;
	[dreg:$0x7] =	wrdreg s22  }
0x13: {  	s23 =	smax.u32 s1, $0x1;
	s5 =	simm.s32 $0x4;
	[dreg:$0x10] =	wrdreg s15  }
0x14: {  	s28 =	sadd.s32 $0x100, s15;
	[dreg:$0xd] =	wrdreg s16;
	p1 =	sne.s32 s23, $0x1  }
.Ltmp0:
0x15: {  	s30 =	sadd.s32 $0x100, s16;
	[dreg:$0x5] =	wrdreg s28;
	(pc) =	sbr.rel @!p1 .LBB2_1-.Ltmp0, $4  }
0x16: {  	s8 =	simm.s32 $0x80;
	s0 =	sadd.s32 s4, s0;
	[dreg:$0x6] =	wrdreg s30  }
0x17: {  	s4 =	sadd.s32 s12, s2;
	s0 =	sadd.s32 $0x9A600, s0;
	s13 =	rddreg [dreg:$0x3]  }
0x18: {  	s7 =	simm.s32 $0x1;
	s26 =	sshrl.u32 s4, $0x3;
	[dreg:$0x4] =	wrdreg s0  }
0x19: {  	s19 =	simm.s32 $0x1800;
	s1 =	sadd.s32 $0xFFFFFFFF, s23;
	[dreg:$0xa] =	wrdreg s26  }
0x1a: {  	s0 =	rddreg [dreg:$0x9]  }
0x1b: {  	s4 =	rddreg [dreg:$0xa]  }
0x1c: {  	[spmem:s4], [sflag:s0] =	dma.local [hbm:s13], $0x2800  }
0x1d: {  	_ =	swait.ge [sflag:s5], $0x2800  }
0x1e: {  	[sflag:s5] =	ssyncset.done $0x0  }
0x1f: {  	s12 =	rddreg [dreg:$0x10];
	[sflag:s5] =	ssyncadd.s32 $0xFFFFD800  }
0x20: {  	[tilespmem:s31], [sflag:$0x3] =	stream.linear.gather [hbm4b:s12+s31], $0x500, $0x38;
	[tilespmem:$0x1E000] =	vst v63  }
0x21: {  	s18 =	rddreg [dreg:$0x5]  }
0x22: {  	[tilespmem:s29], [sflag:$0x3] =	stream.linear.gather [hbm4b:s18+s31], $0x500, $0x38;
	[tilespmem:$0x1E000] =	vst v63  }
0x23: {  	_ =	swait.ge [sflag:s24], $0xA00  }
0x24: {  	[sflag:s24] =	ssyncset.done $0x0  }
0x25: {  	s21 =	rddreg [dreg:$0xd];
	[sflag:s24] =	ssyncadd.s32 $0xFFFFF600  }
0x26: {  	[tilespmem:s25], [sflag:$0x3] =	stream.linear.gather [hbm4b:s21+s31], $0x500, $0x38;
	[tilespmem:$0x1E000] =	vst v63  }
0x27: {  	s20 =	rddreg [dreg:$0x6]  }
0x28: {  	[tilespmem:s19], [sflag:$0x3] =	stream.linear.gather [hbm4b:s20+s31], $0x500, $0x38;
	[tilespmem:$0x1E000] =	vst v63  }
0x29: {  	[bflag:$0x0] =	sbarrier.arrive $0xFFFF  }
0x2a: {  	[tilespmem:s9], [sflag:$0x1] =	stream.indirect.gather [hbm4b:s3+s8], $0x80, s31, s8, $0xb8;
	[tilespmem:$0x1E000] =	vst v63  }
0x2b: {  	_ =	swait.ge [sflag:s7], $0x4000  }
0x2c: {  	[sflag:s7] =	ssyncset.done $0x0  }
0x2d: {  	[sflag:s7] =	ssyncadd.s32 $0xFFFFC000  }
0x2e: {  	[tilespmem:s10], [sflag:$0x2] =	stream.indirect.gather [hbm4b:s3+s8], $0x80, s8, s8, $0xb8;
	[tilespmem:$0x1E000] =	vst v63  }
0x2f: {  	_ = 	snop  }
0x30: {  	[spmem:s2] =	stream.indirect.scatter.add.f32 [tilespmem:s9], [sflag:$0x4], $0x80, s29, s8, $0xb8;
	[tilespmem:$0x1E000] =	vst v63  }
0x31: {  	_ =	swait.ge [sflag:s5], $0x4000  }
0x32: {  	[sflag:s5] =	ssyncset.done $0x0  }
0x33: {  	[sflag:s5] =	ssyncadd.s32 $0xFFFFC000  }
0x34: {  	_ =	swait.ge [sflag:s11], $0x4000  }
0x35: {  	[sflag:s11] =	ssyncset.done $0x0  }
0x36: {  	s22 =	simm.s32 $0x100;
	[sflag:s11] =	ssyncadd.s32 $0xFFFFC000  }
0x37: {  	[tilespmem:s9], [sflag:$0x1] =	stream.indirect.gather [hbm4b:s3+s8], $0x80, s22, s8, $0xb8;
	[tilespmem:$0x1E000] =	vst v63  }
0x38: {  	s23 =	simm.s32 $0x880  }
0x39: {  	[spmem:s2] =	stream.indirect.scatter.add.f32 [tilespmem:s10], [sflag:$0x4], $0x80, s23, s8, $0xb8;
	[tilespmem:$0x1E000] =	vst v63  }
0x3a: {  	_ =	swait.ge [sflag:s5], $0x4000  }
0x3b: {  	[sflag:s5] =	ssyncset.done $0x0  }
0x3c: {  	[sflag:s5] =	ssyncadd.s32 $0xFFFFC000  }
0x3d: {  	_ =	swait.ge [sflag:s7], $0x4000  }
0x3e: {  	[sflag:s7] =	ssyncset.done $0x0  }
0x3f: {  	s25 =	simm.s32 $0x180;
	[sflag:s7] =	ssyncadd.s32 $0xFFFFC000  }
0x40: {  	[tilespmem:s10], [sflag:$0x2] =	stream.indirect.gather [hbm4b:s3+s8], $0x80, s25, s8, $0xb8;
	[tilespmem:$0x1E000] =	vst v63  }
0x41: {  	s26 =	simm.s32 $0x900  }
0x42: {  	[spmem:s2] =	stream.indirect.scatter.add.f32 [tilespmem:s9], [sflag:$0x4], $0x80, s26, s8, $0xb8;
	[tilespmem:$0x1E000] =	vst v63  }
0x43: {  	_ =	swait.ge [sflag:s5], $0x4000  }
0x44: {  	[sflag:s5] =	ssyncset.done $0x0  }
0x45: {  	[sflag:s5] =	ssyncadd.s32 $0xFFFFC000  }
0x46: {  	_ =	swait.ge [sflag:s11], $0x4000  }
0x47: {  	[sflag:s11] =	ssyncset.done $0x0  }
0x48: {  	s28 =	simm.s32 $0x200;
	[sflag:s11] =	ssyncadd.s32 $0xFFFFC000  }
0x49: {  	[tilespmem:s9], [sflag:$0x1] =	stream.indirect.gather [hbm4b:s3+s8], $0x80, s28, s8, $0xb8;
	[tilespmem:$0x1E000] =	vst v63  }
0x4a: {  	s30 =	simm.s32 $0x980  }
0x4b: {  	[spmem:s2] =	stream.indirect.scatter.add.f32 [tilespmem:s10], [sflag:$0x4], $0x80, s30, s8, $0xb8;
	[tilespmem:$0x1E000] =	vst v63  }
0x4c: {  	_ =	swait.ge [sflag:s5], $0x4000  }
0x4d: {  	[sflag:s5] =	ssyncset.done $0x0  }
0x4e: {  	[sflag:s5] =	ssyncadd.s32 $0xFFFFC000  }
0x4f: {  	_ =	swait.ge [sflag:s7], $0x4000  }
0x50: {  	[sflag:s7] =	ssyncset.done $0x0  }
0x51: {  	s12 =	simm.s32 $0x280;
	[sflag:s7] =	ssyncadd.s32 $0xFFFFC000  }
0x52: {  	[tilespmem:s10], [sflag:$0x2] =	stream.indirect.gather [hbm4b:s3+s8], $0x80, s12, s8, $0xb8;
	[tilespmem:$0x1E000] =	vst v63  }
0x53: {  	s13 =	simm.s32 $0xA00  }
0x54: {  	[spmem:s2] =	stream.indirect.scatter.add.f32 [tilespmem:s9], [sflag:$0x4], $0x80, s13, s8, $0xb8;
	[tilespmem:$0x1E000] =	vst v63  }
0x55: {  	_ =	swait.ge [sflag:s5], $0x4000  }
0x56: {  	[sflag:s5] =	ssyncset.done $0x0  }
0x57: {  	[sflag:s5] =	ssyncadd.s32 $0xFFFFC000  }
0x58: {  	_ =	swait.ge [sflag:s11], $0x4000  }
0x59: {  	[sflag:s11] =	ssyncset.done $0x0  }
0x5a: {  	s14 =	simm.s32 $0x300;
	[sflag:s11] =	ssyncadd.s32 $0xFFFFC000  }
0x5b: {  	[tilespmem:s9], [sflag:$0x1] =	stream.indirect.gather [hbm4b:s3+s8], $0x80, s14, s8, $0xb8;
	[tilespmem:$0x1E000] =	vst v63  }
0x5c: {  	s15 =	simm.s32 $0xA80  }
0x5d: {  	[spmem:s2] =	stream.indirect.scatter.add.f32 [tilespmem:s10], [sflag:$0x4], $0x80, s15, s8, $0xb8;
	[tilespmem:$0x1E000] =	vst v63  }
0x5e: {  	_ =	swait.ge [sflag:s5], $0x4000  }
0x5f: {  	[sflag:s5] =	ssyncset.done $0x0  }
0x60: {  	[sflag:s5] =	ssyncadd.s32 $0xFFFFC000  }
0x61: {  	_ =	swait.ge [sflag:s7], $0x4000  }
0x62: {  	[sflag:s7] =	ssyncset.done $0x0  }
0x63: {  	s16 =	simm.s32 $0x380;
	[sflag:s7] =	ssyncadd.s32 $0xFFFFC000  }
0x64: {  	[tilespmem:s10], [sflag:$0x2] =	stream.indirect.gather [hbm4b:s3+s8], $0x80, s16, s8, $0xb8;
	[tilespmem:$0x1E000] =	vst v63  }
0x65: {  	s18 =	simm.s32 $0xB00  }
0x66: {  	[spmem:s2] =	stream.indirect.scatter.add.f32 [tilespmem:s9], [sflag:$0x4], $0x80, s18, s8, $0xb8;
	[tilespmem:$0x1E000] =	vst v63  }
0x67: {  	_ =	swait.ge [sflag:s5], $0x4000  }
0x68: {  	[sflag:s5] =	ssyncset.done $0x0  }
0x69: {  	[sflag:s5] =	ssyncadd.s32 $0xFFFFC000  }
0x6a: {  	_ =	swait.ge [sflag:s11], $0x4000  }
0x6b: {  	[sflag:s11] =	ssyncset.done $0x0  }
0x6c: {  	s19 =	simm.s32 $0x400;
	[sflag:s11] =	ssyncadd.s32 $0xFFFFC000  }
0x6d: {  	[tilespmem:s9], [sflag:$0x1] =	stream.indirect.gather [hbm4b:s3+s8], $0x80, s19, s8, $0xb8;
	[tilespmem:$0x1E000] =	vst v63  }
0x6e: {  	s20 =	simm.s32 $0xB80  }
0x6f: {  	[spmem:s2] =	stream.indirect.scatter.add.f32 [tilespmem:s10], [sflag:$0x4], $0x80, s20, s8, $0xb8;
	[tilespmem:$0x1E000] =	vst v63  }
0x70: {  	_ =	swait.ge [sflag:s5], $0x4000  }
0x71: {  	[sflag:s5] =	ssyncset.done $0x0  }
0x72: {  	[sflag:s5] =	ssyncadd.s32 $0xFFFFC000  }
0x73: {  	_ =	swait.ge [sflag:s7], $0x4000  }
0x74: {  	[sflag:s7] =	ssyncset.done $0x0  }
0x75: {  	s22 =	simm.s32 $0x480;
	[sflag:s7] =	ssyncadd.s32 $0xFFFFC000  }
0x76: {  	[tilespmem:s10], [sflag:$0x2] =	stream.indirect.gather [hbm4b:s3+s8], $0x80, s22, s8, $0xb8;
	[tilespmem:$0x1E000] =	vst v63  }
0x77: {  	s28 =	simm.s32 $0xC00  }
0x78: {  	[spmem:s2] =	stream.indirect.scatter.add.f32 [tilespmem:s9], [sflag:$0x4], $0x80, s28, s8, $0xb8;
	[tilespmem:$0x1E000] =	vst v63  }
0x79: {  	_ =	swait.ge [sflag:s5], $0x4000  }
0x7a: {  	[sflag:s5] =	ssyncset.done $0x0  }
0x7b: {  	[sflag:s5] =	ssyncadd.s32 $0xFFFFC000  }
0x7c: {  	_ =	swait.ge [sflag:s11], $0x4000  }
0x7d: {  	[sflag:s11] =	ssyncset.done $0x0  }
0x7e: {  	[sflag:s11] =	ssyncadd.s32 $0xFFFFC000  }
0x7f: {  	_ =	swait.ge [sflag:s24], $0xA00  }
0x80: {  	[sflag:s24] =	ssyncset.done $0x0  }
0x81: {  	s30 =	simm.s32 $0x1000;
	[sflag:s24] =	ssyncadd.s32 $0xFFFFF600  }
0x82: {  	[tilespmem:s9], [sflag:$0x1] =	stream.indirect.gather [hbm4b:s3+s8], $0x80, s30, s8, $0xb8;
	[tilespmem:$0x1E000] =	vst v63  }
0x83: {  	s12 =	simm.s32 $0xC80  }
0x84: {  	[spmem:s2] =	stream.indirect.scatter.add.f32 [tilespmem:s10], [sflag:$0x4], $0x80, s12, s8, $0xb8;
	[tilespmem:$0x1E000] =	vst v63  }
0x85: {  	_ =	swait.ge [sflag:s5], $0x4000  }
0x86: {  	[sflag:s5] =	ssyncset.done $0x0;
	s13 =	rddreg [dreg:$0xf]  }
0x87: {  	[dreg:$0x17] =	wrdreg s1;
	[sflag:s5] =	ssyncadd.s32 $0xFFFFC000;
	s14 =	sadd.s32 $0x100, s13  }
0x88: {  	[tilespmem:s31], [sflag:$0x3] =	stream.linear.gather [hbm4b:s13+s31], $0x500, $0x38;
	[tilespmem:$0x1E000] =	vst v63  }
0x89: {  	s16 =	simm.s32 $0x800;
	[dreg:$0x11] =	wrdreg s14  }
0x8a: {  	[tilespmem:s16], [sflag:$0x3] =	stream.linear.gather [hbm4b:s14+s31], $0x500, $0x38;
	[tilespmem:$0x1E000] =	vst v63  }
0x8b: {  	_ =	swait.ge [sflag:s7], $0x4000  }
0x8c: {  	[sflag:s7] =	ssyncset.done $0x0  }
0x8d: {  	s18 =	simm.s32 $0x1080;
	[sflag:s7] =	ssyncadd.s32 $0xFFFFC000  }
0x8e: {  	[tilespmem:s10], [sflag:$0x2] =	stream.indirect.gather [hbm4b:s3+s8], $0x80, s18, s8, $0xb8;
	[tilespmem:$0x1E000] =	vst v63  }
0x8f: {  	s19 =	simm.s32 $0x1800  }
0x90: {  	[spmem:s2] =	stream.indirect.scatter.add.f32 [tilespmem:s9], [sflag:$0x4], $0x80, s19, s8, $0xb8;
	[tilespmem:$0x1E000] =	vst v63  }
0x91: {  	_ =	swait.ge [sflag:s5], $0x4000  }
0x92: {  	[sflag:s5] =	ssyncset.done $0x0  }
0x93: {  	[sflag:s5] =	ssyncadd.s32 $0xFFFFC000  }
0x94: {  	_ =	swait.ge [sflag:s11], $0x4000  }
0x95: {  	[sflag:s11] =	ssyncset.done $0x0  }
0x96: {  	s20 =	simm.s32 $0x1100;
	[sflag:s11] =	ssyncadd.s32 $0xFFFFC000  }
0x97: {  	[tilespmem:s9], [sflag:$0x1] =	stream.indirect.gather [hbm4b:s3+s8], $0x80, s20, s8, $0xb8;
	[tilespmem:$0x1E000] =	vst v63  }
0x98: {  	s22 =	simm.s32 $0x1880  }
0x99: {  	[spmem:s2] =	stream.indirect.scatter.add.f32 [tilespmem:s10], [sflag:$0x4], $0x80, s22, s8, $0xb8;
	[tilespmem:$0x1E000] =	vst v63  }
0x9a: {  	_ =	swait.ge [sflag:s5], $0x4000  }
0x9b: {  	[sflag:s5] =	ssyncset.done $0x0  }
0x9c: {  	[sflag:s5] =	ssyncadd.s32 $0xFFFFC000  }
0x9d: {  	_ =	swait.ge [sflag:s7], $0x4000  }
0x9e: {  	[sflag:s7] =	ssyncset.done $0x0  }
0x9f: {  	s30 =	simm.s32 $0x1180;
	[sflag:s7] =	ssyncadd.s32 $0xFFFFC000  }
0xa0: {  	[tilespmem:s10], [sflag:$0x2] =	stream.indirect.gather [hbm4b:s3+s8], $0x80, s30, s8, $0xb8;
	[tilespmem:$0x1E000] =	vst v63  }
0xa1: {  	s12 =	simm.s32 $0x1900  }
0xa2: {  	[spmem:s2] =	stream.indirect.scatter.add.f32 [tilespmem:s9], [sflag:$0x4], $0x80, s12, s8, $0xb8;
	[tilespmem:$0x1E000] =	vst v63  }
0xa3: {  	_ =	swait.ge [sflag:s5], $0x4000  }
0xa4: {  	[sflag:s5] =	ssyncset.done $0x0  }
0xa5: {  	[sflag:s5] =	ssyncadd.s32 $0xFFFFC000  }
0xa6: {  	_ =	swait.ge [sflag:s11], $0x4000  }
0xa7: {  	[sflag:s11] =	ssyncset.done $0x0  }
0xa8: {  	s13 =	simm.s32 $0x1200;
	[sflag:s11] =	ssyncadd.s32 $0xFFFFC000  }
0xa9: {  	[tilespmem:s9], [sflag:$0x1] =	stream.indirect.gather [hbm4b:s3+s8], $0x80, s13, s8, $0xb8;
	[tilespmem:$0x1E000] =	vst v63  }
0xaa: {  	s14 =	simm.s32 $0x1980  }
0xab: {  	[spmem:s2] =	stream.indirect.scatter.add.f32 [tilespmem:s10], [sflag:$0x4], $0x80, s14, s8, $0xb8;
	[tilespmem:$0x1E000] =	vst v63  }
0xac: {  	_ =	swait.ge [sflag:s5], $0x4000  }
0xad: {  	[sflag:s5] =	ssyncset.done $0x0  }
0xae: {  	[sflag:s5] =	ssyncadd.s32 $0xFFFFC000  }
0xaf: {  	_ =	swait.ge [sflag:s7], $0x4000  }
0xb0: {  	[sflag:s7] =	ssyncset.done $0x0  }
0xb1: {  	s16 =	simm.s32 $0x1280;
	[sflag:s7] =	ssyncadd.s32 $0xFFFFC000  }
0xb2: {  	[tilespmem:s10], [sflag:$0x2] =	stream.indirect.gather [hbm4b:s3+s8], $0x80, s16, s8, $0xb8;
	[tilespmem:$0x1E000] =	vst v63  }
0xb3: {  	s20 =	simm.s32 $0x1A00  }
0xb4: {  	[spmem:s2] =	stream.indirect.scatter.add.f32 [tilespmem:s9], [sflag:$0x4], $0x80, s20, s8, $0xb8;
	[tilespmem:$0x1E000] =	vst v63  }
0xb5: {  	_ =	swait.ge [sflag:s5], $0x4000  }
0xb6: {  	[sflag:s5] =	ssyncset.done $0x0  }
0xb7: {  	[sflag:s5] =	ssyncadd.s32 $0xFFFFC000  }
0xb8: {  	_ =	swait.ge [sflag:s11], $0x4000  }
0xb9: {  	[sflag:s11] =	ssyncset.done $0x0  }
0xba: {  	s30 =	simm.s32 $0x1300;
	[sflag:s11] =	ssyncadd.s32 $0xFFFFC000  }
0xbb: {  	[tilespmem:s9], [sflag:$0x1] =	stream.indirect.gather [hbm4b:s3+s8], $0x80, s30, s8, $0xb8;
	[tilespmem:$0x1E000] =	vst v63  }
0xbc: {  	s12 =	simm.s32 $0x1A80  }
0xbd: {  	[spmem:s2] =	stream.indirect.scatter.add.f32 [tilespmem:s10], [sflag:$0x4], $0x80, s12, s8, $0xb8;
	[tilespmem:$0x1E000] =	vst v63  }
0xbe: {  	_ =	swait.ge [sflag:s5], $0x4000  }
0xbf: {  	[sflag:s5] =	ssyncset.done $0x0  }
0xc0: {  	[sflag:s5] =	ssyncadd.s32 $0xFFFFC000  }
0xc1: {  	_ =	swait.ge [sflag:s7], $0x4000  }
0xc2: {  	[sflag:s7] =	ssyncset.done $0x0  }
0xc3: {  	s13 =	simm.s32 $0x1380;
	[sflag:s7] =	ssyncadd.s32 $0xFFFFC000  }
0xc4: {  	[tilespmem:s10], [sflag:$0x2] =	stream.indirect.gather [hbm4b:s3+s8], $0x80, s13, s8, $0xb8;
	[tilespmem:$0x1E000] =	vst v63  }
0xc5: {  	s14 =	simm.s32 $0x1B00  }
0xc6: {  	[spmem:s2] =	stream.indirect.scatter.add.f32 [tilespmem:s9], [sflag:$0x4], $0x80, s14, s8, $0xb8;
	[tilespmem:$0x1E000] =	vst v63  }
0xc7: {  	_ =	swait.ge [sflag:s5], $0x4000  }
0xc8: {  	[sflag:s5] =	ssyncset.done $0x0  }
0xc9: {  	[sflag:s5] =	ssyncadd.s32 $0xFFFFC000  }
0xca: {  	_ =	swait.ge [sflag:s11], $0x4000  }
0xcb: {  	[sflag:s11] =	ssyncset.done $0x0  }
0xcc: {  	s16 =	simm.s32 $0x1400;
	[sflag:s11] =	ssyncadd.s32 $0xFFFFC000  }
0xcd: {  	[tilespmem:s9], [sflag:$0x1] =	stream.indirect.gather [hbm4b:s3+s8], $0x80, s16, s8, $0xb8;
	[tilespmem:$0x1E000] =	vst v63  }
0xce: {  	s30 =	simm.s32 $0x1B80  }
0xcf: {  	[spmem:s2] =	stream.indirect.scatter.add.f32 [tilespmem:s10], [sflag:$0x4], $0x80, s30, s8, $0xb8;
	[tilespmem:$0x1E000] =	vst v63  }
0xd0: {  	_ =	swait.ge [sflag:s5], $0x4000  }
0xd1: {  	[sflag:s5] =	ssyncset.done $0x0  }
0xd2: {  	[sflag:s5] =	ssyncadd.s32 $0xFFFFC000  }
0xd3: {  	_ =	swait.ge [sflag:s7], $0x4000  }
0xd4: {  	[sflag:s7] =	ssyncset.done $0x0  }
0xd5: {  	s12 =	simm.s32 $0x1480;
	[sflag:s7] =	ssyncadd.s32 $0xFFFFC000  }
0xd6: {  	[tilespmem:s10], [sflag:$0x2] =	stream.indirect.gather [hbm4b:s3+s8], $0x80, s12, s8, $0xb8;
	[tilespmem:$0x1E000] =	vst v63  }
0xd7: {  	s13 =	simm.s32 $0x1C00  }
0xd8: {  	[spmem:s2] =	stream.indirect.scatter.add.f32 [tilespmem:s9], [sflag:$0x4], $0x80, s13, s8, $0xb8;
	[tilespmem:$0x1E000] =	vst v63  }
0xd9: {  	_ =	swait.ge [sflag:s5], $0x4000  }
0xda: {  	[sflag:s5] =	ssyncset.done $0x0  }
0xdb: {  	[sflag:s5] =	ssyncadd.s32 $0xFFFFC000  }
0xdc: {  	_ =	swait.ge [sflag:s11], $0x4000  }
0xdd: {  	[sflag:s11] =	ssyncset.done $0x0  }
0xde: {  	[sflag:s11] =	ssyncadd.s32 $0xFFFFC000  }
0xdf: {  	_ =	swait.ge [sflag:s24], $0xA00  }
0xe0: {  	[sflag:s24] =	ssyncset.done $0x0  }
0xe1: {  	[sflag:s24] =	ssyncadd.s32 $0xFFFFF600  }
0xe2: {  	[tilespmem:s9], [sflag:$0x1] =	stream.indirect.gather [hbm4b:s3+s8], $0x80, s31, s8, $0xb8;
	[tilespmem:$0x1E000] =	vst v63  }
0xe3: {  	s14 =	simm.s32 $0x1C80  }
0xe4: {  	[spmem:s2] =	stream.indirect.scatter.add.f32 [tilespmem:s10], [sflag:$0x4], $0x80, s14, s8, $0xb8;
	[tilespmem:$0x1E000] =	vst v63  }
0xe5: {  	_ =	swait.ge [sflag:s5], $0x4000  }
0xe6: {  	[sflag:s5] =	ssyncset.done $0x0;
	s16 =	rddreg [dreg:$0xc]  }
0xe7: {  	s30 =	simm.s32 $0x1000;
	[sflag:s5] =	ssyncadd.s32 $0xFFFFC000;
	s0 =	sadd.s32 $0x100, s16  }
0xe8: {  	[tilespmem:s30], [sflag:$0x3] =	stream.linear.gather [hbm4b:s16+s31], $0x500, $0x38;
	[tilespmem:$0x1E000] =	vst v63  }
0xe9: {  	s13 =	simm.s32 $0x1800;
	[dreg:$0x12] =	wrdreg s0  }
0xea: {  	[tilespmem:s13], [sflag:$0x3] =	stream.linear.gather [hbm4b:s0+s31], $0x500, $0x38;
	[tilespmem:$0x1E000] =	vst v63  }
0xeb: {  	_ =	swait.ge [sflag:s7], $0x4000  }
0xec: {  	[sflag:s7] =	ssyncset.done $0x0  }
0xed: {  	[sflag:s7] =	ssyncadd.s32 $0xFFFFC000  }
0xee: {  	[tilespmem:s10], [sflag:$0x2] =	stream.indirect.gather [hbm4b:s3+s8], $0x80, s8, s8, $0xb8;
	[tilespmem:$0x1E000] =	vst v63  }
0xef: {  	s14 =	simm.s32 $0x800  }
0xf0: {  	[spmem:s2] =	stream.indirect.scatter.add.f32 [tilespmem:s9], [sflag:$0x4], $0x80, s14, s8, $0xb8;
	[tilespmem:$0x1E000] =	vst v63  }
0xf1: {  	_ =	swait.ge [sflag:s5], $0x4000  }
0xf2: {  	[sflag:s5] =	ssyncset.done $0x0  }
0xf3: {  	[sflag:s5] =	ssyncadd.s32 $0xFFFFC000  }
0xf4: {  	_ =	swait.ge [sflag:s11], $0x4000  }
0xf5: {  	[sflag:s11] =	ssyncset.done $0x0  }
0xf6: {  	s6 =	simm.s32 $0x100;
	[sflag:s11] =	ssyncadd.s32 $0xFFFFC000  }
0xf7: {  	[tilespmem:s9], [sflag:$0x1] =	stream.indirect.gather [hbm4b:s3+s8], $0x80, s6, s8, $0xb8;
	[tilespmem:$0x1E000] =	vst v63  }
0xf8: {  	s14 =	simm.s32 $0x880  }
0xf9: {  	[spmem:s2] =	stream.indirect.scatter.add.f32 [tilespmem:s10], [sflag:$0x4], $0x80, s14, s8, $0xb8;
	[tilespmem:$0x1E000] =	vst v63  }
0xfa: {  	_ =	swait.ge [sflag:s5], $0x4000  }
0xfb: {  	[sflag:s5] =	ssyncset.done $0x0  }
0xfc: {  	[sflag:s5] =	ssyncadd.s32 $0xFFFFC000  }
0xfd: {  	_ =	swait.ge [sflag:s7], $0x4000  }
0xfe: {  	[sflag:s7] =	ssyncset.done $0x0  }
0xff: {  	s4 =	simm.s32 $0x180;
	[sflag:s7] =	ssyncadd.s32 $0xFFFFC000  }
0x100: {  	[tilespmem:s10], [sflag:$0x2] =	stream.indirect.gather [hbm4b:s3+s8], $0x80, s4, s8, $0xb8;
	[tilespmem:$0x1E000] =	vst v63  }
0x101: {  	s6 =	simm.s32 $0x900  }
0x102: {  	[spmem:s2] =	stream.indirect.scatter.add.f32 [tilespmem:s9], [sflag:$0x4], $0x80, s6, s8, $0xb8;
	[tilespmem:$0x1E000] =	vst v63  }
0x103: {  	_ =	swait.ge [sflag:s5], $0x4000  }
0x104: {  	[sflag:s5] =	ssyncset.done $0x0  }
0x105: {  	[sflag:s5] =	ssyncadd.s32 $0xFFFFC000  }
0x106: {  	_ =	swait.ge [sflag:s11], $0x4000  }
0x107: {  	[sflag:s11] =	ssyncset.done $0x0  }
0x108: {  	s23 =	simm.s32 $0x200;
	[sflag:s11] =	ssyncadd.s32 $0xFFFFC000  }
0x109: {  	[tilespmem:s9], [sflag:$0x1] =	stream.indirect.gather [hbm4b:s3+s8], $0x80, s23, s8, $0xb8;
	[tilespmem:$0x1E000] =	vst v63  }
0x10a: {  	s4 =	simm.s32 $0x980  }
0x10b: {  	[spmem:s2] =	stream.indirect.scatter.add.f32 [tilespmem:s10], [sflag:$0x4], $0x80, s4, s8, $0xb8;
	[tilespmem:$0x1E000] =	vst v63  }
0x10c: {  	_ =	swait.ge [sflag:s5], $0x4000  }
0x10d: {  	[sflag:s5] =	ssyncset.done $0x0  }
0x10e: {  	[sflag:s5] =	ssyncadd.s32 $0xFFFFC000  }
0x10f: {  	_ =	swait.ge [sflag:s7], $0x4000  }
0x110: {  	[sflag:s7] =	ssyncset.done $0x0  }
0x111: {  	s21 =	simm.s32 $0x280;
	[sflag:s7] =	ssyncadd.s32 $0xFFFFC000  }
0x112: {  	[tilespmem:s10], [sflag:$0x2] =	stream.indirect.gather [hbm4b:s3+s8], $0x80, s21, s8, $0xb8;
	[tilespmem:$0x1E000] =	vst v63  }
0x113: {  	s17 =	simm.s32 $0xA00  }
0x114: {  	[spmem:s2] =	stream.indirect.scatter.add.f32 [tilespmem:s9], [sflag:$0x4], $0x80, s17, s8, $0xb8;
	[tilespmem:$0x1E000] =	vst v63  }
0x115: {  	_ =	swait.ge [sflag:s5], $0x4000  }
0x116: {  	[sflag:s5] =	ssyncset.done $0x0  }
0x117: {  	[sflag:s5] =	ssyncadd.s32 $0xFFFFC000  }
0x118: {  	_ =	swait.ge [sflag:s11], $0x4000  }
0x119: {  	[sflag:s11] =	ssyncset.done $0x0  }
0x11a: {  	s25 =	simm.s32 $0x300;
	[sflag:s11] =	ssyncadd.s32 $0xFFFFC000  }
0x11b: {  	[tilespmem:s9], [sflag:$0x1] =	stream.indirect.gather [hbm4b:s3+s8], $0x80, s25, s8, $0xb8;
	[tilespmem:$0x1E000] =	vst v63  }
0x11c: {  	s15 =	simm.s32 $0xA80  }
0x11d: {  	[spmem:s2] =	stream.indirect.scatter.add.f32 [tilespmem:s10], [sflag:$0x4], $0x80, s15, s8, $0xb8;
	[tilespmem:$0x1E000] =	vst v63  }
0x11e: {  	_ =	swait.ge [sflag:s5], $0x4000  }
0x11f: {  	[sflag:s5] =	ssyncset.done $0x0  }
0x120: {  	[sflag:s5] =	ssyncadd.s32 $0xFFFFC000  }
0x121: {  	_ =	swait.ge [sflag:s7], $0x4000  }
0x122: {  	[sflag:s7] =	ssyncset.done $0x0  }
0x123: {  	s25 =	simm.s32 $0x380;
	[sflag:s7] =	ssyncadd.s32 $0xFFFFC000  }
0x124: {  	[tilespmem:s10], [sflag:$0x2] =	stream.indirect.gather [hbm4b:s3+s8], $0x80, s25, s8, $0xb8;
	[tilespmem:$0x1E000] =	vst v63  }
0x125: {  	s26 =	simm.s32 $0xB00  }
0x126: {  	[spmem:s2] =	stream.indirect.scatter.add.f32 [tilespmem:s9], [sflag:$0x4], $0x80, s26, s8, $0xb8;
	[tilespmem:$0x1E000] =	vst v63  }
0x127: {  	_ =	swait.ge [sflag:s5], $0x4000  }
0x128: {  	[sflag:s5] =	ssyncset.done $0x0  }
0x129: {  	[sflag:s5] =	ssyncadd.s32 $0xFFFFC000  }
0x12a: {  	_ =	swait.ge [sflag:s11], $0x4000  }
0x12b: {  	[sflag:s11] =	ssyncset.done $0x0  }
0x12c: {  	s23 =	simm.s32 $0x400;
	[sflag:s11] =	ssyncadd.s32 $0xFFFFC000  }
0x12d: {  	[tilespmem:s9], [sflag:$0x1] =	stream.indirect.gather [hbm4b:s3+s8], $0x80, s23, s8, $0xb8;
	[tilespmem:$0x1E000] =	vst v63  }
0x12e: {  	s26 =	simm.s32 $0xB80  }
0x12f: {  	[spmem:s2] =	stream.indirect.scatter.add.f32 [tilespmem:s10], [sflag:$0x4], $0x80, s26, s8, $0xb8;
	[tilespmem:$0x1E000] =	vst v63  }
0x130: {  	_ =	swait.ge [sflag:s5], $0x4000  }
0x131: {  	[sflag:s5] =	ssyncset.done $0x0  }
0x132: {  	[sflag:s5] =	ssyncadd.s32 $0xFFFFC000  }
0x133: {  	_ =	swait.ge [sflag:s7], $0x4000  }
0x134: {  	[sflag:s7] =	ssyncset.done $0x0  }
0x135: {  	s21 =	simm.s32 $0x480;
	[sflag:s7] =	ssyncadd.s32 $0xFFFFC000  }
0x136: {  	[tilespmem:s10], [sflag:$0x2] =	stream.indirect.gather [hbm4b:s3+s8], $0x80, s21, s8, $0xb8;
	[tilespmem:$0x1E000] =	vst v63  }
0x137: {  	s28 =	simm.s32 $0xC00  }
0x138: {  	[spmem:s2] =	stream.indirect.scatter.add.f32 [tilespmem:s9], [sflag:$0x4], $0x80, s28, s8, $0xb8;
	[tilespmem:$0x1E000] =	vst v63  }
0x139: {  	_ =	swait.ge [sflag:s5], $0x4000  }
0x13a: {  	[sflag:s5] =	ssyncset.done $0x0  }
0x13b: {  	[sflag:s5] =	ssyncadd.s32 $0xFFFFC000  }
0x13c: {  	_ =	swait.ge [sflag:s11], $0x4000  }
0x13d: {  	[sflag:s11] =	ssyncset.done $0x0  }
0x13e: {  	[sflag:s11] =	ssyncadd.s32 $0xFFFFC000  }
0x13f: {  	_ =	swait.ge [sflag:s24], $0xA00  }
0x140: {  	[sflag:s24] =	ssyncset.done $0x0  }
0x141: {  	s15 =	simm.s32 $0x1000;
	[sflag:s24] =	ssyncadd.s32 $0xFFFFF600  }
0x142: {  	[tilespmem:s9], [sflag:$0x1] =	stream.indirect.gather [hbm4b:s3+s8], $0x80, s15, s8, $0xb8;
	[tilespmem:$0x1E000] =	vst v63  }
0x143: {  	s28 =	simm.s32 $0xC80  }
0x144: {  	[spmem:s2] =	stream.indirect.scatter.add.f32 [tilespmem:s10], [sflag:$0x4], $0x80, s28, s8, $0xb8;
	[tilespmem:$0x1E000] =	vst v63  }
0x145: {  	_ =	swait.ge [sflag:s5], $0x4000  }
0x146: {  	[sflag:s5] =	ssyncset.done $0x0;
	s16 =	rddreg [dreg:$0xe]  }
0x147: {  	[sflag:s5] =	ssyncadd.s32 $0xFFFFC000;
	s12 =	sadd.s32 $0x100, s16  }
0x148: {  	[tilespmem:s31], [sflag:$0x3] =	stream.linear.gather [hbm4b:s16+s31], $0x500, $0x38;
	[tilespmem:$0x1E000] =	vst v63  }
0x149: {  	s17 =	simm.s32 $0x800;
	[dreg:$0x13] =	wrdreg s12  }
0x14a: {  	[tilespmem:s17], [sflag:$0x3] =	stream.linear.gather [hbm4b:s12+s31], $0x500, $0x38;
	[tilespmem:$0x1E000] =	vst v63  }
0x14b: {  	_ =	swait.ge [sflag:s7], $0x4000  }
0x14c: {  	[sflag:s7] =	ssyncset.done $0x0  }
0x14d: {  	s17 =	simm.s32 $0x1080;
	[sflag:s7] =	ssyncadd.s32 $0xFFFFC000  }
0x14e: {  	[tilespmem:s10], [sflag:$0x2] =	stream.indirect.gather [hbm4b:s3+s8], $0x80, s17, s8, $0xb8;
	[tilespmem:$0x1E000] =	vst v63  }
0x14f: {  	s30 =	simm.s32 $0x1800  }
0x150: {  	[spmem:s2] =	stream.indirect.scatter.add.f32 [tilespmem:s9], [sflag:$0x4], $0x80, s30, s8, $0xb8;
	[tilespmem:$0x1E000] =	vst v63  }
0x151: {  	_ =	swait.ge [sflag:s5], $0x4000  }
0x152: {  	[sflag:s5] =	ssyncset.done $0x0  }
0x153: {  	[sflag:s5] =	ssyncadd.s32 $0xFFFFC000  }
0x154: {  	_ =	swait.ge [sflag:s11], $0x4000  }
0x155: {  	[sflag:s11] =	ssyncset.done $0x0  }
0x156: {  	s18 =	simm.s32 $0x1100;
	[sflag:s11] =	ssyncadd.s32 $0xFFFFC000  }
0x157: {  	[tilespmem:s9], [sflag:$0x1] =	stream.indirect.gather [hbm4b:s3+s8], $0x80, s18, s8, $0xb8;
	[tilespmem:$0x1E000] =	vst v63  }
0x158: {  	s1 =	simm.s32 $0x1880  }
0x159: {  	[spmem:s2] =	stream.indirect.scatter.add.f32 [tilespmem:s10], [sflag:$0x4], $0x80, s1, s8, $0xb8;
	[tilespmem:$0x1E000] =	vst v63  }
0x15a: {  	_ =	swait.ge [sflag:s5], $0x4000  }
0x15b: {  	[sflag:s5] =	ssyncset.done $0x0  }
0x15c: {  	[sflag:s5] =	ssyncadd.s32 $0xFFFFC000  }
0x15d: {  	_ =	swait.ge [sflag:s7], $0x4000  }
0x15e: {  	[sflag:s7] =	ssyncset.done $0x0  }
0x15f: {  	s19 =	simm.s32 $0x1180;
	[sflag:s7] =	ssyncadd.s32 $0xFFFFC000  }
0x160: {  	[tilespmem:s10], [sflag:$0x2] =	stream.indirect.gather [hbm4b:s3+s8], $0x80, s19, s8, $0xb8;
	[tilespmem:$0x1E000] =	vst v63  }
0x161: {  	s16 =	simm.s32 $0x1900  }
0x162: {  	[spmem:s2] =	stream.indirect.scatter.add.f32 [tilespmem:s9], [sflag:$0x4], $0x80, s16, s8, $0xb8;
	[tilespmem:$0x1E000] =	vst v63  }
0x163: {  	_ =	swait.ge [sflag:s5], $0x4000  }
0x164: {  	[sflag:s5] =	ssyncset.done $0x0  }
0x165: {  	[sflag:s5] =	ssyncadd.s32 $0xFFFFC000  }
0x166: {  	_ =	swait.ge [sflag:s11], $0x4000  }
0x167: {  	[sflag:s11] =	ssyncset.done $0x0  }
0x168: {  	s29 =	simm.s32 $0x1200;
	[sflag:s11] =	ssyncadd.s32 $0xFFFFC000  }
0x169: {  	[tilespmem:s9], [sflag:$0x1] =	stream.indirect.gather [hbm4b:s3+s8], $0x80, s29, s8, $0xb8;
	[tilespmem:$0x1E000] =	vst v63  }
0x16a: {  	s22 =	simm.s32 $0x1980  }
0x16b: {  	[spmem:s2] =	stream.indirect.scatter.add.f32 [tilespmem:s10], [sflag:$0x4], $0x80, s22, s8, $0xb8;
	[tilespmem:$0x1E000] =	vst v63  }
0x16c: {  	_ =	swait.ge [sflag:s5], $0x4000  }
0x16d: {  	[sflag:s5] =	ssyncset.done $0x0  }
0x16e: {  	[sflag:s5] =	ssyncadd.s32 $0xFFFFC000  }
0x16f: {  	_ =	swait.ge [sflag:s7], $0x4000  }
0x170: {  	[sflag:s7] =	ssyncset.done $0x0  }
0x171: {  	s30 =	simm.s32 $0x1280;
	[sflag:s7] =	ssyncadd.s32 $0xFFFFC000  }
0x172: {  	[tilespmem:s10], [sflag:$0x2] =	stream.indirect.gather [hbm4b:s3+s8], $0x80, s30, s8, $0xb8;
	[tilespmem:$0x1E000] =	vst v63  }
0x173: {  	s19 =	simm.s32 $0x1A00  }
0x174: {  	[spmem:s2] =	stream.indirect.scatter.add.f32 [tilespmem:s9], [sflag:$0x4], $0x80, s19, s8, $0xb8;
	[tilespmem:$0x1E000] =	vst v63  }
0x175: {  	_ =	swait.ge [sflag:s5], $0x4000  }
0x176: {  	[sflag:s5] =	ssyncset.done $0x0  }
0x177: {  	[sflag:s5] =	ssyncadd.s32 $0xFFFFC000  }
0x178: {  	_ =	swait.ge [sflag:s11], $0x4000  }
0x179: {  	[sflag:s11] =	ssyncset.done $0x0  }
0x17a: {  	s20 =	simm.s32 $0x1300;
	[sflag:s11] =	ssyncadd.s32 $0xFFFFC000  }
0x17b: {  	[tilespmem:s9], [sflag:$0x1] =	stream.indirect.gather [hbm4b:s3+s8], $0x80, s20, s8, $0xb8;
	[tilespmem:$0x1E000] =	vst v63  }
0x17c: {  	s15 =	simm.s32 $0x1A80  }
0x17d: {  	[spmem:s2] =	stream.indirect.scatter.add.f32 [tilespmem:s10], [sflag:$0x4], $0x80, s15, s8, $0xb8;
	[tilespmem:$0x1E000] =	vst v63  }
0x17e: {  	_ =	swait.ge [sflag:s5], $0x4000  }
0x17f: {  	[sflag:s5] =	ssyncset.done $0x0  }
0x180: {  	[sflag:s5] =	ssyncadd.s32 $0xFFFFC000  }
0x181: {  	_ =	swait.ge [sflag:s7], $0x4000  }
0x182: {  	[sflag:s7] =	ssyncset.done $0x0  }
0x183: {  	s29 =	simm.s32 $0x1380;
	[sflag:s7] =	ssyncadd.s32 $0xFFFFC000  }
0x184: {  	[tilespmem:s10], [sflag:$0x2] =	stream.indirect.gather [hbm4b:s3+s8], $0x80, s29, s8, $0xb8;
	[tilespmem:$0x1E000] =	vst v63  }
0x185: {  	s22 =	simm.s32 $0x1B00  }
0x186: {  	[spmem:s2] =	stream.indirect.scatter.add.f32 [tilespmem:s9], [sflag:$0x4], $0x80, s22, s8, $0xb8;
	[tilespmem:$0x1E000] =	vst v63  }
0x187: {  	_ =	swait.ge [sflag:s5], $0x4000  }
0x188: {  	[sflag:s5] =	ssyncset.done $0x0  }
0x189: {  	[sflag:s5] =	ssyncadd.s32 $0xFFFFC000  }
0x18a: {  	_ =	swait.ge [sflag:s11], $0x4000  }
0x18b: {  	[sflag:s11] =	ssyncset.done $0x0  }
0x18c: {  	s18 =	simm.s32 $0x1400;
	[sflag:s11] =	ssyncadd.s32 $0xFFFFC000  }
0x18d: {  	[tilespmem:s9], [sflag:$0x1] =	stream.indirect.gather [hbm4b:s3+s8], $0x80, s18, s8, $0xb8;
	[tilespmem:$0x1E000] =	vst v63  }
0x18e: {  	s20 =	simm.s32 $0x1B80  }
0x18f: {  	[spmem:s2] =	stream.indirect.scatter.add.f32 [tilespmem:s10], [sflag:$0x4], $0x80, s20, s8, $0xb8;
	[tilespmem:$0x1E000] =	vst v63  }
0x190: {  	_ =	swait.ge [sflag:s5], $0x4000  }
0x191: {  	[sflag:s5] =	ssyncset.done $0x0  }
0x192: {  	[sflag:s5] =	ssyncadd.s32 $0xFFFFC000  }
0x193: {  	_ =	swait.ge [sflag:s7], $0x4000  }
0x194: {  	[sflag:s7] =	ssyncset.done $0x0  }
0x195: {  	s0 =	simm.s32 $0x1480;
	[sflag:s7] =	ssyncadd.s32 $0xFFFFC000  }
0x196: {  	[tilespmem:s10], [sflag:$0x2] =	stream.indirect.gather [hbm4b:s3+s8], $0x80, s0, s8, $0xb8;
	[tilespmem:$0x1E000] =	vst v63  }
0x197: {  	s12 =	simm.s32 $0x1C00  }
0x198: {  	[spmem:s2] =	stream.indirect.scatter.add.f32 [tilespmem:s9], [sflag:$0x4], $0x80, s12, s8, $0xb8;
	[tilespmem:$0x1E000] =	vst v63  }
0x199: {  	_ =	swait.ge [sflag:s5], $0x4000  }
0x19a: {  	[sflag:s5] =	ssyncset.done $0x0  }
0x19b: {  	[sflag:s5] =	ssyncadd.s32 $0xFFFFC000  }
0x19c: {  	_ =	swait.ge [sflag:s11], $0x4000  }
0x19d: {  	[sflag:s11] =	ssyncset.done $0x0  }
0x19e: {  	[sflag:s11] =	ssyncadd.s32 $0xFFFFC000  }
0x19f: {  	_ =	swait.ge [sflag:s24], $0xA00  }
0x1a0: {  	[sflag:s24] =	ssyncset.done $0x0  }
0x1a1: {  	[sflag:s24] =	ssyncadd.s32 $0xFFFFF600  }
0x1a2: {  	[tilespmem:s9], [sflag:$0x1] =	stream.indirect.gather [hbm4b:s3+s8], $0x80, s31, s8, $0xb8;
	[tilespmem:$0x1E000] =	vst v63  }
0x1a3: {  	s13 =	simm.s32 $0x1C80  }
0x1a4: {  	[spmem:s2] =	stream.indirect.scatter.add.f32 [tilespmem:s10], [sflag:$0x4], $0x80, s13, s8, $0xb8;
	[tilespmem:$0x1E000] =	vst v63  }
0x1a5: {  	_ =	swait.ge [sflag:s5], $0x4000  }
0x1a6: {  	[sflag:s5] =	ssyncset.done $0x0  }
0x1a7: {  	s12 =	simm.s32 $0x1000;
	s13 =	rddreg [dreg:$0xb];
	[sflag:s5] =	ssyncadd.s32 $0xFFFFC000  }
0x1a8: {  	[tilespmem:s12], [sflag:$0x3] =	stream.linear.gather [hbm4b:s13+s31], $0x500, $0x38;
	[tilespmem:$0x1E000] =	vst v63  }
0x1a9: {  	s13 =	sadd.s32 $0x100, s13  }
0x1aa: {  	s0 =	simm.s32 $0x1800;
	[dreg:$0x14] =	wrdreg s13  }
0x1ab: {  	[tilespmem:s0], [sflag:$0x3] =	stream.linear.gather [hbm4b:s13+s31], $0x500, $0x38;
	[tilespmem:$0x1E000] =	vst v63  }
0x1ac: {  	_ =	swait.ge [sflag:s7], $0x4000  }
0x1ad: {  	[sflag:s7] =	ssyncset.done $0x0  }
0x1ae: {  	[sflag:s7] =	ssyncadd.s32 $0xFFFFC000  }
0x1af: {  	[tilespmem:s10], [sflag:$0x2] =	stream.indirect.gather [hbm4b:s3+s8], $0x80, s8, s8, $0xb8;
	[tilespmem:$0x1E000] =	vst v63  }
0x1b0: {  	s13 =	simm.s32 $0x800  }
0x1b1: {  	[spmem:s2] =	stream.indirect.scatter.add.f32 [tilespmem:s9], [sflag:$0x4], $0x80, s13, s8, $0xb8;
	[tilespmem:$0x1E000] =	vst v63  }
0x1b2: {  	_ =	swait.ge [sflag:s5], $0x4000  }
0x1b3: {  	[sflag:s5] =	ssyncset.done $0x0  }
0x1b4: {  	[sflag:s5] =	ssyncadd.s32 $0xFFFFC000  }
0x1b5: {  	_ =	swait.ge [sflag:s11], $0x4000  }
0x1b6: {  	[sflag:s11] =	ssyncset.done $0x0  }
0x1b7: {  	s0 =	simm.s32 $0x100;
	[sflag:s11] =	ssyncadd.s32 $0xFFFFC000  }
0x1b8: {  	[tilespmem:s9], [sflag:$0x1] =	stream.indirect.gather [hbm4b:s3+s8], $0x80, s0, s8, $0xb8;
	[tilespmem:$0x1E000] =	vst v63  }
0x1b9: {  	_ = 	snop  }
0x1ba: {  	[spmem:s2] =	stream.indirect.scatter.add.f32 [tilespmem:s10], [sflag:$0x4], $0x80, s14, s8, $0xb8;
	[tilespmem:$0x1E000] =	vst v63  }
0x1bb: {  	_ =	swait.ge [sflag:s5], $0x4000  }
0x1bc: {  	[sflag:s5] =	ssyncset.done $0x0  }
0x1bd: {  	[sflag:s5] =	ssyncadd.s32 $0xFFFFC000  }
0x1be: {  	_ =	swait.ge [sflag:s7], $0x4000  }
0x1bf: {  	[sflag:s7] =	ssyncset.done $0x0  }
0x1c0: {  	s13 =	simm.s32 $0x180;
	[sflag:s7] =	ssyncadd.s32 $0xFFFFC000  }
0x1c1: {  	[tilespmem:s10], [sflag:$0x2] =	stream.indirect.gather [hbm4b:s3+s8], $0x80, s13, s8, $0xb8;
	[tilespmem:$0x1E000] =	vst v63  }
0x1c2: {  	_ = 	snop  }
0x1c3: {  	[spmem:s2] =	stream.indirect.scatter.add.f32 [tilespmem:s9], [sflag:$0x4], $0x80, s6, s8, $0xb8;
	[tilespmem:$0x1E000] =	vst v63  }
0x1c4: {  	_ =	swait.ge [sflag:s5], $0x4000  }
0x1c5: {  	[sflag:s5] =	ssyncset.done $0x0  }
0x1c6: {  	[sflag:s5] =	ssyncadd.s32 $0xFFFFC000  }
0x1c7: {  	_ =	swait.ge [sflag:s11], $0x4000  }
0x1c8: {  	[sflag:s11] =	ssyncset.done $0x0  }
0x1c9: {  	s14 =	simm.s32 $0x200;
	[sflag:s11] =	ssyncadd.s32 $0xFFFFC000  }
0x1ca: {  	[tilespmem:s9], [sflag:$0x1] =	stream.indirect.gather [hbm4b:s3+s8], $0x80, s14, s8, $0xb8;
	[tilespmem:$0x1E000] =	vst v63  }
0x1cb: {  	_ = 	snop  }
0x1cc: {  	[spmem:s2] =	stream.indirect.scatter.add.f32 [tilespmem:s10], [sflag:$0x4], $0x80, s4, s8, $0xb8;
	[tilespmem:$0x1E000] =	vst v63  }
0x1cd: {  	_ =	swait.ge [sflag:s5], $0x4000  }
0x1ce: {  	[sflag:s5] =	ssyncset.done $0x0  }
0x1cf: {  	[sflag:s5] =	ssyncadd.s32 $0xFFFFC000  }
0x1d0: {  	_ =	swait.ge [sflag:s7], $0x4000  }
0x1d1: {  	[sflag:s7] =	ssyncset.done $0x0  }
0x1d2: {  	s0 =	simm.s32 $0x280;
	[sflag:s7] =	ssyncadd.s32 $0xFFFFC000  }
0x1d3: {  	[tilespmem:s10], [sflag:$0x2] =	stream.indirect.gather [hbm4b:s3+s8], $0x80, s0, s8, $0xb8;
	[tilespmem:$0x1E000] =	vst v63  }
0x1d4: {  	s6 =	simm.s32 $0xA00  }
0x1d5: {  	[spmem:s2] =	stream.indirect.scatter.add.f32 [tilespmem:s9], [sflag:$0x4], $0x80, s6, s8, $0xb8;
	[tilespmem:$0x1E000] =	vst v63  }
0x1d6: {  	_ =	swait.ge [sflag:s5], $0x4000  }
0x1d7: {  	[sflag:s5] =	ssyncset.done $0x0  }
0x1d8: {  	[sflag:s5] =	ssyncadd.s32 $0xFFFFC000  }
0x1d9: {  	_ =	swait.ge [sflag:s11], $0x4000  }
0x1da: {  	[sflag:s11] =	ssyncset.done $0x0  }
0x1db: {  	s12 =	simm.s32 $0x300;
	[sflag:s11] =	ssyncadd.s32 $0xFFFFC000  }
0x1dc: {  	[tilespmem:s9], [sflag:$0x1] =	stream.indirect.gather [hbm4b:s3+s8], $0x80, s12, s8, $0xb8;
	[tilespmem:$0x1E000] =	vst v63  }
0x1dd: {  	s13 =	simm.s32 $0xA80  }
0x1de: {  	[spmem:s2] =	stream.indirect.scatter.add.f32 [tilespmem:s10], [sflag:$0x4], $0x80, s13, s8, $0xb8;
	[tilespmem:$0x1E000] =	vst v63  }
0x1df: {  	_ =	swait.ge [sflag:s5], $0x4000  }
0x1e0: {  	[sflag:s5] =	ssyncset.done $0x0  }
0x1e1: {  	[sflag:s5] =	ssyncadd.s32 $0xFFFFC000  }
0x1e2: {  	_ =	swait.ge [sflag:s7], $0x4000  }
0x1e3: {  	[sflag:s7] =	ssyncset.done $0x0  }
0x1e4: {  	[sflag:s7] =	ssyncadd.s32 $0xFFFFC000  }
0x1e5: {  	[tilespmem:s10], [sflag:$0x2] =	stream.indirect.gather [hbm4b:s3+s8], $0x80, s25, s8, $0xb8;
	[tilespmem:$0x1E000] =	vst v63  }
0x1e6: {  	s14 =	simm.s32 $0xB00  }
0x1e7: {  	[spmem:s2] =	stream.indirect.scatter.add.f32 [tilespmem:s9], [sflag:$0x4], $0x80, s14, s8, $0xb8;
	[tilespmem:$0x1E000] =	vst v63  }
0x1e8: {  	_ =	swait.ge [sflag:s5], $0x4000  }
0x1e9: {  	[sflag:s5] =	ssyncset.done $0x0  }
0x1ea: {  	[sflag:s5] =	ssyncadd.s32 $0xFFFFC000  }
0x1eb: {  	_ =	swait.ge [sflag:s11], $0x4000  }
0x1ec: {  	[sflag:s11] =	ssyncset.done $0x0  }
0x1ed: {  	[sflag:s11] =	ssyncadd.s32 $0xFFFFC000  }
0x1ee: {  	[tilespmem:s9], [sflag:$0x1] =	stream.indirect.gather [hbm4b:s3+s8], $0x80, s23, s8, $0xb8;
	[tilespmem:$0x1E000] =	vst v63  }
0x1ef: {  	_ = 	snop  }
0x1f0: {  	[spmem:s2] =	stream.indirect.scatter.add.f32 [tilespmem:s10], [sflag:$0x4], $0x80, s26, s8, $0xb8;
	[tilespmem:$0x1E000] =	vst v63  }
0x1f1: {  	_ =	swait.ge [sflag:s5], $0x4000  }
0x1f2: {  	[sflag:s5] =	ssyncset.done $0x0  }
0x1f3: {  	[sflag:s5] =	ssyncadd.s32 $0xFFFFC000  }
0x1f4: {  	_ =	swait.ge [sflag:s7], $0x4000  }
0x1f5: {  	[sflag:s7] =	ssyncset.done $0x0  }
0x1f6: {  	[sflag:s7] =	ssyncadd.s32 $0xFFFFC000  }
0x1f7: {  	[tilespmem:s10], [sflag:$0x2] =	stream.indirect.gather [hbm4b:s3+s8], $0x80, s21, s8, $0xb8;
	[tilespmem:$0x1E000] =	vst v63  }
0x1f8: {  	s25 =	simm.s32 $0xC00  }
0x1f9: {  	[spmem:s2] =	stream.indirect.scatter.add.f32 [tilespmem:s9], [sflag:$0x4], $0x80, s25, s8, $0xb8;
	[tilespmem:$0x1E000] =	vst v63  }
0x1fa: {  	_ =	swait.ge [sflag:s5], $0x4000  }
0x1fb: {  	[sflag:s5] =	ssyncset.done $0x0  }
0x1fc: {  	[sflag:s5] =	ssyncadd.s32 $0xFFFFC000  }
0x1fd: {  	_ =	swait.ge [sflag:s11], $0x4000  }
0x1fe: {  	[sflag:s11] =	ssyncset.done $0x0  }
0x1ff: {  	[sflag:s11] =	ssyncadd.s32 $0xFFFFC000  }
0x200: {  	_ =	swait.ge [sflag:s24], $0xA00  }
0x201: {  	[sflag:s24] =	ssyncset.done $0x0  }
0x202: {  	s26 =	simm.s32 $0x1000;
	[sflag:s24] =	ssyncadd.s32 $0xFFFFF600  }
0x203: {  	[tilespmem:s9], [sflag:$0x1] =	stream.indirect.gather [hbm4b:s3+s8], $0x80, s26, s8, $0xb8;
	[tilespmem:$0x1E000] =	vst v63  }
0x204: {  	_ = 	snop  }
0x205: {  	[spmem:s2] =	stream.indirect.scatter.add.f32 [tilespmem:s10], [sflag:$0x4], $0x80, s28, s8, $0xb8;
	[tilespmem:$0x1E000] =	vst v63  }
0x206: {  	_ =	swait.ge [sflag:s5], $0x4000  }
0x207: {  	[sflag:s5] =	ssyncset.done $0x0;
	s4 =	rddreg [dreg:$0x8]  }
0x208: {  	[sflag:s5] =	ssyncadd.s32 $0xFFFFC000;
	s12 =	sadd.s32 $0x100, s4  }
0x209: {  	[tilespmem:s31], [sflag:$0x3] =	stream.linear.gather [hbm4b:s4+s31], $0x500, $0x38;
	[tilespmem:$0x1E000] =	vst v63  }
0x20a: {  	s6 =	simm.s32 $0x800;
	[dreg:$0x15] =	wrdreg s12  }
0x20b: {  	[tilespmem:s6], [sflag:$0x3] =	stream.linear.gather [hbm4b:s12+s31], $0x500, $0x38;
	[tilespmem:$0x1E000] =	vst v63  }
0x20c: {  	_ =	swait.ge [sflag:s7], $0x4000  }
0x20d: {  	[sflag:s7] =	ssyncset.done $0x0  }
0x20e: {  	[sflag:s7] =	ssyncadd.s32 $0xFFFFC000  }
0x20f: {  	[tilespmem:s10], [sflag:$0x2] =	stream.indirect.gather [hbm4b:s3+s8], $0x80, s17, s8, $0xb8;
	[tilespmem:$0x1E000] =	vst v63  }
0x210: {  	s12 =	simm.s32 $0x1800  }
0x211: {  	[spmem:s2] =	stream.indirect.scatter.add.f32 [tilespmem:s9], [sflag:$0x4], $0x80, s12, s8, $0xb8;
	[tilespmem:$0x1E000] =	vst v63  }
0x212: {  	_ =	swait.ge [sflag:s5], $0x4000  }
0x213: {  	[sflag:s5] =	ssyncset.done $0x0  }
0x214: {  	[sflag:s5] =	ssyncadd.s32 $0xFFFFC000  }
0x215: {  	_ =	swait.ge [sflag:s11], $0x4000  }
0x216: {  	[sflag:s11] =	ssyncset.done $0x0  }
0x217: {  	s12 =	simm.s32 $0x1100;
	[sflag:s11] =	ssyncadd.s32 $0xFFFFC000  }
0x218: {  	[tilespmem:s9], [sflag:$0x1] =	stream.indirect.gather [hbm4b:s3+s8], $0x80, s12, s8, $0xb8;
	[tilespmem:$0x1E000] =	vst v63  }
0x219: {  	s1 =	simm.s32 $0x1880  }
0x21a: {  	[spmem:s2] =	stream.indirect.scatter.add.f32 [tilespmem:s10], [sflag:$0x4], $0x80, s1, s8, $0xb8;
	[tilespmem:$0x1E000] =	vst v63  }
0x21b: {  	_ =	swait.ge [sflag:s5], $0x4000  }
0x21c: {  	[sflag:s5] =	ssyncset.done $0x0  }
0x21d: {  	[sflag:s5] =	ssyncadd.s32 $0xFFFFC000  }
0x21e: {  	_ =	swait.ge [sflag:s7], $0x4000  }
0x21f: {  	[sflag:s7] =	ssyncset.done $0x0  }
0x220: {  	s14 =	simm.s32 $0x1180;
	[sflag:s7] =	ssyncadd.s32 $0xFFFFC000  }
0x221: {  	[tilespmem:s10], [sflag:$0x2] =	stream.indirect.gather [hbm4b:s3+s8], $0x80, s14, s8, $0xb8;
	[tilespmem:$0x1E000] =	vst v63  }
0x222: {  	_ = 	snop  }
0x223: {  	[spmem:s2] =	stream.indirect.scatter.add.f32 [tilespmem:s9], [sflag:$0x4], $0x80, s16, s8, $0xb8;
	[tilespmem:$0x1E000] =	vst v63  }
0x224: {  	_ =	swait.ge [sflag:s5], $0x4000  }
0x225: {  	[sflag:s5] =	ssyncset.done $0x0  }
0x226: {  	[sflag:s5] =	ssyncadd.s32 $0xFFFFC000  }
0x227: {  	_ =	swait.ge [sflag:s11], $0x4000  }
0x228: {  	[sflag:s11] =	ssyncset.done $0x0  }
0x229: {  	s0 =	simm.s32 $0x1200;
	[sflag:s11] =	ssyncadd.s32 $0xFFFFC000  }
0x22a: {  	[tilespmem:s9], [sflag:$0x1] =	stream.indirect.gather [hbm4b:s3+s8], $0x80, s0, s8, $0xb8;
	[tilespmem:$0x1E000] =	vst v63  }
0x22b: {  	s6 =	simm.s32 $0x1980  }
0x22c: {  	[spmem:s2] =	stream.indirect.scatter.add.f32 [tilespmem:s10], [sflag:$0x4], $0x80, s6, s8, $0xb8;
	[tilespmem:$0x1E000] =	vst v63  }
0x22d: {  	_ =	swait.ge [sflag:s5], $0x4000  }
0x22e: {  	[sflag:s5] =	ssyncset.done $0x0  }
0x22f: {  	[sflag:s5] =	ssyncadd.s32 $0xFFFFC000  }
0x230: {  	_ =	swait.ge [sflag:s7], $0x4000  }
0x231: {  	[sflag:s7] =	ssyncset.done $0x0  }
0x232: {  	[sflag:s7] =	ssyncadd.s32 $0xFFFFC000  }
0x233: {  	[tilespmem:s10], [sflag:$0x2] =	stream.indirect.gather [hbm4b:s3+s8], $0x80, s30, s8, $0xb8;
	[tilespmem:$0x1E000] =	vst v63  }
0x234: {  	_ = 	snop  }
0x235: {  	[spmem:s2] =	stream.indirect.scatter.add.f32 [tilespmem:s9], [sflag:$0x4], $0x80, s19, s8, $0xb8;
	[tilespmem:$0x1E000] =	vst v63  }
0x236: {  	_ =	swait.ge [sflag:s5], $0x4000  }
0x237: {  	[sflag:s5] =	ssyncset.done $0x0  }
0x238: {  	[sflag:s5] =	ssyncadd.s32 $0xFFFFC000  }
0x239: {  	_ =	swait.ge [sflag:s11], $0x4000  }
0x23a: {  	[sflag:s11] =	ssyncset.done $0x0  }
0x23b: {  	s28 =	simm.s32 $0x1300;
	[sflag:s11] =	ssyncadd.s32 $0xFFFFC000  }
0x23c: {  	[tilespmem:s9], [sflag:$0x1] =	stream.indirect.gather [hbm4b:s3+s8], $0x80, s28, s8, $0xb8;
	[tilespmem:$0x1E000] =	vst v63  }
0x23d: {  	_ = 	snop  }
0x23e: {  	[spmem:s2] =	stream.indirect.scatter.add.f32 [tilespmem:s10], [sflag:$0x4], $0x80, s15, s8, $0xb8;
	[tilespmem:$0x1E000] =	vst v63  }
0x23f: {  	_ =	swait.ge [sflag:s5], $0x4000  }
0x240: {  	[sflag:s5] =	ssyncset.done $0x0  }
0x241: {  	[sflag:s5] =	ssyncadd.s32 $0xFFFFC000  }
0x242: {  	_ =	swait.ge [sflag:s7], $0x4000  }
0x243: {  	[sflag:s7] =	ssyncset.done $0x0  }
0x244: {  	[sflag:s7] =	ssyncadd.s32 $0xFFFFC000  }
0x245: {  	[tilespmem:s10], [sflag:$0x2] =	stream.indirect.gather [hbm4b:s3+s8], $0x80, s29, s8, $0xb8;
	[tilespmem:$0x1E000] =	vst v63  }
0x246: {  	_ = 	snop  }
0x247: {  	[spmem:s2] =	stream.indirect.scatter.add.f32 [tilespmem:s9], [sflag:$0x4], $0x80, s22, s8, $0xb8;
	[tilespmem:$0x1E000] =	vst v63  }
0x248: {  	_ =	swait.ge [sflag:s5], $0x4000  }
0x249: {  	[sflag:s5] =	ssyncset.done $0x0  }
0x24a: {  	[sflag:s5] =	ssyncadd.s32 $0xFFFFC000  }
0x24b: {  	_ =	swait.ge [sflag:s11], $0x4000  }
0x24c: {  	[sflag:s11] =	ssyncset.done $0x0  }
0x24d: {  	[sflag:s11] =	ssyncadd.s32 $0xFFFFC000  }
0x24e: {  	[tilespmem:s9], [sflag:$0x1] =	stream.indirect.gather [hbm4b:s3+s8], $0x80, s18, s8, $0xb8;
	[tilespmem:$0x1E000] =	vst v63  }
0x24f: {  	_ = 	snop  }
0x250: {  	[spmem:s2] =	stream.indirect.scatter.add.f32 [tilespmem:s10], [sflag:$0x4], $0x80, s20, s8, $0xb8;
	[tilespmem:$0x1E000] =	vst v63  }
0x251: {  	_ =	swait.ge [sflag:s5], $0x4000  }
0x252: {  	[sflag:s5] =	ssyncset.done $0x0  }
0x253: {  	[sflag:s5] =	ssyncadd.s32 $0xFFFFC000  }
0x254: {  	_ =	swait.ge [sflag:s7], $0x4000  }
0x255: {  	[sflag:s7] =	ssyncset.done $0x0  }
0x256: {  	s13 =	simm.s32 $0x1480;
	[sflag:s7] =	ssyncadd.s32 $0xFFFFC000  }
0x257: {  	[tilespmem:s10], [sflag:$0x2] =	stream.indirect.gather [hbm4b:s3+s8], $0x80, s13, s8, $0xb8;
	[tilespmem:$0x1E000] =	vst v63  }
0x258: {  	s20 =	simm.s32 $0x1C00  }
0x259: {  	[spmem:s2] =	stream.indirect.scatter.add.f32 [tilespmem:s9], [sflag:$0x4], $0x80, s20, s8, $0xb8;
	[tilespmem:$0x1E000] =	vst v63  }
0x25a: {  	_ =	swait.ge [sflag:s5], $0x4000  }
0x25b: {  	[sflag:s5] =	ssyncset.done $0x0  }
0x25c: {  	[sflag:s5] =	ssyncadd.s32 $0xFFFFC000  }
0x25d: {  	_ =	swait.ge [sflag:s11], $0x4000  }
0x25e: {  	[sflag:s11] =	ssyncset.done $0x0  }
0x25f: {  	[sflag:s11] =	ssyncadd.s32 $0xFFFFC000  }
0x260: {  	_ =	swait.ge [sflag:s24], $0xA00  }
0x261: {  	[sflag:s24] =	ssyncset.done $0x0  }
0x262: {  	[sflag:s24] =	ssyncadd.s32 $0xFFFFF600  }
0x263: {  	[tilespmem:s9], [sflag:$0x1] =	stream.indirect.gather [hbm4b:s3+s8], $0x80, s31, s8, $0xb8;
	[tilespmem:$0x1E000] =	vst v63  }
0x264: {  	s1 =	simm.s32 $0x1C80  }
0x265: {  	[spmem:s2] =	stream.indirect.scatter.add.f32 [tilespmem:s10], [sflag:$0x4], $0x80, s1, s8, $0xb8;
	[tilespmem:$0x1E000] =	vst v63  }
0x266: {  	_ =	swait.ge [sflag:s5], $0x4000  }
0x267: {  	[sflag:s5] =	ssyncset.done $0x0  }
0x268: {  	s25 =	simm.s32 $0x1000;
	s19 =	rddreg [dreg:$0x7];
	[sflag:s5] =	ssyncadd.s32 $0xFFFFC000  }
0x269: {  	[tilespmem:s25], [sflag:$0x3] =	stream.linear.gather [hbm4b:s19+s31], $0x500, $0x38;
	[tilespmem:$0x1E000] =	vst v63  }
0x26a: {  	s19 =	sadd.s32 $0x100, s19  }
0x26b: {  	s25 =	simm.s32 $0x1800;
	[dreg:$0x16] =	wrdreg s19  }
0x26c: {  	[tilespmem:s25], [sflag:$0x3] =	stream.linear.gather [hbm4b:s19+s31], $0x500, $0x38;
	[tilespmem:$0x1E000] =	vst v63  }
0x26d: {  	_ =	swait.ge [sflag:s7], $0x4000  }
0x26e: {  	[sflag:s7] =	ssyncset.done $0x0  }
0x26f: {  	[sflag:s7] =	ssyncadd.s32 $0xFFFFC000  }
0x270: {  	[tilespmem:s10], [sflag:$0x2] =	stream.indirect.gather [hbm4b:s3+s8], $0x80, s8, s8, $0xb8;
	[tilespmem:$0x1E000] =	vst v63  }
0x271: {  	s29 =	simm.s32 $0x800  }
0x272: {  	[spmem:s2] =	stream.indirect.scatter.add.f32 [tilespmem:s9], [sflag:$0x4], $0x80, s29, s8, $0xb8;
	[tilespmem:$0x1E000] =	vst v63  }
0x273: {  	_ =	swait.ge [sflag:s5], $0x4000  }
0x274: {  	[sflag:s5] =	ssyncset.done $0x0  }
0x275: {  	[sflag:s5] =	ssyncadd.s32 $0xFFFFC000  }
0x276: {  	_ =	swait.ge [sflag:s11], $0x4000  }
0x277: {  	[sflag:s11] =	ssyncset.done $0x0  }
0x278: {  	s19 =	simm.s32 $0x100;
	[sflag:s11] =	ssyncadd.s32 $0xFFFFC000  }
0x279: {  	[tilespmem:s9], [sflag:$0x1] =	stream.indirect.gather [hbm4b:s3+s8], $0x80, s19, s8, $0xb8;
	[tilespmem:$0x1E000] =	vst v63  }
0x27a: {  	s13 =	simm.s32 $0x880  }
0x27b: {  	[spmem:s2] =	stream.indirect.scatter.add.f32 [tilespmem:s10], [sflag:$0x4], $0x80, s13, s8, $0xb8;
	[tilespmem:$0x1E000] =	vst v63  }
0x27c: {  	_ =	swait.ge [sflag:s5], $0x4000  }
0x27d: {  	[sflag:s5] =	ssyncset.done $0x0  }
0x27e: {  	[sflag:s5] =	ssyncadd.s32 $0xFFFFC000  }
0x27f: {  	_ =	swait.ge [sflag:s7], $0x4000  }
0x280: {  	[sflag:s7] =	ssyncset.done $0x0  }
0x281: {  	s13 =	simm.s32 $0x180;
	[sflag:s7] =	ssyncadd.s32 $0xFFFFC000  }
0x282: {  	[tilespmem:s10], [sflag:$0x2] =	stream.indirect.gather [hbm4b:s3+s8], $0x80, s13, s8, $0xb8;
	[tilespmem:$0x1E000] =	vst v63  }
0x283: {  	s13 =	simm.s32 $0x900  }
0x284: {  	[spmem:s2] =	stream.indirect.scatter.add.f32 [tilespmem:s9], [sflag:$0x4], $0x80, s13, s8, $0xb8;
	[tilespmem:$0x1E000] =	vst v63  }
0x285: {  	_ =	swait.ge [sflag:s5], $0x4000  }
0x286: {  	[sflag:s5] =	ssyncset.done $0x0  }
0x287: {  	[sflag:s5] =	ssyncadd.s32 $0xFFFFC000  }
0x288: {  	_ =	swait.ge [sflag:s11], $0x4000  }
0x289: {  	[sflag:s11] =	ssyncset.done $0x0  }
0x28a: {  	s13 =	simm.s32 $0x200;
	[sflag:s11] =	ssyncadd.s32 $0xFFFFC000  }
0x28b: {  	[tilespmem:s9], [sflag:$0x1] =	stream.indirect.gather [hbm4b:s3+s8], $0x80, s13, s8, $0xb8;
	[tilespmem:$0x1E000] =	vst v63  }
0x28c: {  	s13 =	simm.s32 $0x980  }
0x28d: {  	[spmem:s2] =	stream.indirect.scatter.add.f32 [tilespmem:s10], [sflag:$0x4], $0x80, s13, s8, $0xb8;
	[tilespmem:$0x1E000] =	vst v63  }
0x28e: {  	_ =	swait.ge [sflag:s5], $0x4000  }
0x28f: {  	[sflag:s5] =	ssyncset.done $0x0  }
0x290: {  	[sflag:s5] =	ssyncadd.s32 $0xFFFFC000  }
0x291: {  	_ =	swait.ge [sflag:s7], $0x4000  }
0x292: {  	[sflag:s7] =	ssyncset.done $0x0  }
0x293: {  	s13 =	simm.s32 $0x280;
	[sflag:s7] =	ssyncadd.s32 $0xFFFFC000  }
0x294: {  	[tilespmem:s10], [sflag:$0x2] =	stream.indirect.gather [hbm4b:s3+s8], $0x80, s13, s8, $0xb8;
	[tilespmem:$0x1E000] =	vst v63  }
0x295: {  	s13 =	simm.s32 $0xA00  }
0x296: {  	[spmem:s2] =	stream.indirect.scatter.add.f32 [tilespmem:s9], [sflag:$0x4], $0x80, s13, s8, $0xb8;
	[tilespmem:$0x1E000] =	vst v63  }
0x297: {  	_ =	swait.ge [sflag:s5], $0x4000  }
0x298: {  	[sflag:s5] =	ssyncset.done $0x0  }
0x299: {  	[sflag:s5] =	ssyncadd.s32 $0xFFFFC000  }
0x29a: {  	_ =	swait.ge [sflag:s11], $0x4000  }
0x29b: {  	[sflag:s11] =	ssyncset.done $0x0  }
0x29c: {  	s13 =	simm.s32 $0x300;
	[sflag:s11] =	ssyncadd.s32 $0xFFFFC000  }
0x29d: {  	[tilespmem:s9], [sflag:$0x1] =	stream.indirect.gather [hbm4b:s3+s8], $0x80, s13, s8, $0xb8;
	[tilespmem:$0x1E000] =	vst v63  }
0x29e: {  	s13 =	simm.s32 $0xA80  }
0x29f: {  	[spmem:s2] =	stream.indirect.scatter.add.f32 [tilespmem:s10], [sflag:$0x4], $0x80, s13, s8, $0xb8;
	[tilespmem:$0x1E000] =	vst v63  }
0x2a0: {  	_ =	swait.ge [sflag:s5], $0x4000  }
0x2a1: {  	[sflag:s5] =	ssyncset.done $0x0  }
0x2a2: {  	[sflag:s5] =	ssyncadd.s32 $0xFFFFC000  }
0x2a3: {  	_ =	swait.ge [sflag:s7], $0x4000  }
0x2a4: {  	[sflag:s7] =	ssyncset.done $0x0  }
0x2a5: {  	s13 =	simm.s32 $0x380;
	[sflag:s7] =	ssyncadd.s32 $0xFFFFC000  }
0x2a6: {  	[tilespmem:s10], [sflag:$0x2] =	stream.indirect.gather [hbm4b:s3+s8], $0x80, s13, s8, $0xb8;
	[tilespmem:$0x1E000] =	vst v63  }
0x2a7: {  	s13 =	simm.s32 $0xB00  }
0x2a8: {  	[spmem:s2] =	stream.indirect.scatter.add.f32 [tilespmem:s9], [sflag:$0x4], $0x80, s13, s8, $0xb8;
	[tilespmem:$0x1E000] =	vst v63  }
0x2a9: {  	_ =	swait.ge [sflag:s5], $0x4000  }
0x2aa: {  	[sflag:s5] =	ssyncset.done $0x0  }
0x2ab: {  	[sflag:s5] =	ssyncadd.s32 $0xFFFFC000  }
0x2ac: {  	_ =	swait.ge [sflag:s11], $0x4000  }
0x2ad: {  	[sflag:s11] =	ssyncset.done $0x0  }
0x2ae: {  	s13 =	simm.s32 $0x400;
	[sflag:s11] =	ssyncadd.s32 $0xFFFFC000  }
0x2af: {  	[tilespmem:s9], [sflag:$0x1] =	stream.indirect.gather [hbm4b:s3+s8], $0x80, s13, s8, $0xb8;
	[tilespmem:$0x1E000] =	vst v63  }
0x2b0: {  	s13 =	simm.s32 $0xB80  }
0x2b1: {  	[spmem:s2] =	stream.indirect.scatter.add.f32 [tilespmem:s10], [sflag:$0x4], $0x80, s13, s8, $0xb8;
	[tilespmem:$0x1E000] =	vst v63  }
0x2b2: {  	_ =	swait.ge [sflag:s5], $0x4000  }
0x2b3: {  	[sflag:s5] =	ssyncset.done $0x0  }
0x2b4: {  	[sflag:s5] =	ssyncadd.s32 $0xFFFFC000  }
0x2b5: {  	_ =	swait.ge [sflag:s7], $0x4000  }
0x2b6: {  	[sflag:s7] =	ssyncset.done $0x0  }
0x2b7: {  	s13 =	simm.s32 $0x480;
	[sflag:s7] =	ssyncadd.s32 $0xFFFFC000  }
0x2b8: {  	[tilespmem:s10], [sflag:$0x2] =	stream.indirect.gather [hbm4b:s3+s8], $0x80, s13, s8, $0xb8;
	[tilespmem:$0x1E000] =	vst v63  }
0x2b9: {  	s13 =	simm.s32 $0xC00  }
0x2ba: {  	[spmem:s2] =	stream.indirect.scatter.add.f32 [tilespmem:s9], [sflag:$0x4], $0x80, s13, s8, $0xb8;
	[tilespmem:$0x1E000] =	vst v63  }
0x2bb: {  	_ =	swait.ge [sflag:s5], $0x4000  }
0x2bc: {  	[sflag:s5] =	ssyncset.done $0x0  }
0x2bd: {  	[sflag:s5] =	ssyncadd.s32 $0xFFFFC000  }
0x2be: {  	_ =	swait.ge [sflag:s11], $0x4000  }
0x2bf: {  	[sflag:s11] =	ssyncset.done $0x0  }
0x2c0: {  	[sflag:s11] =	ssyncadd.s32 $0xFFFFC000  }
0x2c1: {  	_ =	swait.ge [sflag:s24], $0xA00  }
0x2c2: {  	[sflag:s24] =	ssyncset.done $0x0  }
0x2c3: {  	s25 =	simm.s32 $0x1000;
	[sflag:s24] =	ssyncadd.s32 $0xFFFFF600  }
0x2c4: {  	[tilespmem:s9], [sflag:$0x1] =	stream.indirect.gather [hbm4b:s3+s8], $0x80, s25, s8, $0xb8;
	[tilespmem:$0x1E000] =	vst v63  }
0x2c5: {  	s13 =	simm.s32 $0xC80  }
0x2c6: {  	[spmem:s2] =	stream.indirect.scatter.add.f32 [tilespmem:s10], [sflag:$0x4], $0x80, s13, s8, $0xb8;
	[tilespmem:$0x1E000] =	vst v63  }
0x2c7: {  	_ =	swait.ge [sflag:s5], $0x4000  }
0x2c8: {  	[sflag:s5] =	ssyncset.done $0x0  }
0x2c9: {  	[sflag:s5] =	ssyncadd.s32 $0xFFFFC000  }
0x2ca: {  	_ =	swait.ge [sflag:s7], $0x4000  }
0x2cb: {  	[sflag:s7] =	ssyncset.done $0x0  }
0x2cc: {  	s23 =	simm.s32 $0x1080;
	[sflag:s7] =	ssyncadd.s32 $0xFFFFC000  }
0x2cd: {  	[tilespmem:s10], [sflag:$0x2] =	stream.indirect.gather [hbm4b:s3+s8], $0x80, s23, s8, $0xb8;
	[tilespmem:$0x1E000] =	vst v63  }
0x2ce: {  	s19 =	simm.s32 $0x1800  }
0x2cf: {  	[spmem:s2] =	stream.indirect.scatter.add.f32 [tilespmem:s9], [sflag:$0x4], $0x80, s19, s8, $0xb8;
	[tilespmem:$0x1E000] =	vst v63  }
0x2d0: {  	_ =	swait.ge [sflag:s5], $0x4000  }
0x2d1: {  	[sflag:s5] =	ssyncset.done $0x0  }
0x2d2: {  	[sflag:s5] =	ssyncadd.s32 $0xFFFFC000  }
0x2d3: {  	_ =	swait.ge [sflag:s11], $0x4000  }
0x2d4: {  	[sflag:s11] =	ssyncset.done $0x0  }
0x2d5: {  	[sflag:s11] =	ssyncadd.s32 $0xFFFFC000  }
0x2d6: {  	[tilespmem:s9], [sflag:$0x1] =	stream.indirect.gather [hbm4b:s3+s8], $0x80, s12, s8, $0xb8;
	[tilespmem:$0x1E000] =	vst v63  }
0x2d7: {  	s13 =	simm.s32 $0x1880  }
0x2d8: {  	[spmem:s2] =	stream.indirect.scatter.add.f32 [tilespmem:s10], [sflag:$0x4], $0x80, s13, s8, $0xb8;
	[tilespmem:$0x1E000] =	vst v63  }
0x2d9: {  	_ =	swait.ge [sflag:s5], $0x4000  }
0x2da: {  	[sflag:s5] =	ssyncset.done $0x0  }
0x2db: {  	[sflag:s5] =	ssyncadd.s32 $0xFFFFC000  }
0x2dc: {  	_ =	swait.ge [sflag:s7], $0x4000  }
0x2dd: {  	[sflag:s7] =	ssyncset.done $0x0  }
0x2de: {  	[sflag:s7] =	ssyncadd.s32 $0xFFFFC000  }
0x2df: {  	[tilespmem:s10], [sflag:$0x2] =	stream.indirect.gather [hbm4b:s3+s8], $0x80, s14, s8, $0xb8;
	[tilespmem:$0x1E000] =	vst v63  }
0x2e0: {  	s26 =	simm.s32 $0x1900  }
0x2e1: {  	[spmem:s2] =	stream.indirect.scatter.add.f32 [tilespmem:s9], [sflag:$0x4], $0x80, s26, s8, $0xb8;
	[tilespmem:$0x1E000] =	vst v63  }
0x2e2: {  	_ =	swait.ge [sflag:s5], $0x4000  }
0x2e3: {  	[sflag:s5] =	ssyncset.done $0x0  }
0x2e4: {  	[sflag:s5] =	ssyncadd.s32 $0xFFFFC000  }
0x2e5: {  	_ =	swait.ge [sflag:s11], $0x4000  }
0x2e6: {  	[sflag:s11] =	ssyncset.done $0x0  }
0x2e7: {  	[sflag:s11] =	ssyncadd.s32 $0xFFFFC000  }
0x2e8: {  	[tilespmem:s9], [sflag:$0x1] =	stream.indirect.gather [hbm4b:s3+s8], $0x80, s0, s8, $0xb8;
	[tilespmem:$0x1E000] =	vst v63  }
0x2e9: {  	_ = 	snop  }
0x2ea: {  	[spmem:s2] =	stream.indirect.scatter.add.f32 [tilespmem:s10], [sflag:$0x4], $0x80, s6, s8, $0xb8;
	[tilespmem:$0x1E000] =	vst v63  }
0x2eb: {  	_ =	swait.ge [sflag:s5], $0x4000  }
0x2ec: {  	[sflag:s5] =	ssyncset.done $0x0  }
0x2ed: {  	[sflag:s5] =	ssyncadd.s32 $0xFFFFC000  }
0x2ee: {  	_ =	swait.ge [sflag:s7], $0x4000  }
0x2ef: {  	[sflag:s7] =	ssyncset.done $0x0  }
0x2f0: {  	s17 =	simm.s32 $0x1280;
	[sflag:s7] =	ssyncadd.s32 $0xFFFFC000  }
0x2f1: {  	[tilespmem:s10], [sflag:$0x2] =	stream.indirect.gather [hbm4b:s3+s8], $0x80, s17, s8, $0xb8;
	[tilespmem:$0x1E000] =	vst v63  }
0x2f2: {  	s21 =	simm.s32 $0x1A00  }
0x2f3: {  	[spmem:s2] =	stream.indirect.scatter.add.f32 [tilespmem:s9], [sflag:$0x4], $0x80, s21, s8, $0xb8;
	[tilespmem:$0x1E000] =	vst v63  }
0x2f4: {  	_ =	swait.ge [sflag:s5], $0x4000  }
0x2f5: {  	[sflag:s5] =	ssyncset.done $0x0  }
0x2f6: {  	[sflag:s5] =	ssyncadd.s32 $0xFFFFC000  }
0x2f7: {  	_ =	swait.ge [sflag:s11], $0x4000  }
0x2f8: {  	[sflag:s11] =	ssyncset.done $0x0  }
0x2f9: {  	[sflag:s11] =	ssyncadd.s32 $0xFFFFC000  }
0x2fa: {  	[tilespmem:s9], [sflag:$0x1] =	stream.indirect.gather [hbm4b:s3+s8], $0x80, s28, s8, $0xb8;
	[tilespmem:$0x1E000] =	vst v63  }
0x2fb: {  	s30 =	simm.s32 $0x1A80  }
0x2fc: {  	[spmem:s2] =	stream.indirect.scatter.add.f32 [tilespmem:s10], [sflag:$0x4], $0x80, s30, s8, $0xb8;
	[tilespmem:$0x1E000] =	vst v63  }
0x2fd: {  	_ =	swait.ge [sflag:s5], $0x4000  }
0x2fe: {  	[sflag:s5] =	ssyncset.done $0x0  }
0x2ff: {  	[sflag:s5] =	ssyncadd.s32 $0xFFFFC000  }
0x300: {  	_ =	swait.ge [sflag:s7], $0x4000  }
0x301: {  	[sflag:s7] =	ssyncset.done $0x0  }
0x302: {  	s16 =	simm.s32 $0x1380;
	[sflag:s7] =	ssyncadd.s32 $0xFFFFC000  }
0x303: {  	[tilespmem:s10], [sflag:$0x2] =	stream.indirect.gather [hbm4b:s3+s8], $0x80, s16, s8, $0xb8;
	[tilespmem:$0x1E000] =	vst v63  }
0x304: {  	s22 =	simm.s32 $0x1B00  }
0x305: {  	[spmem:s2] =	stream.indirect.scatter.add.f32 [tilespmem:s9], [sflag:$0x4], $0x80, s22, s8, $0xb8;
	[tilespmem:$0x1E000] =	vst v63  }
0x306: {  	_ =	swait.ge [sflag:s5], $0x4000  }
0x307: {  	[sflag:s5] =	ssyncset.done $0x0  }
0x308: {  	[sflag:s5] =	ssyncadd.s32 $0xFFFFC000  }
0x309: {  	_ =	swait.ge [sflag:s11], $0x4000  }
0x30a: {  	[sflag:s11] =	ssyncset.done $0x0  }
0x30b: {  	s15 =	simm.s32 $0x1400;
	[sflag:s11] =	ssyncadd.s32 $0xFFFFC000  }
0x30c: {  	[tilespmem:s9], [sflag:$0x1] =	stream.indirect.gather [hbm4b:s3+s8], $0x80, s15, s8, $0xb8;
	[tilespmem:$0x1E000] =	vst v63  }
0x30d: {  	s18 =	simm.s32 $0x1B80  }
0x30e: {  	[spmem:s2] =	stream.indirect.scatter.add.f32 [tilespmem:s10], [sflag:$0x4], $0x80, s18, s8, $0xb8;
	[tilespmem:$0x1E000] =	vst v63  }
0x30f: {  	_ =	swait.ge [sflag:s5], $0x4000  }
0x310: {  	[sflag:s5] =	ssyncset.done $0x0  }
0x311: {  	[sflag:s5] =	ssyncadd.s32 $0xFFFFC000  }
0x312: {  	_ =	swait.ge [sflag:s7], $0x4000  }
0x313: {  	[sflag:s7] =	ssyncset.done $0x0  }
0x314: {  	s23 =	simm.s32 $0x1480;
	[sflag:s7] =	ssyncadd.s32 $0xFFFFC000  }
0x315: {  	[tilespmem:s10], [sflag:$0x2] =	stream.indirect.gather [hbm4b:s3+s8], $0x80, s23, s8, $0xb8;
	[tilespmem:$0x1E000] =	vst v63  }
0x316: {  	_ = 	snop  }
0x317: {  	[spmem:s2] =	stream.indirect.scatter.add.f32 [tilespmem:s9], [sflag:$0x4], $0x80, s20, s8, $0xb8;
	[tilespmem:$0x1E000] =	vst v63  }
0x318: {  	_ =	swait.ge [sflag:s5], $0x4000  }
0x319: {  	[sflag:s5] =	ssyncset.done $0x0  }
0x31a: {  	[sflag:s5] =	ssyncadd.s32 $0xFFFFC000  }
0x31b: {  	_ =	swait.ge [sflag:s11], $0x4000  }
0x31c: {  	[sflag:s11] =	ssyncset.done $0x0  }
0x31d: {  	[sflag:s11] =	ssyncadd.s32 $0xFFFFC000  }
0x31e: {  	[tilespmem:s9], [sflag:$0x1] =	stream.indirect.gather [hbm4b:s3+s8], $0x80, s23, s8, $0xb8;
	[tilespmem:$0x1E000] =	vst v63  }
0x31f: {  	_ = 	snop  }
0x320: {  	[spmem:s2] =	stream.indirect.scatter.add.f32 [tilespmem:s10], [sflag:$0x4], $0x80, s1, s8, $0xb8;
	[tilespmem:$0x1E000] =	vst v63  }
0x321: {  	_ =	swait.ge [sflag:s5], $0x4000  }
0x322: {  	[sflag:s5] =	ssyncset.done $0x0  }
0x323: {  	[sflag:s5] =	ssyncadd.s32 $0xFFFFC000  }
0x324: {  	_ =	swait.ge [sflag:s7], $0x4000  }
0x325: {  	[sflag:s7] =	ssyncset.done $0x0  }
0x326: {  	[sflag:s7] =	ssyncadd.s32 $0xFFFFC000  }
0x327: {  	[bflag:$0x0] =	sbarrier.arrive $0xFFFF  }
0x328: {  	s26 =	rddreg [dreg:$0x4]  }
0x329: {  	s28 =	rddreg [dreg:$0x9]  }
0x32a: {  	s30 =	rddreg [dreg:$0xa]  }
0x32b: {  	[hbm:s26], [sflag:s28] =	dma.local [spmem:s30], $0x2800  }
0x32c: {  	s0 =	rddreg [dreg:$0x17]  }
0x32d: {  	p1 =	sne.s32 s0, $0x1  }
.Ltmp1:
0x32e: {  	_ = 	snop;
	(pc) =	sbr.rel @!p1 .LBB2_3-.Ltmp1, $3  }
0x32f: {  	_ =	sdelay $0x1  }
0x330: {  	p0 =	por $0x1, $0x1;
	_ =	swait.ge [sflag:s5], $0x2800  }
0x331: {  	s4 =	sadd.s32 $0xFFFFFFFF, s0;
	s13 =	rddreg [dreg:$0x3];
	[sflag:s5] =	ssyncset.done $0x0  }
.LBB2_4:
0x332: {  	s0 =	rddreg [dreg:$0x9]  }
0x333: {  	[sflag:s5] =	ssyncadd.s32 $0xFFFFD800;
	s1 =	rddreg [dreg:$0xa]  }
0x334: {  	[spmem:s1], [sflag:s0] =	dma.local [hbm:s13], $0x2800  }
0x335: {  	_ =	swait.ge [sflag:s5], $0x2800  }
0x336: {  	[sflag:s5] =	ssyncset.done $0x0  }
0x337: {  	s12 =	rddreg [dreg:$0x10];
	[sflag:s5] =	ssyncadd.s32 $0xFFFFD800  }
0x338: {  	[tilespmem:s31], [sflag:$0x3] =	stream.linear.gather [hbm4b:s12+s31], $0x500, $0x38;
	[tilespmem:$0x1E000] =	vst v63  }
0x339: {  	s0 =	rddreg [dreg:$0x5]  }
0x33a: {  	[tilespmem:s29], [sflag:$0x3] =	stream.linear.gather [hbm4b:s0+s31], $0x500, $0x38;
	[tilespmem:$0x1E000] =	vst v63  }
0x33b: {  	_ =	swait.ge [sflag:s24], $0xA00  }
0x33c: {  	[sflag:s24] =	ssyncset.done $0x0  }
0x33d: {  	s6 =	rddreg [dreg:$0xd];
	[sflag:s24] =	ssyncadd.s32 $0xFFFFF600  }
0x33e: {  	[tilespmem:s25], [sflag:$0x3] =	stream.linear.gather [hbm4b:s6+s31], $0x500, $0x38;
	[tilespmem:$0x1E000] =	vst v63  }
0x33f: {  	s1 =	rddreg [dreg:$0x6]  }
0x340: {  	[tilespmem:s19], [sflag:$0x3] =	stream.linear.gather [hbm4b:s1+s31], $0x500, $0x38;
	[tilespmem:$0x1E000] =	vst v63  }
0x341: {  	[bflag:$0x0] =	sbarrier.arrive $0xFFFF  }
0x342: {  	[tilespmem:s9], [sflag:$0x1] =	stream.indirect.gather [hbm4b:s3+s8], $0x80, s31, s8, $0xb8;
	[tilespmem:$0x1E000] =	vst v63  }
0x343: {  	_ =	swait.ge [sflag:s7], $0x4000  }
0x344: {  	[sflag:s7] =	ssyncset.done $0x0  }
0x345: {  	[sflag:s7] =	ssyncadd.s32 $0xFFFFC000  }
0x346: {  	[tilespmem:s10], [sflag:$0x2] =	stream.indirect.gather [hbm4b:s3+s8], $0x80, s8, s8, $0xb8;
	[tilespmem:$0x1E000] =	vst v63  }
0x347: {  	_ = 	snop  }
0x348: {  	[spmem:s2] =	stream.indirect.scatter.add.f32 [tilespmem:s9], [sflag:$0x4], $0x80, s29, s8, $0xb8;
	[tilespmem:$0x1E000] =	vst v63  }
0x349: {  	_ =	swait.ge [sflag:s5], $0x4000  }
0x34a: {  	[sflag:s5] =	ssyncset.done $0x0  }
0x34b: {  	[sflag:s5] =	ssyncadd.s32 $0xFFFFC000  }
0x34c: {  	_ =	swait.ge [sflag:s11], $0x4000  }
0x34d: {  	[sflag:s11] =	ssyncset.done $0x0  }
0x34e: {  	s12 =	simm.s32 $0x100;
	[sflag:s11] =	ssyncadd.s32 $0xFFFFC000  }
0x34f: {  	[tilespmem:s9], [sflag:$0x1] =	stream.indirect.gather [hbm4b:s3+s8], $0x80, s12, s8, $0xb8;
	[tilespmem:$0x1E000] =	vst v63  }
0x350: {  	s13 =	simm.s32 $0x880  }
0x351: {  	[spmem:s2] =	stream.indirect.scatter.add.f32 [tilespmem:s10], [sflag:$0x4], $0x80, s13, s8, $0xb8;
	[tilespmem:$0x1E000] =	vst v63  }
0x352: {  	_ =	swait.ge [sflag:s5], $0x4000  }
0x353: {  	[sflag:s5] =	ssyncset.done $0x0  }
0x354: {  	[sflag:s5] =	ssyncadd.s32 $0xFFFFC000  }
0x355: {  	_ =	swait.ge [sflag:s7], $0x4000  }
0x356: {  	[sflag:s7] =	ssyncset.done $0x0  }
0x357: {  	s15 =	simm.s32 $0x180;
	[sflag:s7] =	ssyncadd.s32 $0xFFFFC000  }
0x358: {  	[tilespmem:s10], [sflag:$0x2] =	stream.indirect.gather [hbm4b:s3+s8], $0x80, s15, s8, $0xb8;
	[tilespmem:$0x1E000] =	vst v63  }
0x359: {  	s16 =	simm.s32 $0x900  }
0x35a: {  	[spmem:s2] =	stream.indirect.scatter.add.f32 [tilespmem:s9], [sflag:$0x4], $0x80, s16, s8, $0xb8;
	[tilespmem:$0x1E000] =	vst v63  }
0x35b: {  	_ =	swait.ge [sflag:s5], $0x4000  }
0x35c: {  	[sflag:s5] =	ssyncset.done $0x0  }
0x35d: {  	[sflag:s5] =	ssyncadd.s32 $0xFFFFC000  }
0x35e: {  	_ =	swait.ge [sflag:s11], $0x4000  }
0x35f: {  	[sflag:s11] =	ssyncset.done $0x0  }
0x360: {  	s17 =	simm.s32 $0x200;
	[sflag:s11] =	ssyncadd.s32 $0xFFFFC000  }
0x361: {  	[tilespmem:s9], [sflag:$0x1] =	stream.indirect.gather [hbm4b:s3+s8], $0x80, s17, s8, $0xb8;
	[tilespmem:$0x1E000] =	vst v63  }
0x362: {  	s18 =	simm.s32 $0x980  }
0x363: {  	[spmem:s2] =	stream.indirect.scatter.add.f32 [tilespmem:s10], [sflag:$0x4], $0x80, s18, s8, $0xb8;
	[tilespmem:$0x1E000] =	vst v63  }
0x364: {  	_ =	swait.ge [sflag:s5], $0x4000  }
0x365: {  	[sflag:s5] =	ssyncset.done $0x0  }
0x366: {  	[sflag:s5] =	ssyncadd.s32 $0xFFFFC000  }
0x367: {  	_ =	swait.ge [sflag:s7], $0x4000  }
0x368: {  	[sflag:s7] =	ssyncset.done $0x0  }
0x369: {  	s19 =	simm.s32 $0x280;
	[sflag:s7] =	ssyncadd.s32 $0xFFFFC000  }
0x36a: {  	[tilespmem:s10], [sflag:$0x2] =	stream.indirect.gather [hbm4b:s3+s8], $0x80, s19, s8, $0xb8;
	[tilespmem:$0x1E000] =	vst v63  }
0x36b: {  	s20 =	simm.s32 $0xA00  }
0x36c: {  	[spmem:s2] =	stream.indirect.scatter.add.f32 [tilespmem:s9], [sflag:$0x4], $0x80, s20, s8, $0xb8;
	[tilespmem:$0x1E000] =	vst v63  }
0x36d: {  	_ =	swait.ge [sflag:s5], $0x4000  }
0x36e: {  	[sflag:s5] =	ssyncset.done $0x0  }
0x36f: {  	[sflag:s5] =	ssyncadd.s32 $0xFFFFC000  }
0x370: {  	_ =	swait.ge [sflag:s11], $0x4000  }
0x371: {  	[sflag:s11] =	ssyncset.done $0x0  }
0x372: {  	s21 =	simm.s32 $0x300;
	[sflag:s11] =	ssyncadd.s32 $0xFFFFC000  }
0x373: {  	[tilespmem:s9], [sflag:$0x1] =	stream.indirect.gather [hbm4b:s3+s8], $0x80, s21, s8, $0xb8;
	[tilespmem:$0x1E000] =	vst v63  }
0x374: {  	s22 =	simm.s32 $0xA80  }
0x375: {  	[spmem:s2] =	stream.indirect.scatter.add.f32 [tilespmem:s10], [sflag:$0x4], $0x80, s22, s8, $0xb8;
	[tilespmem:$0x1E000] =	vst v63  }
0x376: {  	_ =	swait.ge [sflag:s5], $0x4000  }
0x377: {  	[sflag:s5] =	ssyncset.done $0x0  }
0x378: {  	[sflag:s5] =	ssyncadd.s32 $0xFFFFC000  }
0x379: {  	_ =	swait.ge [sflag:s7], $0x4000  }
0x37a: {  	[sflag:s7] =	ssyncset.done $0x0  }
0x37b: {  	s23 =	simm.s32 $0x380;
	[sflag:s7] =	ssyncadd.s32 $0xFFFFC000  }
0x37c: {  	[tilespmem:s10], [sflag:$0x2] =	stream.indirect.gather [hbm4b:s3+s8], $0x80, s23, s8, $0xb8;
	[tilespmem:$0x1E000] =	vst v63  }
0x37d: {  	s25 =	simm.s32 $0xB00  }
0x37e: {  	[spmem:s2] =	stream.indirect.scatter.add.f32 [tilespmem:s9], [sflag:$0x4], $0x80, s25, s8, $0xb8;
	[tilespmem:$0x1E000] =	vst v63  }
0x37f: {  	_ =	swait.ge [sflag:s5], $0x4000  }
0x380: {  	[sflag:s5] =	ssyncset.done $0x0  }
0x381: {  	[sflag:s5] =	ssyncadd.s32 $0xFFFFC000  }
0x382: {  	_ =	swait.ge [sflag:s11], $0x4000  }
0x383: {  	[sflag:s11] =	ssyncset.done $0x0  }
0x384: {  	s26 =	simm.s32 $0x400;
	[sflag:s11] =	ssyncadd.s32 $0xFFFFC000  }
0x385: {  	[tilespmem:s9], [sflag:$0x1] =	stream.indirect.gather [hbm4b:s3+s8], $0x80, s26, s8, $0xb8;
	[tilespmem:$0x1E000] =	vst v63  }
0x386: {  	s28 =	simm.s32 $0xB80  }
0x387: {  	[spmem:s2] =	stream.indirect.scatter.add.f32 [tilespmem:s10], [sflag:$0x4], $0x80, s28, s8, $0xb8;
	[tilespmem:$0x1E000] =	vst v63  }
0x388: {  	_ =	swait.ge [sflag:s5], $0x4000  }
0x389: {  	[sflag:s5] =	ssyncset.done $0x0  }
0x38a: {  	[sflag:s5] =	ssyncadd.s32 $0xFFFFC000  }
0x38b: {  	_ =	swait.ge [sflag:s7], $0x4000  }
0x38c: {  	[sflag:s7] =	ssyncset.done $0x0  }
0x38d: {  	s30 =	simm.s32 $0x480;
	[sflag:s7] =	ssyncadd.s32 $0xFFFFC000  }
0x38e: {  	[tilespmem:s10], [sflag:$0x2] =	stream.indirect.gather [hbm4b:s3+s8], $0x80, s30, s8, $0xb8;
	[tilespmem:$0x1E000] =	vst v63  }
0x38f: {  	s12 =	simm.s32 $0xC00  }
0x390: {  	[spmem:s2] =	stream.indirect.scatter.add.f32 [tilespmem:s9], [sflag:$0x4], $0x80, s12, s8, $0xb8;
	[tilespmem:$0x1E000] =	vst v63  }
0x391: {  	_ =	swait.ge [sflag:s5], $0x4000  }
0x392: {  	[sflag:s5] =	ssyncset.done $0x0  }
0x393: {  	[sflag:s5] =	ssyncadd.s32 $0xFFFFC000  }
0x394: {  	_ =	swait.ge [sflag:s11], $0x4000  }
0x395: {  	[sflag:s11] =	ssyncset.done $0x0  }
0x396: {  	[sflag:s11] =	ssyncadd.s32 $0xFFFFC000  }
0x397: {  	_ =	swait.ge [sflag:s24], $0xA00  }
0x398: {  	[sflag:s24] =	ssyncset.done $0x0  }
0x399: {  	s13 =	simm.s32 $0x1000;
	[sflag:s24] =	ssyncadd.s32 $0xFFFFF600  }
0x39a: {  	[tilespmem:s9], [sflag:$0x1] =	stream.indirect.gather [hbm4b:s3+s8], $0x80, s13, s8, $0xb8;
	[tilespmem:$0x1E000] =	vst v63  }
0x39b: {  	s15 =	simm.s32 $0xC80  }
0x39c: {  	[spmem:s2] =	stream.indirect.scatter.add.f32 [tilespmem:s10], [sflag:$0x4], $0x80, s15, s8, $0xb8;
	[tilespmem:$0x1E000] =	vst v63  }
0x39d: {  	_ =	swait.ge [sflag:s5], $0x4000  }
0x39e: {  	[sflag:s5] =	ssyncset.done $0x0  }
0x39f: {  	s16 =	rddreg [dreg:$0xf];
	[sflag:s5] =	ssyncadd.s32 $0xFFFFC000  }
0x3a0: {  	[tilespmem:s31], [sflag:$0x3] =	stream.linear.gather [hbm4b:s16+s31], $0x500, $0x38;
	[tilespmem:$0x1E000] =	vst v63  }
0x3a1: {  	s23 =	simm.s32 $0x800;
	s20 =	rddreg [dreg:$0x11]  }
0x3a2: {  	[tilespmem:s23], [sflag:$0x3] =	stream.linear.gather [hbm4b:s20+s31], $0x500, $0x38;
	[tilespmem:$0x1E000] =	vst v63  }
0x3a3: {  	_ =	swait.ge [sflag:s7], $0x4000  }
0x3a4: {  	[sflag:s7] =	ssyncset.done $0x0  }
0x3a5: {  	s25 =	simm.s32 $0x1080;
	[sflag:s7] =	ssyncadd.s32 $0xFFFFC000  }
0x3a6: {  	[tilespmem:s10], [sflag:$0x2] =	stream.indirect.gather [hbm4b:s3+s8], $0x80, s25, s8, $0xb8;
	[tilespmem:$0x1E000] =	vst v63  }
0x3a7: {  	s26 =	simm.s32 $0x1800  }
0x3a8: {  	[spmem:s2] =	stream.indirect.scatter.add.f32 [tilespmem:s9], [sflag:$0x4], $0x80, s26, s8, $0xb8;
	[tilespmem:$0x1E000] =	vst v63  }
0x3a9: {  	_ =	swait.ge [sflag:s5], $0x4000  }
0x3aa: {  	[sflag:s5] =	ssyncset.done $0x0  }
0x3ab: {  	[sflag:s5] =	ssyncadd.s32 $0xFFFFC000  }
0x3ac: {  	_ =	swait.ge [sflag:s11], $0x4000  }
0x3ad: {  	[sflag:s11] =	ssyncset.done $0x0  }
0x3ae: {  	s28 =	simm.s32 $0x1100;
	[sflag:s11] =	ssyncadd.s32 $0xFFFFC000  }
0x3af: {  	[tilespmem:s9], [sflag:$0x1] =	stream.indirect.gather [hbm4b:s3+s8], $0x80, s28, s8, $0xb8;
	[tilespmem:$0x1E000] =	vst v63  }
0x3b0: {  	s30 =	simm.s32 $0x1880  }
0x3b1: {  	[spmem:s2] =	stream.indirect.scatter.add.f32 [tilespmem:s10], [sflag:$0x4], $0x80, s30, s8, $0xb8;
	[tilespmem:$0x1E000] =	vst v63  }
0x3b2: {  	_ =	swait.ge [sflag:s5], $0x4000  }
0x3b3: {  	[sflag:s5] =	ssyncset.done $0x0  }
0x3b4: {  	[sflag:s5] =	ssyncadd.s32 $0xFFFFC000  }
0x3b5: {  	_ =	swait.ge [sflag:s7], $0x4000  }
0x3b6: {  	[sflag:s7] =	ssyncset.done $0x0  }
0x3b7: {  	s12 =	simm.s32 $0x1180;
	[sflag:s7] =	ssyncadd.s32 $0xFFFFC000  }
0x3b8: {  	[tilespmem:s10], [sflag:$0x2] =	stream.indirect.gather [hbm4b:s3+s8], $0x80, s12, s8, $0xb8;
	[tilespmem:$0x1E000] =	vst v63  }
0x3b9: {  	s13 =	simm.s32 $0x1900  }
0x3ba: {  	[spmem:s2] =	stream.indirect.scatter.add.f32 [tilespmem:s9], [sflag:$0x4], $0x80, s13, s8, $0xb8;
	[tilespmem:$0x1E000] =	vst v63  }
0x3bb: {  	_ =	swait.ge [sflag:s5], $0x4000  }
0x3bc: {  	[sflag:s5] =	ssyncset.done $0x0  }
0x3bd: {  	[sflag:s5] =	ssyncadd.s32 $0xFFFFC000  }
0x3be: {  	_ =	swait.ge [sflag:s11], $0x4000  }
0x3bf: {  	[sflag:s11] =	ssyncset.done $0x0  }
0x3c0: {  	s15 =	simm.s32 $0x1200;
	[sflag:s11] =	ssyncadd.s32 $0xFFFFC000  }
0x3c1: {  	[tilespmem:s9], [sflag:$0x1] =	stream.indirect.gather [hbm4b:s3+s8], $0x80, s15, s8, $0xb8;
	[tilespmem:$0x1E000] =	vst v63  }
0x3c2: {  	s16 =	simm.s32 $0x1980  }
0x3c3: {  	[spmem:s2] =	stream.indirect.scatter.add.f32 [tilespmem:s10], [sflag:$0x4], $0x80, s16, s8, $0xb8;
	[tilespmem:$0x1E000] =	vst v63  }
0x3c4: {  	_ =	swait.ge [sflag:s5], $0x4000  }
0x3c5: {  	[sflag:s5] =	ssyncset.done $0x0  }
0x3c6: {  	[sflag:s5] =	ssyncadd.s32 $0xFFFFC000  }
0x3c7: {  	_ =	swait.ge [sflag:s7], $0x4000  }
0x3c8: {  	[sflag:s7] =	ssyncset.done $0x0  }
0x3c9: {  	s20 =	simm.s32 $0x1280;
	[sflag:s7] =	ssyncadd.s32 $0xFFFFC000  }
0x3ca: {  	[tilespmem:s10], [sflag:$0x2] =	stream.indirect.gather [hbm4b:s3+s8], $0x80, s20, s8, $0xb8;
	[tilespmem:$0x1E000] =	vst v63  }
0x3cb: {  	s26 =	simm.s32 $0x1A00  }
0x3cc: {  	[spmem:s2] =	stream.indirect.scatter.add.f32 [tilespmem:s9], [sflag:$0x4], $0x80, s26, s8, $0xb8;
	[tilespmem:$0x1E000] =	vst v63  }
0x3cd: {  	_ =	swait.ge [sflag:s5], $0x4000  }
0x3ce: {  	[sflag:s5] =	ssyncset.done $0x0  }
0x3cf: {  	[sflag:s5] =	ssyncadd.s32 $0xFFFFC000  }
0x3d0: {  	_ =	swait.ge [sflag:s11], $0x4000  }
0x3d1: {  	[sflag:s11] =	ssyncset.done $0x0  }
0x3d2: {  	s30 =	simm.s32 $0x1300;
	[sflag:s11] =	ssyncadd.s32 $0xFFFFC000  }
0x3d3: {  	[tilespmem:s9], [sflag:$0x1] =	stream.indirect.gather [hbm4b:s3+s8], $0x80, s30, s8, $0xb8;
	[tilespmem:$0x1E000] =	vst v63  }
0x3d4: {  	s12 =	simm.s32 $0x1A80  }
0x3d5: {  	[spmem:s2] =	stream.indirect.scatter.add.f32 [tilespmem:s10], [sflag:$0x4], $0x80, s12, s8, $0xb8;
	[tilespmem:$0x1E000] =	vst v63  }
0x3d6: {  	_ =	swait.ge [sflag:s5], $0x4000  }
0x3d7: {  	[sflag:s5] =	ssyncset.done $0x0  }
0x3d8: {  	[sflag:s5] =	ssyncadd.s32 $0xFFFFC000  }
0x3d9: {  	_ =	swait.ge [sflag:s7], $0x4000  }
0x3da: {  	[sflag:s7] =	ssyncset.done $0x0  }
0x3db: {  	s13 =	simm.s32 $0x1380;
	[sflag:s7] =	ssyncadd.s32 $0xFFFFC000  }
0x3dc: {  	[tilespmem:s10], [sflag:$0x2] =	stream.indirect.gather [hbm4b:s3+s8], $0x80, s13, s8, $0xb8;
	[tilespmem:$0x1E000] =	vst v63  }
0x3dd: {  	s15 =	simm.s32 $0x1B00  }
0x3de: {  	[spmem:s2] =	stream.indirect.scatter.add.f32 [tilespmem:s9], [sflag:$0x4], $0x80, s15, s8, $0xb8;
	[tilespmem:$0x1E000] =	vst v63  }
0x3df: {  	_ =	swait.ge [sflag:s5], $0x4000  }
0x3e0: {  	[sflag:s5] =	ssyncset.done $0x0  }
0x3e1: {  	[sflag:s5] =	ssyncadd.s32 $0xFFFFC000  }
0x3e2: {  	_ =	swait.ge [sflag:s11], $0x4000  }
0x3e3: {  	[sflag:s11] =	ssyncset.done $0x0  }
0x3e4: {  	s16 =	simm.s32 $0x1400;
	[sflag:s11] =	ssyncadd.s32 $0xFFFFC000  }
0x3e5: {  	[tilespmem:s9], [sflag:$0x1] =	stream.indirect.gather [hbm4b:s3+s8], $0x80, s16, s8, $0xb8;
	[tilespmem:$0x1E000] =	vst v63  }
0x3e6: {  	s26 =	simm.s32 $0x1B80  }
0x3e7: {  	[spmem:s2] =	stream.indirect.scatter.add.f32 [tilespmem:s10], [sflag:$0x4], $0x80, s26, s8, $0xb8;
	[tilespmem:$0x1E000] =	vst v63  }
0x3e8: {  	_ =	swait.ge [sflag:s5], $0x4000  }
0x3e9: {  	[sflag:s5] =	ssyncset.done $0x0  }
0x3ea: {  	[sflag:s5] =	ssyncadd.s32 $0xFFFFC000  }
0x3eb: {  	_ =	swait.ge [sflag:s7], $0x4000  }
0x3ec: {  	[sflag:s7] =	ssyncset.done $0x0  }
0x3ed: {  	s30 =	simm.s32 $0x1480;
	[sflag:s7] =	ssyncadd.s32 $0xFFFFC000  }
0x3ee: {  	[tilespmem:s10], [sflag:$0x2] =	stream.indirect.gather [hbm4b:s3+s8], $0x80, s30, s8, $0xb8;
	[tilespmem:$0x1E000] =	vst v63  }
0x3ef: {  	s12 =	simm.s32 $0x1C00  }
0x3f0: {  	[spmem:s2] =	stream.indirect.scatter.add.f32 [tilespmem:s9], [sflag:$0x4], $0x80, s12, s8, $0xb8;
	[tilespmem:$0x1E000] =	vst v63  }
0x3f1: {  	_ =	swait.ge [sflag:s5], $0x4000  }
0x3f2: {  	[sflag:s5] =	ssyncset.done $0x0  }
0x3f3: {  	[sflag:s5] =	ssyncadd.s32 $0xFFFFC000  }
0x3f4: {  	_ =	swait.ge [sflag:s11], $0x4000  }
0x3f5: {  	[sflag:s11] =	ssyncset.done $0x0  }
0x3f6: {  	[sflag:s11] =	ssyncadd.s32 $0xFFFFC000  }
0x3f7: {  	_ =	swait.ge [sflag:s24], $0xA00  }
0x3f8: {  	[sflag:s24] =	ssyncset.done $0x0  }
0x3f9: {  	[sflag:s24] =	ssyncadd.s32 $0xFFFFF600  }
0x3fa: {  	[tilespmem:s9], [sflag:$0x1] =	stream.indirect.gather [hbm4b:s3+s8], $0x80, s31, s8, $0xb8;
	[tilespmem:$0x1E000] =	vst v63  }
0x3fb: {  	s13 =	simm.s32 $0x1C80  }
0x3fc: {  	[spmem:s2] =	stream.indirect.scatter.add.f32 [tilespmem:s10], [sflag:$0x4], $0x80, s13, s8, $0xb8;
	[tilespmem:$0x1E000] =	vst v63  }
0x3fd: {  	_ =	swait.ge [sflag:s5], $0x4000  }
0x3fe: {  	[sflag:s5] =	ssyncset.done $0x0  }
0x3ff: {  	s16 =	simm.s32 $0x1000;
	s15 =	rddreg [dreg:$0xc];
	[sflag:s5] =	ssyncadd.s32 $0xFFFFC000  }
0x400: {  	[tilespmem:s16], [sflag:$0x3] =	stream.linear.gather [hbm4b:s15+s31], $0x500, $0x38;
	[tilespmem:$0x1E000] =	vst v63  }
0x401: {  	s30 =	simm.s32 $0x1800;
	s26 =	rddreg [dreg:$0x12]  }
0x402: {  	[tilespmem:s30], [sflag:$0x3] =	stream.linear.gather [hbm4b:s26+s31], $0x500, $0x38;
	[tilespmem:$0x1E000] =	vst v63  }
0x403: {  	_ =	swait.ge [sflag:s7], $0x4000  }
0x404: {  	[sflag:s7] =	ssyncset.done $0x0  }
0x405: {  	[sflag:s7] =	ssyncadd.s32 $0xFFFFC000  }
0x406: {  	[tilespmem:s10], [sflag:$0x2] =	stream.indirect.gather [hbm4b:s3+s8], $0x80, s8, s8, $0xb8;
	[tilespmem:$0x1E000] =	vst v63  }
0x407: {  	s12 =	simm.s32 $0x800  }
0x408: {  	[spmem:s2] =	stream.indirect.scatter.add.f32 [tilespmem:s9], [sflag:$0x4], $0x80, s12, s8, $0xb8;
	[tilespmem:$0x1E000] =	vst v63  }
0x409: {  	_ =	swait.ge [sflag:s5], $0x4000  }
0x40a: {  	[sflag:s5] =	ssyncset.done $0x0  }
0x40b: {  	[sflag:s5] =	ssyncadd.s32 $0xFFFFC000  }
0x40c: {  	_ =	swait.ge [sflag:s11], $0x4000  }
0x40d: {  	[sflag:s11] =	ssyncset.done $0x0  }
0x40e: {  	s14 =	simm.s32 $0x100;
	[sflag:s11] =	ssyncadd.s32 $0xFFFFC000  }
0x40f: {  	[tilespmem:s9], [sflag:$0x1] =	stream.indirect.gather [hbm4b:s3+s8], $0x80, s14, s8, $0xb8;
	[tilespmem:$0x1E000] =	vst v63  }
0x410: {  	s14 =	simm.s32 $0x880  }
0x411: {  	[spmem:s2] =	stream.indirect.scatter.add.f32 [tilespmem:s10], [sflag:$0x4], $0x80, s14, s8, $0xb8;
	[tilespmem:$0x1E000] =	vst v63  }
0x412: {  	_ =	swait.ge [sflag:s5], $0x4000  }
0x413: {  	[sflag:s5] =	ssyncset.done $0x0  }
0x414: {  	[sflag:s5] =	ssyncadd.s32 $0xFFFFC000  }
0x415: {  	_ =	swait.ge [sflag:s7], $0x4000  }
0x416: {  	[sflag:s7] =	ssyncset.done $0x0  }
0x417: {  	s15 =	simm.s32 $0x180;
	[sflag:s7] =	ssyncadd.s32 $0xFFFFC000  }
0x418: {  	[tilespmem:s10], [sflag:$0x2] =	stream.indirect.gather [hbm4b:s3+s8], $0x80, s15, s8, $0xb8;
	[tilespmem:$0x1E000] =	vst v63  }
0x419: {  	s16 =	simm.s32 $0x900  }
0x41a: {  	[spmem:s2] =	stream.indirect.scatter.add.f32 [tilespmem:s9], [sflag:$0x4], $0x80, s16, s8, $0xb8;
	[tilespmem:$0x1E000] =	vst v63  }
0x41b: {  	_ =	swait.ge [sflag:s5], $0x4000  }
0x41c: {  	[sflag:s5] =	ssyncset.done $0x0  }
0x41d: {  	[sflag:s5] =	ssyncadd.s32 $0xFFFFC000  }
0x41e: {  	_ =	swait.ge [sflag:s11], $0x4000  }
0x41f: {  	[sflag:s11] =	ssyncset.done $0x0  }
0x420: {  	s6 =	simm.s32 $0x200;
	[sflag:s11] =	ssyncadd.s32 $0xFFFFC000  }
0x421: {  	[tilespmem:s9], [sflag:$0x1] =	stream.indirect.gather [hbm4b:s3+s8], $0x80, s6, s8, $0xb8;
	[tilespmem:$0x1E000] =	vst v63  }
0x422: {  	s17 =	simm.s32 $0x980  }
0x423: {  	[spmem:s2] =	stream.indirect.scatter.add.f32 [tilespmem:s10], [sflag:$0x4], $0x80, s17, s8, $0xb8;
	[tilespmem:$0x1E000] =	vst v63  }
0x424: {  	_ =	swait.ge [sflag:s5], $0x4000  }
0x425: {  	[sflag:s5] =	ssyncset.done $0x0  }
0x426: {  	[sflag:s5] =	ssyncadd.s32 $0xFFFFC000  }
0x427: {  	_ =	swait.ge [sflag:s7], $0x4000  }
0x428: {  	[sflag:s7] =	ssyncset.done $0x0  }
0x429: {  	s6 =	simm.s32 $0x280;
	[sflag:s7] =	ssyncadd.s32 $0xFFFFC000  }
0x42a: {  	[tilespmem:s10], [sflag:$0x2] =	stream.indirect.gather [hbm4b:s3+s8], $0x80, s6, s8, $0xb8;
	[tilespmem:$0x1E000] =	vst v63  }
0x42b: {  	s17 =	simm.s32 $0xA00  }
0x42c: {  	[spmem:s2] =	stream.indirect.scatter.add.f32 [tilespmem:s9], [sflag:$0x4], $0x80, s17, s8, $0xb8;
	[tilespmem:$0x1E000] =	vst v63  }
0x42d: {  	_ =	swait.ge [sflag:s5], $0x4000  }
0x42e: {  	[sflag:s5] =	ssyncset.done $0x0  }
0x42f: {  	[sflag:s5] =	ssyncadd.s32 $0xFFFFC000  }
0x430: {  	_ =	swait.ge [sflag:s11], $0x4000  }
0x431: {  	[sflag:s11] =	ssyncset.done $0x0  }
0x432: {  	s13 =	simm.s32 $0x300;
	[sflag:s11] =	ssyncadd.s32 $0xFFFFC000  }
0x433: {  	[tilespmem:s9], [sflag:$0x1] =	stream.indirect.gather [hbm4b:s3+s8], $0x80, s13, s8, $0xb8;
	[tilespmem:$0x1E000] =	vst v63  }
0x434: {  	s18 =	simm.s32 $0xA80  }
0x435: {  	[spmem:s2] =	stream.indirect.scatter.add.f32 [tilespmem:s10], [sflag:$0x4], $0x80, s18, s8, $0xb8;
	[tilespmem:$0x1E000] =	vst v63  }
0x436: {  	_ =	swait.ge [sflag:s5], $0x4000  }
0x437: {  	[sflag:s5] =	ssyncset.done $0x0  }
0x438: {  	[sflag:s5] =	ssyncadd.s32 $0xFFFFC000  }
0x439: {  	_ =	swait.ge [sflag:s7], $0x4000  }
0x43a: {  	[sflag:s7] =	ssyncset.done $0x0  }
0x43b: {  	s19 =	simm.s32 $0x380;
	[sflag:s7] =	ssyncadd.s32 $0xFFFFC000  }
0x43c: {  	[tilespmem:s10], [sflag:$0x2] =	stream.indirect.gather [hbm4b:s3+s8], $0x80, s19, s8, $0xb8;
	[tilespmem:$0x1E000] =	vst v63  }
0x43d: {  	s19 =	simm.s32 $0xB00  }
0x43e: {  	[spmem:s2] =	stream.indirect.scatter.add.f32 [tilespmem:s9], [sflag:$0x4], $0x80, s19, s8, $0xb8;
	[tilespmem:$0x1E000] =	vst v63  }
0x43f: {  	_ =	swait.ge [sflag:s5], $0x4000  }
0x440: {  	[sflag:s5] =	ssyncset.done $0x0  }
0x441: {  	[sflag:s5] =	ssyncadd.s32 $0xFFFFC000  }
0x442: {  	_ =	swait.ge [sflag:s11], $0x4000  }
0x443: {  	[sflag:s11] =	ssyncset.done $0x0  }
0x444: {  	s0 =	simm.s32 $0x400;
	[sflag:s11] =	ssyncadd.s32 $0xFFFFC000  }
0x445: {  	[tilespmem:s9], [sflag:$0x1] =	stream.indirect.gather [hbm4b:s3+s8], $0x80, s0, s8, $0xb8;
	[tilespmem:$0x1E000] =	vst v63  }
0x446: {  	s21 =	simm.s32 $0xB80  }
0x447: {  	[spmem:s2] =	stream.indirect.scatter.add.f32 [tilespmem:s10], [sflag:$0x4], $0x80, s21, s8, $0xb8;
	[tilespmem:$0x1E000] =	vst v63  }
0x448: {  	_ =	swait.ge [sflag:s5], $0x4000  }
0x449: {  	[sflag:s5] =	ssyncset.done $0x0  }
0x44a: {  	[sflag:s5] =	ssyncadd.s32 $0xFFFFC000  }
0x44b: {  	_ =	swait.ge [sflag:s7], $0x4000  }
0x44c: {  	[sflag:s7] =	ssyncset.done $0x0  }
0x44d: {  	s0 =	simm.s32 $0x480;
	[sflag:s7] =	ssyncadd.s32 $0xFFFFC000  }
0x44e: {  	[tilespmem:s10], [sflag:$0x2] =	stream.indirect.gather [hbm4b:s3+s8], $0x80, s0, s8, $0xb8;
	[tilespmem:$0x1E000] =	vst v63  }
0x44f: {  	s18 =	simm.s32 $0xC00  }
0x450: {  	[spmem:s2] =	stream.indirect.scatter.add.f32 [tilespmem:s9], [sflag:$0x4], $0x80, s18, s8, $0xb8;
	[tilespmem:$0x1E000] =	vst v63  }
0x451: {  	_ =	swait.ge [sflag:s5], $0x4000  }
0x452: {  	[sflag:s5] =	ssyncset.done $0x0  }
0x453: {  	[sflag:s5] =	ssyncadd.s32 $0xFFFFC000  }
0x454: {  	_ =	swait.ge [sflag:s11], $0x4000  }
0x455: {  	[sflag:s11] =	ssyncset.done $0x0  }
0x456: {  	[sflag:s11] =	ssyncadd.s32 $0xFFFFC000  }
0x457: {  	_ =	swait.ge [sflag:s24], $0xA00  }
0x458: {  	[sflag:s24] =	ssyncset.done $0x0  }
0x459: {  	s21 =	simm.s32 $0x1000;
	[sflag:s24] =	ssyncadd.s32 $0xFFFFF600  }
0x45a: {  	[tilespmem:s9], [sflag:$0x1] =	stream.indirect.gather [hbm4b:s3+s8], $0x80, s21, s8, $0xb8;
	[tilespmem:$0x1E000] =	vst v63  }
0x45b: {  	s22 =	simm.s32 $0xC80  }
0x45c: {  	[spmem:s2] =	stream.indirect.scatter.add.f32 [tilespmem:s10], [sflag:$0x4], $0x80, s22, s8, $0xb8;
	[tilespmem:$0x1E000] =	vst v63  }
0x45d: {  	_ =	swait.ge [sflag:s5], $0x4000  }
0x45e: {  	[sflag:s5] =	ssyncset.done $0x0  }
0x45f: {  	s22 =	rddreg [dreg:$0xe];
	[sflag:s5] =	ssyncadd.s32 $0xFFFFC000  }
0x460: {  	[tilespmem:s31], [sflag:$0x3] =	stream.linear.gather [hbm4b:s22+s31], $0x500, $0x38;
	[tilespmem:$0x1E000] =	vst v63  }
0x461: {  	s30 =	simm.s32 $0x800;
	s26 =	rddreg [dreg:$0x13]  }
0x462: {  	[tilespmem:s30], [sflag:$0x3] =	stream.linear.gather [hbm4b:s26+s31], $0x500, $0x38;
	[tilespmem:$0x1E000] =	vst v63  }
0x463: {  	_ =	swait.ge [sflag:s7], $0x4000  }
0x464: {  	[sflag:s7] =	ssyncset.done $0x0  }
0x465: {  	s22 =	simm.s32 $0x1080;
	[sflag:s7] =	ssyncadd.s32 $0xFFFFC000  }
0x466: {  	[tilespmem:s10], [sflag:$0x2] =	stream.indirect.gather [hbm4b:s3+s8], $0x80, s22, s8, $0xb8;
	[tilespmem:$0x1E000] =	vst v63  }
0x467: {  	s1 =	simm.s32 $0x1800  }
0x468: {  	[spmem:s2] =	stream.indirect.scatter.add.f32 [tilespmem:s9], [sflag:$0x4], $0x80, s1, s8, $0xb8;
	[tilespmem:$0x1E000] =	vst v63  }
0x469: {  	_ =	swait.ge [sflag:s5], $0x4000  }
0x46a: {  	[sflag:s5] =	ssyncset.done $0x0  }
0x46b: {  	[sflag:s5] =	ssyncadd.s32 $0xFFFFC000  }
0x46c: {  	_ =	swait.ge [sflag:s11], $0x4000  }
0x46d: {  	[sflag:s11] =	ssyncset.done $0x0  }
0x46e: {  	s28 =	simm.s32 $0x1100;
	[sflag:s11] =	ssyncadd.s32 $0xFFFFC000  }
0x46f: {  	[tilespmem:s9], [sflag:$0x1] =	stream.indirect.gather [hbm4b:s3+s8], $0x80, s28, s8, $0xb8;
	[tilespmem:$0x1E000] =	vst v63  }
0x470: {  	s26 =	simm.s32 $0x1880  }
0x471: {  	[spmem:s2] =	stream.indirect.scatter.add.f32 [tilespmem:s10], [sflag:$0x4], $0x80, s26, s8, $0xb8;
	[tilespmem:$0x1E000] =	vst v63  }
0x472: {  	_ =	swait.ge [sflag:s5], $0x4000  }
0x473: {  	[sflag:s5] =	ssyncset.done $0x0  }
0x474: {  	[sflag:s5] =	ssyncadd.s32 $0xFFFFC000  }
0x475: {  	_ =	swait.ge [sflag:s7], $0x4000  }
0x476: {  	[sflag:s7] =	ssyncset.done $0x0  }
0x477: {  	s23 =	simm.s32 $0x1180;
	[sflag:s7] =	ssyncadd.s32 $0xFFFFC000  }
0x478: {  	[tilespmem:s10], [sflag:$0x2] =	stream.indirect.gather [hbm4b:s3+s8], $0x80, s23, s8, $0xb8;
	[tilespmem:$0x1E000] =	vst v63  }
0x479: {  	s25 =	simm.s32 $0x1900  }
0x47a: {  	[spmem:s2] =	stream.indirect.scatter.add.f32 [tilespmem:s9], [sflag:$0x4], $0x80, s25, s8, $0xb8;
	[tilespmem:$0x1E000] =	vst v63  }
0x47b: {  	_ =	swait.ge [sflag:s5], $0x4000  }
0x47c: {  	[sflag:s5] =	ssyncset.done $0x0  }
0x47d: {  	[sflag:s5] =	ssyncadd.s32 $0xFFFFC000  }
0x47e: {  	_ =	swait.ge [sflag:s11], $0x4000  }
0x47f: {  	[sflag:s11] =	ssyncset.done $0x0  }
0x480: {  	s21 =	simm.s32 $0x1200;
	[sflag:s11] =	ssyncadd.s32 $0xFFFFC000  }
0x481: {  	[tilespmem:s9], [sflag:$0x1] =	stream.indirect.gather [hbm4b:s3+s8], $0x80, s21, s8, $0xb8;
	[tilespmem:$0x1E000] =	vst v63  }
0x482: {  	s25 =	simm.s32 $0x1980  }
0x483: {  	[spmem:s2] =	stream.indirect.scatter.add.f32 [tilespmem:s10], [sflag:$0x4], $0x80, s25, s8, $0xb8;
	[tilespmem:$0x1E000] =	vst v63  }
0x484: {  	_ =	swait.ge [sflag:s5], $0x4000  }
0x485: {  	[sflag:s5] =	ssyncset.done $0x0  }
0x486: {  	[sflag:s5] =	ssyncadd.s32 $0xFFFFC000  }
0x487: {  	_ =	swait.ge [sflag:s7], $0x4000  }
0x488: {  	[sflag:s7] =	ssyncset.done $0x0  }
0x489: {  	s20 =	simm.s32 $0x1280;
	[sflag:s7] =	ssyncadd.s32 $0xFFFFC000  }
0x48a: {  	[tilespmem:s10], [sflag:$0x2] =	stream.indirect.gather [hbm4b:s3+s8], $0x80, s20, s8, $0xb8;
	[tilespmem:$0x1E000] =	vst v63  }
0x48b: {  	s23 =	simm.s32 $0x1A00  }
0x48c: {  	[spmem:s2] =	stream.indirect.scatter.add.f32 [tilespmem:s9], [sflag:$0x4], $0x80, s23, s8, $0xb8;
	[tilespmem:$0x1E000] =	vst v63  }
0x48d: {  	_ =	swait.ge [sflag:s5], $0x4000  }
0x48e: {  	[sflag:s5] =	ssyncset.done $0x0  }
0x48f: {  	[sflag:s5] =	ssyncadd.s32 $0xFFFFC000  }
0x490: {  	_ =	swait.ge [sflag:s11], $0x4000  }
0x491: {  	[sflag:s11] =	ssyncset.done $0x0  }
0x492: {  	s20 =	simm.s32 $0x1300;
	[sflag:s11] =	ssyncadd.s32 $0xFFFFC000  }
0x493: {  	[tilespmem:s9], [sflag:$0x1] =	stream.indirect.gather [hbm4b:s3+s8], $0x80, s20, s8, $0xb8;
	[tilespmem:$0x1E000] =	vst v63  }
0x494: {  	s29 =	simm.s32 $0x1A80  }
0x495: {  	[spmem:s2] =	stream.indirect.scatter.add.f32 [tilespmem:s10], [sflag:$0x4], $0x80, s29, s8, $0xb8;
	[tilespmem:$0x1E000] =	vst v63  }
0x496: {  	_ =	swait.ge [sflag:s5], $0x4000  }
0x497: {  	[sflag:s5] =	ssyncset.done $0x0  }
0x498: {  	[sflag:s5] =	ssyncadd.s32 $0xFFFFC000  }
0x499: {  	_ =	swait.ge [sflag:s7], $0x4000  }
0x49a: {  	[sflag:s7] =	ssyncset.done $0x0  }
0x49b: {  	s28 =	simm.s32 $0x1380;
	[sflag:s7] =	ssyncadd.s32 $0xFFFFC000  }
0x49c: {  	[tilespmem:s10], [sflag:$0x2] =	stream.indirect.gather [hbm4b:s3+s8], $0x80, s28, s8, $0xb8;
	[tilespmem:$0x1E000] =	vst v63  }
0x49d: {  	s30 =	simm.s32 $0x1B00  }
0x49e: {  	[spmem:s2] =	stream.indirect.scatter.add.f32 [tilespmem:s9], [sflag:$0x4], $0x80, s30, s8, $0xb8;
	[tilespmem:$0x1E000] =	vst v63  }
0x49f: {  	_ =	swait.ge [sflag:s5], $0x4000  }
0x4a0: {  	[sflag:s5] =	ssyncset.done $0x0  }
0x4a1: {  	[sflag:s5] =	ssyncadd.s32 $0xFFFFC000  }
0x4a2: {  	_ =	swait.ge [sflag:s11], $0x4000  }
0x4a3: {  	[sflag:s11] =	ssyncset.done $0x0  }
0x4a4: {  	s13 =	simm.s32 $0x1400;
	[sflag:s11] =	ssyncadd.s32 $0xFFFFC000  }
0x4a5: {  	[tilespmem:s9], [sflag:$0x1] =	stream.indirect.gather [hbm4b:s3+s8], $0x80, s13, s8, $0xb8;
	[tilespmem:$0x1E000] =	vst v63  }
0x4a6: {  	s29 =	simm.s32 $0x1B80  }
0x4a7: {  	[spmem:s2] =	stream.indirect.scatter.add.f32 [tilespmem:s10], [sflag:$0x4], $0x80, s29, s8, $0xb8;
	[tilespmem:$0x1E000] =	vst v63  }
0x4a8: {  	_ =	swait.ge [sflag:s5], $0x4000  }
0x4a9: {  	[sflag:s5] =	ssyncset.done $0x0  }
0x4aa: {  	[sflag:s5] =	ssyncadd.s32 $0xFFFFC000  }
0x4ab: {  	_ =	swait.ge [sflag:s7], $0x4000  }
0x4ac: {  	[sflag:s7] =	ssyncset.done $0x0  }
0x4ad: {  	s12 =	simm.s32 $0x1480;
	[sflag:s7] =	ssyncadd.s32 $0xFFFFC000  }
0x4ae: {  	[tilespmem:s10], [sflag:$0x2] =	stream.indirect.gather [hbm4b:s3+s8], $0x80, s12, s8, $0xb8;
	[tilespmem:$0x1E000] =	vst v63  }
0x4af: {  	s31 =	simm.s32 $0x1C00  }
0x4b0: {  	[spmem:s2] =	stream.indirect.scatter.add.f32 [tilespmem:s9], [sflag:$0x4], $0x80, s31, s8, $0xb8;
	[tilespmem:$0x1E000] =	vst v63  }
0x4b1: {  	_ =	swait.ge [sflag:s5], $0x4000  }
0x4b2: {  	[sflag:s5] =	ssyncset.done $0x0  }
0x4b3: {  	[sflag:s5] =	ssyncadd.s32 $0xFFFFC000  }
0x4b4: {  	_ =	swait.ge [sflag:s11], $0x4000  }
0x4b5: {  	[sflag:s11] =	ssyncset.done $0x0  }
0x4b6: {  	[sflag:s11] =	ssyncadd.s32 $0xFFFFC000  }
0x4b7: {  	_ =	swait.ge [sflag:s24], $0xA00  }
0x4b8: {  	[sflag:s24] =	ssyncset.done $0x0  }
0x4b9: {  	s1 =	simm.s32 $0x0;
	[sflag:s24] =	ssyncadd.s32 $0xFFFFF600  }
0x4ba: {  	[tilespmem:s9], [sflag:$0x1] =	stream.indirect.gather [hbm4b:s3+s8], $0x80, s1, s8, $0xb8;
	[tilespmem:$0x1E000] =	vst v63  }
0x4bb: {  	s13 =	simm.s32 $0x1C80  }
0x4bc: {  	[spmem:s2] =	stream.indirect.scatter.add.f32 [tilespmem:s10], [sflag:$0x4], $0x80, s13, s8, $0xb8;
	[tilespmem:$0x1E000] =	vst v63  }
0x4bd: {  	_ =	swait.ge [sflag:s5], $0x4000  }
0x4be: {  	[sflag:s5] =	ssyncset.done $0x0  }
0x4bf: {  	s12 =	simm.s32 $0x1000;
	s13 =	rddreg [dreg:$0xb];
	[sflag:s5] =	ssyncadd.s32 $0xFFFFC000  }
0x4c0: {  	[tilespmem:s12], [sflag:$0x3] =	stream.linear.gather [hbm4b:s13+s1], $0x500, $0x38;
	[tilespmem:$0x1E000] =	vst v63  }
0x4c1: {  	s12 =	rddreg [dreg:$0x14];
	s13 =	simm.s32 $0x1800  }
0x4c2: {  	[tilespmem:s13], [sflag:$0x3] =	stream.linear.gather [hbm4b:s12+s1], $0x500, $0x38;
	[tilespmem:$0x1E000] =	vst v63  }
0x4c3: {  	_ =	swait.ge [sflag:s7], $0x4000  }
0x4c4: {  	[sflag:s7] =	ssyncset.done $0x0  }
0x4c5: {  	[sflag:s7] =	ssyncadd.s32 $0xFFFFC000  }
0x4c6: {  	[tilespmem:s10], [sflag:$0x2] =	stream.indirect.gather [hbm4b:s3+s8], $0x80, s8, s8, $0xb8;
	[tilespmem:$0x1E000] =	vst v63  }
0x4c7: {  	s13 =	simm.s32 $0x800  }
0x4c8: {  	[spmem:s2] =	stream.indirect.scatter.add.f32 [tilespmem:s9], [sflag:$0x4], $0x80, s13, s8, $0xb8;
	[tilespmem:$0x1E000] =	vst v63  }
0x4c9: {  	_ =	swait.ge [sflag:s5], $0x4000  }
0x4ca: {  	[sflag:s5] =	ssyncset.done $0x0  }
0x4cb: {  	[sflag:s5] =	ssyncadd.s32 $0xFFFFC000  }
0x4cc: {  	_ =	swait.ge [sflag:s11], $0x4000  }
0x4cd: {  	[sflag:s11] =	ssyncset.done $0x0  }
0x4ce: {  	s13 =	simm.s32 $0x100;
	[sflag:s11] =	ssyncadd.s32 $0xFFFFC000  }
0x4cf: {  	[tilespmem:s9], [sflag:$0x1] =	stream.indirect.gather [hbm4b:s3+s8], $0x80, s13, s8, $0xb8;
	[tilespmem:$0x1E000] =	vst v63  }
0x4d0: {  	_ = 	snop  }
0x4d1: {  	[spmem:s2] =	stream.indirect.scatter.add.f32 [tilespmem:s10], [sflag:$0x4], $0x80, s14, s8, $0xb8;
	[tilespmem:$0x1E000] =	vst v63  }
0x4d2: {  	_ =	swait.ge [sflag:s5], $0x4000  }
0x4d3: {  	[sflag:s5] =	ssyncset.done $0x0  }
0x4d4: {  	[sflag:s5] =	ssyncadd.s32 $0xFFFFC000  }
0x4d5: {  	_ =	swait.ge [sflag:s7], $0x4000  }
0x4d6: {  	[sflag:s7] =	ssyncset.done $0x0  }
0x4d7: {  	[sflag:s7] =	ssyncadd.s32 $0xFFFFC000  }
0x4d8: {  	[tilespmem:s10], [sflag:$0x2] =	stream.indirect.gather [hbm4b:s3+s8], $0x80, s15, s8, $0xb8;
	[tilespmem:$0x1E000] =	vst v63  }
0x4d9: {  	_ = 	snop  }
0x4da: {  	[spmem:s2] =	stream.indirect.scatter.add.f32 [tilespmem:s9], [sflag:$0x4], $0x80, s16, s8, $0xb8;
	[tilespmem:$0x1E000] =	vst v63  }
0x4db: {  	_ =	swait.ge [sflag:s5], $0x4000  }
0x4dc: {  	[sflag:s5] =	ssyncset.done $0x0  }
0x4dd: {  	[sflag:s5] =	ssyncadd.s32 $0xFFFFC000  }
0x4de: {  	_ =	swait.ge [sflag:s11], $0x4000  }
0x4df: {  	[sflag:s11] =	ssyncset.done $0x0  }
0x4e0: {  	s16 =	simm.s32 $0x200;
	[sflag:s11] =	ssyncadd.s32 $0xFFFFC000  }
0x4e1: {  	[tilespmem:s9], [sflag:$0x1] =	stream.indirect.gather [hbm4b:s3+s8], $0x80, s16, s8, $0xb8;
	[tilespmem:$0x1E000] =	vst v63  }
0x4e2: {  	s13 =	simm.s32 $0x980  }
0x4e3: {  	[spmem:s2] =	stream.indirect.scatter.add.f32 [tilespmem:s10], [sflag:$0x4], $0x80, s13, s8, $0xb8;
	[tilespmem:$0x1E000] =	vst v63  }
0x4e4: {  	_ =	swait.ge [sflag:s5], $0x4000  }
0x4e5: {  	[sflag:s5] =	ssyncset.done $0x0  }
0x4e6: {  	[sflag:s5] =	ssyncadd.s32 $0xFFFFC000  }
0x4e7: {  	_ =	swait.ge [sflag:s7], $0x4000  }
0x4e8: {  	[sflag:s7] =	ssyncset.done $0x0  }
0x4e9: {  	[sflag:s7] =	ssyncadd.s32 $0xFFFFC000  }
0x4ea: {  	[tilespmem:s10], [sflag:$0x2] =	stream.indirect.gather [hbm4b:s3+s8], $0x80, s6, s8, $0xb8;
	[tilespmem:$0x1E000] =	vst v63  }
0x4eb: {  	_ = 	snop  }
0x4ec: {  	[spmem:s2] =	stream.indirect.scatter.add.f32 [tilespmem:s9], [sflag:$0x4], $0x80, s17, s8, $0xb8;
	[tilespmem:$0x1E000] =	vst v63  }
0x4ed: {  	_ =	swait.ge [sflag:s5], $0x4000  }
0x4ee: {  	[sflag:s5] =	ssyncset.done $0x0  }
0x4ef: {  	[sflag:s5] =	ssyncadd.s32 $0xFFFFC000  }
0x4f0: {  	_ =	swait.ge [sflag:s11], $0x4000  }
0x4f1: {  	[sflag:s11] =	ssyncset.done $0x0  }
0x4f2: {  	s14 =	simm.s32 $0x300;
	[sflag:s11] =	ssyncadd.s32 $0xFFFFC000  }
0x4f3: {  	[tilespmem:s9], [sflag:$0x1] =	stream.indirect.gather [hbm4b:s3+s8], $0x80, s14, s8, $0xb8;
	[tilespmem:$0x1E000] =	vst v63  }
0x4f4: {  	s15 =	simm.s32 $0xA80  }
0x4f5: {  	[spmem:s2] =	stream.indirect.scatter.add.f32 [tilespmem:s10], [sflag:$0x4], $0x80, s15, s8, $0xb8;
	[tilespmem:$0x1E000] =	vst v63  }
0x4f6: {  	_ =	swait.ge [sflag:s5], $0x4000  }
0x4f7: {  	[sflag:s5] =	ssyncset.done $0x0  }
0x4f8: {  	[sflag:s5] =	ssyncadd.s32 $0xFFFFC000  }
0x4f9: {  	_ =	swait.ge [sflag:s7], $0x4000  }
0x4fa: {  	[sflag:s7] =	ssyncset.done $0x0  }
0x4fb: {  	s16 =	simm.s32 $0x380;
	[sflag:s7] =	ssyncadd.s32 $0xFFFFC000  }
0x4fc: {  	[tilespmem:s10], [sflag:$0x2] =	stream.indirect.gather [hbm4b:s3+s8], $0x80, s16, s8, $0xb8;
	[tilespmem:$0x1E000] =	vst v63  }
0x4fd: {  	_ = 	snop  }
0x4fe: {  	[spmem:s2] =	stream.indirect.scatter.add.f32 [tilespmem:s9], [sflag:$0x4], $0x80, s19, s8, $0xb8;
	[tilespmem:$0x1E000] =	vst v63  }
0x4ff: {  	_ =	swait.ge [sflag:s5], $0x4000  }
0x500: {  	[sflag:s5] =	ssyncset.done $0x0  }
0x501: {  	[sflag:s5] =	ssyncadd.s32 $0xFFFFC000  }
0x502: {  	_ =	swait.ge [sflag:s11], $0x4000  }
0x503: {  	[sflag:s11] =	ssyncset.done $0x0  }
0x504: {  	s6 =	simm.s32 $0x400;
	[sflag:s11] =	ssyncadd.s32 $0xFFFFC000  }
0x505: {  	[tilespmem:s9], [sflag:$0x1] =	stream.indirect.gather [hbm4b:s3+s8], $0x80, s6, s8, $0xb8;
	[tilespmem:$0x1E000] =	vst v63  }
0x506: {  	s17 =	simm.s32 $0xB80  }
0x507: {  	[spmem:s2] =	stream.indirect.scatter.add.f32 [tilespmem:s10], [sflag:$0x4], $0x80, s17, s8, $0xb8;
	[tilespmem:$0x1E000] =	vst v63  }
0x508: {  	_ =	swait.ge [sflag:s5], $0x4000  }
0x509: {  	[sflag:s5] =	ssyncset.done $0x0  }
0x50a: {  	[sflag:s5] =	ssyncadd.s32 $0xFFFFC000  }
0x50b: {  	_ =	swait.ge [sflag:s7], $0x4000  }
0x50c: {  	[sflag:s7] =	ssyncset.done $0x0  }
0x50d: {  	[sflag:s7] =	ssyncadd.s32 $0xFFFFC000  }
0x50e: {  	[tilespmem:s10], [sflag:$0x2] =	stream.indirect.gather [hbm4b:s3+s8], $0x80, s0, s8, $0xb8;
	[tilespmem:$0x1E000] =	vst v63  }
0x50f: {  	_ = 	snop  }
0x510: {  	[spmem:s2] =	stream.indirect.scatter.add.f32 [tilespmem:s9], [sflag:$0x4], $0x80, s18, s8, $0xb8;
	[tilespmem:$0x1E000] =	vst v63  }
0x511: {  	_ =	swait.ge [sflag:s5], $0x4000  }
0x512: {  	[sflag:s5] =	ssyncset.done $0x0  }
0x513: {  	[sflag:s5] =	ssyncadd.s32 $0xFFFFC000  }
0x514: {  	_ =	swait.ge [sflag:s11], $0x4000  }
0x515: {  	[sflag:s11] =	ssyncset.done $0x0  }
0x516: {  	[sflag:s11] =	ssyncadd.s32 $0xFFFFC000  }
0x517: {  	_ =	swait.ge [sflag:s24], $0xA00  }
0x518: {  	[sflag:s24] =	ssyncset.done $0x0  }
0x519: {  	s19 =	simm.s32 $0x1000;
	[sflag:s24] =	ssyncadd.s32 $0xFFFFF600  }
0x51a: {  	[tilespmem:s9], [sflag:$0x1] =	stream.indirect.gather [hbm4b:s3+s8], $0x80, s19, s8, $0xb8;
	[tilespmem:$0x1E000] =	vst v63  }
0x51b: {  	s12 =	simm.s32 $0xC80  }
0x51c: {  	[spmem:s2] =	stream.indirect.scatter.add.f32 [tilespmem:s10], [sflag:$0x4], $0x80, s12, s8, $0xb8;
	[tilespmem:$0x1E000] =	vst v63  }
0x51d: {  	_ =	swait.ge [sflag:s5], $0x4000  }
0x51e: {  	[sflag:s5] =	ssyncset.done $0x0  }
0x51f: {  	s13 =	rddreg [dreg:$0x8];
	[sflag:s5] =	ssyncadd.s32 $0xFFFFC000  }
0x520: {  	[tilespmem:s1], [sflag:$0x3] =	stream.linear.gather [hbm4b:s13+s1], $0x500, $0x38;
	[tilespmem:$0x1E000] =	vst v63  }
0x521: {  	s15 =	simm.s32 $0x800;
	s14 =	rddreg [dreg:$0x15]  }
0x522: {  	[tilespmem:s15], [sflag:$0x3] =	stream.linear.gather [hbm4b:s14+s1], $0x500, $0x38;
	[tilespmem:$0x1E000] =	vst v63  }
0x523: {  	_ =	swait.ge [sflag:s7], $0x4000  }
0x524: {  	[sflag:s7] =	ssyncset.done $0x0  }
0x525: {  	[sflag:s7] =	ssyncadd.s32 $0xFFFFC000  }
0x526: {  	[tilespmem:s10], [sflag:$0x2] =	stream.indirect.gather [hbm4b:s3+s8], $0x80, s22, s8, $0xb8;
	[tilespmem:$0x1E000] =	vst v63  }
0x527: {  	s16 =	simm.s32 $0x1800  }
0x528: {  	[spmem:s2] =	stream.indirect.scatter.add.f32 [tilespmem:s9], [sflag:$0x4], $0x80, s16, s8, $0xb8;
	[tilespmem:$0x1E000] =	vst v63  }
0x529: {  	_ =	swait.ge [sflag:s5], $0x4000  }
0x52a: {  	[sflag:s5] =	ssyncset.done $0x0  }
0x52b: {  	[sflag:s5] =	ssyncadd.s32 $0xFFFFC000  }
0x52c: {  	_ =	swait.ge [sflag:s11], $0x4000  }
0x52d: {  	[sflag:s11] =	ssyncset.done $0x0  }
0x52e: {  	s12 =	simm.s32 $0x1100;
	[sflag:s11] =	ssyncadd.s32 $0xFFFFC000  }
0x52f: {  	[tilespmem:s9], [sflag:$0x1] =	stream.indirect.gather [hbm4b:s3+s8], $0x80, s12, s8, $0xb8;
	[tilespmem:$0x1E000] =	vst v63  }
0x530: {  	_ = 	snop  }
0x531: {  	[spmem:s2] =	stream.indirect.scatter.add.f32 [tilespmem:s10], [sflag:$0x4], $0x80, s26, s8, $0xb8;
	[tilespmem:$0x1E000] =	vst v63  }
0x532: {  	_ =	swait.ge [sflag:s5], $0x4000  }
0x533: {  	[sflag:s5] =	ssyncset.done $0x0  }
0x534: {  	[sflag:s5] =	ssyncadd.s32 $0xFFFFC000  }
0x535: {  	_ =	swait.ge [sflag:s7], $0x4000  }
0x536: {  	[sflag:s7] =	ssyncset.done $0x0  }
0x537: {  	s18 =	simm.s32 $0x1180;
	[sflag:s7] =	ssyncadd.s32 $0xFFFFC000  }
0x538: {  	[tilespmem:s10], [sflag:$0x2] =	stream.indirect.gather [hbm4b:s3+s8], $0x80, s18, s8, $0xb8;
	[tilespmem:$0x1E000] =	vst v63  }
0x539: {  	s19 =	simm.s32 $0x1900  }
0x53a: {  	[spmem:s2] =	stream.indirect.scatter.add.f32 [tilespmem:s9], [sflag:$0x4], $0x80, s19, s8, $0xb8;
	[tilespmem:$0x1E000] =	vst v63  }
0x53b: {  	_ =	swait.ge [sflag:s5], $0x4000  }
0x53c: {  	[sflag:s5] =	ssyncset.done $0x0  }
0x53d: {  	[sflag:s5] =	ssyncadd.s32 $0xFFFFC000  }
0x53e: {  	_ =	swait.ge [sflag:s11], $0x4000  }
0x53f: {  	[sflag:s11] =	ssyncset.done $0x0  }
0x540: {  	[sflag:s11] =	ssyncadd.s32 $0xFFFFC000  }
0x541: {  	[tilespmem:s9], [sflag:$0x1] =	stream.indirect.gather [hbm4b:s3+s8], $0x80, s21, s8, $0xb8;
	[tilespmem:$0x1E000] =	vst v63  }
0x542: {  	_ = 	snop  }
0x543: {  	[spmem:s2] =	stream.indirect.scatter.add.f32 [tilespmem:s10], [sflag:$0x4], $0x80, s25, s8, $0xb8;
	[tilespmem:$0x1E000] =	vst v63  }
0x544: {  	_ =	swait.ge [sflag:s5], $0x4000  }
0x545: {  	[sflag:s5] =	ssyncset.done $0x0  }
0x546: {  	[sflag:s5] =	ssyncadd.s32 $0xFFFFC000  }
0x547: {  	_ =	swait.ge [sflag:s7], $0x4000  }
0x548: {  	[sflag:s7] =	ssyncset.done $0x0  }
0x549: {  	s21 =	simm.s32 $0x1280;
	[sflag:s7] =	ssyncadd.s32 $0xFFFFC000  }
0x54a: {  	[tilespmem:s10], [sflag:$0x2] =	stream.indirect.gather [hbm4b:s3+s8], $0x80, s21, s8, $0xb8;
	[tilespmem:$0x1E000] =	vst v63  }
0x54b: {  	_ = 	snop  }
0x54c: {  	[spmem:s2] =	stream.indirect.scatter.add.f32 [tilespmem:s9], [sflag:$0x4], $0x80, s23, s8, $0xb8;
	[tilespmem:$0x1E000] =	vst v63  }
0x54d: {  	_ =	swait.ge [sflag:s5], $0x4000  }
0x54e: {  	[sflag:s5] =	ssyncset.done $0x0  }
0x54f: {  	[sflag:s5] =	ssyncadd.s32 $0xFFFFC000  }
0x550: {  	_ =	swait.ge [sflag:s11], $0x4000  }
0x551: {  	[sflag:s11] =	ssyncset.done $0x0  }
0x552: {  	[sflag:s11] =	ssyncadd.s32 $0xFFFFC000  }
0x553: {  	[tilespmem:s9], [sflag:$0x1] =	stream.indirect.gather [hbm4b:s3+s8], $0x80, s20, s8, $0xb8;
	[tilespmem:$0x1E000] =	vst v63  }
0x554: {  	s25 =	simm.s32 $0x1A80  }
0x555: {  	[spmem:s2] =	stream.indirect.scatter.add.f32 [tilespmem:s10], [sflag:$0x4], $0x80, s25, s8, $0xb8;
	[tilespmem:$0x1E000] =	vst v63  }
0x556: {  	_ =	swait.ge [sflag:s5], $0x4000  }
0x557: {  	[sflag:s5] =	ssyncset.done $0x0  }
0x558: {  	[sflag:s5] =	ssyncadd.s32 $0xFFFFC000  }
0x559: {  	_ =	swait.ge [sflag:s7], $0x4000  }
0x55a: {  	[sflag:s7] =	ssyncset.done $0x0  }
0x55b: {  	[sflag:s7] =	ssyncadd.s32 $0xFFFFC000  }
0x55c: {  	[tilespmem:s10], [sflag:$0x2] =	stream.indirect.gather [hbm4b:s3+s8], $0x80, s28, s8, $0xb8;
	[tilespmem:$0x1E000] =	vst v63  }
0x55d: {  	_ = 	snop  }
0x55e: {  	[spmem:s2] =	stream.indirect.scatter.add.f32 [tilespmem:s9], [sflag:$0x4], $0x80, s30, s8, $0xb8;
	[tilespmem:$0x1E000] =	vst v63  }
0x55f: {  	_ =	swait.ge [sflag:s5], $0x4000  }
0x560: {  	[sflag:s5] =	ssyncset.done $0x0  }
0x561: {  	[sflag:s5] =	ssyncadd.s32 $0xFFFFC000  }
0x562: {  	_ =	swait.ge [sflag:s11], $0x4000  }
0x563: {  	[sflag:s11] =	ssyncset.done $0x0  }
0x564: {  	s28 =	simm.s32 $0x1400;
	[sflag:s11] =	ssyncadd.s32 $0xFFFFC000  }
0x565: {  	[tilespmem:s9], [sflag:$0x1] =	stream.indirect.gather [hbm4b:s3+s8], $0x80, s28, s8, $0xb8;
	[tilespmem:$0x1E000] =	vst v63  }
0x566: {  	_ = 	snop  }
0x567: {  	[spmem:s2] =	stream.indirect.scatter.add.f32 [tilespmem:s10], [sflag:$0x4], $0x80, s29, s8, $0xb8;
	[tilespmem:$0x1E000] =	vst v63  }
0x568: {  	_ =	swait.ge [sflag:s5], $0x4000  }
0x569: {  	[sflag:s5] =	ssyncset.done $0x0  }
0x56a: {  	[sflag:s5] =	ssyncadd.s32 $0xFFFFC000  }
0x56b: {  	_ =	swait.ge [sflag:s7], $0x4000  }
0x56c: {  	[sflag:s7] =	ssyncset.done $0x0  }
0x56d: {  	s13 =	simm.s32 $0x1480;
	[sflag:s7] =	ssyncadd.s32 $0xFFFFC000  }
0x56e: {  	[tilespmem:s10], [sflag:$0x2] =	stream.indirect.gather [hbm4b:s3+s8], $0x80, s13, s8, $0xb8;
	[tilespmem:$0x1E000] =	vst v63  }
0x56f: {  	_ = 	snop  }
0x570: {  	[spmem:s2] =	stream.indirect.scatter.add.f32 [tilespmem:s9], [sflag:$0x4], $0x80, s31, s8, $0xb8;
	[tilespmem:$0x1E000] =	vst v63  }
0x571: {  	_ =	swait.ge [sflag:s5], $0x4000  }
0x572: {  	[sflag:s5] =	ssyncset.done $0x0  }
0x573: {  	[sflag:s5] =	ssyncadd.s32 $0xFFFFC000  }
0x574: {  	_ =	swait.ge [sflag:s11], $0x4000  }
0x575: {  	[sflag:s11] =	ssyncset.done $0x0  }
0x576: {  	[sflag:s11] =	ssyncadd.s32 $0xFFFFC000  }
0x577: {  	_ =	swait.ge [sflag:s24], $0xA00  }
0x578: {  	[sflag:s24] =	ssyncset.done $0x0  }
0x579: {  	[sflag:s24] =	ssyncadd.s32 $0xFFFFF600  }
0x57a: {  	[tilespmem:s9], [sflag:$0x1] =	stream.indirect.gather [hbm4b:s3+s8], $0x80, s1, s8, $0xb8;
	[tilespmem:$0x1E000] =	vst v63  }
0x57b: {  	s14 =	simm.s32 $0x1C80  }
0x57c: {  	[spmem:s2] =	stream.indirect.scatter.add.f32 [tilespmem:s10], [sflag:$0x4], $0x80, s14, s8, $0xb8;
	[tilespmem:$0x1E000] =	vst v63  }
0x57d: {  	_ =	swait.ge [sflag:s5], $0x4000  }
0x57e: {  	[sflag:s5] =	ssyncset.done $0x0  }
0x57f: {  	s25 =	simm.s32 $0x1000;
	s19 =	rddreg [dreg:$0x7];
	[sflag:s5] =	ssyncadd.s32 $0xFFFFC000  }
0x580: {  	[tilespmem:s25], [sflag:$0x3] =	stream.linear.gather [hbm4b:s19+s1], $0x500, $0x38;
	[tilespmem:$0x1E000] =	vst v63  }
0x581: {  	s19 =	rddreg [dreg:$0x16];
	s25 =	simm.s32 $0x1800  }
0x582: {  	[tilespmem:s25], [sflag:$0x3] =	stream.linear.gather [hbm4b:s19+s1], $0x500, $0x38;
	[tilespmem:$0x1E000] =	vst v63  }
0x583: {  	_ =	swait.ge [sflag:s7], $0x4000  }
0x584: {  	[sflag:s7] =	ssyncset.done $0x0  }
0x585: {  	[sflag:s7] =	ssyncadd.s32 $0xFFFFC000  }
0x586: {  	[tilespmem:s10], [sflag:$0x2] =	stream.indirect.gather [hbm4b:s3+s8], $0x80, s8, s8, $0xb8;
	[tilespmem:$0x1E000] =	vst v63  }
0x587: {  	s29 =	simm.s32 $0x800  }
0x588: {  	[spmem:s2] =	stream.indirect.scatter.add.f32 [tilespmem:s9], [sflag:$0x4], $0x80, s29, s8, $0xb8;
	[tilespmem:$0x1E000] =	vst v63  }
0x589: {  	_ =	swait.ge [sflag:s5], $0x4000  }
0x58a: {  	[sflag:s5] =	ssyncset.done $0x0  }
0x58b: {  	[sflag:s5] =	ssyncadd.s32 $0xFFFFC000  }
0x58c: {  	_ =	swait.ge [sflag:s11], $0x4000  }
0x58d: {  	[sflag:s11] =	ssyncset.done $0x0  }
0x58e: {  	s19 =	simm.s32 $0x100;
	[sflag:s11] =	ssyncadd.s32 $0xFFFFC000  }
0x58f: {  	[tilespmem:s9], [sflag:$0x1] =	stream.indirect.gather [hbm4b:s3+s8], $0x80, s19, s8, $0xb8;
	[tilespmem:$0x1E000] =	vst v63  }
0x590: {  	s1 =	simm.s32 $0x880  }
0x591: {  	[spmem:s2] =	stream.indirect.scatter.add.f32 [tilespmem:s10], [sflag:$0x4], $0x80, s1, s8, $0xb8;
	[tilespmem:$0x1E000] =	vst v63  }
0x592: {  	_ =	swait.ge [sflag:s5], $0x4000  }
0x593: {  	[sflag:s5] =	ssyncset.done $0x0  }
0x594: {  	[sflag:s5] =	ssyncadd.s32 $0xFFFFC000  }
0x595: {  	_ =	swait.ge [sflag:s7], $0x4000  }
0x596: {  	[sflag:s7] =	ssyncset.done $0x0  }
0x597: {  	s13 =	simm.s32 $0x180;
	[sflag:s7] =	ssyncadd.s32 $0xFFFFC000  }
0x598: {  	[tilespmem:s10], [sflag:$0x2] =	stream.indirect.gather [hbm4b:s3+s8], $0x80, s13, s8, $0xb8;
	[tilespmem:$0x1E000] =	vst v63  }
0x599: {  	s1 =	simm.s32 $0x900  }
0x59a: {  	[spmem:s2] =	stream.indirect.scatter.add.f32 [tilespmem:s9], [sflag:$0x4], $0x80, s1, s8, $0xb8;
	[tilespmem:$0x1E000] =	vst v63  }
0x59b: {  	_ =	swait.ge [sflag:s5], $0x4000  }
0x59c: {  	[sflag:s5] =	ssyncset.done $0x0  }
0x59d: {  	[sflag:s5] =	ssyncadd.s32 $0xFFFFC000  }
0x59e: {  	_ =	swait.ge [sflag:s11], $0x4000  }
0x59f: {  	[sflag:s11] =	ssyncset.done $0x0  }
0x5a0: {  	s13 =	simm.s32 $0x200;
	[sflag:s11] =	ssyncadd.s32 $0xFFFFC000  }
0x5a1: {  	[tilespmem:s9], [sflag:$0x1] =	stream.indirect.gather [hbm4b:s3+s8], $0x80, s13, s8, $0xb8;
	[tilespmem:$0x1E000] =	vst v63  }
0x5a2: {  	s1 =	simm.s32 $0x980  }
0x5a3: {  	[spmem:s2] =	stream.indirect.scatter.add.f32 [tilespmem:s10], [sflag:$0x4], $0x80, s1, s8, $0xb8;
	[tilespmem:$0x1E000] =	vst v63  }
0x5a4: {  	_ =	swait.ge [sflag:s5], $0x4000  }
0x5a5: {  	[sflag:s5] =	ssyncset.done $0x0  }
0x5a6: {  	[sflag:s5] =	ssyncadd.s32 $0xFFFFC000  }
0x5a7: {  	_ =	swait.ge [sflag:s7], $0x4000  }
0x5a8: {  	[sflag:s7] =	ssyncset.done $0x0  }
0x5a9: {  	s13 =	simm.s32 $0x280;
	[sflag:s7] =	ssyncadd.s32 $0xFFFFC000  }
0x5aa: {  	[tilespmem:s10], [sflag:$0x2] =	stream.indirect.gather [hbm4b:s3+s8], $0x80, s13, s8, $0xb8;
	[tilespmem:$0x1E000] =	vst v63  }
0x5ab: {  	s1 =	simm.s32 $0xA00  }
0x5ac: {  	[spmem:s2] =	stream.indirect.scatter.add.f32 [tilespmem:s9], [sflag:$0x4], $0x80, s1, s8, $0xb8;
	[tilespmem:$0x1E000] =	vst v63  }
0x5ad: {  	_ =	swait.ge [sflag:s5], $0x4000  }
0x5ae: {  	[sflag:s5] =	ssyncset.done $0x0  }
0x5af: {  	[sflag:s5] =	ssyncadd.s32 $0xFFFFC000  }
0x5b0: {  	_ =	swait.ge [sflag:s11], $0x4000  }
0x5b1: {  	[sflag:s11] =	ssyncset.done $0x0  }
0x5b2: {  	s13 =	simm.s32 $0x300;
	[sflag:s11] =	ssyncadd.s32 $0xFFFFC000  }
0x5b3: {  	[tilespmem:s9], [sflag:$0x1] =	stream.indirect.gather [hbm4b:s3+s8], $0x80, s13, s8, $0xb8;
	[tilespmem:$0x1E000] =	vst v63  }
0x5b4: {  	s1 =	simm.s32 $0xA80  }
0x5b5: {  	[spmem:s2] =	stream.indirect.scatter.add.f32 [tilespmem:s10], [sflag:$0x4], $0x80, s1, s8, $0xb8;
	[tilespmem:$0x1E000] =	vst v63  }
0x5b6: {  	_ =	swait.ge [sflag:s5], $0x4000  }
0x5b7: {  	[sflag:s5] =	ssyncset.done $0x0  }
0x5b8: {  	[sflag:s5] =	ssyncadd.s32 $0xFFFFC000  }
0x5b9: {  	_ =	swait.ge [sflag:s7], $0x4000  }
0x5ba: {  	[sflag:s7] =	ssyncset.done $0x0  }
0x5bb: {  	s13 =	simm.s32 $0x380;
	[sflag:s7] =	ssyncadd.s32 $0xFFFFC000  }
0x5bc: {  	[tilespmem:s10], [sflag:$0x2] =	stream.indirect.gather [hbm4b:s3+s8], $0x80, s13, s8, $0xb8;
	[tilespmem:$0x1E000] =	vst v63  }
0x5bd: {  	s1 =	simm.s32 $0xB00  }
0x5be: {  	[spmem:s2] =	stream.indirect.scatter.add.f32 [tilespmem:s9], [sflag:$0x4], $0x80, s1, s8, $0xb8;
	[tilespmem:$0x1E000] =	vst v63  }
0x5bf: {  	_ =	swait.ge [sflag:s5], $0x4000  }
0x5c0: {  	[sflag:s5] =	ssyncset.done $0x0  }
0x5c1: {  	[sflag:s5] =	ssyncadd.s32 $0xFFFFC000  }
0x5c2: {  	_ =	swait.ge [sflag:s11], $0x4000  }
0x5c3: {  	[sflag:s11] =	ssyncset.done $0x0  }
0x5c4: {  	[sflag:s11] =	ssyncadd.s32 $0xFFFFC000  }
0x5c5: {  	[tilespmem:s9], [sflag:$0x1] =	stream.indirect.gather [hbm4b:s3+s8], $0x80, s6, s8, $0xb8;
	[tilespmem:$0x1E000] =	vst v63  }
0x5c6: {  	s13 =	simm.s32 $0xB80  }
0x5c7: {  	[spmem:s2] =	stream.indirect.scatter.add.f32 [tilespmem:s10], [sflag:$0x4], $0x80, s13, s8, $0xb8;
	[tilespmem:$0x1E000] =	vst v63  }
0x5c8: {  	_ =	swait.ge [sflag:s5], $0x4000  }
0x5c9: {  	[sflag:s5] =	ssyncset.done $0x0  }
0x5ca: {  	[sflag:s5] =	ssyncadd.s32 $0xFFFFC000  }
0x5cb: {  	_ =	swait.ge [sflag:s7], $0x4000  }
0x5cc: {  	[sflag:s7] =	ssyncset.done $0x0  }
0x5cd: {  	s1 =	simm.s32 $0x480;
	[sflag:s7] =	ssyncadd.s32 $0xFFFFC000  }
0x5ce: {  	[tilespmem:s10], [sflag:$0x2] =	stream.indirect.gather [hbm4b:s3+s8], $0x80, s1, s8, $0xb8;
	[tilespmem:$0x1E000] =	vst v63  }
0x5cf: {  	s6 =	simm.s32 $0xC00  }
0x5d0: {  	[spmem:s2] =	stream.indirect.scatter.add.f32 [tilespmem:s9], [sflag:$0x4], $0x80, s6, s8, $0xb8;
	[tilespmem:$0x1E000] =	vst v63  }
0x5d1: {  	_ =	swait.ge [sflag:s5], $0x4000  }
0x5d2: {  	[sflag:s5] =	ssyncset.done $0x0  }
0x5d3: {  	[sflag:s5] =	ssyncadd.s32 $0xFFFFC000  }
0x5d4: {  	_ =	swait.ge [sflag:s11], $0x4000  }
0x5d5: {  	[sflag:s11] =	ssyncset.done $0x0  }
0x5d6: {  	[sflag:s11] =	ssyncadd.s32 $0xFFFFC000  }
0x5d7: {  	_ =	swait.ge [sflag:s24], $0xA00  }
0x5d8: {  	[sflag:s24] =	ssyncset.done $0x0  }
0x5d9: {  	s25 =	simm.s32 $0x1000;
	[sflag:s24] =	ssyncadd.s32 $0xFFFFF600  }
0x5da: {  	[tilespmem:s9], [sflag:$0x1] =	stream.indirect.gather [hbm4b:s3+s8], $0x80, s25, s8, $0xb8;
	[tilespmem:$0x1E000] =	vst v63  }
0x5db: {  	s13 =	simm.s32 $0xC80  }
0x5dc: {  	[spmem:s2] =	stream.indirect.scatter.add.f32 [tilespmem:s10], [sflag:$0x4], $0x80, s13, s8, $0xb8;
	[tilespmem:$0x1E000] =	vst v63  }
0x5dd: {  	_ =	swait.ge [sflag:s5], $0x4000  }
0x5de: {  	[sflag:s5] =	ssyncset.done $0x0  }
0x5df: {  	[sflag:s5] =	ssyncadd.s32 $0xFFFFC000  }
0x5e0: {  	_ =	swait.ge [sflag:s7], $0x4000  }
0x5e1: {  	[sflag:s7] =	ssyncset.done $0x0  }
0x5e2: {  	s17 =	simm.s32 $0x1080;
	[sflag:s7] =	ssyncadd.s32 $0xFFFFC000  }
0x5e3: {  	[tilespmem:s10], [sflag:$0x2] =	stream.indirect.gather [hbm4b:s3+s8], $0x80, s17, s8, $0xb8;
	[tilespmem:$0x1E000] =	vst v63  }
0x5e4: {  	s19 =	simm.s32 $0x1800  }
0x5e5: {  	[spmem:s2] =	stream.indirect.scatter.add.f32 [tilespmem:s9], [sflag:$0x4], $0x80, s19, s8, $0xb8;
	[tilespmem:$0x1E000] =	vst v63  }
0x5e6: {  	_ =	swait.ge [sflag:s5], $0x4000  }
0x5e7: {  	[sflag:s5] =	ssyncset.done $0x0  }
0x5e8: {  	[sflag:s5] =	ssyncadd.s32 $0xFFFFC000  }
0x5e9: {  	_ =	swait.ge [sflag:s11], $0x4000  }
0x5ea: {  	[sflag:s11] =	ssyncset.done $0x0  }
0x5eb: {  	[sflag:s11] =	ssyncadd.s32 $0xFFFFC000  }
0x5ec: {  	[tilespmem:s9], [sflag:$0x1] =	stream.indirect.gather [hbm4b:s3+s8], $0x80, s12, s8, $0xb8;
	[tilespmem:$0x1E000] =	vst v63  }
0x5ed: {  	s16 =	simm.s32 $0x1880  }
0x5ee: {  	[spmem:s2] =	stream.indirect.scatter.add.f32 [tilespmem:s10], [sflag:$0x4], $0x80, s16, s8, $0xb8;
	[tilespmem:$0x1E000] =	vst v63  }
0x5ef: {  	_ =	swait.ge [sflag:s5], $0x4000  }
0x5f0: {  	[sflag:s5] =	ssyncset.done $0x0  }
0x5f1: {  	[sflag:s5] =	ssyncadd.s32 $0xFFFFC000  }
0x5f2: {  	_ =	swait.ge [sflag:s7], $0x4000  }
0x5f3: {  	[sflag:s7] =	ssyncset.done $0x0  }
0x5f4: {  	s16 =	simm.s32 $0x1180;
	[sflag:s7] =	ssyncadd.s32 $0xFFFFC000  }
0x5f5: {  	[tilespmem:s10], [sflag:$0x2] =	stream.indirect.gather [hbm4b:s3+s8], $0x80, s16, s8, $0xb8;
	[tilespmem:$0x1E000] =	vst v63  }
0x5f6: {  	s17 =	simm.s32 $0x1900  }
0x5f7: {  	[spmem:s2] =	stream.indirect.scatter.add.f32 [tilespmem:s9], [sflag:$0x4], $0x80, s17, s8, $0xb8;
	[tilespmem:$0x1E000] =	vst v63  }
0x5f8: {  	_ =	swait.ge [sflag:s5], $0x4000  }
0x5f9: {  	[sflag:s5] =	ssyncset.done $0x0  }
0x5fa: {  	[sflag:s5] =	ssyncadd.s32 $0xFFFFC000  }
0x5fb: {  	_ =	swait.ge [sflag:s11], $0x4000  }
0x5fc: {  	[sflag:s11] =	ssyncset.done $0x0  }
0x5fd: {  	s22 =	simm.s32 $0x1200;
	[sflag:s11] =	ssyncadd.s32 $0xFFFFC000  }
0x5fe: {  	[tilespmem:s9], [sflag:$0x1] =	stream.indirect.gather [hbm4b:s3+s8], $0x80, s22, s8, $0xb8;
	[tilespmem:$0x1E000] =	vst v63  }
0x5ff: {  	s26 =	simm.s32 $0x1980  }
0x600: {  	[spmem:s2] =	stream.indirect.scatter.add.f32 [tilespmem:s10], [sflag:$0x4], $0x80, s26, s8, $0xb8;
	[tilespmem:$0x1E000] =	vst v63  }
0x601: {  	_ =	swait.ge [sflag:s5], $0x4000  }
0x602: {  	[sflag:s5] =	ssyncset.done $0x0  }
0x603: {  	[sflag:s5] =	ssyncadd.s32 $0xFFFFC000  }
0x604: {  	_ =	swait.ge [sflag:s7], $0x4000  }
0x605: {  	[sflag:s7] =	ssyncset.done $0x0  }
0x606: {  	s18 =	simm.s32 $0x1280;
	[sflag:s7] =	ssyncadd.s32 $0xFFFFC000  }
0x607: {  	[tilespmem:s10], [sflag:$0x2] =	stream.indirect.gather [hbm4b:s3+s8], $0x80, s18, s8, $0xb8;
	[tilespmem:$0x1E000] =	vst v63  }
0x608: {  	s23 =	simm.s32 $0x1A00  }
0x609: {  	[spmem:s2] =	stream.indirect.scatter.add.f32 [tilespmem:s9], [sflag:$0x4], $0x80, s23, s8, $0xb8;
	[tilespmem:$0x1E000] =	vst v63  }
0x60a: {  	_ =	swait.ge [sflag:s5], $0x4000  }
0x60b: {  	[sflag:s5] =	ssyncset.done $0x0  }
0x60c: {  	[sflag:s5] =	ssyncadd.s32 $0xFFFFC000  }
0x60d: {  	_ =	swait.ge [sflag:s11], $0x4000  }
0x60e: {  	[sflag:s11] =	ssyncset.done $0x0  }
0x60f: {  	s20 =	simm.s32 $0x1300;
	[sflag:s11] =	ssyncadd.s32 $0xFFFFC000  }
0x610: {  	[tilespmem:s9], [sflag:$0x1] =	stream.indirect.gather [hbm4b:s3+s8], $0x80, s20, s8, $0xb8;
	[tilespmem:$0x1E000] =	vst v63  }
0x611: {  	s22 =	simm.s32 $0x1A80  }
0x612: {  	[spmem:s2] =	stream.indirect.scatter.add.f32 [tilespmem:s10], [sflag:$0x4], $0x80, s22, s8, $0xb8;
	[tilespmem:$0x1E000] =	vst v63  }
0x613: {  	_ =	swait.ge [sflag:s5], $0x4000  }
0x614: {  	[sflag:s5] =	ssyncset.done $0x0  }
0x615: {  	[sflag:s5] =	ssyncadd.s32 $0xFFFFC000  }
0x616: {  	_ =	swait.ge [sflag:s7], $0x4000  }
0x617: {  	[sflag:s7] =	ssyncset.done $0x0  }
0x618: {  	s21 =	simm.s32 $0x1380;
	[sflag:s7] =	ssyncadd.s32 $0xFFFFC000  }
0x619: {  	[tilespmem:s10], [sflag:$0x2] =	stream.indirect.gather [hbm4b:s3+s8], $0x80, s21, s8, $0xb8;
	[tilespmem:$0x1E000] =	vst v63  }
0x61a: {  	s30 =	simm.s32 $0x1B00  }
0x61b: {  	[spmem:s2] =	stream.indirect.scatter.add.f32 [tilespmem:s9], [sflag:$0x4], $0x80, s30, s8, $0xb8;
	[tilespmem:$0x1E000] =	vst v63  }
0x61c: {  	_ =	swait.ge [sflag:s5], $0x4000  }
0x61d: {  	[sflag:s5] =	ssyncset.done $0x0  }
0x61e: {  	[sflag:s5] =	ssyncadd.s32 $0xFFFFC000  }
0x61f: {  	_ =	swait.ge [sflag:s11], $0x4000  }
0x620: {  	[sflag:s11] =	ssyncset.done $0x0  }
0x621: {  	s15 =	simm.s32 $0x1400;
	[sflag:s11] =	ssyncadd.s32 $0xFFFFC000  }
0x622: {  	[tilespmem:s9], [sflag:$0x1] =	stream.indirect.gather [hbm4b:s3+s8], $0x80, s15, s8, $0xb8;
	[tilespmem:$0x1E000] =	vst v63  }
0x623: {  	s28 =	simm.s32 $0x1B80  }
0x624: {  	[spmem:s2] =	stream.indirect.scatter.add.f32 [tilespmem:s10], [sflag:$0x4], $0x80, s28, s8, $0xb8;
	[tilespmem:$0x1E000] =	vst v63  }
0x625: {  	_ =	swait.ge [sflag:s5], $0x4000  }
0x626: {  	[sflag:s5] =	ssyncset.done $0x0  }
0x627: {  	[sflag:s5] =	ssyncadd.s32 $0xFFFFC000  }
0x628: {  	_ =	swait.ge [sflag:s7], $0x4000  }
0x629: {  	[sflag:s7] =	ssyncset.done $0x0  }
0x62a: {  	s23 =	simm.s32 $0x1480;
	[sflag:s7] =	ssyncadd.s32 $0xFFFFC000  }
0x62b: {  	[tilespmem:s10], [sflag:$0x2] =	stream.indirect.gather [hbm4b:s3+s8], $0x80, s23, s8, $0xb8;
	[tilespmem:$0x1E000] =	vst v63  }
0x62c: {  	s31 =	simm.s32 $0x1C00  }
0x62d: {  	[spmem:s2] =	stream.indirect.scatter.add.f32 [tilespmem:s9], [sflag:$0x4], $0x80, s31, s8, $0xb8;
	[tilespmem:$0x1E000] =	vst v63  }
0x62e: {  	_ =	swait.ge [sflag:s5], $0x4000  }
0x62f: {  	[sflag:s5] =	ssyncset.done $0x0  }
0x630: {  	[sflag:s5] =	ssyncadd.s32 $0xFFFFC000  }
0x631: {  	_ =	swait.ge [sflag:s11], $0x4000  }
0x632: {  	[sflag:s11] =	ssyncset.done $0x0  }
0x633: {  	[sflag:s11] =	ssyncadd.s32 $0xFFFFC000  }
0x634: {  	[tilespmem:s9], [sflag:$0x1] =	stream.indirect.gather [hbm4b:s3+s8], $0x80, s23, s8, $0xb8;
	[tilespmem:$0x1E000] =	vst v63  }
0x635: {  	s14 =	simm.s32 $0x1C80  }
0x636: {  	[spmem:s2] =	stream.indirect.scatter.add.f32 [tilespmem:s10], [sflag:$0x4], $0x80, s14, s8, $0xb8;
	[tilespmem:$0x1E000] =	vst v63  }
0x637: {  	_ =	swait.ge [sflag:s5], $0x4000  }
0x638: {  	[sflag:s5] =	ssyncset.done $0x0  }
0x639: {  	[sflag:s5] =	ssyncadd.s32 $0xFFFFC000  }
0x63a: {  	_ =	swait.ge [sflag:s7], $0x4000  }
0x63b: {  	[sflag:s7] =	ssyncset.done $0x0  }
0x63c: {  	[sflag:s7] =	ssyncadd.s32 $0xFFFFC000  }
0x63d: {  	[bflag:$0x0] =	sbarrier.arrive $0xFFFF  }
0x63e: {  	p1 =	sne.s32 s4, $0x1;
	s26 =	rddreg [dreg:$0x4]  }
.Ltmp2:
0x63f: {  	s28 =	rddreg [dreg:$0x9];
	(pc) =	sbr.rel @p1 .LBB2_4-.Ltmp2, $4  }
0x640: {  	s30 =	rddreg [dreg:$0xa]  }
0x641: {  	[hbm:s26], [sflag:s28] =	dma.local [spmem:s30], $0x2800  }
0x642: {  	s4 =	sadd.s32 $0xFFFFFFFF, s4;
	_ =	swait.ge [sflag:s5], $0x2800  }
0x643: {  	s31 =	simm.s32 $0x0;
	s13 =	rddreg [dreg:$0x3];
	[sflag:s5] =	ssyncset.done $0x0  }
0x644: {  	s1 =	rddreg [dreg:$0x10]  }
0x645: {  	s0 =	rddreg [dreg:$0xd]  }
0x646: {  	s18 =	rddreg [dreg:$0xf]  }
0x647: {  	s17 =	rddreg [dreg:$0xc]  }
0x648: {  	s16 =	rddreg [dreg:$0xe]  }
0x649: {  	s15 =	rddreg [dreg:$0xa]  }
0x64a: {  	s14 =	rddreg [dreg:$0x9]  }
.LBB2_6:
0x64b: {  	[sflag:s5] =	ssyncadd.s32 @p0 $0xFFFFD800  }
0x64c: {  	[spmem:s15], [sflag:s14] =	dma.local [hbm:s13], $0x2800  }
0x64d: {  	_ =	swait.ge [sflag:s5], $0x2800  }
0x64e: {  	[sflag:s5] =	ssyncset.done $0x0  }
0x64f: {  	[sflag:s5] =	ssyncadd.s32 $0xFFFFD800  }
0x650: {  	[tilespmem:s31], [sflag:$0x3] =	stream.linear.gather [hbm4b:s1+s31], $0x500, $0x38;
	[tilespmem:$0x1E000] =	vst v63  }
0x651: {  	s4 =	rddreg [dreg:$0x5]  }
0x652: {  	[tilespmem:s29], [sflag:$0x3] =	stream.linear.gather [hbm4b:s4+s31], $0x500, $0x38;
	[tilespmem:$0x1E000] =	vst v63  }
0x653: {  	_ =	swait.ge [sflag:s24], $0xA00  }
0x654: {  	[sflag:s24] =	ssyncset.done $0x0  }
0x655: {  	[sflag:s24] =	ssyncadd.s32 $0xFFFFF600  }
0x656: {  	[tilespmem:s25], [sflag:$0x3] =	stream.linear.gather [hbm4b:s0+s31], $0x500, $0x38;
	[tilespmem:$0x1E000] =	vst v63  }
0x657: {  	s22 =	rddreg [dreg:$0x6]  }
0x658: {  	[tilespmem:s19], [sflag:$0x3] =	stream.linear.gather [hbm4b:s22+s31], $0x500, $0x38;
	[tilespmem:$0x1E000] =	vst v63  }
0x659: {  	[bflag:$0x0] =	sbarrier.arrive $0xFFFF  }
0x65a: {  	[tilespmem:s9], [sflag:$0x1] =	stream.indirect.gather [hbm4b:s3+s8], $0x80, s31, s8, $0xb8;
	[tilespmem:$0x1E000] =	vst v63  }
0x65b: {  	_ =	swait.ge [sflag:s7], $0x4000  }
0x65c: {  	[sflag:s7] =	ssyncset.done $0x0  }
0x65d: {  	[sflag:s7] =	ssyncadd.s32 $0xFFFFC000  }
0x65e: {  	[tilespmem:s10], [sflag:$0x2] =	stream.indirect.gather [hbm4b:s3+s8], $0x80, s8, s8, $0xb8;
	[tilespmem:$0x1E000] =	vst v63  }
0x65f: {  	_ = 	snop  }
0x660: {  	[spmem:s2] =	stream.indirect.scatter.add.f32 [tilespmem:s9], [sflag:$0x4], $0x80, s29, s8, $0xb8;
	[tilespmem:$0x1E000] =	vst v63  }
0x661: {  	_ =	swait.ge [sflag:s5], $0x4000  }
0x662: {  	[sflag:s5] =	ssyncset.done $0x0  }
0x663: {  	[sflag:s5] =	ssyncadd.s32 $0xFFFFC000  }
0x664: {  	_ =	swait.ge [sflag:s11], $0x4000  }
0x665: {  	[sflag:s11] =	ssyncset.done $0x0  }
0x666: {  	s23 =	simm.s32 $0x100;
	[sflag:s11] =	ssyncadd.s32 $0xFFFFC000  }
0x667: {  	[tilespmem:s9], [sflag:$0x1] =	stream.indirect.gather [hbm4b:s3+s8], $0x80, s23, s8, $0xb8;
	[tilespmem:$0x1E000] =	vst v63  }
0x668: {  	s26 =	simm.s32 $0x880  }
0x669: {  	[spmem:s2] =	stream.indirect.scatter.add.f32 [tilespmem:s10], [sflag:$0x4], $0x80, s26, s8, $0xb8;
	[tilespmem:$0x1E000] =	vst v63  }
0x66a: {  	_ =	swait.ge [sflag:s5], $0x4000  }
0x66b: {  	[sflag:s5] =	ssyncset.done $0x0  }
0x66c: {  	[sflag:s5] =	ssyncadd.s32 $0xFFFFC000  }
0x66d: {  	_ =	swait.ge [sflag:s7], $0x4000  }
0x66e: {  	[sflag:s7] =	ssyncset.done $0x0  }
0x66f: {  	s28 =	simm.s32 $0x180;
	[sflag:s7] =	ssyncadd.s32 $0xFFFFC000  }
0x670: {  	[tilespmem:s10], [sflag:$0x2] =	stream.indirect.gather [hbm4b:s3+s8], $0x80, s28, s8, $0xb8;
	[tilespmem:$0x1E000] =	vst v63  }
0x671: {  	s0 =	simm.s32 $0x900  }
0x672: {  	[spmem:s2] =	stream.indirect.scatter.add.f32 [tilespmem:s9], [sflag:$0x4], $0x80, s0, s8, $0xb8;
	[tilespmem:$0x1E000] =	vst v63  }
0x673: {  	_ =	swait.ge [sflag:s5], $0x4000  }
0x674: {  	[sflag:s5] =	ssyncset.done $0x0  }
0x675: {  	[sflag:s5] =	ssyncadd.s32 $0xFFFFC000  }
0x676: {  	_ =	swait.ge [sflag:s11], $0x4000  }
0x677: {  	[sflag:s11] =	ssyncset.done $0x0  }
0x678: {  	s1 =	simm.s32 $0x200;
	[sflag:s11] =	ssyncadd.s32 $0xFFFFC000  }
0x679: {  	[tilespmem:s9], [sflag:$0x1] =	stream.indirect.gather [hbm4b:s3+s8], $0x80, s1, s8, $0xb8;
	[tilespmem:$0x1E000] =	vst v63  }
0x67a: {  	s6 =	simm.s32 $0x980  }
0x67b: {  	[spmem:s2] =	stream.indirect.scatter.add.f32 [tilespmem:s10], [sflag:$0x4], $0x80, s6, s8, $0xb8;
	[tilespmem:$0x1E000] =	vst v63  }
0x67c: {  	_ =	swait.ge [sflag:s5], $0x4000  }
0x67d: {  	[sflag:s5] =	ssyncset.done $0x0  }
0x67e: {  	[sflag:s5] =	ssyncadd.s32 $0xFFFFC000  }
0x67f: {  	_ =	swait.ge [sflag:s7], $0x4000  }
0x680: {  	[sflag:s7] =	ssyncset.done $0x0  }
0x681: {  	s12 =	simm.s32 $0x280;
	[sflag:s7] =	ssyncadd.s32 $0xFFFFC000  }
0x682: {  	[tilespmem:s10], [sflag:$0x2] =	stream.indirect.gather [hbm4b:s3+s8], $0x80, s12, s8, $0xb8;
	[tilespmem:$0x1E000] =	vst v63  }
0x683: {  	s20 =	simm.s32 $0xA00  }
0x684: {  	[spmem:s2] =	stream.indirect.scatter.add.f32 [tilespmem:s9], [sflag:$0x4], $0x80, s20, s8, $0xb8;
	[tilespmem:$0x1E000] =	vst v63  }
0x685: {  	_ =	swait.ge [sflag:s5], $0x4000  }
0x686: {  	[sflag:s5] =	ssyncset.done $0x0  }
0x687: {  	[sflag:s5] =	ssyncadd.s32 $0xFFFFC000  }
0x688: {  	_ =	swait.ge [sflag:s11], $0x4000  }
0x689: {  	[sflag:s11] =	ssyncset.done $0x0  }
0x68a: {  	s21 =	simm.s32 $0x300;
	[sflag:s11] =	ssyncadd.s32 $0xFFFFC000  }
0x68b: {  	[tilespmem:s9], [sflag:$0x1] =	stream.indirect.gather [hbm4b:s3+s8], $0x80, s21, s8, $0xb8;
	[tilespmem:$0x1E000] =	vst v63  }
0x68c: {  	s22 =	simm.s32 $0xA80  }
0x68d: {  	[spmem:s2] =	stream.indirect.scatter.add.f32 [tilespmem:s10], [sflag:$0x4], $0x80, s22, s8, $0xb8;
	[tilespmem:$0x1E000] =	vst v63  }
0x68e: {  	_ =	swait.ge [sflag:s5], $0x4000  }
0x68f: {  	[sflag:s5] =	ssyncset.done $0x0  }
0x690: {  	[sflag:s5] =	ssyncadd.s32 $0xFFFFC000  }
0x691: {  	_ =	swait.ge [sflag:s7], $0x4000  }
0x692: {  	[sflag:s7] =	ssyncset.done $0x0  }
0x693: {  	s23 =	simm.s32 $0x380;
	[sflag:s7] =	ssyncadd.s32 $0xFFFFC000  }
0x694: {  	[tilespmem:s10], [sflag:$0x2] =	stream.indirect.gather [hbm4b:s3+s8], $0x80, s23, s8, $0xb8;
	[tilespmem:$0x1E000] =	vst v63  }
0x695: {  	s26 =	simm.s32 $0xB00  }
0x696: {  	[spmem:s2] =	stream.indirect.scatter.add.f32 [tilespmem:s9], [sflag:$0x4], $0x80, s26, s8, $0xb8;
	[tilespmem:$0x1E000] =	vst v63  }
0x697: {  	_ =	swait.ge [sflag:s5], $0x4000  }
0x698: {  	[sflag:s5] =	ssyncset.done $0x0  }
0x699: {  	[sflag:s5] =	ssyncadd.s32 $0xFFFFC000  }
0x69a: {  	_ =	swait.ge [sflag:s11], $0x4000  }
0x69b: {  	[sflag:s11] =	ssyncset.done $0x0  }
0x69c: {  	s28 =	simm.s32 $0x400;
	[sflag:s11] =	ssyncadd.s32 $0xFFFFC000  }
0x69d: {  	[tilespmem:s9], [sflag:$0x1] =	stream.indirect.gather [hbm4b:s3+s8], $0x80, s28, s8, $0xb8;
	[tilespmem:$0x1E000] =	vst v63  }
0x69e: {  	s6 =	simm.s32 $0xB80  }
0x69f: {  	[spmem:s2] =	stream.indirect.scatter.add.f32 [tilespmem:s10], [sflag:$0x4], $0x80, s6, s8, $0xb8;
	[tilespmem:$0x1E000] =	vst v63  }
0x6a0: {  	_ =	swait.ge [sflag:s5], $0x4000  }
0x6a1: {  	[sflag:s5] =	ssyncset.done $0x0  }
0x6a2: {  	[sflag:s5] =	ssyncadd.s32 $0xFFFFC000  }
0x6a3: {  	_ =	swait.ge [sflag:s7], $0x4000  }
0x6a4: {  	[sflag:s7] =	ssyncset.done $0x0  }
0x6a5: {  	s20 =	simm.s32 $0x480;
	[sflag:s7] =	ssyncadd.s32 $0xFFFFC000  }
0x6a6: {  	[tilespmem:s10], [sflag:$0x2] =	stream.indirect.gather [hbm4b:s3+s8], $0x80, s20, s8, $0xb8;
	[tilespmem:$0x1E000] =	vst v63  }
0x6a7: {  	s21 =	simm.s32 $0xC00  }
0x6a8: {  	[spmem:s2] =	stream.indirect.scatter.add.f32 [tilespmem:s9], [sflag:$0x4], $0x80, s21, s8, $0xb8;
	[tilespmem:$0x1E000] =	vst v63  }
0x6a9: {  	_ =	swait.ge [sflag:s5], $0x4000  }
0x6aa: {  	[sflag:s5] =	ssyncset.done $0x0  }
0x6ab: {  	[sflag:s5] =	ssyncadd.s32 $0xFFFFC000  }
0x6ac: {  	_ =	swait.ge [sflag:s11], $0x4000  }
0x6ad: {  	[sflag:s11] =	ssyncset.done $0x0  }
0x6ae: {  	[sflag:s11] =	ssyncadd.s32 $0xFFFFC000  }
0x6af: {  	_ =	swait.ge [sflag:s24], $0xA00  }
0x6b0: {  	[sflag:s24] =	ssyncset.done $0x0  }
0x6b1: {  	[sflag:s24] =	ssyncadd.s32 $0xFFFFF600  }
0x6b2: {  	[tilespmem:s9], [sflag:$0x1] =	stream.indirect.gather [hbm4b:s3+s8], $0x80, s25, s8, $0xb8;
	[tilespmem:$0x1E000] =	vst v63  }
0x6b3: {  	s22 =	simm.s32 $0xC80  }
0x6b4: {  	[spmem:s2] =	stream.indirect.scatter.add.f32 [tilespmem:s10], [sflag:$0x4], $0x80, s22, s8, $0xb8;
	[tilespmem:$0x1E000] =	vst v63  }
0x6b5: {  	_ =	swait.ge [sflag:s5], $0x4000  }
0x6b6: {  	[sflag:s5] =	ssyncset.done $0x0  }
0x6b7: {  	[sflag:s5] =	ssyncadd.s32 $0xFFFFC000  }
0x6b8: {  	[tilespmem:s31], [sflag:$0x3] =	stream.linear.gather [hbm4b:s18+s31], $0x500, $0x38;
	[tilespmem:$0x1E000] =	vst v63  }
0x6b9: {  	s23 =	sadd.s32 $0x100, s18  }
0x6ba: {  	[tilespmem:s29], [sflag:$0x3] =	stream.linear.gather [hbm4b:s23+s31], $0x500, $0x38;
	[tilespmem:$0x1E000] =	vst v63  }
0x6bb: {  	_ =	swait.ge [sflag:s7], $0x4000  }
0x6bc: {  	[sflag:s7] =	ssyncset.done $0x0  }
0x6bd: {  	s26 =	simm.s32 $0x1080;
	[sflag:s7] =	ssyncadd.s32 $0xFFFFC000  }
0x6be: {  	[tilespmem:s10], [sflag:$0x2] =	stream.indirect.gather [hbm4b:s3+s8], $0x80, s26, s8, $0xb8;
	[tilespmem:$0x1E000] =	vst v63  }
0x6bf: {  	_ = 	snop  }
0x6c0: {  	[spmem:s2] =	stream.indirect.scatter.add.f32 [tilespmem:s9], [sflag:$0x4], $0x80, s19, s8, $0xb8;
	[tilespmem:$0x1E000] =	vst v63  }
0x6c1: {  	_ =	swait.ge [sflag:s5], $0x4000  }
0x6c2: {  	[sflag:s5] =	ssyncset.done $0x0  }
0x6c3: {  	[sflag:s5] =	ssyncadd.s32 $0xFFFFC000  }
0x6c4: {  	_ =	swait.ge [sflag:s11], $0x4000  }
0x6c5: {  	[sflag:s11] =	ssyncset.done $0x0  }
0x6c6: {  	s28 =	simm.s32 $0x1100;
	[sflag:s11] =	ssyncadd.s32 $0xFFFFC000  }
0x6c7: {  	[tilespmem:s9], [sflag:$0x1] =	stream.indirect.gather [hbm4b:s3+s8], $0x80, s28, s8, $0xb8;
	[tilespmem:$0x1E000] =	vst v63  }
0x6c8: {  	s6 =	simm.s32 $0x1880  }
0x6c9: {  	[spmem:s2] =	stream.indirect.scatter.add.f32 [tilespmem:s10], [sflag:$0x4], $0x80, s6, s8, $0xb8;
	[tilespmem:$0x1E000] =	vst v63  }
0x6ca: {  	_ =	swait.ge [sflag:s5], $0x4000  }
0x6cb: {  	[sflag:s5] =	ssyncset.done $0x0  }
0x6cc: {  	[sflag:s5] =	ssyncadd.s32 $0xFFFFC000  }
0x6cd: {  	_ =	swait.ge [sflag:s7], $0x4000  }
0x6ce: {  	[sflag:s7] =	ssyncset.done $0x0  }
0x6cf: {  	s18 =	simm.s32 $0x1180;
	[sflag:s7] =	ssyncadd.s32 $0xFFFFC000  }
0x6d0: {  	[tilespmem:s10], [sflag:$0x2] =	stream.indirect.gather [hbm4b:s3+s8], $0x80, s18, s8, $0xb8;
	[tilespmem:$0x1E000] =	vst v63  }
0x6d1: {  	s19 =	simm.s32 $0x1900  }
0x6d2: {  	[spmem:s2] =	stream.indirect.scatter.add.f32 [tilespmem:s9], [sflag:$0x4], $0x80, s19, s8, $0xb8;
	[tilespmem:$0x1E000] =	vst v63  }
0x6d3: {  	_ =	swait.ge [sflag:s5], $0x4000  }
0x6d4: {  	[sflag:s5] =	ssyncset.done $0x0  }
0x6d5: {  	[sflag:s5] =	ssyncadd.s32 $0xFFFFC000  }
0x6d6: {  	_ =	swait.ge [sflag:s11], $0x4000  }
0x6d7: {  	[sflag:s11] =	ssyncset.done $0x0  }
0x6d8: {  	s20 =	simm.s32 $0x1200;
	[sflag:s11] =	ssyncadd.s32 $0xFFFFC000  }
0x6d9: {  	[tilespmem:s9], [sflag:$0x1] =	stream.indirect.gather [hbm4b:s3+s8], $0x80, s20, s8, $0xb8;
	[tilespmem:$0x1E000] =	vst v63  }
0x6da: {  	s23 =	simm.s32 $0x1980  }
0x6db: {  	[spmem:s2] =	stream.indirect.scatter.add.f32 [tilespmem:s10], [sflag:$0x4], $0x80, s23, s8, $0xb8;
	[tilespmem:$0x1E000] =	vst v63  }
0x6dc: {  	_ =	swait.ge [sflag:s5], $0x4000  }
0x6dd: {  	[sflag:s5] =	ssyncset.done $0x0  }
0x6de: {  	[sflag:s5] =	ssyncadd.s32 $0xFFFFC000  }
0x6df: {  	_ =	swait.ge [sflag:s7], $0x4000  }
0x6e0: {  	[sflag:s7] =	ssyncset.done $0x0  }
0x6e1: {  	s26 =	simm.s32 $0x1280;
	[sflag:s7] =	ssyncadd.s32 $0xFFFFC000  }
0x6e2: {  	[tilespmem:s10], [sflag:$0x2] =	stream.indirect.gather [hbm4b:s3+s8], $0x80, s26, s8, $0xb8;
	[tilespmem:$0x1E000] =	vst v63  }
0x6e3: {  	s6 =	simm.s32 $0x1A00  }
0x6e4: {  	[spmem:s2] =	stream.indirect.scatter.add.f32 [tilespmem:s9], [sflag:$0x4], $0x80, s6, s8, $0xb8;
	[tilespmem:$0x1E000] =	vst v63  }
0x6e5: {  	_ =	swait.ge [sflag:s5], $0x4000  }
0x6e6: {  	[sflag:s5] =	ssyncset.done $0x0  }
0x6e7: {  	[sflag:s5] =	ssyncadd.s32 $0xFFFFC000  }
0x6e8: {  	_ =	swait.ge [sflag:s11], $0x4000  }
0x6e9: {  	[sflag:s11] =	ssyncset.done $0x0  }
0x6ea: {  	s18 =	simm.s32 $0x1300;
	[sflag:s11] =	ssyncadd.s32 $0xFFFFC000  }
0x6eb: {  	[tilespmem:s9], [sflag:$0x1] =	stream.indirect.gather [hbm4b:s3+s8], $0x80, s18, s8, $0xb8;
	[tilespmem:$0x1E000] =	vst v63  }
0x6ec: {  	s19 =	simm.s32 $0x1A80  }
0x6ed: {  	[spmem:s2] =	stream.indirect.scatter.add.f32 [tilespmem:s10], [sflag:$0x4], $0x80, s19, s8, $0xb8;
	[tilespmem:$0x1E000] =	vst v63  }
0x6ee: {  	_ =	swait.ge [sflag:s5], $0x4000  }
0x6ef: {  	[sflag:s5] =	ssyncset.done $0x0  }
0x6f0: {  	[sflag:s5] =	ssyncadd.s32 $0xFFFFC000  }
0x6f1: {  	_ =	swait.ge [sflag:s7], $0x4000  }
0x6f2: {  	[sflag:s7] =	ssyncset.done $0x0  }
0x6f3: {  	s23 =	simm.s32 $0x1380;
	[sflag:s7] =	ssyncadd.s32 $0xFFFFC000  }
0x6f4: {  	[tilespmem:s10], [sflag:$0x2] =	stream.indirect.gather [hbm4b:s3+s8], $0x80, s23, s8, $0xb8;
	[tilespmem:$0x1E000] =	vst v63  }
0x6f5: {  	s18 =	simm.s32 $0x1B00  }
0x6f6: {  	[spmem:s2] =	stream.indirect.scatter.add.f32 [tilespmem:s9], [sflag:$0x4], $0x80, s18, s8, $0xb8;
	[tilespmem:$0x1E000] =	vst v63  }
0x6f7: {  	_ =	swait.ge [sflag:s5], $0x4000  }
0x6f8: {  	[sflag:s5] =	ssyncset.done $0x0  }
0x6f9: {  	[sflag:s5] =	ssyncadd.s32 $0xFFFFC000  }
0x6fa: {  	_ =	swait.ge [sflag:s11], $0x4000  }
0x6fb: {  	[sflag:s11] =	ssyncset.done $0x0  }
0x6fc: {  	s19 =	simm.s32 $0x1400;
	[sflag:s11] =	ssyncadd.s32 $0xFFFFC000  }
0x6fd: {  	[tilespmem:s9], [sflag:$0x1] =	stream.indirect.gather [hbm4b:s3+s8], $0x80, s19, s8, $0xb8;
	[tilespmem:$0x1E000] =	vst v63  }
0x6fe: {  	s23 =	simm.s32 $0x1B80  }
0x6ff: {  	[spmem:s2] =	stream.indirect.scatter.add.f32 [tilespmem:s10], [sflag:$0x4], $0x80, s23, s8, $0xb8;
	[tilespmem:$0x1E000] =	vst v63  }
0x700: {  	_ =	swait.ge [sflag:s5], $0x4000  }
0x701: {  	[sflag:s5] =	ssyncset.done $0x0  }
0x702: {  	[sflag:s5] =	ssyncadd.s32 $0xFFFFC000  }
0x703: {  	_ =	swait.ge [sflag:s7], $0x4000  }
0x704: {  	[sflag:s7] =	ssyncset.done $0x0  }
0x705: {  	s18 =	simm.s32 $0x1480;
	[sflag:s7] =	ssyncadd.s32 $0xFFFFC000  }
0x706: {  	[tilespmem:s10], [sflag:$0x2] =	stream.indirect.gather [hbm4b:s3+s8], $0x80, s18, s8, $0xb8;
	[tilespmem:$0x1E000] =	vst v63  }
0x707: {  	s19 =	simm.s32 $0x1C00  }
0x708: {  	[spmem:s2] =	stream.indirect.scatter.add.f32 [tilespmem:s9], [sflag:$0x4], $0x80, s19, s8, $0xb8;
	[tilespmem:$0x1E000] =	vst v63  }
0x709: {  	_ =	swait.ge [sflag:s5], $0x4000  }
0x70a: {  	[sflag:s5] =	ssyncset.done $0x0  }
0x70b: {  	[sflag:s5] =	ssyncadd.s32 $0xFFFFC000  }
0x70c: {  	_ =	swait.ge [sflag:s11], $0x4000  }
0x70d: {  	[sflag:s11] =	ssyncset.done $0x0  }
0x70e: {  	[sflag:s11] =	ssyncadd.s32 $0xFFFFC000  }
0x70f: {  	_ =	swait.ge [sflag:s24], $0xA00  }
0x710: {  	[sflag:s24] =	ssyncset.done $0x0  }
0x711: {  	[sflag:s24] =	ssyncadd.s32 $0xFFFFF600  }
0x712: {  	[tilespmem:s9], [sflag:$0x1] =	stream.indirect.gather [hbm4b:s3+s8], $0x80, s31, s8, $0xb8;
	[tilespmem:$0x1E000] =	vst v63  }
0x713: {  	s18 =	simm.s32 $0x1C80  }
0x714: {  	[spmem:s2] =	stream.indirect.scatter.add.f32 [tilespmem:s10], [sflag:$0x4], $0x80, s18, s8, $0xb8;
	[tilespmem:$0x1E000] =	vst v63  }
0x715: {  	_ =	swait.ge [sflag:s5], $0x4000  }
0x716: {  	[sflag:s5] =	ssyncset.done $0x0  }
0x717: {  	[sflag:s5] =	ssyncadd.s32 $0xFFFFC000  }
0x718: {  	[tilespmem:s25], [sflag:$0x3] =	stream.linear.gather [hbm4b:s17+s31], $0x500, $0x38;
	[tilespmem:$0x1E000] =	vst v63  }
0x719: {  	s6 =	simm.s32 $0x1800;
	s19 =	sadd.s32 $0x100, s17  }
0x71a: {  	[tilespmem:s6], [sflag:$0x3] =	stream.linear.gather [hbm4b:s19+s31], $0x500, $0x38;
	[tilespmem:$0x1E000] =	vst v63  }
0x71b: {  	_ =	swait.ge [sflag:s7], $0x4000  }
0x71c: {  	[sflag:s7] =	ssyncset.done $0x0  }
0x71d: {  	[sflag:s7] =	ssyncadd.s32 $0xFFFFC000  }
0x71e: {  	[tilespmem:s10], [sflag:$0x2] =	stream.indirect.gather [hbm4b:s3+s8], $0x80, s8, s8, $0xb8;
	[tilespmem:$0x1E000] =	vst v63  }
0x71f: {  	_ = 	snop  }
0x720: {  	[spmem:s2] =	stream.indirect.scatter.add.f32 [tilespmem:s9], [sflag:$0x4], $0x80, s29, s8, $0xb8;
	[tilespmem:$0x1E000] =	vst v63  }
0x721: {  	_ =	swait.ge [sflag:s5], $0x4000  }
0x722: {  	[sflag:s5] =	ssyncset.done $0x0  }
0x723: {  	[sflag:s5] =	ssyncadd.s32 $0xFFFFC000  }
0x724: {  	_ =	swait.ge [sflag:s11], $0x4000  }
0x725: {  	[sflag:s11] =	ssyncset.done $0x0  }
0x726: {  	s30 =	simm.s32 $0x100;
	[sflag:s11] =	ssyncadd.s32 $0xFFFFC000  }
0x727: {  	[tilespmem:s9], [sflag:$0x1] =	stream.indirect.gather [hbm4b:s3+s8], $0x80, s30, s8, $0xb8;
	[tilespmem:$0x1E000] =	vst v63  }
0x728: {  	s6 =	simm.s32 $0x880  }
0x729: {  	[spmem:s2] =	stream.indirect.scatter.add.f32 [tilespmem:s10], [sflag:$0x4], $0x80, s6, s8, $0xb8;
	[tilespmem:$0x1E000] =	vst v63  }
0x72a: {  	_ =	swait.ge [sflag:s5], $0x4000  }
0x72b: {  	[sflag:s5] =	ssyncset.done $0x0  }
0x72c: {  	[sflag:s5] =	ssyncadd.s32 $0xFFFFC000  }
0x72d: {  	_ =	swait.ge [sflag:s7], $0x4000  }
0x72e: {  	[sflag:s7] =	ssyncset.done $0x0  }
0x72f: {  	s15 =	simm.s32 $0x180;
	[sflag:s7] =	ssyncadd.s32 $0xFFFFC000  }
0x730: {  	[tilespmem:s10], [sflag:$0x2] =	stream.indirect.gather [hbm4b:s3+s8], $0x80, s15, s8, $0xb8;
	[tilespmem:$0x1E000] =	vst v63  }
0x731: {  	s14 =	simm.s32 $0x900  }
0x732: {  	[spmem:s2] =	stream.indirect.scatter.add.f32 [tilespmem:s9], [sflag:$0x4], $0x80, s14, s8, $0xb8;
	[tilespmem:$0x1E000] =	vst v63  }
0x733: {  	_ =	swait.ge [sflag:s5], $0x4000  }
0x734: {  	[sflag:s5] =	ssyncset.done $0x0  }
0x735: {  	[sflag:s5] =	ssyncadd.s32 $0xFFFFC000  }
0x736: {  	_ =	swait.ge [sflag:s11], $0x4000  }
0x737: {  	[sflag:s11] =	ssyncset.done $0x0  }
0x738: {  	s0 =	simm.s32 $0x200;
	[sflag:s11] =	ssyncadd.s32 $0xFFFFC000  }
0x739: {  	[tilespmem:s9], [sflag:$0x1] =	stream.indirect.gather [hbm4b:s3+s8], $0x80, s0, s8, $0xb8;
	[tilespmem:$0x1E000] =	vst v63  }
0x73a: {  	s13 =	simm.s32 $0x980  }
0x73b: {  	[spmem:s2] =	stream.indirect.scatter.add.f32 [tilespmem:s10], [sflag:$0x4], $0x80, s13, s8, $0xb8;
	[tilespmem:$0x1E000] =	vst v63  }
0x73c: {  	_ =	swait.ge [sflag:s5], $0x4000  }
0x73d: {  	[sflag:s5] =	ssyncset.done $0x0  }
0x73e: {  	[sflag:s5] =	ssyncadd.s32 $0xFFFFC000  }
0x73f: {  	_ =	swait.ge [sflag:s7], $0x4000  }
0x740: {  	[sflag:s7] =	ssyncset.done $0x0  }
0x741: {  	s12 =	simm.s32 $0x280;
	[sflag:s7] =	ssyncadd.s32 $0xFFFFC000  }
0x742: {  	[tilespmem:s10], [sflag:$0x2] =	stream.indirect.gather [hbm4b:s3+s8], $0x80, s12, s8, $0xb8;
	[tilespmem:$0x1E000] =	vst v63  }
0x743: {  	s1 =	simm.s32 $0xA00  }
0x744: {  	[spmem:s2] =	stream.indirect.scatter.add.f32 [tilespmem:s9], [sflag:$0x4], $0x80, s1, s8, $0xb8;
	[tilespmem:$0x1E000] =	vst v63  }
0x745: {  	_ =	swait.ge [sflag:s5], $0x4000  }
0x746: {  	[sflag:s5] =	ssyncset.done $0x0  }
0x747: {  	[sflag:s5] =	ssyncadd.s32 $0xFFFFC000  }
0x748: {  	_ =	swait.ge [sflag:s11], $0x4000  }
0x749: {  	[sflag:s11] =	ssyncset.done $0x0  }
0x74a: {  	s4 =	simm.s32 $0x300;
	[sflag:s11] =	ssyncadd.s32 $0xFFFFC000  }
0x74b: {  	[tilespmem:s9], [sflag:$0x1] =	stream.indirect.gather [hbm4b:s3+s8], $0x80, s4, s8, $0xb8;
	[tilespmem:$0x1E000] =	vst v63  }
0x74c: {  	s19 =	simm.s32 $0xA80  }
0x74d: {  	[spmem:s2] =	stream.indirect.scatter.add.f32 [tilespmem:s10], [sflag:$0x4], $0x80, s19, s8, $0xb8;
	[tilespmem:$0x1E000] =	vst v63  }
0x74e: {  	_ =	swait.ge [sflag:s5], $0x4000  }
0x74f: {  	[sflag:s5] =	ssyncset.done $0x0  }
0x750: {  	[sflag:s5] =	ssyncadd.s32 $0xFFFFC000  }
0x751: {  	_ =	swait.ge [sflag:s7], $0x4000  }
0x752: {  	[sflag:s7] =	ssyncset.done $0x0  }
0x753: {  	s12 =	simm.s32 $0x380;
	[sflag:s7] =	ssyncadd.s32 $0xFFFFC000  }
0x754: {  	[tilespmem:s10], [sflag:$0x2] =	stream.indirect.gather [hbm4b:s3+s8], $0x80, s12, s8, $0xb8;
	[tilespmem:$0x1E000] =	vst v63  }
0x755: {  	s18 =	simm.s32 $0xB00  }
0x756: {  	[spmem:s2] =	stream.indirect.scatter.add.f32 [tilespmem:s9], [sflag:$0x4], $0x80, s18, s8, $0xb8;
	[tilespmem:$0x1E000] =	vst v63  }
0x757: {  	_ =	swait.ge [sflag:s5], $0x4000  }
0x758: {  	[sflag:s5] =	ssyncset.done $0x0  }
0x759: {  	[sflag:s5] =	ssyncadd.s32 $0xFFFFC000  }
0x75a: {  	_ =	swait.ge [sflag:s11], $0x4000  }
0x75b: {  	[sflag:s11] =	ssyncset.done $0x0  }
0x75c: {  	s30 =	simm.s32 $0x400;
	[sflag:s11] =	ssyncadd.s32 $0xFFFFC000  }
0x75d: {  	[tilespmem:s9], [sflag:$0x1] =	stream.indirect.gather [hbm4b:s3+s8], $0x80, s30, s8, $0xb8;
	[tilespmem:$0x1E000] =	vst v63  }
0x75e: {  	s15 =	simm.s32 $0xB80  }
0x75f: {  	[spmem:s2] =	stream.indirect.scatter.add.f32 [tilespmem:s10], [sflag:$0x4], $0x80, s15, s8, $0xb8;
	[tilespmem:$0x1E000] =	vst v63  }
0x760: {  	_ =	swait.ge [sflag:s5], $0x4000  }
0x761: {  	[sflag:s5] =	ssyncset.done $0x0  }
0x762: {  	[sflag:s5] =	ssyncadd.s32 $0xFFFFC000  }
0x763: {  	_ =	swait.ge [sflag:s7], $0x4000  }
0x764: {  	[sflag:s7] =	ssyncset.done $0x0  }
0x765: {  	s17 =	simm.s32 $0x480;
	[sflag:s7] =	ssyncadd.s32 $0xFFFFC000  }
0x766: {  	[tilespmem:s10], [sflag:$0x2] =	stream.indirect.gather [hbm4b:s3+s8], $0x80, s17, s8, $0xb8;
	[tilespmem:$0x1E000] =	vst v63  }
0x767: {  	s1 =	simm.s32 $0xC00  }
0x768: {  	[spmem:s2] =	stream.indirect.scatter.add.f32 [tilespmem:s9], [sflag:$0x4], $0x80, s1, s8, $0xb8;
	[tilespmem:$0x1E000] =	vst v63  }
0x769: {  	_ =	swait.ge [sflag:s5], $0x4000  }
0x76a: {  	[sflag:s5] =	ssyncset.done $0x0  }
0x76b: {  	[sflag:s5] =	ssyncadd.s32 $0xFFFFC000  }
0x76c: {  	_ =	swait.ge [sflag:s11], $0x4000  }
0x76d: {  	[sflag:s11] =	ssyncset.done $0x0  }
0x76e: {  	[sflag:s11] =	ssyncadd.s32 $0xFFFFC000  }
0x76f: {  	_ =	swait.ge [sflag:s24], $0xA00  }
0x770: {  	[sflag:s24] =	ssyncset.done $0x0  }
0x771: {  	[sflag:s24] =	ssyncadd.s32 $0xFFFFF600  }
0x772: {  	[tilespmem:s9], [sflag:$0x1] =	stream.indirect.gather [hbm4b:s3+s8], $0x80, s25, s8, $0xb8;
	[tilespmem:$0x1E000] =	vst v63  }
0x773: {  	s13 =	simm.s32 $0xC80  }
0x774: {  	[spmem:s2] =	stream.indirect.scatter.add.f32 [tilespmem:s10], [sflag:$0x4], $0x80, s13, s8, $0xb8;
	[tilespmem:$0x1E000] =	vst v63  }
0x775: {  	_ =	swait.ge [sflag:s5], $0x4000  }
0x776: {  	[sflag:s5] =	ssyncset.done $0x0  }
0x777: {  	[sflag:s5] =	ssyncadd.s32 $0xFFFFC000  }
0x778: {  	[tilespmem:s31], [sflag:$0x3] =	stream.linear.gather [hbm4b:s16+s31], $0x500, $0x38;
	[tilespmem:$0x1E000] =	vst v63  }
0x779: {  	s14 =	sadd.s32 $0x100, s16  }
0x77a: {  	[tilespmem:s29], [sflag:$0x3] =	stream.linear.gather [hbm4b:s14+s31], $0x500, $0x38;
	[tilespmem:$0x1E000] =	vst v63  }
0x77b: {  	_ =	swait.ge [sflag:s7], $0x4000  }
0x77c: {  	[sflag:s7] =	ssyncset.done $0x0  }
0x77d: {  	s16 =	simm.s32 $0x1080;
	[sflag:s7] =	ssyncadd.s32 $0xFFFFC000  }
0x77e: {  	[tilespmem:s10], [sflag:$0x2] =	stream.indirect.gather [hbm4b:s3+s8], $0x80, s16, s8, $0xb8;
	[tilespmem:$0x1E000] =	vst v63  }
0x77f: {  	s0 =	simm.s32 $0x1800  }
0x780: {  	[spmem:s2] =	stream.indirect.scatter.add.f32 [tilespmem:s9], [sflag:$0x4], $0x80, s0, s8, $0xb8;
	[tilespmem:$0x1E000] =	vst v63  }
0x781: {  	_ =	swait.ge [sflag:s5], $0x4000  }
0x782: {  	[sflag:s5] =	ssyncset.done $0x0  }
0x783: {  	[sflag:s5] =	ssyncadd.s32 $0xFFFFC000  }
0x784: {  	_ =	swait.ge [sflag:s11], $0x4000  }
0x785: {  	[sflag:s11] =	ssyncset.done $0x0  }
0x786: {  	s21 =	simm.s32 $0x1100;
	[sflag:s11] =	ssyncadd.s32 $0xFFFFC000  }
0x787: {  	[tilespmem:s9], [sflag:$0x1] =	stream.indirect.gather [hbm4b:s3+s8], $0x80, s21, s8, $0xb8;
	[tilespmem:$0x1E000] =	vst v63  }
0x788: {  	s14 =	simm.s32 $0x1880  }
0x789: {  	[spmem:s2] =	stream.indirect.scatter.add.f32 [tilespmem:s10], [sflag:$0x4], $0x80, s14, s8, $0xb8;
	[tilespmem:$0x1E000] =	vst v63  }
0x78a: {  	_ =	swait.ge [sflag:s5], $0x4000  }
0x78b: {  	[sflag:s5] =	ssyncset.done $0x0  }
0x78c: {  	[sflag:s5] =	ssyncadd.s32 $0xFFFFC000  }
0x78d: {  	_ =	swait.ge [sflag:s7], $0x4000  }
0x78e: {  	[sflag:s7] =	ssyncset.done $0x0  }
0x78f: {  	s22 =	simm.s32 $0x1180;
	[sflag:s7] =	ssyncadd.s32 $0xFFFFC000  }
0x790: {  	[tilespmem:s10], [sflag:$0x2] =	stream.indirect.gather [hbm4b:s3+s8], $0x80, s22, s8, $0xb8;
	[tilespmem:$0x1E000] =	vst v63  }
0x791: {  	s13 =	simm.s32 $0x1900  }
0x792: {  	[spmem:s2] =	stream.indirect.scatter.add.f32 [tilespmem:s9], [sflag:$0x4], $0x80, s13, s8, $0xb8;
	[tilespmem:$0x1E000] =	vst v63  }
0x793: {  	_ =	swait.ge [sflag:s5], $0x4000  }
0x794: {  	[sflag:s5] =	ssyncset.done $0x0  }
0x795: {  	[sflag:s5] =	ssyncadd.s32 $0xFFFFC000  }
0x796: {  	_ =	swait.ge [sflag:s11], $0x4000  }
0x797: {  	[sflag:s11] =	ssyncset.done $0x0  }
0x798: {  	s22 =	simm.s32 $0x1200;
	[sflag:s11] =	ssyncadd.s32 $0xFFFFC000  }
0x799: {  	[tilespmem:s9], [sflag:$0x1] =	stream.indirect.gather [hbm4b:s3+s8], $0x80, s22, s8, $0xb8;
	[tilespmem:$0x1E000] =	vst v63  }
0x79a: {  	s28 =	simm.s32 $0x1980  }
0x79b: {  	[spmem:s2] =	stream.indirect.scatter.add.f32 [tilespmem:s10], [sflag:$0x4], $0x80, s28, s8, $0xb8;
	[tilespmem:$0x1E000] =	vst v63  }
0x79c: {  	_ =	swait.ge [sflag:s5], $0x4000  }
0x79d: {  	[sflag:s5] =	ssyncset.done $0x0  }
0x79e: {  	[sflag:s5] =	ssyncadd.s32 $0xFFFFC000  }
0x79f: {  	_ =	swait.ge [sflag:s7], $0x4000  }
0x7a0: {  	[sflag:s7] =	ssyncset.done $0x0  }
0x7a1: {  	s21 =	simm.s32 $0x1280;
	[sflag:s7] =	ssyncadd.s32 $0xFFFFC000  }
0x7a2: {  	[tilespmem:s10], [sflag:$0x2] =	stream.indirect.gather [hbm4b:s3+s8], $0x80, s21, s8, $0xb8;
	[tilespmem:$0x1E000] =	vst v63  }
0x7a3: {  	s28 =	simm.s32 $0x1A00  }
0x7a4: {  	[spmem:s2] =	stream.indirect.scatter.add.f32 [tilespmem:s9], [sflag:$0x4], $0x80, s28, s8, $0xb8;
	[tilespmem:$0x1E000] =	vst v63  }
0x7a5: {  	_ =	swait.ge [sflag:s5], $0x4000  }
0x7a6: {  	[sflag:s5] =	ssyncset.done $0x0  }
0x7a7: {  	[sflag:s5] =	ssyncadd.s32 $0xFFFFC000  }
0x7a8: {  	_ =	swait.ge [sflag:s11], $0x4000  }
0x7a9: {  	[sflag:s11] =	ssyncset.done $0x0  }
0x7aa: {  	s20 =	simm.s32 $0x1300;
	[sflag:s11] =	ssyncadd.s32 $0xFFFFC000  }
0x7ab: {  	[tilespmem:s9], [sflag:$0x1] =	stream.indirect.gather [hbm4b:s3+s8], $0x80, s20, s8, $0xb8;
	[tilespmem:$0x1E000] =	vst v63  }
0x7ac: {  	s26 =	simm.s32 $0x1A80  }
0x7ad: {  	[spmem:s2] =	stream.indirect.scatter.add.f32 [tilespmem:s10], [sflag:$0x4], $0x80, s26, s8, $0xb8;
	[tilespmem:$0x1E000] =	vst v63  }
0x7ae: {  	_ =	swait.ge [sflag:s5], $0x4000  }
0x7af: {  	[sflag:s5] =	ssyncset.done $0x0  }
0x7b0: {  	[sflag:s5] =	ssyncadd.s32 $0xFFFFC000  }
0x7b1: {  	_ =	swait.ge [sflag:s7], $0x4000  }
0x7b2: {  	[sflag:s7] =	ssyncset.done $0x0  }
0x7b3: {  	s20 =	simm.s32 $0x1380;
	[sflag:s7] =	ssyncadd.s32 $0xFFFFC000  }
0x7b4: {  	[tilespmem:s10], [sflag:$0x2] =	stream.indirect.gather [hbm4b:s3+s8], $0x80, s20, s8, $0xb8;
	[tilespmem:$0x1E000] =	vst v63  }
0x7b5: {  	s26 =	simm.s32 $0x1B00  }
0x7b6: {  	[spmem:s2] =	stream.indirect.scatter.add.f32 [tilespmem:s9], [sflag:$0x4], $0x80, s26, s8, $0xb8;
	[tilespmem:$0x1E000] =	vst v63  }
0x7b7: {  	_ =	swait.ge [sflag:s5], $0x4000  }
0x7b8: {  	[sflag:s5] =	ssyncset.done $0x0  }
0x7b9: {  	[sflag:s5] =	ssyncadd.s32 $0xFFFFC000  }
0x7ba: {  	_ =	swait.ge [sflag:s11], $0x4000  }
0x7bb: {  	[sflag:s11] =	ssyncset.done $0x0  }
0x7bc: {  	s16 =	simm.s32 $0x1400;
	[sflag:s11] =	ssyncadd.s32 $0xFFFFC000  }
0x7bd: {  	[tilespmem:s9], [sflag:$0x1] =	stream.indirect.gather [hbm4b:s3+s8], $0x80, s16, s8, $0xb8;
	[tilespmem:$0x1E000] =	vst v63  }
0x7be: {  	s23 =	simm.s32 $0x1B80  }
0x7bf: {  	[spmem:s2] =	stream.indirect.scatter.add.f32 [tilespmem:s10], [sflag:$0x4], $0x80, s23, s8, $0xb8;
	[tilespmem:$0x1E000] =	vst v63  }
0x7c0: {  	_ =	swait.ge [sflag:s5], $0x4000  }
0x7c1: {  	[sflag:s5] =	ssyncset.done $0x0  }
0x7c2: {  	[sflag:s5] =	ssyncadd.s32 $0xFFFFC000  }
0x7c3: {  	_ =	swait.ge [sflag:s7], $0x4000  }
0x7c4: {  	[sflag:s7] =	ssyncset.done $0x0  }
0x7c5: {  	s23 =	simm.s32 $0x1480;
	[sflag:s7] =	ssyncadd.s32 $0xFFFFC000  }
0x7c6: {  	[tilespmem:s10], [sflag:$0x2] =	stream.indirect.gather [hbm4b:s3+s8], $0x80, s23, s8, $0xb8;
	[tilespmem:$0x1E000] =	vst v63  }
0x7c7: {  	s23 =	simm.s32 $0x1C00  }
0x7c8: {  	[spmem:s2] =	stream.indirect.scatter.add.f32 [tilespmem:s9], [sflag:$0x4], $0x80, s23, s8, $0xb8;
	[tilespmem:$0x1E000] =	vst v63  }
0x7c9: {  	_ =	swait.ge [sflag:s5], $0x4000  }
0x7ca: {  	[sflag:s5] =	ssyncset.done $0x0  }
0x7cb: {  	[sflag:s5] =	ssyncadd.s32 $0xFFFFC000  }
0x7cc: {  	_ =	swait.ge [sflag:s11], $0x4000  }
0x7cd: {  	[sflag:s11] =	ssyncset.done $0x0  }
0x7ce: {  	[sflag:s11] =	ssyncadd.s32 $0xFFFFC000  }
0x7cf: {  	_ =	swait.ge [sflag:s24], $0xA00  }
0x7d0: {  	[sflag:s24] =	ssyncset.done $0x0  }
0x7d1: {  	[sflag:s24] =	ssyncadd.s32 $0xFFFFF600  }
0x7d2: {  	[tilespmem:s9], [sflag:$0x1] =	stream.indirect.gather [hbm4b:s3+s8], $0x80, s31, s8, $0xb8;
	[tilespmem:$0x1E000] =	vst v63  }
0x7d3: {  	s12 =	simm.s32 $0x1C80  }
0x7d4: {  	[spmem:s2] =	stream.indirect.scatter.add.f32 [tilespmem:s10], [sflag:$0x4], $0x80, s12, s8, $0xb8;
	[tilespmem:$0x1E000] =	vst v63  }
0x7d5: {  	_ =	swait.ge [sflag:s5], $0x4000  }
0x7d6: {  	[sflag:s5] =	ssyncset.done $0x0  }
0x7d7: {  	s4 =	rddreg [dreg:$0xb];
	[sflag:s5] =	ssyncadd.s32 $0xFFFFC000  }
0x7d8: {  	[tilespmem:s25], [sflag:$0x3] =	stream.linear.gather [hbm4b:s4+s31], $0x500, $0x38;
	[tilespmem:$0x1E000] =	vst v63  }
0x7d9: {  	s12 =	sadd.s32 $0x100, s4  }
0x7da: {  	[tilespmem:s0], [sflag:$0x3] =	stream.linear.gather [hbm4b:s12+s31], $0x500, $0x38;
	[tilespmem:$0x1E000] =	vst v63  }
0x7db: {  	_ =	swait.ge [sflag:s7], $0x4000  }
0x7dc: {  	[sflag:s7] =	ssyncset.done $0x0  }
0x7dd: {  	[sflag:s7] =	ssyncadd.s32 $0xFFFFC000  }
0x7de: {  	[tilespmem:s10], [sflag:$0x2] =	stream.indirect.gather [hbm4b:s3+s8], $0x80, s8, s8, $0xb8;
	[tilespmem:$0x1E000] =	vst v63  }
0x7df: {  	_ = 	snop  }
0x7e0: {  	[spmem:s2] =	stream.indirect.scatter.add.f32 [tilespmem:s9], [sflag:$0x4], $0x80, s29, s8, $0xb8;
	[tilespmem:$0x1E000] =	vst v63  }
0x7e1: {  	_ =	swait.ge [sflag:s5], $0x4000  }
0x7e2: {  	[sflag:s5] =	ssyncset.done $0x0  }
0x7e3: {  	[sflag:s5] =	ssyncadd.s32 $0xFFFFC000  }
0x7e4: {  	_ =	swait.ge [sflag:s11], $0x4000  }
0x7e5: {  	[sflag:s11] =	ssyncset.done $0x0  }
0x7e6: {  	s4 =	simm.s32 $0x100;
	[sflag:s11] =	ssyncadd.s32 $0xFFFFC000  }
0x7e7: {  	[tilespmem:s9], [sflag:$0x1] =	stream.indirect.gather [hbm4b:s3+s8], $0x80, s4, s8, $0xb8;
	[tilespmem:$0x1E000] =	vst v63  }
0x7e8: {  	_ = 	snop  }
0x7e9: {  	[spmem:s2] =	stream.indirect.scatter.add.f32 [tilespmem:s10], [sflag:$0x4], $0x80, s6, s8, $0xb8;
	[tilespmem:$0x1E000] =	vst v63  }
0x7ea: {  	_ =	swait.ge [sflag:s5], $0x4000  }
0x7eb: {  	[sflag:s5] =	ssyncset.done $0x0  }
0x7ec: {  	[sflag:s5] =	ssyncadd.s32 $0xFFFFC000  }
0x7ed: {  	_ =	swait.ge [sflag:s7], $0x4000  }
0x7ee: {  	[sflag:s7] =	ssyncset.done $0x0  }
0x7ef: {  	s4 =	simm.s32 $0x180;
	[sflag:s7] =	ssyncadd.s32 $0xFFFFC000  }
0x7f0: {  	[tilespmem:s10], [sflag:$0x2] =	stream.indirect.gather [hbm4b:s3+s8], $0x80, s4, s8, $0xb8;
	[tilespmem:$0x1E000] =	vst v63  }
0x7f1: {  	s6 =	simm.s32 $0x900  }
0x7f2: {  	[spmem:s2] =	stream.indirect.scatter.add.f32 [tilespmem:s9], [sflag:$0x4], $0x80, s6, s8, $0xb8;
	[tilespmem:$0x1E000] =	vst v63  }
0x7f3: {  	_ =	swait.ge [sflag:s5], $0x4000  }
0x7f4: {  	[sflag:s5] =	ssyncset.done $0x0  }
0x7f5: {  	[sflag:s5] =	ssyncadd.s32 $0xFFFFC000  }
0x7f6: {  	_ =	swait.ge [sflag:s11], $0x4000  }
0x7f7: {  	[sflag:s11] =	ssyncset.done $0x0  }
0x7f8: {  	s4 =	simm.s32 $0x200;
	[sflag:s11] =	ssyncadd.s32 $0xFFFFC000  }
0x7f9: {  	[tilespmem:s9], [sflag:$0x1] =	stream.indirect.gather [hbm4b:s3+s8], $0x80, s4, s8, $0xb8;
	[tilespmem:$0x1E000] =	vst v63  }
0x7fa: {  	s6 =	simm.s32 $0x980  }
0x7fb: {  	[spmem:s2] =	stream.indirect.scatter.add.f32 [tilespmem:s10], [sflag:$0x4], $0x80, s6, s8, $0xb8;
	[tilespmem:$0x1E000] =	vst v63  }
0x7fc: {  	_ =	swait.ge [sflag:s5], $0x4000  }
0x7fd: {  	[sflag:s5] =	ssyncset.done $0x0  }
0x7fe: {  	[sflag:s5] =	ssyncadd.s32 $0xFFFFC000  }
0x7ff: {  	_ =	swait.ge [sflag:s7], $0x4000  }
0x800: {  	[sflag:s7] =	ssyncset.done $0x0  }
0x801: {  	s4 =	simm.s32 $0x280;
	[sflag:s7] =	ssyncadd.s32 $0xFFFFC000  }
0x802: {  	[tilespmem:s10], [sflag:$0x2] =	stream.indirect.gather [hbm4b:s3+s8], $0x80, s4, s8, $0xb8;
	[tilespmem:$0x1E000] =	vst v63  }
0x803: {  	s6 =	simm.s32 $0xA00  }
0x804: {  	[spmem:s2] =	stream.indirect.scatter.add.f32 [tilespmem:s9], [sflag:$0x4], $0x80, s6, s8, $0xb8;
	[tilespmem:$0x1E000] =	vst v63  }
0x805: {  	_ =	swait.ge [sflag:s5], $0x4000  }
0x806: {  	[sflag:s5] =	ssyncset.done $0x0  }
0x807: {  	[sflag:s5] =	ssyncadd.s32 $0xFFFFC000  }
0x808: {  	_ =	swait.ge [sflag:s11], $0x4000  }
0x809: {  	[sflag:s11] =	ssyncset.done $0x0  }
0x80a: {  	s0 =	simm.s32 $0x300;
	[sflag:s11] =	ssyncadd.s32 $0xFFFFC000  }
0x80b: {  	[tilespmem:s9], [sflag:$0x1] =	stream.indirect.gather [hbm4b:s3+s8], $0x80, s0, s8, $0xb8;
	[tilespmem:$0x1E000] =	vst v63  }
0x80c: {  	_ = 	snop  }
0x80d: {  	[spmem:s2] =	stream.indirect.scatter.add.f32 [tilespmem:s10], [sflag:$0x4], $0x80, s19, s8, $0xb8;
	[tilespmem:$0x1E000] =	vst v63  }
0x80e: {  	_ =	swait.ge [sflag:s5], $0x4000  }
0x80f: {  	[sflag:s5] =	ssyncset.done $0x0  }
0x810: {  	[sflag:s5] =	ssyncadd.s32 $0xFFFFC000  }
0x811: {  	_ =	swait.ge [sflag:s7], $0x4000  }
0x812: {  	[sflag:s7] =	ssyncset.done $0x0  }
0x813: {  	s6 =	simm.s32 $0x380;
	[sflag:s7] =	ssyncadd.s32 $0xFFFFC000  }
0x814: {  	[tilespmem:s10], [sflag:$0x2] =	stream.indirect.gather [hbm4b:s3+s8], $0x80, s6, s8, $0xb8;
	[tilespmem:$0x1E000] =	vst v63  }
0x815: {  	_ = 	snop  }
0x816: {  	[spmem:s2] =	stream.indirect.scatter.add.f32 [tilespmem:s9], [sflag:$0x4], $0x80, s18, s8, $0xb8;
	[tilespmem:$0x1E000] =	vst v63  }
0x817: {  	_ =	swait.ge [sflag:s5], $0x4000  }
0x818: {  	[sflag:s5] =	ssyncset.done $0x0  }
0x819: {  	[sflag:s5] =	ssyncadd.s32 $0xFFFFC000  }
0x81a: {  	_ =	swait.ge [sflag:s11], $0x4000  }
0x81b: {  	[sflag:s11] =	ssyncset.done $0x0  }
0x81c: {  	[sflag:s11] =	ssyncadd.s32 $0xFFFFC000  }
0x81d: {  	[tilespmem:s9], [sflag:$0x1] =	stream.indirect.gather [hbm4b:s3+s8], $0x80, s30, s8, $0xb8;
	[tilespmem:$0x1E000] =	vst v63  }
0x81e: {  	_ = 	snop  }
0x81f: {  	[spmem:s2] =	stream.indirect.scatter.add.f32 [tilespmem:s10], [sflag:$0x4], $0x80, s15, s8, $0xb8;
	[tilespmem:$0x1E000] =	vst v63  }
0x820: {  	_ =	swait.ge [sflag:s5], $0x4000  }
0x821: {  	[sflag:s5] =	ssyncset.done $0x0  }
0x822: {  	[sflag:s5] =	ssyncadd.s32 $0xFFFFC000  }
0x823: {  	_ =	swait.ge [sflag:s7], $0x4000  }
0x824: {  	[sflag:s7] =	ssyncset.done $0x0  }
0x825: {  	[sflag:s7] =	ssyncadd.s32 $0xFFFFC000  }
0x826: {  	[tilespmem:s10], [sflag:$0x2] =	stream.indirect.gather [hbm4b:s3+s8], $0x80, s17, s8, $0xb8;
	[tilespmem:$0x1E000] =	vst v63  }
0x827: {  	_ = 	snop  }
0x828: {  	[spmem:s2] =	stream.indirect.scatter.add.f32 [tilespmem:s9], [sflag:$0x4], $0x80, s1, s8, $0xb8;
	[tilespmem:$0x1E000] =	vst v63  }
0x829: {  	_ =	swait.ge [sflag:s5], $0x4000  }
0x82a: {  	[sflag:s5] =	ssyncset.done $0x0  }
0x82b: {  	[sflag:s5] =	ssyncadd.s32 $0xFFFFC000  }
0x82c: {  	_ =	swait.ge [sflag:s11], $0x4000  }
0x82d: {  	[sflag:s11] =	ssyncset.done $0x0  }
0x82e: {  	[sflag:s11] =	ssyncadd.s32 $0xFFFFC000  }
0x82f: {  	_ =	swait.ge [sflag:s24], $0xA00  }
0x830: {  	[sflag:s24] =	ssyncset.done $0x0  }
0x831: {  	[sflag:s24] =	ssyncadd.s32 $0xFFFFF600  }
0x832: {  	[tilespmem:s9], [sflag:$0x1] =	stream.indirect.gather [hbm4b:s3+s8], $0x80, s25, s8, $0xb8;
	[tilespmem:$0x1E000] =	vst v63  }
0x833: {  	s15 =	simm.s32 $0xC80  }
0x834: {  	[spmem:s2] =	stream.indirect.scatter.add.f32 [tilespmem:s10], [sflag:$0x4], $0x80, s15, s8, $0xb8;
	[tilespmem:$0x1E000] =	vst v63  }
0x835: {  	_ =	swait.ge [sflag:s5], $0x4000  }
0x836: {  	[sflag:s5] =	ssyncset.done $0x0  }
0x837: {  	s17 =	rddreg [dreg:$0x8];
	[sflag:s5] =	ssyncadd.s32 $0xFFFFC000  }
0x838: {  	[tilespmem:s31], [sflag:$0x3] =	stream.linear.gather [hbm4b:s17+s31], $0x500, $0x38;
	[tilespmem:$0x1E000] =	vst v63  }
0x839: {  	s4 =	sadd.s32 $0x100, s17  }
0x83a: {  	[tilespmem:s29], [sflag:$0x3] =	stream.linear.gather [hbm4b:s4+s31], $0x500, $0x38;
	[tilespmem:$0x1E000] =	vst v63  }
0x83b: {  	_ =	swait.ge [sflag:s7], $0x4000  }
0x83c: {  	[sflag:s7] =	ssyncset.done $0x0  }
0x83d: {  	s18 =	simm.s32 $0x1080;
	[sflag:s7] =	ssyncadd.s32 $0xFFFFC000  }
0x83e: {  	[tilespmem:s10], [sflag:$0x2] =	stream.indirect.gather [hbm4b:s3+s8], $0x80, s18, s8, $0xb8;
	[tilespmem:$0x1E000] =	vst v63  }
0x83f: {  	s12 =	simm.s32 $0x1800  }
0x840: {  	[spmem:s2] =	stream.indirect.scatter.add.f32 [tilespmem:s9], [sflag:$0x4], $0x80, s12, s8, $0xb8;
	[tilespmem:$0x1E000] =	vst v63  }
0x841: {  	_ =	swait.ge [sflag:s5], $0x4000  }
0x842: {  	[sflag:s5] =	ssyncset.done $0x0  }
0x843: {  	[sflag:s5] =	ssyncadd.s32 $0xFFFFC000  }
0x844: {  	_ =	swait.ge [sflag:s11], $0x4000  }
0x845: {  	[sflag:s11] =	ssyncset.done $0x0  }
0x846: {  	s6 =	simm.s32 $0x1100;
	[sflag:s11] =	ssyncadd.s32 $0xFFFFC000  }
0x847: {  	[tilespmem:s9], [sflag:$0x1] =	stream.indirect.gather [hbm4b:s3+s8], $0x80, s6, s8, $0xb8;
	[tilespmem:$0x1E000] =	vst v63  }
0x848: {  	_ = 	snop  }
0x849: {  	[spmem:s2] =	stream.indirect.scatter.add.f32 [tilespmem:s10], [sflag:$0x4], $0x80, s14, s8, $0xb8;
	[tilespmem:$0x1E000] =	vst v63  }
0x84a: {  	_ =	swait.ge [sflag:s5], $0x4000  }
0x84b: {  	[sflag:s5] =	ssyncset.done $0x0  }
0x84c: {  	[sflag:s5] =	ssyncadd.s32 $0xFFFFC000  }
0x84d: {  	_ =	swait.ge [sflag:s7], $0x4000  }
0x84e: {  	[sflag:s7] =	ssyncset.done $0x0  }
0x84f: {  	s14 =	simm.s32 $0x1180;
	[sflag:s7] =	ssyncadd.s32 $0xFFFFC000  }
0x850: {  	[tilespmem:s10], [sflag:$0x2] =	stream.indirect.gather [hbm4b:s3+s8], $0x80, s14, s8, $0xb8;
	[tilespmem:$0x1E000] =	vst v63  }
0x851: {  	_ = 	snop  }
0x852: {  	[spmem:s2] =	stream.indirect.scatter.add.f32 [tilespmem:s9], [sflag:$0x4], $0x80, s13, s8, $0xb8;
	[tilespmem:$0x1E000] =	vst v63  }
0x853: {  	_ =	swait.ge [sflag:s5], $0x4000  }
0x854: {  	[sflag:s5] =	ssyncset.done $0x0  }
0x855: {  	[sflag:s5] =	ssyncadd.s32 $0xFFFFC000  }
0x856: {  	_ =	swait.ge [sflag:s11], $0x4000  }
0x857: {  	[sflag:s11] =	ssyncset.done $0x0  }
0x858: {  	[sflag:s11] =	ssyncadd.s32 $0xFFFFC000  }
0x859: {  	[tilespmem:s9], [sflag:$0x1] =	stream.indirect.gather [hbm4b:s3+s8], $0x80, s22, s8, $0xb8;
	[tilespmem:$0x1E000] =	vst v63  }
0x85a: {  	s19 =	simm.s32 $0x1980  }
0x85b: {  	[spmem:s2] =	stream.indirect.scatter.add.f32 [tilespmem:s10], [sflag:$0x4], $0x80, s19, s8, $0xb8;
	[tilespmem:$0x1E000] =	vst v63  }
0x85c: {  	_ =	swait.ge [sflag:s5], $0x4000  }
0x85d: {  	[sflag:s5] =	ssyncset.done $0x0  }
0x85e: {  	[sflag:s5] =	ssyncadd.s32 $0xFFFFC000  }
0x85f: {  	_ =	swait.ge [sflag:s7], $0x4000  }
0x860: {  	[sflag:s7] =	ssyncset.done $0x0  }
0x861: {  	[sflag:s7] =	ssyncadd.s32 $0xFFFFC000  }
0x862: {  	[tilespmem:s10], [sflag:$0x2] =	stream.indirect.gather [hbm4b:s3+s8], $0x80, s21, s8, $0xb8;
	[tilespmem:$0x1E000] =	vst v63  }
0x863: {  	_ = 	snop  }
0x864: {  	[spmem:s2] =	stream.indirect.scatter.add.f32 [tilespmem:s9], [sflag:$0x4], $0x80, s28, s8, $0xb8;
	[tilespmem:$0x1E000] =	vst v63  }
0x865: {  	_ =	swait.ge [sflag:s5], $0x4000  }
0x866: {  	[sflag:s5] =	ssyncset.done $0x0  }
0x867: {  	[sflag:s5] =	ssyncadd.s32 $0xFFFFC000  }
0x868: {  	_ =	swait.ge [sflag:s11], $0x4000  }
0x869: {  	[sflag:s11] =	ssyncset.done $0x0  }
0x86a: {  	s13 =	simm.s32 $0x1300;
	[sflag:s11] =	ssyncadd.s32 $0xFFFFC000  }
0x86b: {  	[tilespmem:s9], [sflag:$0x1] =	stream.indirect.gather [hbm4b:s3+s8], $0x80, s13, s8, $0xb8;
	[tilespmem:$0x1E000] =	vst v63  }
0x86c: {  	s12 =	simm.s32 $0x1A80  }
0x86d: {  	[spmem:s2] =	stream.indirect.scatter.add.f32 [tilespmem:s10], [sflag:$0x4], $0x80, s12, s8, $0xb8;
	[tilespmem:$0x1E000] =	vst v63  }
0x86e: {  	_ =	swait.ge [sflag:s5], $0x4000  }
0x86f: {  	[sflag:s5] =	ssyncset.done $0x0  }
0x870: {  	[sflag:s5] =	ssyncadd.s32 $0xFFFFC000  }
0x871: {  	_ =	swait.ge [sflag:s7], $0x4000  }
0x872: {  	[sflag:s7] =	ssyncset.done $0x0  }
0x873: {  	[sflag:s7] =	ssyncadd.s32 $0xFFFFC000  }
0x874: {  	[tilespmem:s10], [sflag:$0x2] =	stream.indirect.gather [hbm4b:s3+s8], $0x80, s20, s8, $0xb8;
	[tilespmem:$0x1E000] =	vst v63  }
0x875: {  	_ = 	snop  }
0x876: {  	[spmem:s2] =	stream.indirect.scatter.add.f32 [tilespmem:s9], [sflag:$0x4], $0x80, s26, s8, $0xb8;
	[tilespmem:$0x1E000] =	vst v63  }
0x877: {  	_ =	swait.ge [sflag:s5], $0x4000  }
0x878: {  	[sflag:s5] =	ssyncset.done $0x0  }
0x879: {  	[sflag:s5] =	ssyncadd.s32 $0xFFFFC000  }
0x87a: {  	_ =	swait.ge [sflag:s11], $0x4000  }
0x87b: {  	[sflag:s11] =	ssyncset.done $0x0  }
0x87c: {  	[sflag:s11] =	ssyncadd.s32 $0xFFFFC000  }
0x87d: {  	[tilespmem:s9], [sflag:$0x1] =	stream.indirect.gather [hbm4b:s3+s8], $0x80, s16, s8, $0xb8;
	[tilespmem:$0x1E000] =	vst v63  }
0x87e: {  	s0 =	simm.s32 $0x1B80  }
0x87f: {  	[spmem:s2] =	stream.indirect.scatter.add.f32 [tilespmem:s10], [sflag:$0x4], $0x80, s0, s8, $0xb8;
	[tilespmem:$0x1E000] =	vst v63  }
0x880: {  	_ =	swait.ge [sflag:s5], $0x4000  }
0x881: {  	[sflag:s5] =	ssyncset.done $0x0  }
0x882: {  	[sflag:s5] =	ssyncadd.s32 $0xFFFFC000  }
0x883: {  	_ =	swait.ge [sflag:s7], $0x4000  }
0x884: {  	[sflag:s7] =	ssyncset.done $0x0  }
0x885: {  	s20 =	simm.s32 $0x1480;
	[sflag:s7] =	ssyncadd.s32 $0xFFFFC000  }
0x886: {  	[tilespmem:s10], [sflag:$0x2] =	stream.indirect.gather [hbm4b:s3+s8], $0x80, s20, s8, $0xb8;
	[tilespmem:$0x1E000] =	vst v63  }
0x887: {  	_ = 	snop  }
0x888: {  	[spmem:s2] =	stream.indirect.scatter.add.f32 [tilespmem:s9], [sflag:$0x4], $0x80, s23, s8, $0xb8;
	[tilespmem:$0x1E000] =	vst v63  }
0x889: {  	_ =	swait.ge [sflag:s5], $0x4000  }
0x88a: {  	[sflag:s5] =	ssyncset.done $0x0  }
0x88b: {  	[sflag:s5] =	ssyncadd.s32 $0xFFFFC000  }
0x88c: {  	_ =	swait.ge [sflag:s11], $0x4000  }
0x88d: {  	[sflag:s11] =	ssyncset.done $0x0  }
0x88e: {  	[sflag:s11] =	ssyncadd.s32 $0xFFFFC000  }
0x88f: {  	_ =	swait.ge [sflag:s24], $0xA00  }
0x890: {  	[sflag:s24] =	ssyncset.done $0x0  }
0x891: {  	[sflag:s24] =	ssyncadd.s32 $0xFFFFF600  }
0x892: {  	[tilespmem:s9], [sflag:$0x1] =	stream.indirect.gather [hbm4b:s3+s8], $0x80, s31, s8, $0xb8;
	[tilespmem:$0x1E000] =	vst v63  }
0x893: {  	s23 =	simm.s32 $0x1C80  }
0x894: {  	[spmem:s2] =	stream.indirect.scatter.add.f32 [tilespmem:s10], [sflag:$0x4], $0x80, s23, s8, $0xb8;
	[tilespmem:$0x1E000] =	vst v63  }
0x895: {  	_ =	swait.ge [sflag:s5], $0x4000  }
0x896: {  	[sflag:s5] =	ssyncset.done $0x0  }
0x897: {  	s4 =	rddreg [dreg:$0x7];
	[sflag:s5] =	ssyncadd.s32 $0xFFFFC000  }
0x898: {  	[tilespmem:s25], [sflag:$0x3] =	stream.linear.gather [hbm4b:s4+s31], $0x500, $0x38;
	[tilespmem:$0x1E000] =	vst v63  }
0x899: {  	s1 =	simm.s32 $0x1800;
	s4 =	sadd.s32 $0x100, s4  }
0x89a: {  	[tilespmem:s1], [sflag:$0x3] =	stream.linear.gather [hbm4b:s4+s31], $0x500, $0x38;
	[tilespmem:$0x1E000] =	vst v63  }
0x89b: {  	_ =	swait.ge [sflag:s7], $0x4000  }
0x89c: {  	[sflag:s7] =	ssyncset.done $0x0  }
0x89d: {  	[sflag:s7] =	ssyncadd.s32 $0xFFFFC000  }
0x89e: {  	[tilespmem:s10], [sflag:$0x2] =	stream.indirect.gather [hbm4b:s3+s8], $0x80, s8, s8, $0xb8;
	[tilespmem:$0x1E000] =	vst v63  }
0x89f: {  	_ = 	snop  }
0x8a0: {  	[spmem:s2] =	stream.indirect.scatter.add.f32 [tilespmem:s9], [sflag:$0x4], $0x80, s29, s8, $0xb8;
	[tilespmem:$0x1E000] =	vst v63  }
0x8a1: {  	_ =	swait.ge [sflag:s5], $0x4000  }
0x8a2: {  	[sflag:s5] =	ssyncset.done $0x0  }
0x8a3: {  	[sflag:s5] =	ssyncadd.s32 $0xFFFFC000  }
0x8a4: {  	_ =	swait.ge [sflag:s11], $0x4000  }
0x8a5: {  	[sflag:s11] =	ssyncset.done $0x0  }
0x8a6: {  	s29 =	simm.s32 $0x100;
	[sflag:s11] =	ssyncadd.s32 $0xFFFFC000  }
0x8a7: {  	[tilespmem:s9], [sflag:$0x1] =	stream.indirect.gather [hbm4b:s3+s8], $0x80, s29, s8, $0xb8;
	[tilespmem:$0x1E000] =	vst v63  }
0x8a8: {  	s31 =	simm.s32 $0x880  }
0x8a9: {  	[spmem:s2] =	stream.indirect.scatter.add.f32 [tilespmem:s10], [sflag:$0x4], $0x80, s31, s8, $0xb8;
	[tilespmem:$0x1E000] =	vst v63  }
0x8aa: {  	_ =	swait.ge [sflag:s5], $0x4000  }
0x8ab: {  	[sflag:s5] =	ssyncset.done $0x0  }
0x8ac: {  	[sflag:s5] =	ssyncadd.s32 $0xFFFFC000  }
0x8ad: {  	_ =	swait.ge [sflag:s7], $0x4000  }
0x8ae: {  	[sflag:s7] =	ssyncset.done $0x0  }
0x8af: {  	s29 =	simm.s32 $0x180;
	[sflag:s7] =	ssyncadd.s32 $0xFFFFC000  }
0x8b0: {  	[tilespmem:s10], [sflag:$0x2] =	stream.indirect.gather [hbm4b:s3+s8], $0x80, s29, s8, $0xb8;
	[tilespmem:$0x1E000] =	vst v63  }
0x8b1: {  	s31 =	simm.s32 $0x900  }
0x8b2: {  	[spmem:s2] =	stream.indirect.scatter.add.f32 [tilespmem:s9], [sflag:$0x4], $0x80, s31, s8, $0xb8;
	[tilespmem:$0x1E000] =	vst v63  }
0x8b3: {  	_ =	swait.ge [sflag:s5], $0x4000  }
0x8b4: {  	[sflag:s5] =	ssyncset.done $0x0  }
0x8b5: {  	[sflag:s5] =	ssyncadd.s32 $0xFFFFC000  }
0x8b6: {  	_ =	swait.ge [sflag:s11], $0x4000  }
0x8b7: {  	[sflag:s11] =	ssyncset.done $0x0  }
0x8b8: {  	s29 =	simm.s32 $0x200;
	[sflag:s11] =	ssyncadd.s32 $0xFFFFC000  }
0x8b9: {  	[tilespmem:s9], [sflag:$0x1] =	stream.indirect.gather [hbm4b:s3+s8], $0x80, s29, s8, $0xb8;
	[tilespmem:$0x1E000] =	vst v63  }
0x8ba: {  	s31 =	simm.s32 $0x980  }
0x8bb: {  	[spmem:s2] =	stream.indirect.scatter.add.f32 [tilespmem:s10], [sflag:$0x4], $0x80, s31, s8, $0xb8;
	[tilespmem:$0x1E000] =	vst v63  }
0x8bc: {  	_ =	swait.ge [sflag:s5], $0x4000  }
0x8bd: {  	[sflag:s5] =	ssyncset.done $0x0  }
0x8be: {  	[sflag:s5] =	ssyncadd.s32 $0xFFFFC000  }
0x8bf: {  	_ =	swait.ge [sflag:s7], $0x4000  }
0x8c0: {  	[sflag:s7] =	ssyncset.done $0x0  }
0x8c1: {  	s29 =	simm.s32 $0x280;
	[sflag:s7] =	ssyncadd.s32 $0xFFFFC000  }
0x8c2: {  	[tilespmem:s10], [sflag:$0x2] =	stream.indirect.gather [hbm4b:s3+s8], $0x80, s29, s8, $0xb8;
	[tilespmem:$0x1E000] =	vst v63  }
0x8c3: {  	s31 =	simm.s32 $0xA00  }
0x8c4: {  	[spmem:s2] =	stream.indirect.scatter.add.f32 [tilespmem:s9], [sflag:$0x4], $0x80, s31, s8, $0xb8;
	[tilespmem:$0x1E000] =	vst v63  }
0x8c5: {  	_ =	swait.ge [sflag:s5], $0x4000  }
0x8c6: {  	[sflag:s5] =	ssyncset.done $0x0  }
0x8c7: {  	[sflag:s5] =	ssyncadd.s32 $0xFFFFC000  }
0x8c8: {  	_ =	swait.ge [sflag:s11], $0x4000  }
0x8c9: {  	[sflag:s11] =	ssyncset.done $0x0  }
0x8ca: {  	s29 =	simm.s32 $0x300;
	[sflag:s11] =	ssyncadd.s32 $0xFFFFC000  }
0x8cb: {  	[tilespmem:s9], [sflag:$0x1] =	stream.indirect.gather [hbm4b:s3+s8], $0x80, s29, s8, $0xb8;
	[tilespmem:$0x1E000] =	vst v63  }
0x8cc: {  	s31 =	simm.s32 $0xA80  }
0x8cd: {  	[spmem:s2] =	stream.indirect.scatter.add.f32 [tilespmem:s10], [sflag:$0x4], $0x80, s31, s8, $0xb8;
	[tilespmem:$0x1E000] =	vst v63  }
0x8ce: {  	_ =	swait.ge [sflag:s5], $0x4000  }
0x8cf: {  	[sflag:s5] =	ssyncset.done $0x0  }
0x8d0: {  	[sflag:s5] =	ssyncadd.s32 $0xFFFFC000  }
0x8d1: {  	_ =	swait.ge [sflag:s7], $0x4000  }
0x8d2: {  	[sflag:s7] =	ssyncset.done $0x0  }
0x8d3: {  	s29 =	simm.s32 $0x380;
	[sflag:s7] =	ssyncadd.s32 $0xFFFFC000  }
0x8d4: {  	[tilespmem:s10], [sflag:$0x2] =	stream.indirect.gather [hbm4b:s3+s8], $0x80, s29, s8, $0xb8;
	[tilespmem:$0x1E000] =	vst v63  }
0x8d5: {  	s31 =	simm.s32 $0xB00  }
0x8d6: {  	[spmem:s2] =	stream.indirect.scatter.add.f32 [tilespmem:s9], [sflag:$0x4], $0x80, s31, s8, $0xb8;
	[tilespmem:$0x1E000] =	vst v63  }
0x8d7: {  	_ =	swait.ge [sflag:s5], $0x4000  }
0x8d8: {  	[sflag:s5] =	ssyncset.done $0x0  }
0x8d9: {  	[sflag:s5] =	ssyncadd.s32 $0xFFFFC000  }
0x8da: {  	_ =	swait.ge [sflag:s11], $0x4000  }
0x8db: {  	[sflag:s11] =	ssyncset.done $0x0  }
0x8dc: {  	s29 =	simm.s32 $0x400;
	[sflag:s11] =	ssyncadd.s32 $0xFFFFC000  }
0x8dd: {  	[tilespmem:s9], [sflag:$0x1] =	stream.indirect.gather [hbm4b:s3+s8], $0x80, s29, s8, $0xb8;
	[tilespmem:$0x1E000] =	vst v63  }
0x8de: {  	s31 =	simm.s32 $0xB80  }
0x8df: {  	[spmem:s2] =	stream.indirect.scatter.add.f32 [tilespmem:s10], [sflag:$0x4], $0x80, s31, s8, $0xb8;
	[tilespmem:$0x1E000] =	vst v63  }
0x8e0: {  	_ =	swait.ge [sflag:s5], $0x4000  }
0x8e1: {  	[sflag:s5] =	ssyncset.done $0x0  }
0x8e2: {  	[sflag:s5] =	ssyncadd.s32 $0xFFFFC000  }
0x8e3: {  	_ =	swait.ge [sflag:s7], $0x4000  }
0x8e4: {  	[sflag:s7] =	ssyncset.done $0x0  }
0x8e5: {  	s29 =	simm.s32 $0x480;
	[sflag:s7] =	ssyncadd.s32 $0xFFFFC000  }
0x8e6: {  	[tilespmem:s10], [sflag:$0x2] =	stream.indirect.gather [hbm4b:s3+s8], $0x80, s29, s8, $0xb8;
	[tilespmem:$0x1E000] =	vst v63  }
0x8e7: {  	s31 =	simm.s32 $0xC00  }
0x8e8: {  	[spmem:s2] =	stream.indirect.scatter.add.f32 [tilespmem:s9], [sflag:$0x4], $0x80, s31, s8, $0xb8;
	[tilespmem:$0x1E000] =	vst v63  }
0x8e9: {  	_ =	swait.ge [sflag:s5], $0x4000  }
0x8ea: {  	[sflag:s5] =	ssyncset.done $0x0  }
0x8eb: {  	[sflag:s5] =	ssyncadd.s32 $0xFFFFC000  }
0x8ec: {  	_ =	swait.ge [sflag:s11], $0x4000  }
0x8ed: {  	[sflag:s11] =	ssyncset.done $0x0  }
0x8ee: {  	[sflag:s11] =	ssyncadd.s32 $0xFFFFC000  }
0x8ef: {  	_ =	swait.ge [sflag:s24], $0xA00  }
0x8f0: {  	[sflag:s24] =	ssyncset.done $0x0  }
0x8f1: {  	[sflag:s24] =	ssyncadd.s32 $0xFFFFF600  }
0x8f2: {  	[tilespmem:s9], [sflag:$0x1] =	stream.indirect.gather [hbm4b:s3+s8], $0x80, s25, s8, $0xb8;
	[tilespmem:$0x1E000] =	vst v63  }
0x8f3: {  	s25 =	simm.s32 $0xC80  }
0x8f4: {  	[spmem:s2] =	stream.indirect.scatter.add.f32 [tilespmem:s10], [sflag:$0x4], $0x80, s25, s8, $0xb8;
	[tilespmem:$0x1E000] =	vst v63  }
0x8f5: {  	_ =	swait.ge [sflag:s5], $0x4000  }
0x8f6: {  	[sflag:s5] =	ssyncset.done $0x0  }
0x8f7: {  	[sflag:s5] =	ssyncadd.s32 $0xFFFFC000  }
0x8f8: {  	_ =	swait.ge [sflag:s7], $0x4000  }
0x8f9: {  	[sflag:s7] =	ssyncset.done $0x0  }
0x8fa: {  	s30 =	simm.s32 $0x1080;
	[sflag:s7] =	ssyncadd.s32 $0xFFFFC000  }
0x8fb: {  	[tilespmem:s10], [sflag:$0x2] =	stream.indirect.gather [hbm4b:s3+s8], $0x80, s30, s8, $0xb8;
	[tilespmem:$0x1E000] =	vst v63  }
0x8fc: {  	_ = 	snop  }
0x8fd: {  	[spmem:s2] =	stream.indirect.scatter.add.f32 [tilespmem:s9], [sflag:$0x4], $0x80, s1, s8, $0xb8;
	[tilespmem:$0x1E000] =	vst v63  }
0x8fe: {  	_ =	swait.ge [sflag:s5], $0x4000  }
0x8ff: {  	[sflag:s5] =	ssyncset.done $0x0  }
0x900: {  	[sflag:s5] =	ssyncadd.s32 $0xFFFFC000  }
0x901: {  	_ =	swait.ge [sflag:s11], $0x4000  }
0x902: {  	[sflag:s11] =	ssyncset.done $0x0  }
0x903: {  	[sflag:s11] =	ssyncadd.s32 $0xFFFFC000  }
0x904: {  	[tilespmem:s9], [sflag:$0x1] =	stream.indirect.gather [hbm4b:s3+s8], $0x80, s6, s8, $0xb8;
	[tilespmem:$0x1E000] =	vst v63  }
0x905: {  	s18 =	simm.s32 $0x1880  }
0x906: {  	[spmem:s2] =	stream.indirect.scatter.add.f32 [tilespmem:s10], [sflag:$0x4], $0x80, s18, s8, $0xb8;
	[tilespmem:$0x1E000] =	vst v63  }
0x907: {  	_ =	swait.ge [sflag:s5], $0x4000  }
0x908: {  	[sflag:s5] =	ssyncset.done $0x0  }
0x909: {  	[sflag:s5] =	ssyncadd.s32 $0xFFFFC000  }
0x90a: {  	_ =	swait.ge [sflag:s7], $0x4000  }
0x90b: {  	[sflag:s7] =	ssyncset.done $0x0  }
0x90c: {  	[sflag:s7] =	ssyncadd.s32 $0xFFFFC000  }
0x90d: {  	[tilespmem:s10], [sflag:$0x2] =	stream.indirect.gather [hbm4b:s3+s8], $0x80, s14, s8, $0xb8;
	[tilespmem:$0x1E000] =	vst v63  }
0x90e: {  	s15 =	simm.s32 $0x1900  }
0x90f: {  	[spmem:s2] =	stream.indirect.scatter.add.f32 [tilespmem:s9], [sflag:$0x4], $0x80, s15, s8, $0xb8;
	[tilespmem:$0x1E000] =	vst v63  }
0x910: {  	_ =	swait.ge [sflag:s5], $0x4000  }
0x911: {  	[sflag:s5] =	ssyncset.done $0x0  }
0x912: {  	[sflag:s5] =	ssyncadd.s32 $0xFFFFC000  }
0x913: {  	_ =	swait.ge [sflag:s11], $0x4000  }
0x914: {  	[sflag:s11] =	ssyncset.done $0x0  }
0x915: {  	s22 =	simm.s32 $0x1200;
	[sflag:s11] =	ssyncadd.s32 $0xFFFFC000  }
0x916: {  	[tilespmem:s9], [sflag:$0x1] =	stream.indirect.gather [hbm4b:s3+s8], $0x80, s22, s8, $0xb8;
	[tilespmem:$0x1E000] =	vst v63  }
0x917: {  	s19 =	simm.s32 $0x1980  }
0x918: {  	[spmem:s2] =	stream.indirect.scatter.add.f32 [tilespmem:s10], [sflag:$0x4], $0x80, s19, s8, $0xb8;
	[tilespmem:$0x1E000] =	vst v63  }
0x919: {  	_ =	swait.ge [sflag:s5], $0x4000  }
0x91a: {  	[sflag:s5] =	ssyncset.done $0x0  }
0x91b: {  	[sflag:s5] =	ssyncadd.s32 $0xFFFFC000  }
0x91c: {  	_ =	swait.ge [sflag:s7], $0x4000  }
0x91d: {  	[sflag:s7] =	ssyncset.done $0x0  }
0x91e: {  	s21 =	simm.s32 $0x1280;
	[sflag:s7] =	ssyncadd.s32 $0xFFFFC000  }
0x91f: {  	[tilespmem:s10], [sflag:$0x2] =	stream.indirect.gather [hbm4b:s3+s8], $0x80, s21, s8, $0xb8;
	[tilespmem:$0x1E000] =	vst v63  }
0x920: {  	s28 =	simm.s32 $0x1A00  }
0x921: {  	[spmem:s2] =	stream.indirect.scatter.add.f32 [tilespmem:s9], [sflag:$0x4], $0x80, s28, s8, $0xb8;
	[tilespmem:$0x1E000] =	vst v63  }
0x922: {  	_ =	swait.ge [sflag:s5], $0x4000  }
0x923: {  	[sflag:s5] =	ssyncset.done $0x0  }
0x924: {  	[sflag:s5] =	ssyncadd.s32 $0xFFFFC000  }
0x925: {  	_ =	swait.ge [sflag:s11], $0x4000  }
0x926: {  	[sflag:s11] =	ssyncset.done $0x0  }
0x927: {  	[sflag:s11] =	ssyncadd.s32 $0xFFFFC000  }
0x928: {  	[tilespmem:s9], [sflag:$0x1] =	stream.indirect.gather [hbm4b:s3+s8], $0x80, s13, s8, $0xb8;
	[tilespmem:$0x1E000] =	vst v63  }
0x929: {  	_ = 	snop  }
0x92a: {  	[spmem:s2] =	stream.indirect.scatter.add.f32 [tilespmem:s10], [sflag:$0x4], $0x80, s12, s8, $0xb8;
	[tilespmem:$0x1E000] =	vst v63  }
0x92b: {  	_ =	swait.ge [sflag:s5], $0x4000  }
0x92c: {  	[sflag:s5] =	ssyncset.done $0x0  }
0x92d: {  	[sflag:s5] =	ssyncadd.s32 $0xFFFFC000  }
0x92e: {  	_ =	swait.ge [sflag:s7], $0x4000  }
0x92f: {  	[sflag:s7] =	ssyncset.done $0x0  }
0x930: {  	s17 =	simm.s32 $0x1380;
	[sflag:s7] =	ssyncadd.s32 $0xFFFFC000  }
0x931: {  	[tilespmem:s10], [sflag:$0x2] =	stream.indirect.gather [hbm4b:s3+s8], $0x80, s17, s8, $0xb8;
	[tilespmem:$0x1E000] =	vst v63  }
0x932: {  	s26 =	simm.s32 $0x1B00  }
0x933: {  	[spmem:s2] =	stream.indirect.scatter.add.f32 [tilespmem:s9], [sflag:$0x4], $0x80, s26, s8, $0xb8;
	[tilespmem:$0x1E000] =	vst v63  }
0x934: {  	_ =	swait.ge [sflag:s5], $0x4000  }
0x935: {  	[sflag:s5] =	ssyncset.done $0x0  }
0x936: {  	[sflag:s5] =	ssyncadd.s32 $0xFFFFC000  }
0x937: {  	_ =	swait.ge [sflag:s11], $0x4000  }
0x938: {  	[sflag:s11] =	ssyncset.done $0x0  }
0x939: {  	s16 =	simm.s32 $0x1400;
	[sflag:s11] =	ssyncadd.s32 $0xFFFFC000  }
0x93a: {  	[tilespmem:s9], [sflag:$0x1] =	stream.indirect.gather [hbm4b:s3+s8], $0x80, s16, s8, $0xb8;
	[tilespmem:$0x1E000] =	vst v63  }
0x93b: {  	_ = 	snop  }
0x93c: {  	[spmem:s2] =	stream.indirect.scatter.add.f32 [tilespmem:s10], [sflag:$0x4], $0x80, s0, s8, $0xb8;
	[tilespmem:$0x1E000] =	vst v63  }
0x93d: {  	_ =	swait.ge [sflag:s5], $0x4000  }
0x93e: {  	[sflag:s5] =	ssyncset.done $0x0  }
0x93f: {  	[sflag:s5] =	ssyncadd.s32 $0xFFFFC000  }
0x940: {  	_ =	swait.ge [sflag:s7], $0x4000  }
0x941: {  	[sflag:s7] =	ssyncset.done $0x0  }
0x942: {  	s26 =	simm.s32 $0x1480;
	[sflag:s7] =	ssyncadd.s32 $0xFFFFC000  }
0x943: {  	[tilespmem:s10], [sflag:$0x2] =	stream.indirect.gather [hbm4b:s3+s8], $0x80, s26, s8, $0xb8;
	[tilespmem:$0x1E000] =	vst v63  }
0x944: {  	s20 =	simm.s32 $0x1C00  }
0x945: {  	[spmem:s2] =	stream.indirect.scatter.add.f32 [tilespmem:s9], [sflag:$0x4], $0x80, s20, s8, $0xb8;
	[tilespmem:$0x1E000] =	vst v63  }
0x946: {  	_ =	swait.ge [sflag:s5], $0x4000  }
0x947: {  	[sflag:s5] =	ssyncset.done $0x0  }
0x948: {  	[sflag:s5] =	ssyncadd.s32 $0xFFFFC000  }
0x949: {  	_ =	swait.ge [sflag:s11], $0x4000  }
0x94a: {  	[sflag:s11] =	ssyncset.done $0x0  }
0x94b: {  	[sflag:s11] =	ssyncadd.s32 $0xFFFFC000  }
0x94c: {  	[tilespmem:s9], [sflag:$0x1] =	stream.indirect.gather [hbm4b:s3+s8], $0x80, s26, s8, $0xb8;
	[tilespmem:$0x1E000] =	vst v63  }
0x94d: {  	s23 =	simm.s32 $0x1C80  }
0x94e: {  	[spmem:s2] =	stream.indirect.scatter.add.f32 [tilespmem:s10], [sflag:$0x4], $0x80, s23, s8, $0xb8;
	[tilespmem:$0x1E000] =	vst v63  }
0x94f: {  	_ =	swait.ge [sflag:s5], $0x4000  }
0x950: {  	[sflag:s5] =	ssyncset.done $0x0  }
0x951: {  	[sflag:s5] =	ssyncadd.s32 $0xFFFFC000  }
0x952: {  	_ =	swait.ge [sflag:s7], $0x4000  }
0x953: {  	[sflag:s7] =	ssyncset.done $0x0  }
0x954: {  	[sflag:s7] =	ssyncadd.s32 $0xFFFFC000  }
0x955: {  	[bflag:$0x0] =	sbarrier.arrive $0xFFFF  }
0x956: {  	s28 =	rddreg [dreg:$0x4]  }
0x957: {  	s29 =	rddreg [dreg:$0x9]  }
0x958: {  	s30 =	rddreg [dreg:$0xa]  }
0x959: {  	[hbm:s28], [sflag:s29] =	dma.local [spmem:s30], $0x2800  }
0x95a: {  	_ =	swait.ge [sflag:s5], $0x2800  }
0x95b: {  	[sflag:s5] =	ssyncset.done $0x0  }
0x95c: {  	[sflag:s5] =	ssyncadd.s32 $0xFFFFD800  }
0x95d: {  	_ =	sfence.sel $0x180000  }
0x95e: {  	[bflag:$0x0] =	sbarrier.arrive $0xFFFF  }
0x95f: {  	_ =	strace $0x9000004A  }
0x960: {  	s31 =	stileid.u32;
	[bflag:$0x2] =	sbarrier.arrive $0xFFFF  }
0x961: {  	p0 =	sne.s32 s31, $0x0;
	s0 =	rddreg [dreg:$0x2]  }
0x962: {  	s0 =	sadd.s32 @!p0 $0x100000, s0  }
0x963: {  	[sflag:s0] =	ssyncadd.tile.s32 @!p0 $0x1;
	_ =	shalt  }
.LBB2_1:
0x964: {  	s1 =	rddreg [dreg:$0x10]  }
0x965: {  	s0 =	rddreg [dreg:$0xd]  }
.Ltmp3:
0x966: {  	s18 =	rddreg [dreg:$0xf];
	(pc) =	sbr.rel .LBB2_6-.Ltmp3, $4  }
0x967: {  	s17 =	rddreg [dreg:$0xc]  }
0x968: {  	s16 =	rddreg [dreg:$0xe]  }
0x969: {  	s15 =	rddreg [dreg:$0xa]  }
0x96a: {  	s14 =	rddreg [dreg:$0x9]  }
.LBB2_3:
0x96b: {  	s1 =	rddreg [dreg:$0x10]  }
0x96c: {  	s0 =	rddreg [dreg:$0xd]  }
.Ltmp4:
0x96d: {  	s18 =	rddreg [dreg:$0xf];
	(pc) =	sbr.rel .LBB2_6-.Ltmp4, $4  }
0x96e: {  	s17 =	rddreg [dreg:$0xc]  }
0x96f: {  	s16 =	rddreg [dreg:$0xe]  }
0x970: {  	s15 =	rddreg [dreg:$0xa]  }
0x971: {  	s14 =	rddreg [dreg:$0x9]  }
.Lfunc_end2:
_tile_overlayer_lowered:
.L_overlay_start_2:
0x972: {  	(tag) =	ssettag $0x2  }
0x973: {  	s0 =	rddreg [dreg:$0x0];
	s2 =	stileid.u32  }
0x974: {  	s1 =	rddreg [dreg:$0x1];
	p0 =	sne.s32 s2, $0x0  }
0x975: {  	s3 =	rddreg [dreg:$0x2];
	[bflag:$0x3] =	sbarrier.arrive $0xFFFF;
	s2 =	simm.s32 @!p0 $0x1C04  }
0x976: {  	[timem:s3], [sflag:s2] =	dma.local @!p0 [hbm:s0], s1  }
0x977: {  	s0 =	simm.s32 @!p0 $0x4  }
0x978: {  	_ =	swait.ge @!p0 [sflag:s0], s1  }
0x979: {  	s1 =	ssub.s32 @!p0 $0x0, s1;
	[sflag:s0] =	ssyncset.done @!p0 $0x0  }
0x97a: {  	[sflag:s0] =	ssyncadd.s32 @!p0 s1  }
0x97b: {  	[bflag:$0x3] =	sbarrier.arrive $0xFFFF  }
0x97c: {  	_ =	shalt  }

</sc_bundles>
